<compile_context>
chip_gen: v7x
topology: tpu7x:2x2x1
jax: 0.10.2.dev20260603
libtpu: 0.0.44.dev20260713+nightly
codegen_flags: <defaults>
</compile_context>

<pallas_src>
import functools

import jax
import jax.numpy as jnp
from jax import lax
from jax.experimental import pallas as pl
from jax.experimental.pallas import tpu as pltpu
from jax.experimental.pallas import tpu_sc as plsc

N_NODES = 10000
D_FEAT = 256
EMB_DIM = 256
N_CLASSES = 40
N_EDGES = 160000

NC, NS = 2, 16
NW = NC * NS
CHUNK = 128
NP = 10112
EP = NW * 40 * CHUNK
ROWS_PER_TILE = NP // NS

_MESH = plsc.VectorSubcoreMesh(
    core_axis_name="c", subcore_axis_name="s", num_cores=NC, num_subcores=NS)


@functools.partial(
    pl.kernel,
    out_type=jax.ShapeDtypeStruct((NC, NP), jnp.float32),
    mesh=_MESH,
    scratch_types=[
        pltpu.VMEM((40, CHUNK), jnp.int32),
        pltpu.VMEM((CHUNK,), jnp.float32),
        pltpu.VMEM_SHARED((NP,), jnp.float32),
    ],
)
def _deg_kernel(dst_hbm, zer_hbm, one_hbm, out_hbm, dst_v, one_v, acc):
    c = lax.axis_index("c")
    s = lax.axis_index("s")
    w = c * NS + s
    pltpu.sync_copy(dst_hbm.at[pl.ds(w * 40, 40)], dst_v)
    pltpu.sync_copy(one_hbm, one_v)

    @pl.when(s == 0)
    def _():
        pltpu.sync_copy(zer_hbm, acc)

    plsc.subcore_barrier()

    def body(j, _):
        pltpu.sync_copy(one_v, acc.at[dst_v.at[j]], add=True)
        return ()

    lax.fori_loop(0, 40, body, (), unroll=False)
    plsc.subcore_barrier()

    @pl.when(s == 0)
    def _():
        pltpu.sync_copy(acc, out_hbm.at[c])


NBUF = 4
CH2 = 64
PASS_CHUNKS = 40


def _ring_pass(h_ref, src_v, dst_v, gbuf, acc, gsems, ssems):
    for b in range(NBUF):
        pltpu.async_copy(h_ref.at[src_v.at[b]], gbuf.at[b], gsems[b])

    def ring(r, _):
        for b in range(NBUF):
            cchunk = NBUF * r + b
            pltpu.make_async_copy(h_ref.at[src_v.at[0]], gbuf.at[b],
                                  gsems[b]).wait()
            pltpu.async_copy(gbuf.at[b], acc.at[dst_v.at[cchunk]], ssems[b],
                             add=True)
        for b in range(NBUF):
            @pl.when(r < PASS_CHUNKS // NBUF - 1)
            def _():
                pltpu.make_async_copy(gbuf.at[b], acc.at[dst_v.at[0]],
                                      ssems[b]).wait()
                pltpu.async_copy(h_ref.at[src_v.at[NBUF * (r + 1) + b]],
                                 gbuf.at[b], gsems[b])
        return ()

    lax.fori_loop(0, PASS_CHUNKS // NBUF, ring, (), unroll=False)
    for b in range(NBUF):
        pltpu.make_async_copy(gbuf.at[b], acc.at[dst_v.at[0]], ssems[b]).wait()


_AGG_SCRATCH = [
    pltpu.VMEM((PASS_CHUNKS, CH2), jnp.int32),
    pltpu.VMEM((PASS_CHUNKS, CH2), jnp.int32),
    pltpu.VMEM((NBUF, CH2, 128), jnp.float32),
    pltpu.VMEM_SHARED((NP, 128), jnp.float32),
    pltpu.SemaphoreType.DMA,
    pltpu.SemaphoreType.DMA,
    pltpu.SemaphoreType.DMA,
    pltpu.SemaphoreType.DMA,
    pltpu.SemaphoreType.DMA,
    pltpu.SemaphoreType.DMA,
    pltpu.SemaphoreType.DMA,
    pltpu.SemaphoreType.DMA,
]


@functools.partial(
    pl.kernel,
    out_type=jax.ShapeDtypeStruct((NC, NP, 128), jnp.float32),
    mesh=_MESH,
    scratch_types=list(_AGG_SCRATCH),
)
def _agg256_kernel(src_hbm, dst_hbm, h_hbm, zer_hbm, out_hbm,
                   src_v, dst_v, gbuf, acc, *sems):
    c = lax.axis_index("c")
    s = lax.axis_index("s")
    h_mine = h_hbm.at[c]
    gsems, ssems = sems[:NBUF], sems[NBUF:]
    pltpu.sync_copy(zer_hbm, acc.at[pl.ds(s * ROWS_PER_TILE, ROWS_PER_TILE)])
    plsc.subcore_barrier()
    for p in range(4):
        base = s * 160 + p * PASS_CHUNKS
        pltpu.sync_copy(src_hbm.at[pl.ds(base, PASS_CHUNKS)], src_v)
        pltpu.sync_copy(dst_hbm.at[pl.ds(base, PASS_CHUNKS)], dst_v)
        _ring_pass(h_mine, src_v, dst_v, gbuf, acc, gsems, ssems)
    plsc.subcore_barrier()
    pltpu.sync_copy(acc.at[pl.ds(s * ROWS_PER_TILE, ROWS_PER_TILE)],
                    out_hbm.at[c].at[pl.ds(s * ROWS_PER_TILE, ROWS_PER_TILE)])


@functools.partial(
    pl.kernel,
    out_type=jax.ShapeDtypeStruct((NC, NP, 128), jnp.float32),
    mesh=_MESH,
    scratch_types=list(_AGG_SCRATCH),
)
def _agg40_kernel(src_hbm, dst_hbm, h_hbm, zer_hbm, out_hbm,
                  src_v, dst_v, gbuf, acc, *sems):
    c = lax.axis_index("c")
    s = lax.axis_index("s")
    w = c * NS + s
    gsems, ssems = sems[:NBUF], sems[NBUF:]
    pltpu.sync_copy(zer_hbm,
                    acc.at[pl.ds(s * ROWS_PER_TILE, ROWS_PER_TILE)])
    plsc.subcore_barrier()
    for p in range(2):
        base = w * 80 + p * PASS_CHUNKS
        pltpu.sync_copy(src_hbm.at[pl.ds(base, PASS_CHUNKS)], src_v)
        pltpu.sync_copy(dst_hbm.at[pl.ds(base, PASS_CHUNKS)], dst_v)
        _ring_pass(h_hbm, src_v, dst_v, gbuf, acc, gsems, ssems)
    plsc.subcore_barrier()
    pltpu.sync_copy(acc.at[pl.ds(s * ROWS_PER_TILE, ROWS_PER_TILE)],
                    out_hbm.at[c].at[pl.ds(s * ROWS_PER_TILE, ROWS_PER_TILE)])


def _k2_body(x_ref, w1_ref, deg_ref, h1p_ref, dis_ref):
    deg = deg_ref[0] + deg_ref[1]
    dis = lax.rsqrt(deg + 1.0)
    h = jnp.dot(x_ref[...], w1_ref[...], preferred_element_type=jnp.float32)
    hp = h * dis
    h1p_ref[0] = hp[:, :128]
    h1p_ref[1] = hp[:, 128:]
    dis_ref[...] = dis


def _k4_body(agg_ref, h1p_ref, dis_ref, b1_ref, w2_ref, h2p_ref):
    dis = dis_ref[...]
    z0 = dis * (agg_ref[0] + h1p_ref[0])
    z1 = dis * (agg_ref[1] + h1p_ref[1])
    z = jnp.concatenate([z0, z1], axis=1) + b1_ref[...]
    z = jnp.maximum(z, 0.0)
    h2 = jnp.dot(z, w2_ref[...], preferred_element_type=jnp.float32)
    h2p_ref[...] = jnp.pad(h2 * dis, ((0, 0), (0, 128 - N_CLASSES)))


def _k6_body(agg_ref, h2p_ref, dis_ref, b2_ref, out_ref):
    s = agg_ref[0] + agg_ref[1] + h2p_ref[...]
    out_ref[...] = dis_ref[...] * s[:, :N_CLASSES] + b2_ref[...]


_BM = 2528


def _tc_k2(x, w1, deg):
    return pl.pallas_call(
        _k2_body,
        grid=(NP // _BM,),
        in_specs=[
            pl.BlockSpec((_BM, D_FEAT), lambda i: (i, 0)),
            pl.BlockSpec((D_FEAT, EMB_DIM), lambda i: (0, 0)),
            pl.BlockSpec((NC, _BM, 1), lambda i: (0, i, 0)),
        ],
        out_specs=[
            pl.BlockSpec((NC, _BM, 128), lambda i: (0, i, 0)),
            pl.BlockSpec((_BM, 1), lambda i: (i, 0)),
        ],
        out_shape=[
            jax.ShapeDtypeStruct((NC, NP, 128), jnp.float32),
            jax.ShapeDtypeStruct((NP, 1), jnp.float32),
        ],
    )(x, w1, deg)


def _tc_k4(agg1, h1p, dis, b1, w2):
    return pl.pallas_call(
        _k4_body,
        grid=(NP // _BM,),
        in_specs=[
            pl.BlockSpec((NC, _BM, 128), lambda i: (0, i, 0)),
            pl.BlockSpec((NC, _BM, 128), lambda i: (0, i, 0)),
            pl.BlockSpec((_BM, 1), lambda i: (i, 0)),
            pl.BlockSpec((1, EMB_DIM), lambda i: (0, 0)),
            pl.BlockSpec((EMB_DIM, N_CLASSES), lambda i: (0, 0)),
        ],
        out_specs=pl.BlockSpec((_BM, 128), lambda i: (i, 0)),
        out_shape=jax.ShapeDtypeStruct((NP, 128), jnp.float32),
    )(agg1, h1p, dis, b1, w2)


def _tc_k6(agg2, h2p, dis, b2):
    return pl.pallas_call(
        _k6_body,
        grid=(NP // _BM,),
        in_specs=[
            pl.BlockSpec((NC, _BM, 128), lambda i: (0, i, 0)),
            pl.BlockSpec((_BM, 128), lambda i: (i, 0)),
            pl.BlockSpec((_BM, 1), lambda i: (i, 0)),
            pl.BlockSpec((1, N_CLASSES), lambda i: (0, 0)),
        ],
        out_specs=pl.BlockSpec((_BM, N_CLASSES), lambda i: (i, 0)),
        out_shape=jax.ShapeDtypeStruct((NP, N_CLASSES), jnp.float32),
    )(agg2, h2p, dis, b2)


def kernel(x, edge_index, W1, b1, W2, b2):
    src = edge_index[0].astype(jnp.int32)
    dst = edge_index[1].astype(jnp.int32)

    npad = EP - N_EDGES
    pad_idx = N_NODES + (jnp.arange(npad, dtype=jnp.int32) % 8)
    src_p = jnp.concatenate([src, pad_idx]).reshape(EP // CHUNK, CHUNK)
    dst_p = jnp.concatenate([dst, pad_idx]).reshape(EP // CHUNK, CHUNK)
    src_p2 = src_p.reshape(EP // CH2, CH2)
    dst_p2 = dst_p.reshape(EP // CH2, CH2)

    zeros_128 = jnp.zeros((ROWS_PER_TILE, 128), jnp.float32)
    zeros_1 = jnp.zeros((NP,), jnp.float32)
    ones_c = jnp.ones((CHUNK,), jnp.float32)

    deg = _deg_kernel(dst_p, zeros_1, ones_c).reshape(NC, NP, 1)
    h1p, dis = _tc_k2(x, W1, deg)
    agg1 = _agg256_kernel(src_p2, dst_p2, h1p, zeros_128)
    h2p = _tc_k4(agg1, h1p, dis, b1.reshape(1, EMB_DIM), W2)
    agg2 = _agg40_kernel(src_p2, dst_p2, h2p, zeros_128)
    out = _tc_k6(agg2, h2p, dis, b2.reshape(1, N_CLASSES))
    return out[:N_NODES]

# --- scband reference (transcript-rebuilt; emitter-appended) ---
"""Pipeline reference for scband-gcn-63290638074149 (READ-ONLY COPY).

The authoritative reference and input builder live on the scoring server;
editing this copy changes nothing except your own understanding.
"""

import jax, jax.numpy as jnp
import numpy as np

N_NODES = 10000
D_FEAT = 256
EMB_DIM = 256
N_CLASSES = 40
N_EDGES = 160000


def _gcn_conv(x, edge_index, W, b, num_nodes):
    # PyG-style GCNConv: add self-loops, symmetric normalization, scatter-add aggregate
    src = edge_index[0]
    dst = edge_index[1]
    loop = jnp.arange(num_nodes, dtype=edge_index.dtype)
    src = jnp.concatenate([src, loop])
    dst = jnp.concatenate([dst, loop])
    deg = jnp.zeros((num_nodes,), dtype=x.dtype).at[dst].add(1.0)
    deg_inv_sqrt = jnp.where(deg > 0, 1.0 / jnp.sqrt(deg), 0.0)
    norm = deg_inv_sqrt[src] * deg_inv_sqrt[dst]
    h = x @ W
    msg = h[src] * norm[:, None]
    out = jnp.zeros((num_nodes, W.shape[1]), dtype=x.dtype).at[dst].add(msg)
    return out + b


def setup_inputs(seed: int = 0) -> dict:
    key = jax.random.key(seed)
    k1, k2, k3, k4, k5, k6 = jax.random.split(key, 6)
    x = jax.random.normal(k1, (N_NODES, D_FEAT), dtype=jnp.float32)
    edge_index = jax.random.randint(k2, (2, N_EDGES), 0, N_NODES, dtype=jnp.int64)
    s1 = 1.0 / np.sqrt(D_FEAT)
    s2 = 1.0 / np.sqrt(EMB_DIM)
    W1 = jax.random.uniform(k3, (D_FEAT, EMB_DIM), dtype=jnp.float32, minval=-s1, maxval=s1)
    b1 = jax.random.uniform(k4, (EMB_DIM,), dtype=jnp.float32, minval=-s1, maxval=s1)
    W2 = jax.random.uniform(k5, (EMB_DIM, N_CLASSES), dtype=jnp.float32, minval=-s2, maxval=s2)
    b2 = jax.random.uniform(k6, (N_CLASSES,), dtype=jnp.float32, minval=-s2, maxval=s2)
    return {"x": x, "edge_index": edge_index, "W1": W1, "b1": b1, "W2": W2, "b2": b2}


def reference(x, edge_index, W1, b1, W2, b2):
    h = _gcn_conv(x, edge_index, W1, b1, N_NODES)
    h = jax.nn.relu(h)
    # Dropout is identity in eval mode
    out = _gcn_conv(h, edge_index, W2, b2, N_NODES)
    return out

if __name__ == "__main__":
    import jax
    _d = setup_inputs()
    print(jax.jit(kernel)(*tuple(_d.values())))

</pallas_src>

<mosaic_0001>
#map = affine_map<(d0, d1) -> (0, 0)>
#map1 = affine_map<(d0, d1) -> (0)>
module attributes {stable_mosaic.version = 14 : i64} {
  func.func @_deg_kernel(%arg0: i32, %arg1: i32, %arg2: memref<1280x128xi32, #tpu.memory_space<hbm>>, %arg3: memref<10112xf32, #tpu.memory_space<hbm>>, %arg4: memref<128xf32, #tpu.memory_space<hbm>>, %arg5: memref<2x10112xf32, #tpu.memory_space<hbm>>, %arg6: memref<40x128xi32, #tpu.memory_space<vmem>>, %arg7: memref<128xf32, #tpu.memory_space<vmem>>, %arg8: memref<10112xf32, #tpu.memory_space<vmem_shared>>) attributes {dimension_semantics = [#tpu.dimension_semantics<core_parallel>, #tpu.dimension_semantics<subcore_parallel>], iteration_bounds = array<i64: 2, 16>, scalar_prefetch = 0 : i64, scratch_operands = 3 : i64, tpu.core_type = #tpu.core_type<sc_vector_subcore>, window_params = [{transform_indices = #map}, {transform_indices = #map1}, {transform_indices = #map1}, {transform_indices = #map}]} {
    %mul3A = arith.constant 16 : i32
    %mul3A_0 = arith.muli %arg0, %mul3A : i32
    %add3A = arith.addi %mul3A_0, %arg1 : i32
    %mul3A_1 = arith.constant 40 : i32
    %mul3A_2 = arith.muli %add3A, %mul3A_1 : i32
    "tpu.region"() ({
      %run_scoped3A = tpu.sem_alloc : memref<!tpu.dma_semaphore, #tpu.memory_space<semaphore_mem>>
      %dma_start3A = arith.constant 0 : i32
      %dma_start3A_15 = tpu.memref_slice %arg2[%mul3A_2, %dma_start3A] : memref<1280x128xi32, #tpu.memory_space<hbm>> -> memref<40x128xi32, #tpu.memory_space<hbm>>
      %dma_start3A_16 = arith.constant 0 : i32
      %dma_start3A_17 = tpu.memref_slice %arg2[%mul3A_2, %dma_start3A_16] : memref<1280x128xi32, #tpu.memory_space<hbm>> -> memref<40x128xi32, #tpu.memory_space<hbm>>
      tpu.enqueue_dma source(%dma_start3A_17 : memref<40x128xi32, #tpu.memory_space<hbm>>) target(%arg6 : memref<40x128xi32, #tpu.memory_space<vmem>>) target_semaphore(%run_scoped3A : memref<!tpu.dma_semaphore, #tpu.memory_space<semaphore_mem>>)
      %dma_wait3A = arith.constant 0 : i32
      %dma_wait3A_18 = tpu.memref_slice %arg2[%mul3A_2, %dma_wait3A] : memref<1280x128xi32, #tpu.memory_space<hbm>> -> memref<40x128xi32, #tpu.memory_space<hbm>>
      %dma_wait3A_19 = arith.constant 0 : i32
      %dma_wait3A_20 = tpu.memref_slice %arg2[%mul3A_2, %dma_wait3A_19] : memref<1280x128xi32, #tpu.memory_space<hbm>> -> memref<40x128xi32, #tpu.memory_space<hbm>>
      tpu.wait_dma2 semaphore(%run_scoped3A : memref<!tpu.dma_semaphore, #tpu.memory_space<semaphore_mem>>) src(%dma_wait3A_20 : memref<40x128xi32, #tpu.memory_space<hbm>>) dst(%arg6 : memref<40x128xi32, #tpu.memory_space<vmem>>)
      tpu.yield
    }) : () -> ()
    "tpu.region"() ({
      %run_scoped3A = tpu.sem_alloc : memref<!tpu.dma_semaphore, #tpu.memory_space<semaphore_mem>>
      tpu.enqueue_dma source(%arg4 : memref<128xf32, #tpu.memory_space<hbm>>) target(%arg7 : memref<128xf32, #tpu.memory_space<vmem>>) target_semaphore(%run_scoped3A : memref<!tpu.dma_semaphore, #tpu.memory_space<semaphore_mem>>)
      tpu.wait_dma2 semaphore(%run_scoped3A : memref<!tpu.dma_semaphore, #tpu.memory_space<semaphore_mem>>) src(%arg4 : memref<128xf32, #tpu.memory_space<hbm>>) dst(%arg7 : memref<128xf32, #tpu.memory_space<vmem>>)
      tpu.yield
    }) : () -> ()
    %eq3A = arith.constant 0 : i32
    %eq3A_3 = arith.cmpi eq, %arg1, %eq3A : i32
    %convert_element_type3A = arith.extui %eq3A_3 : i1 to i32
    %cond3A = arith.constant 0 : i32
    %cond3A_4 = arith.cmpi ne, %convert_element_type3A, %cond3A : i32
    scf.if %cond3A_4 {
      "tpu.region"() ({
        %run_scoped3A = tpu.sem_alloc : memref<!tpu.dma_semaphore, #tpu.memory_space<semaphore_mem>>
        tpu.enqueue_dma source(%arg3 : memref<10112xf32, #tpu.memory_space<hbm>>) target(%arg8 : memref<10112xf32, #tpu.memory_space<vmem_shared>>) target_semaphore(%run_scoped3A : memref<!tpu.dma_semaphore, #tpu.memory_space<semaphore_mem>>)
        tpu.wait_dma2 semaphore(%run_scoped3A : memref<!tpu.dma_semaphore, #tpu.memory_space<semaphore_mem>>) src(%arg3 : memref<10112xf32, #tpu.memory_space<hbm>>) dst(%arg8 : memref<10112xf32, #tpu.memory_space<vmem_shared>>)
        tpu.yield
      }) : () -> ()
    } else {
    }
    %barrier3A = arith.constant 0 : index
    tpu.barrier barrier_id(%barrier3A)
    %scan3A = arith.constant 0 : i32
    %scan3A_5 = arith.constant 40 : i32
    %scan3A_6 = arith.addi %scan3A, %scan3A_5 : i32
    %scan3A_7 = arith.constant 1 : i32
    scf.for %scan3A_15 = %scan3A to %scan3A_6 step %scan3A_7  : i32 {
      "tpu.region"() ({
        %run_scoped3A = tpu.sem_alloc : memref<!tpu.dma_semaphore, #tpu.memory_space<semaphore_mem>>
        %dma_start3A = arith.constant 0 : i32
        %dma_start3A_16 = tpu.memref_slice %arg6[%scan3A_15, %dma_start3A] : memref<40x128xi32, #tpu.memory_space<vmem>> -> memref<1x128xi32, #tpu.memory_space<vmem>>
        %dma_start3A_17 = tpu.memref_squeeze %dma_start3A_16 : memref<1x128xi32, #tpu.memory_space<vmem>> -> memref<128xi32, #tpu.memory_space<vmem>>
        %dma_start3A_18 = arith.constant 0 : i32
        %dma_start3A_19 = tpu.memref_slice %arg8[%dma_start3A_18] : memref<10112xf32, #tpu.memory_space<vmem_shared>> -> memref<10112xf32, #tpu.memory_space<vmem_shared>>
        tpu.enqueue_indirect_dma source(%arg7 : memref<128xf32, #tpu.memory_space<vmem>>) target(%dma_start3A_19 : memref<10112xf32, #tpu.memory_space<vmem_shared>>) offsets(%dma_start3A_17 : memref<128xi32, #tpu.memory_space<vmem>>) semaphore(%run_scoped3A : memref<!tpu.dma_semaphore, #tpu.memory_space<semaphore_mem>>) {add = true}
        %dma_wait3A = arith.constant 0 : i32
        %dma_wait3A_20 = tpu.memref_slice %arg6[%scan3A_15, %dma_wait3A] : memref<40x128xi32, #tpu.memory_space<vmem>> -> memref<1x128xi32, #tpu.memory_space<vmem>>
        %dma_wait3A_21 = tpu.memref_squeeze %dma_wait3A_20 : memref<1x128xi32, #tpu.memory_space<vmem>> -> memref<128xi32, #tpu.memory_space<vmem>>
        %dma_wait3A_22 = arith.constant 0 : i32
        %dma_wait3A_23 = tpu.memref_slice %arg8[%dma_wait3A_22] : memref<10112xf32, #tpu.memory_space<vmem_shared>> -> memref<10112xf32, #tpu.memory_space<vmem_shared>>
        tpu.wait_indirect_dma semaphore(%run_scoped3A : memref<!tpu.dma_semaphore, #tpu.memory_space<semaphore_mem>>) src(%arg7 : memref<128xf32, #tpu.memory_space<vmem>>) dst(%dma_wait3A_23 : memref<10112xf32, #tpu.memory_space<vmem_shared>>)
        tpu.yield
      }) : () -> ()
    }
    %scan3A_8 = arith.constant 40 : i32
    %barrier3A_9 = arith.constant 0 : index
    tpu.barrier barrier_id(%barrier3A_9)
    %eq3A_10 = arith.constant 0 : i32
    %eq3A_11 = arith.cmpi eq, %arg1, %eq3A_10 : i32
    %convert_element_type3A_12 = arith.extui %eq3A_11 : i1 to i32
    %cond3A_13 = arith.constant 0 : i32
    %cond3A_14 = arith.cmpi ne, %convert_element_type3A_12, %cond3A_13 : i32
    scf.if %cond3A_14 {
      "tpu.region"() ({
        %run_scoped3A = tpu.sem_alloc : memref<!tpu.dma_semaphore, #tpu.memory_space<semaphore_mem>>
        %dma_start3A = arith.constant 0 : i32
        %dma_start3A_15 = tpu.memref_slice %arg5[%arg0, %dma_start3A] : memref<2x10112xf32, #tpu.memory_space<hbm>> -> memref<1x10112xf32, #tpu.memory_space<hbm>>
        %dma_start3A_16 = tpu.memref_squeeze %dma_start3A_15 : memref<1x10112xf32, #tpu.memory_space<hbm>> -> memref<10112xf32, #tpu.memory_space<hbm>>
        tpu.enqueue_dma source(%arg8 : memref<10112xf32, #tpu.memory_space<vmem_shared>>) target(%dma_start3A_16 : memref<10112xf32, #tpu.memory_space<hbm>>) target_semaphore(%run_scoped3A : memref<!tpu.dma_semaphore, #tpu.memory_space<semaphore_mem>>)
        %dma_wait3A = arith.constant 0 : i32
        %dma_wait3A_17 = tpu.memref_slice %arg5[%arg0, %dma_wait3A] : memref<2x10112xf32, #tpu.memory_space<hbm>> -> memref<1x10112xf32, #tpu.memory_space<hbm>>
        %dma_wait3A_18 = tpu.memref_squeeze %dma_wait3A_17 : memref<1x10112xf32, #tpu.memory_space<hbm>> -> memref<10112xf32, #tpu.memory_space<hbm>>
        tpu.wait_dma2 semaphore(%run_scoped3A : memref<!tpu.dma_semaphore, #tpu.memory_space<semaphore_mem>>) src(%arg8 : memref<10112xf32, #tpu.memory_space<vmem_shared>>) dst(%dma_wait3A_18 : memref<10112xf32, #tpu.memory_space<hbm>>)
        tpu.yield
      }) : () -> ()
    } else {
    }
    return
  }
}

#map = affine_map<(d0, d1) -> (0, 0)>
#map1 = affine_map<(d0, d1) -> (0, 0, 0)>
module attributes {stable_mosaic.version = 14 : i64} {
  func.func @_agg256_kernel(%arg0: i32, %arg1: i32, %arg2: memref<2560x64xi32, #tpu.memory_space<hbm>>, %arg3: memref<2560x64xi32, #tpu.memory_space<hbm>>, %arg4: memref<2x10112x128xf32, #tpu.memory_space<hbm>>, %arg5: memref<632x128xf32, #tpu.memory_space<hbm>>, %arg6: memref<2x10112x128xf32, #tpu.memory_space<hbm>>, %arg7: memref<40x64xi32, #tpu.memory_space<vmem>>, %arg8: memref<40x64xi32, #tpu.memory_space<vmem>>, %arg9: memref<4x64x128xf32, #tpu.memory_space<vmem>>, %arg10: memref<10112x128xf32, #tpu.memory_space<vmem_shared>>, %arg11: memref<!tpu.dma_semaphore, #tpu.memory_space<semaphore_mem>>, %arg12: memref<!tpu.dma_semaphore, #tpu.memory_space<semaphore_mem>>, %arg13: memref<!tpu.dma_semaphore, #tpu.memory_space<semaphore_mem>>, %arg14: memref<!tpu.dma_semaphore, #tpu.memory_space<semaphore_mem>>, %arg15: memref<!tpu.dma_semaphore, #tpu.memory_space<semaphore_mem>>, %arg16: memref<!tpu.dma_semaphore, #tpu.memory_space<semaphore_mem>>, %arg17: memref<!tpu.dma_semaphore, #tpu.memory_space<semaphore_mem>>, %arg18: memref<!tpu.dma_semaphore, #tpu.memory_space<semaphore_mem>>) attributes {dimension_semantics = [#tpu.dimension_semantics<core_parallel>, #tpu.dimension_semantics<subcore_parallel>], iteration_bounds = array<i64: 2, 16>, scalar_prefetch = 0 : i64, scratch_operands = 12 : i64, tpu.core_type = #tpu.core_type<sc_vector_subcore>, window_params = [{transform_indices = #map}, {transform_indices = #map}, {transform_indices = #map1}, {transform_indices = #map}, {transform_indices = #map1}]} {
    %mul3A = arith.constant 632 : i32
    %mul3A_0 = arith.muli %arg1, %mul3A : i32
    "tpu.region"() ({
      %run_scoped3A = tpu.sem_alloc : memref<!tpu.dma_semaphore, #tpu.memory_space<semaphore_mem>>
      %dma_start3A_486 = arith.constant 0 : i32
      %dma_start3A_487 = tpu.memref_slice %arg10[%mul3A_0, %dma_start3A_486] : memref<10112x128xf32, #tpu.memory_space<vmem_shared>> -> memref<632x128xf32, #tpu.memory_space<vmem_shared>>
      tpu.enqueue_dma source(%arg5 : memref<632x128xf32, #tpu.memory_space<hbm>>) target(%dma_start3A_487 : memref<632x128xf32, #tpu.memory_space<vmem_shared>>) target_semaphore(%run_scoped3A : memref<!tpu.dma_semaphore, #tpu.memory_space<semaphore_mem>>)
      %dma_wait3A_488 = arith.constant 0 : i32
      %dma_wait3A_489 = tpu.memref_slice %arg10[%mul3A_0, %dma_wait3A_488] : memref<10112x128xf32, #tpu.memory_space<vmem_shared>> -> memref<632x128xf32, #tpu.memory_space<vmem_shared>>
      tpu.wait_dma2 semaphore(%run_scoped3A : memref<!tpu.dma_semaphore, #tpu.memory_space<semaphore_mem>>) src(%arg5 : memref<632x128xf32, #tpu.memory_space<hbm>>) dst(%dma_wait3A_489 : memref<632x128xf32, #tpu.memory_space<vmem_shared>>)
      tpu.yield
    }) : () -> ()
    %barrier3A = arith.constant 0 : index
    tpu.barrier barrier_id(%barrier3A)
    %mul3A_1 = arith.constant 160 : i32
    %mul3A_2 = arith.muli %arg1, %mul3A_1 : i32
    %add3A = arith.constant 0 : i32
    %add3A_3 = arith.addi %mul3A_2, %add3A : i32
    "tpu.region"() ({
      %run_scoped3A = tpu.sem_alloc : memref<!tpu.dma_semaphore, #tpu.memory_space<semaphore_mem>>
      %dma_start3A_486 = arith.constant 0 : i32
      %dma_start3A_487 = tpu.memref_slice %arg2[%add3A_3, %dma_start3A_486] : memref<2560x64xi32, #tpu.memory_space<hbm>> -> memref<40x64xi32, #tpu.memory_space<hbm>>
      %dma_start3A_488 = arith.constant 0 : i32
      %dma_start3A_489 = tpu.memref_slice %arg2[%add3A_3, %dma_start3A_488] : memref<2560x64xi32, #tpu.memory_space<hbm>> -> memref<40x64xi32, #tpu.memory_space<hbm>>
      tpu.enqueue_dma source(%dma_start3A_489 : memref<40x64xi32, #tpu.memory_space<hbm>>) target(%arg7 : memref<40x64xi32, #tpu.memory_space<vmem>>) target_semaphore(%run_scoped3A : memref<!tpu.dma_semaphore, #tpu.memory_space<semaphore_mem>>)
      %dma_wait3A_490 = arith.constant 0 : i32
      %dma_wait3A_491 = tpu.memref_slice %arg2[%add3A_3, %dma_wait3A_490] : memref<2560x64xi32, #tpu.memory_space<hbm>> -> memref<40x64xi32, #tpu.memory_space<hbm>>
      %dma_wait3A_492 = arith.constant 0 : i32
      %dma_wait3A_493 = tpu.memref_slice %arg2[%add3A_3, %dma_wait3A_492] : memref<2560x64xi32, #tpu.memory_space<hbm>> -> memref<40x64xi32, #tpu.memory_space<hbm>>
      tpu.wait_dma2 semaphore(%run_scoped3A : memref<!tpu.dma_semaphore, #tpu.memory_space<semaphore_mem>>) src(%dma_wait3A_493 : memref<40x64xi32, #tpu.memory_space<hbm>>) dst(%arg7 : memref<40x64xi32, #tpu.memory_space<vmem>>)
      tpu.yield
    }) : () -> ()
    "tpu.region"() ({
      %run_scoped3A = tpu.sem_alloc : memref<!tpu.dma_semaphore, #tpu.memory_space<semaphore_mem>>
      %dma_start3A_486 = arith.constant 0 : i32
      %dma_start3A_487 = tpu.memref_slice %arg3[%add3A_3, %dma_start3A_486] : memref<2560x64xi32, #tpu.memory_space<hbm>> -> memref<40x64xi32, #tpu.memory_space<hbm>>
      %dma_start3A_488 = arith.constant 0 : i32
      %dma_start3A_489 = tpu.memref_slice %arg3[%add3A_3, %dma_start3A_488] : memref<2560x64xi32, #tpu.memory_space<hbm>> -> memref<40x64xi32, #tpu.memory_space<hbm>>
      tpu.enqueue_dma source(%dma_start3A_489 : memref<40x64xi32, #tpu.memory_space<hbm>>) target(%arg8 : memref<40x64xi32, #tpu.memory_space<vmem>>) target_semaphore(%run_scoped3A : memref<!tpu.dma_semaphore, #tpu.memory_space<semaphore_mem>>)
      %dma_wait3A_490 = arith.constant 0 : i32
      %dma_wait3A_491 = tpu.memref_slice %arg3[%add3A_3, %dma_wait3A_490] : memref<2560x64xi32, #tpu.memory_space<hbm>> -> memref<40x64xi32, #tpu.memory_space<hbm>>
      %dma_wait3A_492 = arith.constant 0 : i32
      %dma_wait3A_493 = tpu.memref_slice %arg3[%add3A_3, %dma_wait3A_492] : memref<2560x64xi32, #tpu.memory_space<hbm>> -> memref<40x64xi32, #tpu.memory_space<hbm>>
      tpu.wait_dma2 semaphore(%run_scoped3A : memref<!tpu.dma_semaphore, #tpu.memory_space<semaphore_mem>>) src(%dma_wait3A_493 : memref<40x64xi32, #tpu.memory_space<hbm>>) dst(%arg8 : memref<40x64xi32, #tpu.memory_space<vmem>>)
      tpu.yield
    }) : () -> ()
    %dma_start3A = arith.constant 0 : i32
    %dma_start3A_4 = arith.constant 0 : i32
    %dma_start3A_5 = arith.constant 0 : i32
    %dma_start3A_6 = arith.constant 0 : i32
    %dma_start3A_7 = tpu.memref_slice %arg9[%dma_start3A_4, %dma_start3A_5, %dma_start3A_6] : memref<4x64x128xf32, #tpu.memory_space<vmem>> -> memref<1x64x128xf32, #tpu.memory_space<vmem>>
    %dma_start3A_8 = tpu.memref_squeeze %dma_start3A_7 : memref<1x64x128xf32, #tpu.memory_space<vmem>> -> memref<64x128xf32, #tpu.memory_space<vmem>>
    %dma_start3A_9 = arith.constant 0 : i32
    %dma_start3A_10 = tpu.memref_slice %arg7[%dma_start3A, %dma_start3A_9] : memref<40x64xi32, #tpu.memory_space<vmem>> -> memref<1x64xi32, #tpu.memory_space<vmem>>
    %dma_start3A_11 = tpu.memref_squeeze %dma_start3A_10 : memref<1x64xi32, #tpu.memory_space<vmem>> -> memref<64xi32, #tpu.memory_space<vmem>>
    %dma_start3A_12 = arith.constant 0 : i32
    %dma_start3A_13 = arith.constant 0 : i32
    %dma_start3A_14 = tpu.memref_slice %arg4[%arg0, %dma_start3A_12, %dma_start3A_13] : memref<2x10112x128xf32, #tpu.memory_space<hbm>> -> memref<1x10112x128xf32, #tpu.memory_space<hbm>>
    %dma_start3A_15 = tpu.memref_squeeze %dma_start3A_14 : memref<1x10112x128xf32, #tpu.memory_space<hbm>> -> memref<10112x128xf32, #tpu.memory_space<hbm>>
    %dma_start3A_16 = arith.constant 0 : i32
    %dma_start3A_17 = arith.constant 0 : i32
    %dma_start3A_18 = tpu.memref_slice %dma_start3A_15[%dma_start3A_16, %dma_start3A_17] : memref<10112x128xf32, #tpu.memory_space<hbm>> -> memref<10112x128xf32, #tpu.memory_space<hbm>>
    tpu.enqueue_indirect_dma source(%dma_start3A_18 : memref<10112x128xf32, #tpu.memory_space<hbm>>) target(%dma_start3A_8 : memref<64x128xf32, #tpu.memory_space<vmem>>) offsets(%dma_start3A_11 : memref<64xi32, #tpu.memory_space<vmem>>) semaphore(%arg11 : memref<!tpu.dma_semaphore, #tpu.memory_space<semaphore_mem>>)
    %dma_start3A_19 = arith.constant 1 : i32
    %dma_start3A_20 = arith.constant 1 : i32
    %dma_start3A_21 = arith.constant 0 : i32
    %dma_start3A_22 = arith.constant 0 : i32
    %dma_start3A_23 = tpu.memref_slice %arg9[%dma_start3A_20, %dma_start3A_21, %dma_start3A_22] : memref<4x64x128xf32, #tpu.memory_space<vmem>> -> memref<1x64x128xf32, #tpu.memory_space<vmem>>
    %dma_start3A_24 = tpu.memref_squeeze %dma_start3A_23 : memref<1x64x128xf32, #tpu.memory_space<vmem>> -> memref<64x128xf32, #tpu.memory_space<vmem>>
    %dma_start3A_25 = arith.constant 0 : i32
    %dma_start3A_26 = tpu.memref_slice %arg7[%dma_start3A_19, %dma_start3A_25] : memref<40x64xi32, #tpu.memory_space<vmem>> -> memref<1x64xi32, #tpu.memory_space<vmem>>
    %dma_start3A_27 = tpu.memref_squeeze %dma_start3A_26 : memref<1x64xi32, #tpu.memory_space<vmem>> -> memref<64xi32, #tpu.memory_space<vmem>>
    %dma_start3A_28 = arith.constant 0 : i32
    %dma_start3A_29 = arith.constant 0 : i32
    %dma_start3A_30 = tpu.memref_slice %arg4[%arg0, %dma_start3A_28, %dma_start3A_29] : memref<2x10112x128xf32, #tpu.memory_space<hbm>> -> memref<1x10112x128xf32, #tpu.memory_space<hbm>>
    %dma_start3A_31 = tpu.memref_squeeze %dma_start3A_30 : memref<1x10112x128xf32, #tpu.memory_space<hbm>> -> memref<10112x128xf32, #tpu.memory_space<hbm>>
    %dma_start3A_32 = arith.constant 0 : i32
    %dma_start3A_33 = arith.constant 0 : i32
    %dma_start3A_34 = tpu.memref_slice %dma_start3A_31[%dma_start3A_32, %dma_start3A_33] : memref<10112x128xf32, #tpu.memory_space<hbm>> -> memref<10112x128xf32, #tpu.memory_space<hbm>>
    tpu.enqueue_indirect_dma source(%dma_start3A_34 : memref<10112x128xf32, #tpu.memory_space<hbm>>) target(%dma_start3A_24 : memref<64x128xf32, #tpu.memory_space<vmem>>) offsets(%dma_start3A_27 : memref<64xi32, #tpu.memory_space<vmem>>) semaphore(%arg12 : memref<!tpu.dma_semaphore, #tpu.memory_space<semaphore_mem>>)
    %dma_start3A_35 = arith.constant 2 : i32
    %dma_start3A_36 = arith.constant 2 : i32
    %dma_start3A_37 = arith.constant 0 : i32
    %dma_start3A_38 = arith.constant 0 : i32
    %dma_start3A_39 = tpu.memref_slice %arg9[%dma_start3A_36, %dma_start3A_37, %dma_start3A_38] : memref<4x64x128xf32, #tpu.memory_space<vmem>> -> memref<1x64x128xf32, #tpu.memory_space<vmem>>
    %dma_start3A_40 = tpu.memref_squeeze %dma_start3A_39 : memref<1x64x128xf32, #tpu.memory_space<vmem>> -> memref<64x128xf32, #tpu.memory_space<vmem>>
    %dma_start3A_41 = arith.constant 0 : i32
    %dma_start3A_42 = tpu.memref_slice %arg7[%dma_start3A_35, %dma_start3A_41] : memref<40x64xi32, #tpu.memory_space<vmem>> -> memref<1x64xi32, #tpu.memory_space<vmem>>
    %dma_start3A_43 = tpu.memref_squeeze %dma_start3A_42 : memref<1x64xi32, #tpu.memory_space<vmem>> -> memref<64xi32, #tpu.memory_space<vmem>>
    %dma_start3A_44 = arith.constant 0 : i32
    %dma_start3A_45 = arith.constant 0 : i32
    %dma_start3A_46 = tpu.memref_slice %arg4[%arg0, %dma_start3A_44, %dma_start3A_45] : memref<2x10112x128xf32, #tpu.memory_space<hbm>> -> memref<1x10112x128xf32, #tpu.memory_space<hbm>>
    %dma_start3A_47 = tpu.memref_squeeze %dma_start3A_46 : memref<1x10112x128xf32, #tpu.memory_space<hbm>> -> memref<10112x128xf32, #tpu.memory_space<hbm>>
    %dma_start3A_48 = arith.constant 0 : i32
    %dma_start3A_49 = arith.constant 0 : i32
    %dma_start3A_50 = tpu.memref_slice %dma_start3A_47[%dma_start3A_48, %dma_start3A_49] : memref<10112x128xf32, #tpu.memory_space<hbm>> -> memref<10112x128xf32, #tpu.memory_space<hbm>>
    tpu.enqueue_indirect_dma source(%dma_start3A_50 : memref<10112x128xf32, #tpu.memory_space<hbm>>) target(%dma_start3A_40 : memref<64x128xf32, #tpu.memory_space<vmem>>) offsets(%dma_start3A_43 : memref<64xi32, #tpu.memory_space<vmem>>) semaphore(%arg13 : memref<!tpu.dma_semaphore, #tpu.memory_space<semaphore_mem>>)
    %dma_start3A_51 = arith.constant 3 : i32
    %dma_start3A_52 = arith.constant 3 : i32
    %dma_start3A_53 = arith.constant 0 : i32
    %dma_start3A_54 = arith.constant 0 : i32
    %dma_start3A_55 = tpu.memref_slice %arg9[%dma_start3A_52, %dma_start3A_53, %dma_start3A_54] : memref<4x64x128xf32, #tpu.memory_space<vmem>> -> memref<1x64x128xf32, #tpu.memory_space<vmem>>
    %dma_start3A_56 = tpu.memref_squeeze %dma_start3A_55 : memref<1x64x128xf32, #tpu.memory_space<vmem>> -> memref<64x128xf32, #tpu.memory_space<vmem>>
    %dma_start3A_57 = arith.constant 0 : i32
    %dma_start3A_58 = tpu.memref_slice %arg7[%dma_start3A_51, %dma_start3A_57] : memref<40x64xi32, #tpu.memory_space<vmem>> -> memref<1x64xi32, #tpu.memory_space<vmem>>
    %dma_start3A_59 = tpu.memref_squeeze %dma_start3A_58 : memref<1x64xi32, #tpu.memory_space<vmem>> -> memref<64xi32, #tpu.memory_space<vmem>>
    %dma_start3A_60 = arith.constant 0 : i32
    %dma_start3A_61 = arith.constant 0 : i32
    %dma_start3A_62 = tpu.memref_slice %arg4[%arg0, %dma_start3A_60, %dma_start3A_61] : memref<2x10112x128xf32, #tpu.memory_space<hbm>> -> memref<1x10112x128xf32, #tpu.memory_space<hbm>>
    %dma_start3A_63 = tpu.memref_squeeze %dma_start3A_62 : memref<1x10112x128xf32, #tpu.memory_space<hbm>> -> memref<10112x128xf32, #tpu.memory_space<hbm>>
    %dma_start3A_64 = arith.constant 0 : i32
    %dma_start3A_65 = arith.constant 0 : i32
    %dma_start3A_66 = tpu.memref_slice %dma_start3A_63[%dma_start3A_64, %dma_start3A_65] : memref<10112x128xf32, #tpu.memory_space<hbm>> -> memref<10112x128xf32, #tpu.memory_space<hbm>>
    tpu.enqueue_indirect_dma source(%dma_start3A_66 : memref<10112x128xf32, #tpu.memory_space<hbm>>) target(%dma_start3A_56 : memref<64x128xf32, #tpu.memory_space<vmem>>) offsets(%dma_start3A_59 : memref<64xi32, #tpu.memory_space<vmem>>) semaphore(%arg14 : memref<!tpu.dma_semaphore, #tpu.memory_space<semaphore_mem>>)
    %scan3A = arith.constant 0 : i32
    %scan3A_67 = arith.constant 10 : i32
    %scan3A_68 = arith.addi %scan3A, %scan3A_67 : i32
    %scan3A_69 = arith.constant 1 : i32
    scf.for %scan3A_486 = %scan3A to %scan3A_68 step %scan3A_69  : i32 {
      %mul3A_487 = arith.constant 4 : i32
      %mul3A_488 = arith.muli %mul3A_487, %scan3A_486 : i32
      %add3A_489 = arith.constant 0 : i32
      %add3A_490 = arith.addi %mul3A_488, %add3A_489 : i32
      %dma_wait3A_491 = arith.constant 0 : i32
      %dma_wait3A_492 = arith.constant 0 : i32
      %dma_wait3A_493 = arith.constant 0 : i32
      %dma_wait3A_494 = arith.constant 0 : i32
      %dma_wait3A_495 = tpu.memref_slice %arg9[%dma_wait3A_492, %dma_wait3A_493, %dma_wait3A_494] : memref<4x64x128xf32, #tpu.memory_space<vmem>> -> memref<1x64x128xf32, #tpu.memory_space<vmem>>
      %dma_wait3A_496 = tpu.memref_squeeze %dma_wait3A_495 : memref<1x64x128xf32, #tpu.memory_space<vmem>> -> memref<64x128xf32, #tpu.memory_space<vmem>>
      %dma_wait3A_497 = arith.constant 0 : i32
      %dma_wait3A_498 = tpu.memref_slice %arg7[%dma_wait3A_491, %dma_wait3A_497] : memref<40x64xi32, #tpu.memory_space<vmem>> -> memref<1x64xi32, #tpu.memory_space<vmem>>
      %dma_wait3A_499 = tpu.memref_squeeze %dma_wait3A_498 : memref<1x64xi32, #tpu.memory_space<vmem>> -> memref<64xi32, #tpu.memory_space<vmem>>
      %dma_wait3A_500 = arith.constant 0 : i32
      %dma_wait3A_501 = arith.constant 0 : i32
      %dma_wait3A_502 = tpu.memref_slice %arg4[%arg0, %dma_wait3A_500, %dma_wait3A_501] : memref<2x10112x128xf32, #tpu.memory_space<hbm>> -> memref<1x10112x128xf32, #tpu.memory_space<hbm>>
      %dma_wait3A_503 = tpu.memref_squeeze %dma_wait3A_502 : memref<1x10112x128xf32, #tpu.memory_space<hbm>> -> memref<10112x128xf32, #tpu.memory_space<hbm>>
      %dma_wait3A_504 = arith.constant 0 : i32
      %dma_wait3A_505 = arith.constant 0 : i32
      %dma_wait3A_506 = tpu.memref_slice %dma_wait3A_503[%dma_wait3A_504, %dma_wait3A_505] : memref<10112x128xf32, #tpu.memory_space<hbm>> -> memref<10112x128xf32, #tpu.memory_space<hbm>>
      tpu.wait_indirect_dma semaphore(%arg11 : memref<!tpu.dma_semaphore, #tpu.memory_space<semaphore_mem>>) src(%dma_wait3A_506 : memref<10112x128xf32, #tpu.memory_space<hbm>>) dst(%dma_wait3A_496 : memref<64x128xf32, #tpu.memory_space<vmem>>)
      %dma_start3A_507 = arith.constant 0 : i32
      %dma_start3A_508 = arith.constant 0 : i32
      %dma_start3A_509 = arith.constant 0 : i32
      %dma_start3A_510 = tpu.memref_slice %arg9[%dma_start3A_507, %dma_start3A_508, %dma_start3A_509] : memref<4x64x128xf32, #tpu.memory_space<vmem>> -> memref<1x64x128xf32, #tpu.memory_space<vmem>>
      %dma_start3A_511 = tpu.memref_squeeze %dma_start3A_510 : memref<1x64x128xf32, #tpu.memory_space<vmem>> -> memref<64x128xf32, #tpu.memory_space<vmem>>
      %dma_start3A_512 = arith.constant 0 : i32
      %dma_start3A_513 = tpu.memref_slice %arg8[%add3A_490, %dma_start3A_512] : memref<40x64xi32, #tpu.memory_space<vmem>> -> memref<1x64xi32, #tpu.memory_space<vmem>>
      %dma_start3A_514 = tpu.memref_squeeze %dma_start3A_513 : memref<1x64xi32, #tpu.memory_space<vmem>> -> memref<64xi32, #tpu.memory_space<vmem>>
      %dma_start3A_515 = arith.constant 0 : i32
      %dma_start3A_516 = arith.constant 0 : i32
      %dma_start3A_517 = tpu.memref_slice %arg10[%dma_start3A_515, %dma_start3A_516] : memref<10112x128xf32, #tpu.memory_space<vmem_shared>> -> memref<10112x128xf32, #tpu.memory_space<vmem_shared>>
      tpu.enqueue_indirect_dma source(%dma_start3A_511 : memref<64x128xf32, #tpu.memory_space<vmem>>) target(%dma_start3A_517 : memref<10112x128xf32, #tpu.memory_space<vmem_shared>>) offsets(%dma_start3A_514 : memref<64xi32, #tpu.memory_space<vmem>>) semaphore(%arg15 : memref<!tpu.dma_semaphore, #tpu.memory_space<semaphore_mem>>) {add = true}
      %mul3A_518 = arith.constant 4 : i32
      %mul3A_519 = arith.muli %mul3A_518, %scan3A_486 : i32
      %add3A_520 = arith.constant 1 : i32
      %add3A_521 = arith.addi %mul3A_519, %add3A_520 : i32
      %dma_wait3A_522 = arith.constant 0 : i32
      %dma_wait3A_523 = arith.constant 1 : i32
      %dma_wait3A_524 = arith.constant 0 : i32
      %dma_wait3A_525 = arith.constant 0 : i32
      %dma_wait3A_526 = tpu.memref_slice %arg9[%dma_wait3A_523, %dma_wait3A_524, %dma_wait3A_525] : memref<4x64x128xf32, #tpu.memory_space<vmem>> -> memref<1x64x128xf32, #tpu.memory_space<vmem>>
      %dma_wait3A_527 = tpu.memref_squeeze %dma_wait3A_526 : memref<1x64x128xf32, #tpu.memory_space<vmem>> -> memref<64x128xf32, #tpu.memory_space<vmem>>
      %dma_wait3A_528 = arith.constant 0 : i32
      %dma_wait3A_529 = tpu.memref_slice %arg7[%dma_wait3A_522, %dma_wait3A_528] : memref<40x64xi32, #tpu.memory_space<vmem>> -> memref<1x64xi32, #tpu.memory_space<vmem>>
      %dma_wait3A_530 = tpu.memref_squeeze %dma_wait3A_529 : memref<1x64xi32, #tpu.memory_space<vmem>> -> memref<64xi32, #tpu.memory_space<vmem>>
      %dma_wait3A_531 = arith.constant 0 : i32
      %dma_wait3A_532 = arith.constant 0 : i32
      %dma_wait3A_533 = tpu.memref_slice %arg4[%arg0, %dma_wait3A_531, %dma_wait3A_532] : memref<2x10112x128xf32, #tpu.memory_space<hbm>> -> memref<1x10112x128xf32, #tpu.memory_space<hbm>>
      %dma_wait3A_534 = tpu.memref_squeeze %dma_wait3A_533 : memref<1x10112x128xf32, #tpu.memory_space<hbm>> -> memref<10112x128xf32, #tpu.memory_space<hbm>>
      %dma_wait3A_535 = arith.constant 0 : i32
      %dma_wait3A_536 = arith.constant 0 : i32
      %dma_wait3A_537 = tpu.memref_slice %dma_wait3A_534[%dma_wait3A_535, %dma_wait3A_536] : memref<10112x128xf32, #tpu.memory_space<hbm>> -> memref<10112x128xf32, #tpu.memory_space<hbm>>
      tpu.wait_indirect_dma semaphore(%arg12 : memref<!tpu.dma_semaphore, #tpu.memory_space<semaphore_mem>>) src(%dma_wait3A_537 : memref<10112x128xf32, #tpu.memory_space<hbm>>) dst(%dma_wait3A_527 : memref<64x128xf32, #tpu.memory_space<vmem>>)
      %dma_start3A_538 = arith.constant 1 : i32
      %dma_start3A_539 = arith.constant 0 : i32
      %dma_start3A_540 = arith.constant 0 : i32
      %dma_start3A_541 = tpu.memref_slice %arg9[%dma_start3A_538, %dma_start3A_539, %dma_start3A_540] : memref<4x64x128xf32, #tpu.memory_space<vmem>> -> memref<1x64x128xf32, #tpu.memory_space<vmem>>
      %dma_start3A_542 = tpu.memref_squeeze %dma_start3A_541 : memref<1x64x128xf32, #tpu.memory_space<vmem>> -> memref<64x128xf32, #tpu.memory_space<vmem>>
      %dma_start3A_543 = arith.constant 0 : i32
      %dma_start3A_544 = tpu.memref_slice %arg8[%add3A_521, %dma_start3A_543] : memref<40x64xi32, #tpu.memory_space<vmem>> -> memref<1x64xi32, #tpu.memory_space<vmem>>
      %dma_start3A_545 = tpu.memref_squeeze %dma_start3A_544 : memref<1x64xi32, #tpu.memory_space<vmem>> -> memref<64xi32, #tpu.memory_space<vmem>>
      %dma_start3A_546 = arith.constant 0 : i32
      %dma_start3A_547 = arith.constant 0 : i32
      %dma_start3A_548 = tpu.memref_slice %arg10[%dma_start3A_546, %dma_start3A_547] : memref<10112x128xf32, #tpu.memory_space<vmem_shared>> -> memref<10112x128xf32, #tpu.memory_space<vmem_shared>>
      tpu.enqueue_indirect_dma source(%dma_start3A_542 : memref<64x128xf32, #tpu.memory_space<vmem>>) target(%dma_start3A_548 : memref<10112x128xf32, #tpu.memory_space<vmem_shared>>) offsets(%dma_start3A_545 : memref<64xi32, #tpu.memory_space<vmem>>) semaphore(%arg16 : memref<!tpu.dma_semaphore, #tpu.memory_space<semaphore_mem>>) {add = true}
      %mul3A_549 = arith.constant 4 : i32
      %mul3A_550 = arith.muli %mul3A_549, %scan3A_486 : i32
      %add3A_551 = arith.constant 2 : i32
      %add3A_552 = arith.addi %mul3A_550, %add3A_551 : i32
      %dma_wait3A_553 = arith.constant 0 : i32
      %dma_wait3A_554 = arith.constant 2 : i32
      %dma_wait3A_555 = arith.constant 0 : i32
      %dma_wait3A_556 = arith.constant 0 : i32
      %dma_wait3A_557 = tpu.memref_slice %arg9[%dma_wait3A_554, %dma_wait3A_555, %dma_wait3A_556] : memref<4x64x128xf32, #tpu.memory_space<vmem>> -> memref<1x64x128xf32, #tpu.memory_space<vmem>>
      %dma_wait3A_558 = tpu.memref_squeeze %dma_wait3A_557 : memref<1x64x128xf32, #tpu.memory_space<vmem>> -> memref<64x128xf32, #tpu.memory_space<vmem>>
      %dma_wait3A_559 = arith.constant 0 : i32
      %dma_wait3A_560 = tpu.memref_slice %arg7[%dma_wait3A_553, %dma_wait3A_559] : memref<40x64xi32, #tpu.memory_space<vmem>> -> memref<1x64xi32, #tpu.memory_space<vmem>>
      %dma_wait3A_561 = tpu.memref_squeeze %dma_wait3A_560 : memref<1x64xi32, #tpu.memory_space<vmem>> -> memref<64xi32, #tpu.memory_space<vmem>>
      %dma_wait3A_562 = arith.constant 0 : i32
      %dma_wait3A_563 = arith.constant 0 : i32
      %dma_wait3A_564 = tpu.memref_slice %arg4[%arg0, %dma_wait3A_562, %dma_wait3A_563] : memref<2x10112x128xf32, #tpu.memory_space<hbm>> -> memref<1x10112x128xf32, #tpu.memory_space<hbm>>
      %dma_wait3A_565 = tpu.memref_squeeze %dma_wait3A_564 : memref<1x10112x128xf32, #tpu.memory_space<hbm>> -> memref<10112x128xf32, #tpu.memory_space<hbm>>
      %dma_wait3A_566 = arith.constant 0 : i32
      %dma_wait3A_567 = arith.constant 0 : i32
      %dma_wait3A_568 = tpu.memref_slice %dma_wait3A_565[%dma_wait3A_566, %dma_wait3A_567] : memref<10112x128xf32, #tpu.memory_space<hbm>> -> memref<10112x128xf32, #tpu.memory_space<hbm>>
      tpu.wait_indirect_dma semaphore(%arg13 : memref<!tpu.dma_semaphore, #tpu.memory_space<semaphore_mem>>) src(%dma_wait3A_568 : memref<10112x128xf32, #tpu.memory_space<hbm>>) dst(%dma_wait3A_558 : memref<64x128xf32, #tpu.memory_space<vmem>>)
      %dma_start3A_569 = arith.constant 2 : i32
      %dma_start3A_570 = arith.constant 0 : i32
      %dma_start3A_571 = arith.constant 0 : i32
      %dma_start3A_572 = tpu.memref_slice %arg9[%dma_start3A_569, %dma_start3A_570, %dma_start3A_571] : memref<4x64x128xf32, #tpu.memory_space<vmem>> -> memref<1x64x128xf32, #tpu.memory_space<vmem>>
      %dma_start3A_573 = tpu.memref_squeeze %dma_start3A_572 : memref<1x64x128xf32, #tpu.memory_space<vmem>> -> memref<64x128xf32, #tpu.memory_space<vmem>>
      %dma_start3A_574 = arith.constant 0 : i32
      %dma_start3A_575 = tpu.memref_slice %arg8[%add3A_552, %dma_start3A_574] : memref<40x64xi32, #tpu.memory_space<vmem>> -> memref<1x64xi32, #tpu.memory_space<vmem>>
      %dma_start3A_576 = tpu.memref_squeeze %dma_start3A_575 : memref<1x64xi32, #tpu.memory_space<vmem>> -> memref<64xi32, #tpu.memory_space<vmem>>
      %dma_start3A_577 = arith.constant 0 : i32
      %dma_start3A_578 = arith.constant 0 : i32
      %dma_start3A_579 = tpu.memref_slice %arg10[%dma_start3A_577, %dma_start3A_578] : memref<10112x128xf32, #tpu.memory_space<vmem_shared>> -> memref<10112x128xf32, #tpu.memory_space<vmem_shared>>
      tpu.enqueue_indirect_dma source(%dma_start3A_573 : memref<64x128xf32, #tpu.memory_space<vmem>>) target(%dma_start3A_579 : memref<10112x128xf32, #tpu.memory_space<vmem_shared>>) offsets(%dma_start3A_576 : memref<64xi32, #tpu.memory_space<vmem>>) semaphore(%arg17 : memref<!tpu.dma_semaphore, #tpu.memory_space<semaphore_mem>>) {add = true}
      %mul3A_580 = arith.constant 4 : i32
      %mul3A_581 = arith.muli %mul3A_580, %scan3A_486 : i32
      %add3A_582 = arith.constant 3 : i32
      %add3A_583 = arith.addi %mul3A_581, %add3A_582 : i32
      %dma_wait3A_584 = arith.constant 0 : i32
      %dma_wait3A_585 = arith.constant 3 : i32
      %dma_wait3A_586 = arith.constant 0 : i32
      %dma_wait3A_587 = arith.constant 0 : i32
      %dma_wait3A_588 = tpu.memref_slice %arg9[%dma_wait3A_585, %dma_wait3A_586, %dma_wait3A_587] : memref<4x64x128xf32, #tpu.memory_space<vmem>> -> memref<1x64x128xf32, #tpu.memory_space<vmem>>
      %dma_wait3A_589 = tpu.memref_squeeze %dma_wait3A_588 : memref<1x64x128xf32, #tpu.memory_space<vmem>> -> memref<64x128xf32, #tpu.memory_space<vmem>>
      %dma_wait3A_590 = arith.constant 0 : i32
      %dma_wait3A_591 = tpu.memref_slice %arg7[%dma_wait3A_584, %dma_wait3A_590] : memref<40x64xi32, #tpu.memory_space<vmem>> -> memref<1x64xi32, #tpu.memory_space<vmem>>
      %dma_wait3A_592 = tpu.memref_squeeze %dma_wait3A_591 : memref<1x64xi32, #tpu.memory_space<vmem>> -> memref<64xi32, #tpu.memory_space<vmem>>
      %dma_wait3A_593 = arith.constant 0 : i32
      %dma_wait3A_594 = arith.constant 0 : i32
      %dma_wait3A_595 = tpu.memref_slice %arg4[%arg0, %dma_wait3A_593, %dma_wait3A_594] : memref<2x10112x128xf32, #tpu.memory_space<hbm>> -> memref<1x10112x128xf32, #tpu.memory_space<hbm>>
      %dma_wait3A_596 = tpu.memref_squeeze %dma_wait3A_595 : memref<1x10112x128xf32, #tpu.memory_space<hbm>> -> memref<10112x128xf32, #tpu.memory_space<hbm>>
      %dma_wait3A_597 = arith.constant 0 : i32
      %dma_wait3A_598 = arith.constant 0 : i32
      %dma_wait3A_599 = tpu.memref_slice %dma_wait3A_596[%dma_wait3A_597, %dma_wait3A_598] : memref<10112x128xf32, #tpu.memory_space<hbm>> -> memref<10112x128xf32, #tpu.memory_space<hbm>>
      tpu.wait_indirect_dma semaphore(%arg14 : memref<!tpu.dma_semaphore, #tpu.memory_space<semaphore_mem>>) src(%dma_wait3A_599 : memref<10112x128xf32, #tpu.memory_space<hbm>>) dst(%dma_wait3A_589 : memref<64x128xf32, #tpu.memory_space<vmem>>)
      %dma_start3A_600 = arith.constant 3 : i32
      %dma_start3A_601 = arith.constant 0 : i32
      %dma_start3A_602 = arith.constant 0 : i32
      %dma_start3A_603 = tpu.memref_slice %arg9[%dma_start3A_600, %dma_start3A_601, %dma_start3A_602] : memref<4x64x128xf32, #tpu.memory_space<vmem>> -> memref<1x64x128xf32, #tpu.memory_space<vmem>>
      %dma_start3A_604 = tpu.memref_squeeze %dma_start3A_603 : memref<1x64x128xf32, #tpu.memory_space<vmem>> -> memref<64x128xf32, #tpu.memory_space<vmem>>
      %dma_start3A_605 = arith.constant 0 : i32
      %dma_start3A_606 = tpu.memref_slice %arg8[%add3A_583, %dma_start3A_605] : memref<40x64xi32, #tpu.memory_space<vmem>> -> memref<1x64xi32, #tpu.memory_space<vmem>>
      %dma_start3A_607 = tpu.memref_squeeze %dma_start3A_606 : memref<1x64xi32, #tpu.memory_space<vmem>> -> memref<64xi32, #tpu.memory_space<vmem>>
      %dma_start3A_608 = arith.constant 0 : i32
      %dma_start3A_609 = arith.constant 0 : i32
      %dma_start3A_610 = tpu.memref_slice %arg10[%dma_start3A_608, %dma_start3A_609] : memref<10112x128xf32, #tpu.memory_space<vmem_shared>> -> memref<10112x128xf32, #tpu.memory_space<vmem_shared>>
      tpu.enqueue_indirect_dma source(%dma_start3A_604 : memref<64x128xf32, #tpu.memory_space<vmem>>) target(%dma_start3A_610 : memref<10112x128xf32, #tpu.memory_space<vmem_shared>>) offsets(%dma_start3A_607 : memref<64xi32, #tpu.memory_space<vmem>>) semaphore(%arg18 : memref<!tpu.dma_semaphore, #tpu.memory_space<semaphore_mem>>) {add = true}
      %lt3A = arith.constant 9 : i32
      %lt3A_611 = arith.cmpi slt, %scan3A_486, %lt3A : i32
      %convert_element_type3A = arith.extui %lt3A_611 : i1 to i32
      %cond3A = arith.constant 0 : i32
      %cond3A_612 = arith.cmpi ne, %convert_element_type3A, %cond3A : i32
      scf.if %cond3A_612 {
        %dma_wait3A_628 = arith.constant 0 : i32
        %dma_wait3A_629 = arith.constant 0 : i32
        %dma_wait3A_630 = arith.constant 0 : i32
        %dma_wait3A_631 = arith.constant 0 : i32
        %dma_wait3A_632 = tpu.memref_slice %arg9[%dma_wait3A_628, %dma_wait3A_630, %dma_wait3A_631] : memref<4x64x128xf32, #tpu.memory_space<vmem>> -> memref<1x64x128xf32, #tpu.memory_space<vmem>>
        %dma_wait3A_633 = tpu.memref_squeeze %dma_wait3A_632 : memref<1x64x128xf32, #tpu.memory_space<vmem>> -> memref<64x128xf32, #tpu.memory_space<vmem>>
        %dma_wait3A_634 = arith.constant 0 : i32
        %dma_wait3A_635 = tpu.memref_slice %arg8[%dma_wait3A_629, %dma_wait3A_634] : memref<40x64xi32, #tpu.memory_space<vmem>> -> memref<1x64xi32, #tpu.memory_space<vmem>>
        %dma_wait3A_636 = tpu.memref_squeeze %dma_wait3A_635 : memref<1x64xi32, #tpu.memory_space<vmem>> -> memref<64xi32, #tpu.memory_space<vmem>>
        %dma_wait3A_637 = arith.constant 0 : i32
        %dma_wait3A_638 = arith.constant 0 : i32
        %dma_wait3A_639 = tpu.memref_slice %arg10[%dma_wait3A_637, %dma_wait3A_638] : memref<10112x128xf32, #tpu.memory_space<vmem_shared>> -> memref<10112x128xf32, #tpu.memory_space<vmem_shared>>
        tpu.wait_indirect_dma semaphore(%arg15 : memref<!tpu.dma_semaphore, #tpu.memory_space<semaphore_mem>>) src(%dma_wait3A_633 : memref<64x128xf32, #tpu.memory_space<vmem>>) dst(%dma_wait3A_639 : memref<10112x128xf32, #tpu.memory_space<vmem_shared>>)
        %add3A_640 = arith.constant 1 : i32
        %add3A_641 = arith.addi %scan3A_486, %add3A_640 : i32
        %mul3A_642 = arith.constant 4 : i32
        %mul3A_643 = arith.muli %mul3A_642, %add3A_641 : i32
        %add3A_644 = arith.constant 0 : i32
        %add3A_645 = arith.addi %mul3A_643, %add3A_644 : i32
        %dma_start3A_646 = arith.constant 0 : i32
        %dma_start3A_647 = arith.constant 0 : i32
        %dma_start3A_648 = arith.constant 0 : i32
        %dma_start3A_649 = tpu.memref_slice %arg9[%dma_start3A_646, %dma_start3A_647, %dma_start3A_648] : memref<4x64x128xf32, #tpu.memory_space<vmem>> -> memref<1x64x128xf32, #tpu.memory_space<vmem>>
        %dma_start3A_650 = tpu.memref_squeeze %dma_start3A_649 : memref<1x64x128xf32, #tpu.memory_space<vmem>> -> memref<64x128xf32, #tpu.memory_space<vmem>>
        %dma_start3A_651 = arith.constant 0 : i32
        %dma_start3A_652 = tpu.memref_slice %arg7[%add3A_645, %dma_start3A_651] : memref<40x64xi32, #tpu.memory_space<vmem>> -> memref<1x64xi32, #tpu.memory_space<vmem>>
        %dma_start3A_653 = tpu.memref_squeeze %dma_start3A_652 : memref<1x64xi32, #tpu.memory_space<vmem>> -> memref<64xi32, #tpu.memory_space<vmem>>
        %dma_start3A_654 = arith.constant 0 : i32
        %dma_start3A_655 = arith.constant 0 : i32
        %dma_start3A_656 = tpu.memref_slice %arg4[%arg0, %dma_start3A_654, %dma_start3A_655] : memref<2x10112x128xf32, #tpu.memory_space<hbm>> -> memref<1x10112x128xf32, #tpu.memory_space<hbm>>
        %dma_start3A_657 = tpu.memref_squeeze %dma_start3A_656 : memref<1x10112x128xf32, #tpu.memory_space<hbm>> -> memref<10112x128xf32, #tpu.memory_space<hbm>>
        %dma_start3A_658 = arith.constant 0 : i32
        %dma_start3A_659 = arith.constant 0 : i32
        %dma_start3A_660 = tpu.memref_slice %dma_start3A_657[%dma_start3A_658, %dma_start3A_659] : memref<10112x128xf32, #tpu.memory_space<hbm>> -> memref<10112x128xf32, #tpu.memory_space<hbm>>
        tpu.enqueue_indirect_dma source(%dma_start3A_660 : memref<10112x128xf32, #tpu.memory_space<hbm>>) target(%dma_start3A_650 : memref<64x128xf32, #tpu.memory_space<vmem>>) offsets(%dma_start3A_653 : memref<64xi32, #tpu.memory_space<vmem>>) semaphore(%arg11 : memref<!tpu.dma_semaphore, #tpu.memory_space<semaphore_mem>>)
      } else {
      }
      %lt3A_613 = arith.constant 9 : i32
      %lt3A_614 = arith.cmpi slt, %scan3A_486, %lt3A_613 : i32
      %convert_element_type3A_615 = arith.extui %lt3A_614 : i1 to i32
      %cond3A_616 = arith.constant 0 : i32
      %cond3A_617 = arith.cmpi ne, %convert_element_type3A_615, %cond3A_616 : i32
      scf.if %cond3A_617 {
        %dma_wait3A_628 = arith.constant 1 : i32
        %dma_wait3A_629 = arith.constant 0 : i32
        %dma_wait3A_630 = arith.constant 0 : i32
        %dma_wait3A_631 = arith.constant 0 : i32
        %dma_wait3A_632 = tpu.memref_slice %arg9[%dma_wait3A_628, %dma_wait3A_630, %dma_wait3A_631] : memref<4x64x128xf32, #tpu.memory_space<vmem>> -> memref<1x64x128xf32, #tpu.memory_space<vmem>>
        %dma_wait3A_633 = tpu.memref_squeeze %dma_wait3A_632 : memref<1x64x128xf32, #tpu.memory_space<vmem>> -> memref<64x128xf32, #tpu.memory_space<vmem>>
        %dma_wait3A_634 = arith.constant 0 : i32
        %dma_wait3A_635 = tpu.memref_slice %arg8[%dma_wait3A_629, %dma_wait3A_634] : memref<40x64xi32, #tpu.memory_space<vmem>> -> memref<1x64xi32, #tpu.memory_space<vmem>>
        %dma_wait3A_636 = tpu.memref_squeeze %dma_wait3A_635 : memref<1x64xi32, #tpu.memory_space<vmem>> -> memref<64xi32, #tpu.memory_space<vmem>>
        %dma_wait3A_637 = arith.constant 0 : i32
        %dma_wait3A_638 = arith.constant 0 : i32
        %dma_wait3A_639 = tpu.memref_slice %arg10[%dma_wait3A_637, %dma_wait3A_638] : memref<10112x128xf32, #tpu.memory_space<vmem_shared>> -> memref<10112x128xf32, #tpu.memory_space<vmem_shared>>
        tpu.wait_indirect_dma semaphore(%arg16 : memref<!tpu.dma_semaphore, #tpu.memory_space<semaphore_mem>>) src(%dma_wait3A_633 : memref<64x128xf32, #tpu.memory_space<vmem>>) dst(%dma_wait3A_639 : memref<10112x128xf32, #tpu.memory_space<vmem_shared>>)
        %add3A_640 = arith.constant 1 : i32
        %add3A_641 = arith.addi %scan3A_486, %add3A_640 : i32
        %mul3A_642 = arith.constant 4 : i32
        %mul3A_643 = arith.muli %mul3A_642, %add3A_641 : i32
        %add3A_644 = arith.constant 1 : i32
        %add3A_645 = arith.addi %mul3A_643, %add3A_644 : i32
        %dma_start3A_646 = arith.constant 1 : i32
        %dma_start3A_647 = arith.constant 0 : i32
        %dma_start3A_648 = arith.constant 0 : i32
        %dma_start3A_649 = tpu.memref_slice %arg9[%dma_start3A_646, %dma_start3A_647, %dma_start3A_648] : memref<4x64x128xf32, #tpu.memory_space<vmem>> -> memref<1x64x128xf32, #tpu.memory_space<vmem>>
        %dma_start3A_650 = tpu.memref_squeeze %dma_start3A_649 : memref<1x64x128xf32, #tpu.memory_space<vmem>> -> memref<64x128xf32, #tpu.memory_space<vmem>>
        %dma_start3A_651 = arith.constant 0 : i32
        %dma_start3A_652 = tpu.memref_slice %arg7[%add3A_645, %dma_start3A_651] : memref<40x64xi32, #tpu.memory_space<vmem>> -> memref<1x64xi32, #tpu.memory_space<vmem>>
        %dma_start3A_653 = tpu.memref_squeeze %dma_start3A_652 : memref<1x64xi32, #tpu.memory_space<vmem>> -> memref<64xi32, #tpu.memory_space<vmem>>
        %dma_start3A_654 = arith.constant 0 : i32
        %dma_start3A_655 = arith.constant 0 : i32
        %dma_start3A_656 = tpu.memref_slice %arg4[%arg0, %dma_start3A_654, %dma_start3A_655] : memref<2x10112x128xf32, #tpu.memory_space<hbm>> -> memref<1x10112x128xf32, #tpu.memory_space<hbm>>
        %dma_start3A_657 = tpu.memref_squeeze %dma_start3A_656 : memref<1x10112x128xf32, #tpu.memory_space<hbm>> -> memref<10112x128xf32, #tpu.memory_space<hbm>>
        %dma_start3A_658 = arith.constant 0 : i32
        %dma_start3A_659 = arith.constant 0 : i32
        %dma_start3A_660 = tpu.memref_slice %dma_start3A_657[%dma_start3A_658, %dma_start3A_659] : memref<10112x128xf32, #tpu.memory_space<hbm>> -> memref<10112x128xf32, #tpu.memory_space<hbm>>
        tpu.enqueue_indirect_dma source(%dma_start3A_660 : memref<10112x128xf32, #tpu.memory_space<hbm>>) target(%dma_start3A_650 : memref<64x128xf32, #tpu.memory_space<vmem>>) offsets(%dma_start3A_653 : memref<64xi32, #tpu.memory_space<vmem>>) semaphore(%arg12 : memref<!tpu.dma_semaphore, #tpu.memory_space<semaphore_mem>>)
      } else {
      }
      %lt3A_618 = arith.constant 9 : i32
      %lt3A_619 = arith.cmpi slt, %scan3A_486, %lt3A_618 : i32
      %convert_element_type3A_620 = arith.extui %lt3A_619 : i1 to i32
      %cond3A_621 = arith.constant 0 : i32
      %cond3A_622 = arith.cmpi ne, %convert_element_type3A_620, %cond3A_621 : i32
      scf.if %cond3A_622 {
        %dma_wait3A_628 = arith.constant 2 : i32
        %dma_wait3A_629 = arith.constant 0 : i32
        %dma_wait3A_630 = arith.constant 0 : i32
        %dma_wait3A_631 = arith.constant 0 : i32
        %dma_wait3A_632 = tpu.memref_slice %arg9[%dma_wait3A_628, %dma_wait3A_630, %dma_wait3A_631] : memref<4x64x128xf32, #tpu.memory_space<vmem>> -> memref<1x64x128xf32, #tpu.memory_space<vmem>>
        %dma_wait3A_633 = tpu.memref_squeeze %dma_wait3A_632 : memref<1x64x128xf32, #tpu.memory_space<vmem>> -> memref<64x128xf32, #tpu.memory_space<vmem>>
        %dma_wait3A_634 = arith.constant 0 : i32
        %dma_wait3A_635 = tpu.memref_slice %arg8[%dma_wait3A_629, %dma_wait3A_634] : memref<40x64xi32, #tpu.memory_space<vmem>> -> memref<1x64xi32, #tpu.memory_space<vmem>>
        %dma_wait3A_636 = tpu.memref_squeeze %dma_wait3A_635 : memref<1x64xi32, #tpu.memory_space<vmem>> -> memref<64xi32, #tpu.memory_space<vmem>>
        %dma_wait3A_637 = arith.constant 0 : i32
        %dma_wait3A_638 = arith.constant 0 : i32
        %dma_wait3A_639 = tpu.memref_slice %arg10[%dma_wait3A_637, %dma_wait3A_638] : memref<10112x128xf32, #tpu.memory_space<vmem_shared>> -> memref<10112x128xf32, #tpu.memory_space<vmem_shared>>
        tpu.wait_indirect_dma semaphore(%arg17 : memref<!tpu.dma_semaphore, #tpu.memory_space<semaphore_mem>>) src(%dma_wait3A_633 : memref<64x128xf32, #tpu.memory_space<vmem>>) dst(%dma_wait3A_639 : memref<10112x128xf32, #tpu.memory_space<vmem_shared>>)
        %add3A_640 = arith.constant 1 : i32
        %add3A_641 = arith.addi %scan3A_486, %add3A_640 : i32
        %mul3A_642 = arith.constant 4 : i32
        %mul3A_643 = arith.muli %mul3A_642, %add3A_641 : i32
        %add3A_644 = arith.constant 2 : i32
        %add3A_645 = arith.addi %mul3A_643, %add3A_644 : i32
        %dma_start3A_646 = arith.constant 2 : i32
        %dma_start3A_647 = arith.constant 0 : i32
        %dma_start3A_648 = arith.constant 0 : i32
        %dma_start3A_649 = tpu.memref_slice %arg9[%dma_start3A_646, %dma_start3A_647, %dma_start3A_648] : memref<4x64x128xf32, #tpu.memory_space<vmem>> -> memref<1x64x128xf32, #tpu.memory_space<vmem>>
        %dma_start3A_650 = tpu.memref_squeeze %dma_start3A_649 : memref<1x64x128xf32, #tpu.memory_space<vmem>> -> memref<64x128xf32, #tpu.memory_space<vmem>>
        %dma_start3A_651 = arith.constant 0 : i32
        %dma_start3A_652 = tpu.memref_slice %arg7[%add3A_645, %dma_start3A_651] : memref<40x64xi32, #tpu.memory_space<vmem>> -> memref<1x64xi32, #tpu.memory_space<vmem>>
        %dma_start3A_653 = tpu.memref_squeeze %dma_start3A_652 : memref<1x64xi32, #tpu.memory_space<vmem>> -> memref<64xi32, #tpu.memory_space<vmem>>
        %dma_start3A_654 = arith.constant 0 : i32
        %dma_start3A_655 = arith.constant 0 : i32
        %dma_start3A_656 = tpu.memref_slice %arg4[%arg0, %dma_start3A_654, %dma_start3A_655] : memref<2x10112x128xf32, #tpu.memory_space<hbm>> -> memref<1x10112x128xf32, #tpu.memory_space<hbm>>
        %dma_start3A_657 = tpu.memref_squeeze %dma_start3A_656 : memref<1x10112x128xf32, #tpu.memory_space<hbm>> -> memref<10112x128xf32, #tpu.memory_space<hbm>>
        %dma_start3A_658 = arith.constant 0 : i32
        %dma_start3A_659 = arith.constant 0 : i32
        %dma_start3A_660 = tpu.memref_slice %dma_start3A_657[%dma_start3A_658, %dma_start3A_659] : memref<10112x128xf32, #tpu.memory_space<hbm>> -> memref<10112x128xf32, #tpu.memory_space<hbm>>
        tpu.enqueue_indirect_dma source(%dma_start3A_660 : memref<10112x128xf32, #tpu.memory_space<hbm>>) target(%dma_start3A_650 : memref<64x128xf32, #tpu.memory_space<vmem>>) offsets(%dma_start3A_653 : memref<64xi32, #tpu.memory_space<vmem>>) semaphore(%arg13 : memref<!tpu.dma_semaphore, #tpu.memory_space<semaphore_mem>>)
      } else {
      }
      %lt3A_623 = arith.constant 9 : i32
      %lt3A_624 = arith.cmpi slt, %scan3A_486, %lt3A_623 : i32
      %convert_element_type3A_625 = arith.extui %lt3A_624 : i1 to i32
      %cond3A_626 = arith.constant 0 : i32
      %cond3A_627 = arith.cmpi ne, %convert_element_type3A_625, %cond3A_626 : i32
      scf.if %cond3A_627 {
        %dma_wait3A_628 = arith.constant 3 : i32
        %dma_wait3A_629 = arith.constant 0 : i32
        %dma_wait3A_630 = arith.constant 0 : i32
        %dma_wait3A_631 = arith.constant 0 : i32
        %dma_wait3A_632 = tpu.memref_slice %arg9[%dma_wait3A_628, %dma_wait3A_630, %dma_wait3A_631] : memref<4x64x128xf32, #tpu.memory_space<vmem>> -> memref<1x64x128xf32, #tpu.memory_space<vmem>>
        %dma_wait3A_633 = tpu.memref_squeeze %dma_wait3A_632 : memref<1x64x128xf32, #tpu.memory_space<vmem>> -> memref<64x128xf32, #tpu.memory_space<vmem>>
        %dma_wait3A_634 = arith.constant 0 : i32
        %dma_wait3A_635 = tpu.memref_slice %arg8[%dma_wait3A_629, %dma_wait3A_634] : memref<40x64xi32, #tpu.memory_space<vmem>> -> memref<1x64xi32, #tpu.memory_space<vmem>>
        %dma_wait3A_636 = tpu.memref_squeeze %dma_wait3A_635 : memref<1x64xi32, #tpu.memory_space<vmem>> -> memref<64xi32, #tpu.memory_space<vmem>>
        %dma_wait3A_637 = arith.constant 0 : i32
        %dma_wait3A_638 = arith.constant 0 : i32
        %dma_wait3A_639 = tpu.memref_slice %arg10[%dma_wait3A_637, %dma_wait3A_638] : memref<10112x128xf32, #tpu.memory_space<vmem_shared>> -> memref<10112x128xf32, #tpu.memory_space<vmem_shared>>
        tpu.wait_indirect_dma semaphore(%arg18 : memref<!tpu.dma_semaphore, #tpu.memory_space<semaphore_mem>>) src(%dma_wait3A_633 : memref<64x128xf32, #tpu.memory_space<vmem>>) dst(%dma_wait3A_639 : memref<10112x128xf32, #tpu.memory_space<vmem_shared>>)
        %add3A_640 = arith.constant 1 : i32
        %add3A_641 = arith.addi %scan3A_486, %add3A_640 : i32
        %mul3A_642 = arith.constant 4 : i32
        %mul3A_643 = arith.muli %mul3A_642, %add3A_641 : i32
        %add3A_644 = arith.constant 3 : i32
        %add3A_645 = arith.addi %mul3A_643, %add3A_644 : i32
        %dma_start3A_646 = arith.constant 3 : i32
        %dma_start3A_647 = arith.constant 0 : i32
        %dma_start3A_648 = arith.constant 0 : i32
        %dma_start3A_649 = tpu.memref_slice %arg9[%dma_start3A_646, %dma_start3A_647, %dma_start3A_648] : memref<4x64x128xf32, #tpu.memory_space<vmem>> -> memref<1x64x128xf32, #tpu.memory_space<vmem>>
        %dma_start3A_650 = tpu.memref_squeeze %dma_start3A_649 : memref<1x64x128xf32, #tpu.memory_space<vmem>> -> memref<64x128xf32, #tpu.memory_space<vmem>>
        %dma_start3A_651 = arith.constant 0 : i32
        %dma_start3A_652 = tpu.memref_slice %arg7[%add3A_645, %dma_start3A_651] : memref<40x64xi32, #tpu.memory_space<vmem>> -> memref<1x64xi32, #tpu.memory_space<vmem>>
        %dma_start3A_653 = tpu.memref_squeeze %dma_start3A_652 : memref<1x64xi32, #tpu.memory_space<vmem>> -> memref<64xi32, #tpu.memory_space<vmem>>
        %dma_start3A_654 = arith.constant 0 : i32
        %dma_start3A_655 = arith.constant 0 : i32
        %dma_start3A_656 = tpu.memref_slice %arg4[%arg0, %dma_start3A_654, %dma_start3A_655] : memref<2x10112x128xf32, #tpu.memory_space<hbm>> -> memref<1x10112x128xf32, #tpu.memory_space<hbm>>
        %dma_start3A_657 = tpu.memref_squeeze %dma_start3A_656 : memref<1x10112x128xf32, #tpu.memory_space<hbm>> -> memref<10112x128xf32, #tpu.memory_space<hbm>>
        %dma_start3A_658 = arith.constant 0 : i32
        %dma_start3A_659 = arith.constant 0 : i32
        %dma_start3A_660 = tpu.memref_slice %dma_start3A_657[%dma_start3A_658, %dma_start3A_659] : memref<10112x128xf32, #tpu.memory_space<hbm>> -> memref<10112x128xf32, #tpu.memory_space<hbm>>
        tpu.enqueue_indirect_dma source(%dma_start3A_660 : memref<10112x128xf32, #tpu.memory_space<hbm>>) target(%dma_start3A_650 : memref<64x128xf32, #tpu.memory_space<vmem>>) offsets(%dma_start3A_653 : memref<64xi32, #tpu.memory_space<vmem>>) semaphore(%arg14 : memref<!tpu.dma_semaphore, #tpu.memory_space<semaphore_mem>>)
      } else {
      }
    }
    %scan3A_70 = arith.constant 10 : i32
    %dma_wait3A = arith.constant 0 : i32
    %dma_wait3A_71 = arith.constant 0 : i32
    %dma_wait3A_72 = arith.constant 0 : i32
    %dma_wait3A_73 = arith.constant 0 : i32
    %dma_wait3A_74 = tpu.memref_slice %arg9[%dma_wait3A, %dma_wait3A_72, %dma_wait3A_73] : memref<4x64x128xf32, #tpu.memory_space<vmem>> -> memref<1x64x128xf32, #tpu.memory_space<vmem>>
    %dma_wait3A_75 = tpu.memref_squeeze %dma_wait3A_74 : memref<1x64x128xf32, #tpu.memory_space<vmem>> -> memref<64x128xf32, #tpu.memory_space<vmem>>
    %dma_wait3A_76 = arith.constant 0 : i32
    %dma_wait3A_77 = tpu.memref_slice %arg8[%dma_wait3A_71, %dma_wait3A_76] : memref<40x64xi32, #tpu.memory_space<vmem>> -> memref<1x64xi32, #tpu.memory_space<vmem>>
    %dma_wait3A_78 = tpu.memref_squeeze %dma_wait3A_77 : memref<1x64xi32, #tpu.memory_space<vmem>> -> memref<64xi32, #tpu.memory_space<vmem>>
    %dma_wait3A_79 = arith.constant 0 : i32
    %dma_wait3A_80 = arith.constant 0 : i32
    %dma_wait3A_81 = tpu.memref_slice %arg10[%dma_wait3A_79, %dma_wait3A_80] : memref<10112x128xf32, #tpu.memory_space<vmem_shared>> -> memref<10112x128xf32, #tpu.memory_space<vmem_shared>>
    tpu.wait_indirect_dma semaphore(%arg15 : memref<!tpu.dma_semaphore, #tpu.memory_space<semaphore_mem>>) src(%dma_wait3A_75 : memref<64x128xf32, #tpu.memory_space<vmem>>) dst(%dma_wait3A_81 : memref<10112x128xf32, #tpu.memory_space<vmem_shared>>)
    %dma_wait3A_82 = arith.constant 1 : i32
    %dma_wait3A_83 = arith.constant 0 : i32
    %dma_wait3A_84 = arith.constant 0 : i32
    %dma_wait3A_85 = arith.constant 0 : i32
    %dma_wait3A_86 = tpu.memref_slice %arg9[%dma_wait3A_82, %dma_wait3A_84, %dma_wait3A_85] : memref<4x64x128xf32, #tpu.memory_space<vmem>> -> memref<1x64x128xf32, #tpu.memory_space<vmem>>
    %dma_wait3A_87 = tpu.memref_squeeze %dma_wait3A_86 : memref<1x64x128xf32, #tpu.memory_space<vmem>> -> memref<64x128xf32, #tpu.memory_space<vmem>>
    %dma_wait3A_88 = arith.constant 0 : i32
    %dma_wait3A_89 = tpu.memref_slice %arg8[%dma_wait3A_83, %dma_wait3A_88] : memref<40x64xi32, #tpu.memory_space<vmem>> -> memref<1x64xi32, #tpu.memory_space<vmem>>
    %dma_wait3A_90 = tpu.memref_squeeze %dma_wait3A_89 : memref<1x64xi32, #tpu.memory_space<vmem>> -> memref<64xi32, #tpu.memory_space<vmem>>
    %dma_wait3A_91 = arith.constant 0 : i32
    %dma_wait3A_92 = arith.constant 0 : i32
    %dma_wait3A_93 = tpu.memref_slice %arg10[%dma_wait3A_91, %dma_wait3A_92] : memref<10112x128xf32, #tpu.memory_space<vmem_shared>> -> memref<10112x128xf32, #tpu.memory_space<vmem_shared>>
    tpu.wait_indirect_dma semaphore(%arg16 : memref<!tpu.dma_semaphore, #tpu.memory_space<semaphore_mem>>) src(%dma_wait3A_87 : memref<64x128xf32, #tpu.memory_space<vmem>>) dst(%dma_wait3A_93 : memref<10112x128xf32, #tpu.memory_space<vmem_shared>>)
    %dma_wait3A_94 = arith.constant 2 : i32
    %dma_wait3A_95 = arith.constant 0 : i32
    %dma_wait3A_96 = arith.constant 0 : i32
    %dma_wait3A_97 = arith.constant 0 : i32
    %dma_wait3A_98 = tpu.memref_slice %arg9[%dma_wait3A_94, %dma_wait3A_96, %dma_wait3A_97] : memref<4x64x128xf32, #tpu.memory_space<vmem>> -> memref<1x64x128xf32, #tpu.memory_space<vmem>>
    %dma_wait3A_99 = tpu.memref_squeeze %dma_wait3A_98 : memref<1x64x128xf32, #tpu.memory_space<vmem>> -> memref<64x128xf32, #tpu.memory_space<vmem>>
    %dma_wait3A_100 = arith.constant 0 : i32
    %dma_wait3A_101 = tpu.memref_slice %arg8[%dma_wait3A_95, %dma_wait3A_100] : memref<40x64xi32, #tpu.memory_space<vmem>> -> memref<1x64xi32, #tpu.memory_space<vmem>>
    %dma_wait3A_102 = tpu.memref_squeeze %dma_wait3A_101 : memref<1x64xi32, #tpu.memory_space<vmem>> -> memref<64xi32, #tpu.memory_space<vmem>>
    %dma_wait3A_103 = arith.constant 0 : i32
    %dma_wait3A_104 = arith.constant 0 : i32
    %dma_wait3A_105 = tpu.memref_slice %arg10[%dma_wait3A_103, %dma_wait3A_104] : memref<10112x128xf32, #tpu.memory_space<vmem_shared>> -> memref<10112x128xf32, #tpu.memory_space<vmem_shared>>
    tpu.wait_indirect_dma semaphore(%arg17 : memref<!tpu.dma_semaphore, #tpu.memory_space<semaphore_mem>>) src(%dma_wait3A_99 : memref<64x128xf32, #tpu.memory_space<vmem>>) dst(%dma_wait3A_105 : memref<10112x128xf32, #tpu.memory_space<vmem_shared>>)
    %dma_wait3A_106 = arith.constant 3 : i32
    %dma_wait3A_107 = arith.constant 0 : i32
    %dma_wait3A_108 = arith.constant 0 : i32
    %dma_wait3A_109 = arith.constant 0 : i32
    %dma_wait3A_110 = tpu.memref_slice %arg9[%dma_wait3A_106, %dma_wait3A_108, %dma_wait3A_109] : memref<4x64x128xf32, #tpu.memory_space<vmem>> -> memref<1x64x128xf32, #tpu.memory_space<vmem>>
    %dma_wait3A_111 = tpu.memref_squeeze %dma_wait3A_110 : memref<1x64x128xf32, #tpu.memory_space<vmem>> -> memref<64x128xf32, #tpu.memory_space<vmem>>
    %dma_wait3A_112 = arith.constant 0 : i32
    %dma_wait3A_113 = tpu.memref_slice %arg8[%dma_wait3A_107, %dma_wait3A_112] : memref<40x64xi32, #tpu.memory_space<vmem>> -> memref<1x64xi32, #tpu.memory_space<vmem>>
    %dma_wait3A_114 = tpu.memref_squeeze %dma_wait3A_113 : memref<1x64xi32, #tpu.memory_space<vmem>> -> memref<64xi32, #tpu.memory_space<vmem>>
    %dma_wait3A_115 = arith.constant 0 : i32
    %dma_wait3A_116 = arith.constant 0 : i32
    %dma_wait3A_117 = tpu.memref_slice %arg10[%dma_wait3A_115, %dma_wait3A_116] : memref<10112x128xf32, #tpu.memory_space<vmem_shared>> -> memref<10112x128xf32, #tpu.memory_space<vmem_shared>>
    tpu.wait_indirect_dma semaphore(%arg18 : memref<!tpu.dma_semaphore, #tpu.memory_space<semaphore_mem>>) src(%dma_wait3A_111 : memref<64x128xf32, #tpu.memory_space<vmem>>) dst(%dma_wait3A_117 : memref<10112x128xf32, #tpu.memory_space<vmem_shared>>)
    %mul3A_118 = arith.constant 160 : i32
    %mul3A_119 = arith.muli %arg1, %mul3A_118 : i32
    %add3A_120 = arith.constant 40 : i32
    %add3A_121 = arith.addi %mul3A_119, %add3A_120 : i32
    "tpu.region"() ({
      %run_scoped3A = tpu.sem_alloc : memref<!tpu.dma_semaphore, #tpu.memory_space<semaphore_mem>>
      %dma_start3A_486 = arith.constant 0 : i32
      %dma_start3A_487 = tpu.memref_slice %arg2[%add3A_121, %dma_start3A_486] : memref<2560x64xi32, #tpu.memory_space<hbm>> -> memref<40x64xi32, #tpu.memory_space<hbm>>
      %dma_start3A_488 = arith.constant 0 : i32
      %dma_start3A_489 = tpu.memref_slice %arg2[%add3A_121, %dma_start3A_488] : memref<2560x64xi32, #tpu.memory_space<hbm>> -> memref<40x64xi32, #tpu.memory_space<hbm>>
      tpu.enqueue_dma source(%dma_start3A_489 : memref<40x64xi32, #tpu.memory_space<hbm>>) target(%arg7 : memref<40x64xi32, #tpu.memory_space<vmem>>) target_semaphore(%run_scoped3A : memref<!tpu.dma_semaphore, #tpu.memory_space<semaphore_mem>>)
      %dma_wait3A_490 = arith.constant 0 : i32
      %dma_wait3A_491 = tpu.memref_slice %arg2[%add3A_121, %dma_wait3A_490] : memref<2560x64xi32, #tpu.memory_space<hbm>> -> memref<40x64xi32, #tpu.memory_space<hbm>>
      %dma_wait3A_492 = arith.constant 0 : i32
      %dma_wait3A_493 = tpu.memref_slice %arg2[%add3A_121, %dma_wait3A_492] : memref<2560x64xi32, #tpu.memory_space<hbm>> -> memref<40x64xi32, #tpu.memory_space<hbm>>
      tpu.wait_dma2 semaphore(%run_scoped3A : memref<!tpu.dma_semaphore, #tpu.memory_space<semaphore_mem>>) src(%dma_wait3A_493 : memref<40x64xi32, #tpu.memory_space<hbm>>) dst(%arg7 : memref<40x64xi32, #tpu.memory_space<vmem>>)
      tpu.yield
    }) : () -> ()
    "tpu.region"() ({
      %run_scoped3A = tpu.sem_alloc : memref<!tpu.dma_semaphore, #tpu.memory_space<semaphore_mem>>
      %dma_start3A_486 = arith.constant 0 : i32
      %dma_start3A_487 = tpu.memref_slice %arg3[%add3A_121, %dma_start3A_486] : memref<2560x64xi32, #tpu.memory_space<hbm>> -> memref<40x64xi32, #tpu.memory_space<hbm>>
      %dma_start3A_488 = arith.constant 0 : i32
      %dma_start3A_489 = tpu.memref_slice %arg3[%add3A_121, %dma_start3A_488] : memref<2560x64xi32, #tpu.memory_space<hbm>> -> memref<40x64xi32, #tpu.memory_space<hbm>>
      tpu.enqueue_dma source(%dma_start3A_489 : memref<40x64xi32, #tpu.memory_space<hbm>>) target(%arg8 : memref<40x64xi32, #tpu.memory_space<vmem>>) target_semaphore(%run_scoped3A : memref<!tpu.dma_semaphore, #tpu.memory_space<semaphore_mem>>)
      %dma_wait3A_490 = arith.constant 0 : i32
      %dma_wait3A_491 = tpu.memref_slice %arg3[%add3A_121, %dma_wait3A_490] : memref<2560x64xi32, #tpu.memory_space<hbm>> -> memref<40x64xi32, #tpu.memory_space<hbm>>
      %dma_wait3A_492 = arith.constant 0 : i32
      %dma_wait3A_493 = tpu.memref_slice %arg3[%add3A_121, %dma_wait3A_492] : memref<2560x64xi32, #tpu.memory_space<hbm>> -> memref<40x64xi32, #tpu.memory_space<hbm>>
      tpu.wait_dma2 semaphore(%run_scoped3A : memref<!tpu.dma_semaphore, #tpu.memory_space<semaphore_mem>>) src(%dma_wait3A_493 : memref<40x64xi32, #tpu.memory_space<hbm>>) dst(%arg8 : memref<40x64xi32, #tpu.memory_space<vmem>>)
      tpu.yield
    }) : () -> ()
    %dma_start3A_122 = arith.constant 0 : i32
    %dma_start3A_123 = arith.constant 0 : i32
    %dma_start3A_124 = arith.constant 0 : i32
    %dma_start3A_125 = arith.constant 0 : i32
    %dma_start3A_126 = tpu.memref_slice %arg9[%dma_start3A_123, %dma_start3A_124, %dma_start3A_125] : memref<4x64x128xf32, #tpu.memory_space<vmem>> -> memref<1x64x128xf32, #tpu.memory_space<vmem>>
    %dma_start3A_127 = tpu.memref_squeeze %dma_start3A_126 : memref<1x64x128xf32, #tpu.memory_space<vmem>> -> memref<64x128xf32, #tpu.memory_space<vmem>>
    %dma_start3A_128 = arith.constant 0 : i32
    %dma_start3A_129 = tpu.memref_slice %arg7[%dma_start3A_122, %dma_start3A_128] : memref<40x64xi32, #tpu.memory_space<vmem>> -> memref<1x64xi32, #tpu.memory_space<vmem>>
    %dma_start3A_130 = tpu.memref_squeeze %dma_start3A_129 : memref<1x64xi32, #tpu.memory_space<vmem>> -> memref<64xi32, #tpu.memory_space<vmem>>
    %dma_start3A_131 = arith.constant 0 : i32
    %dma_start3A_132 = arith.constant 0 : i32
    %dma_start3A_133 = tpu.memref_slice %arg4[%arg0, %dma_start3A_131, %dma_start3A_132] : memref<2x10112x128xf32, #tpu.memory_space<hbm>> -> memref<1x10112x128xf32, #tpu.memory_space<hbm>>
    %dma_start3A_134 = tpu.memref_squeeze %dma_start3A_133 : memref<1x10112x128xf32, #tpu.memory_space<hbm>> -> memref<10112x128xf32, #tpu.memory_space<hbm>>
    %dma_start3A_135 = arith.constant 0 : i32
    %dma_start3A_136 = arith.constant 0 : i32
    %dma_start3A_137 = tpu.memref_slice %dma_start3A_134[%dma_start3A_135, %dma_start3A_136] : memref<10112x128xf32, #tpu.memory_space<hbm>> -> memref<10112x128xf32, #tpu.memory_space<hbm>>
    tpu.enqueue_indirect_dma source(%dma_start3A_137 : memref<10112x128xf32, #tpu.memory_space<hbm>>) target(%dma_start3A_127 : memref<64x128xf32, #tpu.memory_space<vmem>>) offsets(%dma_start3A_130 : memref<64xi32, #tpu.memory_space<vmem>>) semaphore(%arg11 : memref<!tpu.dma_semaphore, #tpu.memory_space<semaphore_mem>>)
    %dma_start3A_138 = arith.constant 1 : i32
    %dma_start3A_139 = arith.constant 1 : i32
    %dma_start3A_140 = arith.constant 0 : i32
    %dma_start3A_141 = arith.constant 0 : i32
    %dma_start3A_142 = tpu.memref_slice %arg9[%dma_start3A_139, %dma_start3A_140, %dma_start3A_141] : memref<4x64x128xf32, #tpu.memory_space<vmem>> -> memref<1x64x128xf32, #tpu.memory_space<vmem>>
    %dma_start3A_143 = tpu.memref_squeeze %dma_start3A_142 : memref<1x64x128xf32, #tpu.memory_space<vmem>> -> memref<64x128xf32, #tpu.memory_space<vmem>>
    %dma_start3A_144 = arith.constant 0 : i32
    %dma_start3A_145 = tpu.memref_slice %arg7[%dma_start3A_138, %dma_start3A_144] : memref<40x64xi32, #tpu.memory_space<vmem>> -> memref<1x64xi32, #tpu.memory_space<vmem>>
    %dma_start3A_146 = tpu.memref_squeeze %dma_start3A_145 : memref<1x64xi32, #tpu.memory_space<vmem>> -> memref<64xi32, #tpu.memory_space<vmem>>
    %dma_start3A_147 = arith.constant 0 : i32
    %dma_start3A_148 = arith.constant 0 : i32
    %dma_start3A_149 = tpu.memref_slice %arg4[%arg0, %dma_start3A_147, %dma_start3A_148] : memref<2x10112x128xf32, #tpu.memory_space<hbm>> -> memref<1x10112x128xf32, #tpu.memory_space<hbm>>
    %dma_start3A_150 = tpu.memref_squeeze %dma_start3A_149 : memref<1x10112x128xf32, #tpu.memory_space<hbm>> -> memref<10112x128xf32, #tpu.memory_space<hbm>>
    %dma_start3A_151 = arith.constant 0 : i32
    %dma_start3A_152 = arith.constant 0 : i32
    %dma_start3A_153 = tpu.memref_slice %dma_start3A_150[%dma_start3A_151, %dma_start3A_152] : memref<10112x128xf32, #tpu.memory_space<hbm>> -> memref<10112x128xf32, #tpu.memory_space<hbm>>
    tpu.enqueue_indirect_dma source(%dma_start3A_153 : memref<10112x128xf32, #tpu.memory_space<hbm>>) target(%dma_start3A_143 : memref<64x128xf32, #tpu.memory_space<vmem>>) offsets(%dma_start3A_146 : memref<64xi32, #tpu.memory_space<vmem>>) semaphore(%arg12 : memref<!tpu.dma_semaphore, #tpu.memory_space<semaphore_mem>>)
    %dma_start3A_154 = arith.constant 2 : i32
    %dma_start3A_155 = arith.constant 2 : i32
    %dma_start3A_156 = arith.constant 0 : i32
    %dma_start3A_157 = arith.constant 0 : i32
    %dma_start3A_158 = tpu.memref_slice %arg9[%dma_start3A_155, %dma_start3A_156, %dma_start3A_157] : memref<4x64x128xf32, #tpu.memory_space<vmem>> -> memref<1x64x128xf32, #tpu.memory_space<vmem>>
    %dma_start3A_159 = tpu.memref_squeeze %dma_start3A_158 : memref<1x64x128xf32, #tpu.memory_space<vmem>> -> memref<64x128xf32, #tpu.memory_space<vmem>>
    %dma_start3A_160 = arith.constant 0 : i32
    %dma_start3A_161 = tpu.memref_slice %arg7[%dma_start3A_154, %dma_start3A_160] : memref<40x64xi32, #tpu.memory_space<vmem>> -> memref<1x64xi32, #tpu.memory_space<vmem>>
    %dma_start3A_162 = tpu.memref_squeeze %dma_start3A_161 : memref<1x64xi32, #tpu.memory_space<vmem>> -> memref<64xi32, #tpu.memory_space<vmem>>
    %dma_start3A_163 = arith.constant 0 : i32
    %dma_start3A_164 = arith.constant 0 : i32
    %dma_start3A_165 = tpu.memref_slice %arg4[%arg0, %dma_start3A_163, %dma_start3A_164] : memref<2x10112x128xf32, #tpu.memory_space<hbm>> -> memref<1x10112x128xf32, #tpu.memory_space<hbm>>
    %dma_start3A_166 = tpu.memref_squeeze %dma_start3A_165 : memref<1x10112x128xf32, #tpu.memory_space<hbm>> -> memref<10112x128xf32, #tpu.memory_space<hbm>>
    %dma_start3A_167 = arith.constant 0 : i32
    %dma_start3A_168 = arith.constant 0 : i32
    %dma_start3A_169 = tpu.memref_slice %dma_start3A_166[%dma_start3A_167, %dma_start3A_168] : memref<10112x128xf32, #tpu.memory_space<hbm>> -> memref<10112x128xf32, #tpu.memory_space<hbm>>
    tpu.enqueue_indirect_dma source(%dma_start3A_169 : memref<10112x128xf32, #tpu.memory_space<hbm>>) target(%dma_start3A_159 : memref<64x128xf32, #tpu.memory_space<vmem>>) offsets(%dma_start3A_162 : memref<64xi32, #tpu.memory_space<vmem>>) semaphore(%arg13 : memref<!tpu.dma_semaphore, #tpu.memory_space<semaphore_mem>>)
    %dma_start3A_170 = arith.constant 3 : i32
    %dma_start3A_171 = arith.constant 3 : i32
    %dma_start3A_172 = arith.constant 0 : i32
    %dma_start3A_173 = arith.constant 0 : i32
    %dma_start3A_174 = tpu.memref_slice %arg9[%dma_start3A_171, %dma_start3A_172, %dma_start3A_173] : memref<4x64x128xf32, #tpu.memory_space<vmem>> -> memref<1x64x128xf32, #tpu.memory_space<vmem>>
    %dma_start3A_175 = tpu.memref_squeeze %dma_start3A_174 : memref<1x64x128xf32, #tpu.memory_space<vmem>> -> memref<64x128xf32, #tpu.memory_space<vmem>>
    %dma_start3A_176 = arith.constant 0 : i32
    %dma_start3A_177 = tpu.memref_slice %arg7[%dma_start3A_170, %dma_start3A_176] : memref<40x64xi32, #tpu.memory_space<vmem>> -> memref<1x64xi32, #tpu.memory_space<vmem>>
    %dma_start3A_178 = tpu.memref_squeeze %dma_start3A_177 : memref<1x64xi32, #tpu.memory_space<vmem>> -> memref<64xi32, #tpu.memory_space<vmem>>
    %dma_start3A_179 = arith.constant 0 : i32
    %dma_start3A_180 = arith.constant 0 : i32
    %dma_start3A_181 = tpu.memref_slice %arg4[%arg0, %dma_start3A_179, %dma_start3A_180] : memref<2x10112x128xf32, #tpu.memory_space<hbm>> -> memref<1x10112x128xf32, #tpu.memory_space<hbm>>
    %dma_start3A_182 = tpu.memref_squeeze %dma_start3A_181 : memref<1x10112x128xf32, #tpu.memory_space<hbm>> -> memref<10112x128xf32, #tpu.memory_space<hbm>>
    %dma_start3A_183 = arith.constant 0 : i32
    %dma_start3A_184 = arith.constant 0 : i32
    %dma_start3A_185 = tpu.memref_slice %dma_start3A_182[%dma_start3A_183, %dma_start3A_184] : memref<10112x128xf32, #tpu.memory_space<hbm>> -> memref<10112x128xf32, #tpu.memory_space<hbm>>
    tpu.enqueue_indirect_dma source(%dma_start3A_185 : memref<10112x128xf32, #tpu.memory_space<hbm>>) target(%dma_start3A_175 : memref<64x128xf32, #tpu.memory_space<vmem>>) offsets(%dma_start3A_178 : memref<64xi32, #tpu.memory_space<vmem>>) semaphore(%arg14 : memref<!tpu.dma_semaphore, #tpu.memory_space<semaphore_mem>>)
    %scan3A_186 = arith.constant 0 : i32
    %scan3A_187 = arith.constant 10 : i32
    %scan3A_188 = arith.addi %scan3A_186, %scan3A_187 : i32
    %scan3A_189 = arith.constant 1 : i32
    scf.for %scan3A_486 = %scan3A_186 to %scan3A_188 step %scan3A_189  : i32 {
      %mul3A_487 = arith.constant 4 : i32
      %mul3A_488 = arith.muli %mul3A_487, %scan3A_486 : i32
      %add3A_489 = arith.constant 0 : i32
      %add3A_490 = arith.addi %mul3A_488, %add3A_489 : i32
      %dma_wait3A_491 = arith.constant 0 : i32
      %dma_wait3A_492 = arith.constant 0 : i32
      %dma_wait3A_493 = arith.constant 0 : i32
      %dma_wait3A_494 = arith.constant 0 : i32
      %dma_wait3A_495 = tpu.memref_slice %arg9[%dma_wait3A_492, %dma_wait3A_493, %dma_wait3A_494] : memref<4x64x128xf32, #tpu.memory_space<vmem>> -> memref<1x64x128xf32, #tpu.memory_space<vmem>>
      %dma_wait3A_496 = tpu.memref_squeeze %dma_wait3A_495 : memref<1x64x128xf32, #tpu.memory_space<vmem>> -> memref<64x128xf32, #tpu.memory_space<vmem>>
      %dma_wait3A_497 = arith.constant 0 : i32
      %dma_wait3A_498 = tpu.memref_slice %arg7[%dma_wait3A_491, %dma_wait3A_497] : memref<40x64xi32, #tpu.memory_space<vmem>> -> memref<1x64xi32, #tpu.memory_space<vmem>>
      %dma_wait3A_499 = tpu.memref_squeeze %dma_wait3A_498 : memref<1x64xi32, #tpu.memory_space<vmem>> -> memref<64xi32, #tpu.memory_space<vmem>>
      %dma_wait3A_500 = arith.constant 0 : i32
      %dma_wait3A_501 = arith.constant 0 : i32
      %dma_wait3A_502 = tpu.memref_slice %arg4[%arg0, %dma_wait3A_500, %dma_wait3A_501] : memref<2x10112x128xf32, #tpu.memory_space<hbm>> -> memref<1x10112x128xf32, #tpu.memory_space<hbm>>
      %dma_wait3A_503 = tpu.memref_squeeze %dma_wait3A_502 : memref<1x10112x128xf32, #tpu.memory_space<hbm>> -> memref<10112x128xf32, #tpu.memory_space<hbm>>
      %dma_wait3A_504 = arith.constant 0 : i32
      %dma_wait3A_505 = arith.constant 0 : i32
      %dma_wait3A_506 = tpu.memref_slice %dma_wait3A_503[%dma_wait3A_504, %dma_wait3A_505] : memref<10112x128xf32, #tpu.memory_space<hbm>> -> memref<10112x128xf32, #tpu.memory_space<hbm>>
      tpu.wait_indirect_dma semaphore(%arg11 : memref<!tpu.dma_semaphore, #tpu.memory_space<semaphore_mem>>) src(%dma_wait3A_506 : memref<10112x128xf32, #tpu.memory_space<hbm>>) dst(%dma_wait3A_496 : memref<64x128xf32, #tpu.memory_space<vmem>>)
      %dma_start3A_507 = arith.constant 0 : i32
      %dma_start3A_508 = arith.constant 0 : i32
      %dma_start3A_509 = arith.constant 0 : i32
      %dma_start3A_510 = tpu.memref_slice %arg9[%dma_start3A_507, %dma_start3A_508, %dma_start3A_509] : memref<4x64x128xf32, #tpu.memory_space<vmem>> -> memref<1x64x128xf32, #tpu.memory_space<vmem>>
      %dma_start3A_511 = tpu.memref_squeeze %dma_start3A_510 : memref<1x64x128xf32, #tpu.memory_space<vmem>> -> memref<64x128xf32, #tpu.memory_space<vmem>>
      %dma_start3A_512 = arith.constant 0 : i32
      %dma_start3A_513 = tpu.memref_slice %arg8[%add3A_490, %dma_start3A_512] : memref<40x64xi32, #tpu.memory_space<vmem>> -> memref<1x64xi32, #tpu.memory_space<vmem>>
      %dma_start3A_514 = tpu.memref_squeeze %dma_start3A_513 : memref<1x64xi32, #tpu.memory_space<vmem>> -> memref<64xi32, #tpu.memory_space<vmem>>
      %dma_start3A_515 = arith.constant 0 : i32
      %dma_start3A_516 = arith.constant 0 : i32
      %dma_start3A_517 = tpu.memref_slice %arg10[%dma_start3A_515, %dma_start3A_516] : memref<10112x128xf32, #tpu.memory_space<vmem_shared>> -> memref<10112x128xf32, #tpu.memory_space<vmem_shared>>
      tpu.enqueue_indirect_dma source(%dma_start3A_511 : memref<64x128xf32, #tpu.memory_space<vmem>>) target(%dma_start3A_517 : memref<10112x128xf32, #tpu.memory_space<vmem_shared>>) offsets(%dma_start3A_514 : memref<64xi32, #tpu.memory_space<vmem>>) semaphore(%arg15 : memref<!tpu.dma_semaphore, #tpu.memory_space<semaphore_mem>>) {add = true}
      %mul3A_518 = arith.constant 4 : i32
      %mul3A_519 = arith.muli %mul3A_518, %scan3A_486 : i32
      %add3A_520 = arith.constant 1 : i32
      %add3A_521 = arith.addi %mul3A_519, %add3A_520 : i32
      %dma_wait3A_522 = arith.constant 0 : i32
      %dma_wait3A_523 = arith.constant 1 : i32
      %dma_wait3A_524 = arith.constant 0 : i32
      %dma_wait3A_525 = arith.constant 0 : i32
      %dma_wait3A_526 = tpu.memref_slice %arg9[%dma_wait3A_523, %dma_wait3A_524, %dma_wait3A_525] : memref<4x64x128xf32, #tpu.memory_space<vmem>> -> memref<1x64x128xf32, #tpu.memory_space<vmem>>
      %dma_wait3A_527 = tpu.memref_squeeze %dma_wait3A_526 : memref<1x64x128xf32, #tpu.memory_space<vmem>> -> memref<64x128xf32, #tpu.memory_space<vmem>>
      %dma_wait3A_528 = arith.constant 0 : i32
      %dma_wait3A_529 = tpu.memref_slice %arg7[%dma_wait3A_522, %dma_wait3A_528] : memref<40x64xi32, #tpu.memory_space<vmem>> -> memref<1x64xi32, #tpu.memory_space<vmem>>
      %dma_wait3A_530 = tpu.memref_squeeze %dma_wait3A_529 : memref<1x64xi32, #tpu.memory_space<vmem>> -> memref<64xi32, #tpu.memory_space<vmem>>
      %dma_wait3A_531 = arith.constant 0 : i32
      %dma_wait3A_532 = arith.constant 0 : i32
      %dma_wait3A_533 = tpu.memref_slice %arg4[%arg0, %dma_wait3A_531, %dma_wait3A_532] : memref<2x10112x128xf32, #tpu.memory_space<hbm>> -> memref<1x10112x128xf32, #tpu.memory_space<hbm>>
      %dma_wait3A_534 = tpu.memref_squeeze %dma_wait3A_533 : memref<1x10112x128xf32, #tpu.memory_space<hbm>> -> memref<10112x128xf32, #tpu.memory_space<hbm>>
      %dma_wait3A_535 = arith.constant 0 : i32
      %dma_wait3A_536 = arith.constant 0 : i32
      %dma_wait3A_537 = tpu.memref_slice %dma_wait3A_534[%dma_wait3A_535, %dma_wait3A_536] : memref<10112x128xf32, #tpu.memory_space<hbm>> -> memref<10112x128xf32, #tpu.memory_space<hbm>>
      tpu.wait_indirect_dma semaphore(%arg12 : memref<!tpu.dma_semaphore, #tpu.memory_space<semaphore_mem>>) src(%dma_wait3A_537 : memref<10112x128xf32, #tpu.memory_space<hbm>>) dst(%dma_wait3A_527 : memref<64x128xf32, #tpu.memory_space<vmem>>)
      %dma_start3A_538 = arith.constant 1 : i32
      %dma_start3A_539 = arith.constant 0 : i32
      %dma_start3A_540 = arith.constant 0 : i32
      %dma_start3A_541 = tpu.memref_slice %arg9[%dma_start3A_538, %dma_start3A_539, %dma_start3A_540] : memref<4x64x128xf32, #tpu.memory_space<vmem>> -> memref<1x64x128xf32, #tpu.memory_space<vmem>>
      %dma_start3A_542 = tpu.memref_squeeze %dma_start3A_541 : memref<1x64x128xf32, #tpu.memory_space<vmem>> -> memref<64x128xf32, #tpu.memory_space<vmem>>
      %dma_start3A_543 = arith.constant 0 : i32
      %dma_start3A_544 = tpu.memref_slice %arg8[%add3A_521, %dma_start3A_543] : memref<40x64xi32, #tpu.memory_space<vmem>> -> memref<1x64xi32, #tpu.memory_space<vmem>>
      %dma_start3A_545 = tpu.memref_squeeze %dma_start3A_544 : memref<1x64xi32, #tpu.memory_space<vmem>> -> memref<64xi32, #tpu.memory_space<vmem>>
      %dma_start3A_546 = arith.constant 0 : i32
      %dma_start3A_547 = arith.constant 0 : i32
      %dma_start3A_548 = tpu.memref_slice %arg10[%dma_start3A_546, %dma_start3A_547] : memref<10112x128xf32, #tpu.memory_space<vmem_shared>> -> memref<10112x128xf32, #tpu.memory_space<vmem_shared>>
      tpu.enqueue_indirect_dma source(%dma_start3A_542 : memref<64x128xf32, #tpu.memory_space<vmem>>) target(%dma_start3A_548 : memref<10112x128xf32, #tpu.memory_space<vmem_shared>>) offsets(%dma_start3A_545 : memref<64xi32, #tpu.memory_space<vmem>>) semaphore(%arg16 : memref<!tpu.dma_semaphore, #tpu.memory_space<semaphore_mem>>) {add = true}
      %mul3A_549 = arith.constant 4 : i32
      %mul3A_550 = arith.muli %mul3A_549, %scan3A_486 : i32
      %add3A_551 = arith.constant 2 : i32
      %add3A_552 = arith.addi %mul3A_550, %add3A_551 : i32
      %dma_wait3A_553 = arith.constant 0 : i32
      %dma_wait3A_554 = arith.constant 2 : i32
      %dma_wait3A_555 = arith.constant 0 : i32
      %dma_wait3A_556 = arith.constant 0 : i32
      %dma_wait3A_557 = tpu.memref_slice %arg9[%dma_wait3A_554, %dma_wait3A_555, %dma_wait3A_556] : memref<4x64x128xf32, #tpu.memory_space<vmem>> -> memref<1x64x128xf32, #tpu.memory_space<vmem>>
      %dma_wait3A_558 = tpu.memref_squeeze %dma_wait3A_557 : memref<1x64x128xf32, #tpu.memory_space<vmem>> -> memref<64x128xf32, #tpu.memory_space<vmem>>
      %dma_wait3A_559 = arith.constant 0 : i32
      %dma_wait3A_560 = tpu.memref_slice %arg7[%dma_wait3A_553, %dma_wait3A_559] : memref<40x64xi32, #tpu.memory_space<vmem>> -> memref<1x64xi32, #tpu.memory_space<vmem>>
      %dma_wait3A_561 = tpu.memref_squeeze %dma_wait3A_560 : memref<1x64xi32, #tpu.memory_space<vmem>> -> memref<64xi32, #tpu.memory_space<vmem>>
      %dma_wait3A_562 = arith.constant 0 : i32
      %dma_wait3A_563 = arith.constant 0 : i32
      %dma_wait3A_564 = tpu.memref_slice %arg4[%arg0, %dma_wait3A_562, %dma_wait3A_563] : memref<2x10112x128xf32, #tpu.memory_space<hbm>> -> memref<1x10112x128xf32, #tpu.memory_space<hbm>>
      %dma_wait3A_565 = tpu.memref_squeeze %dma_wait3A_564 : memref<1x10112x128xf32, #tpu.memory_space<hbm>> -> memref<10112x128xf32, #tpu.memory_space<hbm>>
      %dma_wait3A_566 = arith.constant 0 : i32
      %dma_wait3A_567 = arith.constant 0 : i32
      %dma_wait3A_568 = tpu.memref_slice %dma_wait3A_565[%dma_wait3A_566, %dma_wait3A_567] : memref<10112x128xf32, #tpu.memory_space<hbm>> -> memref<10112x128xf32, #tpu.memory_space<hbm>>
      tpu.wait_indirect_dma semaphore(%arg13 : memref<!tpu.dma_semaphore, #tpu.memory_space<semaphore_mem>>) src(%dma_wait3A_568 : memref<10112x128xf32, #tpu.memory_space<hbm>>) dst(%dma_wait3A_558 : memref<64x128xf32, #tpu.memory_space<vmem>>)
      %dma_start3A_569 = arith.constant 2 : i32
      %dma_start3A_570 = arith.constant 0 : i32
      %dma_start3A_571 = arith.constant 0 : i32
      %dma_start3A_572 = tpu.memref_slice %arg9[%dma_start3A_569, %dma_start3A_570, %dma_start3A_571] : memref<4x64x128xf32, #tpu.memory_space<vmem>> -> memref<1x64x128xf32, #tpu.memory_space<vmem>>
      %dma_start3A_573 = tpu.memref_squeeze %dma_start3A_572 : memref<1x64x128xf32, #tpu.memory_space<vmem>> -> memref<64x128xf32, #tpu.memory_space<vmem>>
      %dma_start3A_574 = arith.constant 0 : i32
      %dma_start3A_575 = tpu.memref_slice %arg8[%add3A_552, %dma_start3A_574] : memref<40x64xi32, #tpu.memory_space<vmem>> -> memref<1x64xi32, #tpu.memory_space<vmem>>
      %dma_start3A_576 = tpu.memref_squeeze %dma_start3A_575 : memref<1x64xi32, #tpu.memory_space<vmem>> -> memref<64xi32, #tpu.memory_space<vmem>>
      %dma_start3A_577 = arith.constant 0 : i32
      %dma_start3A_578 = arith.constant 0 : i32
      %dma_start3A_579 = tpu.memref_slice %arg10[%dma_start3A_577, %dma_start3A_578] : memref<10112x128xf32, #tpu.memory_space<vmem_shared>> -> memref<10112x128xf32, #tpu.memory_space<vmem_shared>>
      tpu.enqueue_indirect_dma source(%dma_start3A_573 : memref<64x128xf32, #tpu.memory_space<vmem>>) target(%dma_start3A_579 : memref<10112x128xf32, #tpu.memory_space<vmem_shared>>) offsets(%dma_start3A_576 : memref<64xi32, #tpu.memory_space<vmem>>) semaphore(%arg17 : memref<!tpu.dma_semaphore, #tpu.memory_space<semaphore_mem>>) {add = true}
      %mul3A_580 = arith.constant 4 : i32
      %mul3A_581 = arith.muli %mul3A_580, %scan3A_486 : i32
      %add3A_582 = arith.constant 3 : i32
      %add3A_583 = arith.addi %mul3A_581, %add3A_582 : i32
      %dma_wait3A_584 = arith.constant 0 : i32
      %dma_wait3A_585 = arith.constant 3 : i32
      %dma_wait3A_586 = arith.constant 0 : i32
      %dma_wait3A_587 = arith.constant 0 : i32
      %dma_wait3A_588 = tpu.memref_slice %arg9[%dma_wait3A_585, %dma_wait3A_586, %dma_wait3A_587] : memref<4x64x128xf32, #tpu.memory_space<vmem>> -> memref<1x64x128xf32, #tpu.memory_space<vmem>>
      %dma_wait3A_589 = tpu.memref_squeeze %dma_wait3A_588 : memref<1x64x128xf32, #tpu.memory_space<vmem>> -> memref<64x128xf32, #tpu.memory_space<vmem>>
      %dma_wait3A_590 = arith.constant 0 : i32
      %dma_wait3A_591 = tpu.memref_slice %arg7[%dma_wait3A_584, %dma_wait3A_590] : memref<40x64xi32, #tpu.memory_space<vmem>> -> memref<1x64xi32, #tpu.memory_space<vmem>>
      %dma_wait3A_592 = tpu.memref_squeeze %dma_wait3A_591 : memref<1x64xi32, #tpu.memory_space<vmem>> -> memref<64xi32, #tpu.memory_space<vmem>>
      %dma_wait3A_593 = arith.constant 0 : i32
      %dma_wait3A_594 = arith.constant 0 : i32
      %dma_wait3A_595 = tpu.memref_slice %arg4[%arg0, %dma_wait3A_593, %dma_wait3A_594] : memref<2x10112x128xf32, #tpu.memory_space<hbm>> -> memref<1x10112x128xf32, #tpu.memory_space<hbm>>
      %dma_wait3A_596 = tpu.memref_squeeze %dma_wait3A_595 : memref<1x10112x128xf32, #tpu.memory_space<hbm>> -> memref<10112x128xf32, #tpu.memory_space<hbm>>
      %dma_wait3A_597 = arith.constant 0 : i32
      %dma_wait3A_598 = arith.constant 0 : i32
      %dma_wait3A_599 = tpu.memref_slice %dma_wait3A_596[%dma_wait3A_597, %dma_wait3A_598] : memref<10112x128xf32, #tpu.memory_space<hbm>> -> memref<10112x128xf32, #tpu.memory_space<hbm>>
      tpu.wait_indirect_dma semaphore(%arg14 : memref<!tpu.dma_semaphore, #tpu.memory_space<semaphore_mem>>) src(%dma_wait3A_599 : memref<10112x128xf32, #tpu.memory_space<hbm>>) dst(%dma_wait3A_589 : memref<64x128xf32, #tpu.memory_space<vmem>>)
      %dma_start3A_600 = arith.constant 3 : i32
      %dma_start3A_601 = arith.constant 0 : i32
      %dma_start3A_602 = arith.constant 0 : i32
      %dma_start3A_603 = tpu.memref_slice %arg9[%dma_start3A_600, %dma_start3A_601, %dma_start3A_602] : memref<4x64x128xf32, #tpu.memory_space<vmem>> -> memref<1x64x128xf32, #tpu.memory_space<vmem>>
      %dma_start3A_604 = tpu.memref_squeeze %dma_start3A_603 : memref<1x64x128xf32, #tpu.memory_space<vmem>> -> memref<64x128xf32, #tpu.memory_space<vmem>>
      %dma_start3A_605 = arith.constant 0 : i32
      %dma_start3A_606 = tpu.memref_slice %arg8[%add3A_583, %dma_start3A_605] : memref<40x64xi32, #tpu.memory_space<vmem>> -> memref<1x64xi32, #tpu.memory_space<vmem>>
      %dma_start3A_607 = tpu.memref_squeeze %dma_start3A_606 : memref<1x64xi32, #tpu.memory_space<vmem>> -> memref<64xi32, #tpu.memory_space<vmem>>
      %dma_start3A_608 = arith.constant 0 : i32
      %dma_start3A_609 = arith.constant 0 : i32
      %dma_start3A_610 = tpu.memref_slice %arg10[%dma_start3A_608, %dma_start3A_609] : memref<10112x128xf32, #tpu.memory_space<vmem_shared>> -> memref<10112x128xf32, #tpu.memory_space<vmem_shared>>
      tpu.enqueue_indirect_dma source(%dma_start3A_604 : memref<64x128xf32, #tpu.memory_space<vmem>>) target(%dma_start3A_610 : memref<10112x128xf32, #tpu.memory_space<vmem_shared>>) offsets(%dma_start3A_607 : memref<64xi32, #tpu.memory_space<vmem>>) semaphore(%arg18 : memref<!tpu.dma_semaphore, #tpu.memory_space<semaphore_mem>>) {add = true}
      %lt3A = arith.constant 9 : i32
      %lt3A_611 = arith.cmpi slt, %scan3A_486, %lt3A : i32
      %convert_element_type3A = arith.extui %lt3A_611 : i1 to i32
      %cond3A = arith.constant 0 : i32
      %cond3A_612 = arith.cmpi ne, %convert_element_type3A, %cond3A : i32
      scf.if %cond3A_612 {
        %dma_wait3A_628 = arith.constant 0 : i32
        %dma_wait3A_629 = arith.constant 0 : i32
        %dma_wait3A_630 = arith.constant 0 : i32
        %dma_wait3A_631 = arith.constant 0 : i32
        %dma_wait3A_632 = tpu.memref_slice %arg9[%dma_wait3A_628, %dma_wait3A_630, %dma_wait3A_631] : memref<4x64x128xf32, #tpu.memory_space<vmem>> -> memref<1x64x128xf32, #tpu.memory_space<vmem>>
        %dma_wait3A_633 = tpu.memref_squeeze %dma_wait3A_632 : memref<1x64x128xf32, #tpu.memory_space<vmem>> -> memref<64x128xf32, #tpu.memory_space<vmem>>
        %dma_wait3A_634 = arith.constant 0 : i32
        %dma_wait3A_635 = tpu.memref_slice %arg8[%dma_wait3A_629, %dma_wait3A_634] : memref<40x64xi32, #tpu.memory_space<vmem>> -> memref<1x64xi32, #tpu.memory_space<vmem>>
        %dma_wait3A_636 = tpu.memref_squeeze %dma_wait3A_635 : memref<1x64xi32, #tpu.memory_space<vmem>> -> memref<64xi32, #tpu.memory_space<vmem>>
        %dma_wait3A_637 = arith.constant 0 : i32
        %dma_wait3A_638 = arith.constant 0 : i32
        %dma_wait3A_639 = tpu.memref_slice %arg10[%dma_wait3A_637, %dma_wait3A_638] : memref<10112x128xf32, #tpu.memory_space<vmem_shared>> -> memref<10112x128xf32, #tpu.memory_space<vmem_shared>>
        tpu.wait_indirect_dma semaphore(%arg15 : memref<!tpu.dma_semaphore, #tpu.memory_space<semaphore_mem>>) src(%dma_wait3A_633 : memref<64x128xf32, #tpu.memory_space<vmem>>) dst(%dma_wait3A_639 : memref<10112x128xf32, #tpu.memory_space<vmem_shared>>)
        %add3A_640 = arith.constant 1 : i32
        %add3A_641 = arith.addi %scan3A_486, %add3A_640 : i32
        %mul3A_642 = arith.constant 4 : i32
        %mul3A_643 = arith.muli %mul3A_642, %add3A_641 : i32
        %add3A_644 = arith.constant 0 : i32
        %add3A_645 = arith.addi %mul3A_643, %add3A_644 : i32
        %dma_start3A_646 = arith.constant 0 : i32
        %dma_start3A_647 = arith.constant 0 : i32
        %dma_start3A_648 = arith.constant 0 : i32
        %dma_start3A_649 = tpu.memref_slice %arg9[%dma_start3A_646, %dma_start3A_647, %dma_start3A_648] : memref<4x64x128xf32, #tpu.memory_space<vmem>> -> memref<1x64x128xf32, #tpu.memory_space<vmem>>
        %dma_start3A_650 = tpu.memref_squeeze %dma_start3A_649 : memref<1x64x128xf32, #tpu.memory_space<vmem>> -> memref<64x128xf32, #tpu.memory_space<vmem>>
        %dma_start3A_651 = arith.constant 0 : i32
        %dma_start3A_652 = tpu.memref_slice %arg7[%add3A_645, %dma_start3A_651] : memref<40x64xi32, #tpu.memory_space<vmem>> -> memref<1x64xi32, #tpu.memory_space<vmem>>
        %dma_start3A_653 = tpu.memref_squeeze %dma_start3A_652 : memref<1x64xi32, #tpu.memory_space<vmem>> -> memref<64xi32, #tpu.memory_space<vmem>>
        %dma_start3A_654 = arith.constant 0 : i32
        %dma_start3A_655 = arith.constant 0 : i32
        %dma_start3A_656 = tpu.memref_slice %arg4[%arg0, %dma_start3A_654, %dma_start3A_655] : memref<2x10112x128xf32, #tpu.memory_space<hbm>> -> memref<1x10112x128xf32, #tpu.memory_space<hbm>>
        %dma_start3A_657 = tpu.memref_squeeze %dma_start3A_656 : memref<1x10112x128xf32, #tpu.memory_space<hbm>> -> memref<10112x128xf32, #tpu.memory_space<hbm>>
        %dma_start3A_658 = arith.constant 0 : i32
        %dma_start3A_659 = arith.constant 0 : i32
        %dma_start3A_660 = tpu.memref_slice %dma_start3A_657[%dma_start3A_658, %dma_start3A_659] : memref<10112x128xf32, #tpu.memory_space<hbm>> -> memref<10112x128xf32, #tpu.memory_space<hbm>>
        tpu.enqueue_indirect_dma source(%dma_start3A_660 : memref<10112x128xf32, #tpu.memory_space<hbm>>) target(%dma_start3A_650 : memref<64x128xf32, #tpu.memory_space<vmem>>) offsets(%dma_start3A_653 : memref<64xi32, #tpu.memory_space<vmem>>) semaphore(%arg11 : memref<!tpu.dma_semaphore, #tpu.memory_space<semaphore_mem>>)
      } else {
      }
      %lt3A_613 = arith.constant 9 : i32
      %lt3A_614 = arith.cmpi slt, %scan3A_486, %lt3A_613 : i32
      %convert_element_type3A_615 = arith.extui %lt3A_614 : i1 to i32
      %cond3A_616 = arith.constant 0 : i32
      %cond3A_617 = arith.cmpi ne, %convert_element_type3A_615, %cond3A_616 : i32
      scf.if %cond3A_617 {
        %dma_wait3A_628 = arith.constant 1 : i32
        %dma_wait3A_629 = arith.constant 0 : i32
        %dma_wait3A_630 = arith.constant 0 : i32
        %dma_wait3A_631 = arith.constant 0 : i32
        %dma_wait3A_632 = tpu.memref_slice %arg9[%dma_wait3A_628, %dma_wait3A_630, %dma_wait3A_631] : memref<4x64x128xf32, #tpu.memory_space<vmem>> -> memref<1x64x128xf32, #tpu.memory_space<vmem>>
        %dma_wait3A_633 = tpu.memref_squeeze %dma_wait3A_632 : memref<1x64x128xf32, #tpu.memory_space<vmem>> -> memref<64x128xf32, #tpu.memory_space<vmem>>
        %dma_wait3A_634 = arith.constant 0 : i32
        %dma_wait3A_635 = tpu.memref_slice %arg8[%dma_wait3A_629, %dma_wait3A_634] : memref<40x64xi32, #tpu.memory_space<vmem>> -> memref<1x64xi32, #tpu.memory_space<vmem>>
        %dma_wait3A_636 = tpu.memref_squeeze %dma_wait3A_635 : memref<1x64xi32, #tpu.memory_space<vmem>> -> memref<64xi32, #tpu.memory_space<vmem>>
        %dma_wait3A_637 = arith.constant 0 : i32
        %dma_wait3A_638 = arith.constant 0 : i32
        %dma_wait3A_639 = tpu.memref_slice %arg10[%dma_wait3A_637, %dma_wait3A_638] : memref<10112x128xf32, #tpu.memory_space<vmem_shared>> -> memref<10112x128xf32, #tpu.memory_space<vmem_shared>>
        tpu.wait_indirect_dma semaphore(%arg16 : memref<!tpu.dma_semaphore, #tpu.memory_space<semaphore_mem>>) src(%dma_wait3A_633 : memref<64x128xf32, #tpu.memory_space<vmem>>) dst(%dma_wait3A_639 : memref<10112x128xf32, #tpu.memory_space<vmem_shared>>)
        %add3A_640 = arith.constant 1 : i32
        %add3A_641 = arith.addi %scan3A_486, %add3A_640 : i32
        %mul3A_642 = arith.constant 4 : i32
        %mul3A_643 = arith.muli %mul3A_642, %add3A_641 : i32
        %add3A_644 = arith.constant 1 : i32
        %add3A_645 = arith.addi %mul3A_643, %add3A_644 : i32
        %dma_start3A_646 = arith.constant 1 : i32
        %dma_start3A_647 = arith.constant 0 : i32
        %dma_start3A_648 = arith.constant 0 : i32
        %dma_start3A_649 = tpu.memref_slice %arg9[%dma_start3A_646, %dma_start3A_647, %dma_start3A_648] : memref<4x64x128xf32, #tpu.memory_space<vmem>> -> memref<1x64x128xf32, #tpu.memory_space<vmem>>
        %dma_start3A_650 = tpu.memref_squeeze %dma_start3A_649 : memref<1x64x128xf32, #tpu.memory_space<vmem>> -> memref<64x128xf32, #tpu.memory_space<vmem>>
        %dma_start3A_651 = arith.constant 0 : i32
        %dma_start3A_652 = tpu.memref_slice %arg7[%add3A_645, %dma_start3A_651] : memref<40x64xi32, #tpu.memory_space<vmem>> -> memref<1x64xi32, #tpu.memory_space<vmem>>
        %dma_start3A_653 = tpu.memref_squeeze %dma_start3A_652 : memref<1x64xi32, #tpu.memory_space<vmem>> -> memref<64xi32, #tpu.memory_space<vmem>>
        %dma_start3A_654 = arith.constant 0 : i32
        %dma_start3A_655 = arith.constant 0 : i32
        %dma_start3A_656 = tpu.memref_slice %arg4[%arg0, %dma_start3A_654, %dma_start3A_655] : memref<2x10112x128xf32, #tpu.memory_space<hbm>> -> memref<1x10112x128xf32, #tpu.memory_space<hbm>>
        %dma_start3A_657 = tpu.memref_squeeze %dma_start3A_656 : memref<1x10112x128xf32, #tpu.memory_space<hbm>> -> memref<10112x128xf32, #tpu.memory_space<hbm>>
        %dma_start3A_658 = arith.constant 0 : i32
        %dma_start3A_659 = arith.constant 0 : i32
        %dma_start3A_660 = tpu.memref_slice %dma_start3A_657[%dma_start3A_658, %dma_start3A_659] : memref<10112x128xf32, #tpu.memory_space<hbm>> -> memref<10112x128xf32, #tpu.memory_space<hbm>>
        tpu.enqueue_indirect_dma source(%dma_start3A_660 : memref<10112x128xf32, #tpu.memory_space<hbm>>) target(%dma_start3A_650 : memref<64x128xf32, #tpu.memory_space<vmem>>) offsets(%dma_start3A_653 : memref<64xi32, #tpu.memory_space<vmem>>) semaphore(%arg12 : memref<!tpu.dma_semaphore, #tpu.memory_space<semaphore_mem>>)
      } else {
      }
      %lt3A_618 = arith.constant 9 : i32
      %lt3A_619 = arith.cmpi slt, %scan3A_486, %lt3A_618 : i32
      %convert_element_type3A_620 = arith.extui %lt3A_619 : i1 to i32
      %cond3A_621 = arith.constant 0 : i32
      %cond3A_622 = arith.cmpi ne, %convert_element_type3A_620, %cond3A_621 : i32
      scf.if %cond3A_622 {
        %dma_wait3A_628 = arith.constant 2 : i32
        %dma_wait3A_629 = arith.constant 0 : i32
        %dma_wait3A_630 = arith.constant 0 : i32
        %dma_wait3A_631 = arith.constant 0 : i32
        %dma_wait3A_632 = tpu.memref_slice %arg9[%dma_wait3A_628, %dma_wait3A_630, %dma_wait3A_631] : memref<4x64x128xf32, #tpu.memory_space<vmem>> -> memref<1x64x128xf32, #tpu.memory_space<vmem>>
        %dma_wait3A_633 = tpu.memref_squeeze %dma_wait3A_632 : memref<1x64x128xf32, #tpu.memory_space<vmem>> -> memref<64x128xf32, #tpu.memory_space<vmem>>
        %dma_wait3A_634 = arith.constant 0 : i32
        %dma_wait3A_635 = tpu.memref_slice %arg8[%dma_wait3A_629, %dma_wait3A_634] : memref<40x64xi32, #tpu.memory_space<vmem>> -> memref<1x64xi32, #tpu.memory_space<vmem>>
        %dma_wait3A_636 = tpu.memref_squeeze %dma_wait3A_635 : memref<1x64xi32, #tpu.memory_space<vmem>> -> memref<64xi32, #tpu.memory_space<vmem>>
        %dma_wait3A_637 = arith.constant 0 : i32
        %dma_wait3A_638 = arith.constant 0 : i32
        %dma_wait3A_639 = tpu.memref_slice %arg10[%dma_wait3A_637, %dma_wait3A_638] : memref<10112x128xf32, #tpu.memory_space<vmem_shared>> -> memref<10112x128xf32, #tpu.memory_space<vmem_shared>>
        tpu.wait_indirect_dma semaphore(%arg17 : memref<!tpu.dma_semaphore, #tpu.memory_space<semaphore_mem>>) src(%dma_wait3A_633 : memref<64x128xf32, #tpu.memory_space<vmem>>) dst(%dma_wait3A_639 : memref<10112x128xf32, #tpu.memory_space<vmem_shared>>)
        %add3A_640 = arith.constant 1 : i32
        %add3A_641 = arith.addi %scan3A_486, %add3A_640 : i32
        %mul3A_642 = arith.constant 4 : i32
        %mul3A_643 = arith.muli %mul3A_642, %add3A_641 : i32
        %add3A_644 = arith.constant 2 : i32
        %add3A_645 = arith.addi %mul3A_643, %add3A_644 : i32
        %dma_start3A_646 = arith.constant 2 : i32
        %dma_start3A_647 = arith.constant 0 : i32
        %dma_start3A_648 = arith.constant 0 : i32
        %dma_start3A_649 = tpu.memref_slice %arg9[%dma_start3A_646, %dma_start3A_647, %dma_start3A_648] : memref<4x64x128xf32, #tpu.memory_space<vmem>> -> memref<1x64x128xf32, #tpu.memory_space<vmem>>
        %dma_start3A_650 = tpu.memref_squeeze %dma_start3A_649 : memref<1x64x128xf32, #tpu.memory_space<vmem>> -> memref<64x128xf32, #tpu.memory_space<vmem>>
        %dma_start3A_651 = arith.constant 0 : i32
        %dma_start3A_652 = tpu.memref_slice %arg7[%add3A_645, %dma_start3A_651] : memref<40x64xi32, #tpu.memory_space<vmem>> -> memref<1x64xi32, #tpu.memory_space<vmem>>
        %dma_start3A_653 = tpu.memref_squeeze %dma_start3A_652 : memref<1x64xi32, #tpu.memory_space<vmem>> -> memref<64xi32, #tpu.memory_space<vmem>>
        %dma_start3A_654 = arith.constant 0 : i32
        %dma_start3A_655 = arith.constant 0 : i32
        %dma_start3A_656 = tpu.memref_slice %arg4[%arg0, %dma_start3A_654, %dma_start3A_655] : memref<2x10112x128xf32, #tpu.memory_space<hbm>> -> memref<1x10112x128xf32, #tpu.memory_space<hbm>>
        %dma_start3A_657 = tpu.memref_squeeze %dma_start3A_656 : memref<1x10112x128xf32, #tpu.memory_space<hbm>> -> memref<10112x128xf32, #tpu.memory_space<hbm>>
        %dma_start3A_658 = arith.constant 0 : i32
        %dma_start3A_659 = arith.constant 0 : i32
        %dma_start3A_660 = tpu.memref_slice %dma_start3A_657[%dma_start3A_658, %dma_start3A_659] : memref<10112x128xf32, #tpu.memory_space<hbm>> -> memref<10112x128xf32, #tpu.memory_space<hbm>>
        tpu.enqueue_indirect_dma source(%dma_start3A_660 : memref<10112x128xf32, #tpu.memory_space<hbm>>) target(%dma_start3A_650 : memref<64x128xf32, #tpu.memory_space<vmem>>) offsets(%dma_start3A_653 : memref<64xi32, #tpu.memory_space<vmem>>) semaphore(%arg13 : memref<!tpu.dma_semaphore, #tpu.memory_space<semaphore_mem>>)
      } else {
      }
      %lt3A_623 = arith.constant 9 : i32
      %lt3A_624 = arith.cmpi slt, %scan3A_486, %lt3A_623 : i32
      %convert_element_type3A_625 = arith.extui %lt3A_624 : i1 to i32
      %cond3A_626 = arith.constant 0 : i32
      %cond3A_627 = arith.cmpi ne, %convert_element_type3A_625, %cond3A_626 : i32
      scf.if %cond3A_627 {
        %dma_wait3A_628 = arith.constant 3 : i32
        %dma_wait3A_629 = arith.constant 0 : i32
        %dma_wait3A_630 = arith.constant 0 : i32
        %dma_wait3A_631 = arith.constant 0 : i32
        %dma_wait3A_632 = tpu.memref_slice %arg9[%dma_wait3A_628, %dma_wait3A_630, %dma_wait3A_631] : memref<4x64x128xf32, #tpu.memory_space<vmem>> -> memref<1x64x128xf32, #tpu.memory_space<vmem>>
        %dma_wait3A_633 = tpu.memref_squeeze %dma_wait3A_632 : memref<1x64x128xf32, #tpu.memory_space<vmem>> -> memref<64x128xf32, #tpu.memory_space<vmem>>
        %dma_wait3A_634 = arith.constant 0 : i32
        %dma_wait3A_635 = tpu.memref_slice %arg8[%dma_wait3A_629, %dma_wait3A_634] : memref<40x64xi32, #tpu.memory_space<vmem>> -> memref<1x64xi32, #tpu.memory_space<vmem>>
        %dma_wait3A_636 = tpu.memref_squeeze %dma_wait3A_635 : memref<1x64xi32, #tpu.memory_space<vmem>> -> memref<64xi32, #tpu.memory_space<vmem>>
        %dma_wait3A_637 = arith.constant 0 : i32
        %dma_wait3A_638 = arith.constant 0 : i32
        %dma_wait3A_639 = tpu.memref_slice %arg10[%dma_wait3A_637, %dma_wait3A_638] : memref<10112x128xf32, #tpu.memory_space<vmem_shared>> -> memref<10112x128xf32, #tpu.memory_space<vmem_shared>>
        tpu.wait_indirect_dma semaphore(%arg18 : memref<!tpu.dma_semaphore, #tpu.memory_space<semaphore_mem>>) src(%dma_wait3A_633 : memref<64x128xf32, #tpu.memory_space<vmem>>) dst(%dma_wait3A_639 : memref<10112x128xf32, #tpu.memory_space<vmem_shared>>)
        %add3A_640 = arith.constant 1 : i32
        %add3A_641 = arith.addi %scan3A_486, %add3A_640 : i32
        %mul3A_642 = arith.constant 4 : i32
        %mul3A_643 = arith.muli %mul3A_642, %add3A_641 : i32
        %add3A_644 = arith.constant 3 : i32
        %add3A_645 = arith.addi %mul3A_643, %add3A_644 : i32
        %dma_start3A_646 = arith.constant 3 : i32
        %dma_start3A_647 = arith.constant 0 : i32
        %dma_start3A_648 = arith.constant 0 : i32
        %dma_start3A_649 = tpu.memref_slice %arg9[%dma_start3A_646, %dma_start3A_647, %dma_start3A_648] : memref<4x64x128xf32, #tpu.memory_space<vmem>> -> memref<1x64x128xf32, #tpu.memory_space<vmem>>
        %dma_start3A_650 = tpu.memref_squeeze %dma_start3A_649 : memref<1x64x128xf32, #tpu.memory_space<vmem>> -> memref<64x128xf32, #tpu.memory_space<vmem>>
        %dma_start3A_651 = arith.constant 0 : i32
        %dma_start3A_652 = tpu.memref_slice %arg7[%add3A_645, %dma_start3A_651] : memref<40x64xi32, #tpu.memory_space<vmem>> -> memref<1x64xi32, #tpu.memory_space<vmem>>
        %dma_start3A_653 = tpu.memref_squeeze %dma_start3A_652 : memref<1x64xi32, #tpu.memory_space<vmem>> -> memref<64xi32, #tpu.memory_space<vmem>>
        %dma_start3A_654 = arith.constant 0 : i32
        %dma_start3A_655 = arith.constant 0 : i32
        %dma_start3A_656 = tpu.memref_slice %arg4[%arg0, %dma_start3A_654, %dma_start3A_655] : memref<2x10112x128xf32, #tpu.memory_space<hbm>> -> memref<1x10112x128xf32, #tpu.memory_space<hbm>>
        %dma_start3A_657 = tpu.memref_squeeze %dma_start3A_656 : memref<1x10112x128xf32, #tpu.memory_space<hbm>> -> memref<10112x128xf32, #tpu.memory_space<hbm>>
        %dma_start3A_658 = arith.constant 0 : i32
        %dma_start3A_659 = arith.constant 0 : i32
        %dma_start3A_660 = tpu.memref_slice %dma_start3A_657[%dma_start3A_658, %dma_start3A_659] : memref<10112x128xf32, #tpu.memory_space<hbm>> -> memref<10112x128xf32, #tpu.memory_space<hbm>>
        tpu.enqueue_indirect_dma source(%dma_start3A_660 : memref<10112x128xf32, #tpu.memory_space<hbm>>) target(%dma_start3A_650 : memref<64x128xf32, #tpu.memory_space<vmem>>) offsets(%dma_start3A_653 : memref<64xi32, #tpu.memory_space<vmem>>) semaphore(%arg14 : memref<!tpu.dma_semaphore, #tpu.memory_space<semaphore_mem>>)
      } else {
      }
    }
    %scan3A_190 = arith.constant 10 : i32
    %dma_wait3A_191 = arith.constant 0 : i32
    %dma_wait3A_192 = arith.constant 0 : i32
    %dma_wait3A_193 = arith.constant 0 : i32
    %dma_wait3A_194 = arith.constant 0 : i32
    %dma_wait3A_195 = tpu.memref_slice %arg9[%dma_wait3A_191, %dma_wait3A_193, %dma_wait3A_194] : memref<4x64x128xf32, #tpu.memory_space<vmem>> -> memref<1x64x128xf32, #tpu.memory_space<vmem>>
    %dma_wait3A_196 = tpu.memref_squeeze %dma_wait3A_195 : memref<1x64x128xf32, #tpu.memory_space<vmem>> -> memref<64x128xf32, #tpu.memory_space<vmem>>
    %dma_wait3A_197 = arith.constant 0 : i32
    %dma_wait3A_198 = tpu.memref_slice %arg8[%dma_wait3A_192, %dma_wait3A_197] : memref<40x64xi32, #tpu.memory_space<vmem>> -> memref<1x64xi32, #tpu.memory_space<vmem>>
    %dma_wait3A_199 = tpu.memref_squeeze %dma_wait3A_198 : memref<1x64xi32, #tpu.memory_space<vmem>> -> memref<64xi32, #tpu.memory_space<vmem>>
    %dma_wait3A_200 = arith.constant 0 : i32
    %dma_wait3A_201 = arith.constant 0 : i32
    %dma_wait3A_202 = tpu.memref_slice %arg10[%dma_wait3A_200, %dma_wait3A_201] : memref<10112x128xf32, #tpu.memory_space<vmem_shared>> -> memref<10112x128xf32, #tpu.memory_space<vmem_shared>>
    tpu.wait_indirect_dma semaphore(%arg15 : memref<!tpu.dma_semaphore, #tpu.memory_space<semaphore_mem>>) src(%dma_wait3A_196 : memref<64x128xf32, #tpu.memory_space<vmem>>) dst(%dma_wait3A_202 : memref<10112x128xf32, #tpu.memory_space<vmem_shared>>)
    %dma_wait3A_203 = arith.constant 1 : i32
    %dma_wait3A_204 = arith.constant 0 : i32
    %dma_wait3A_205 = arith.constant 0 : i32
    %dma_wait3A_206 = arith.constant 0 : i32
    %dma_wait3A_207 = tpu.memref_slice %arg9[%dma_wait3A_203, %dma_wait3A_205, %dma_wait3A_206] : memref<4x64x128xf32, #tpu.memory_space<vmem>> -> memref<1x64x128xf32, #tpu.memory_space<vmem>>
    %dma_wait3A_208 = tpu.memref_squeeze %dma_wait3A_207 : memref<1x64x128xf32, #tpu.memory_space<vmem>> -> memref<64x128xf32, #tpu.memory_space<vmem>>
    %dma_wait3A_209 = arith.constant 0 : i32
    %dma_wait3A_210 = tpu.memref_slice %arg8[%dma_wait3A_204, %dma_wait3A_209] : memref<40x64xi32, #tpu.memory_space<vmem>> -> memref<1x64xi32, #tpu.memory_space<vmem>>
    %dma_wait3A_211 = tpu.memref_squeeze %dma_wait3A_210 : memref<1x64xi32, #tpu.memory_space<vmem>> -> memref<64xi32, #tpu.memory_space<vmem>>
    %dma_wait3A_212 = arith.constant 0 : i32
    %dma_wait3A_213 = arith.constant 0 : i32
    %dma_wait3A_214 = tpu.memref_slice %arg10[%dma_wait3A_212, %dma_wait3A_213] : memref<10112x128xf32, #tpu.memory_space<vmem_shared>> -> memref<10112x128xf32, #tpu.memory_space<vmem_shared>>
    tpu.wait_indirect_dma semaphore(%arg16 : memref<!tpu.dma_semaphore, #tpu.memory_space<semaphore_mem>>) src(%dma_wait3A_208 : memref<64x128xf32, #tpu.memory_space<vmem>>) dst(%dma_wait3A_214 : memref<10112x128xf32, #tpu.memory_space<vmem_shared>>)
    %dma_wait3A_215 = arith.constant 2 : i32
    %dma_wait3A_216 = arith.constant 0 : i32
    %dma_wait3A_217 = arith.constant 0 : i32
    %dma_wait3A_218 = arith.constant 0 : i32
    %dma_wait3A_219 = tpu.memref_slice %arg9[%dma_wait3A_215, %dma_wait3A_217, %dma_wait3A_218] : memref<4x64x128xf32, #tpu.memory_space<vmem>> -> memref<1x64x128xf32, #tpu.memory_space<vmem>>
    %dma_wait3A_220 = tpu.memref_squeeze %dma_wait3A_219 : memref<1x64x128xf32, #tpu.memory_space<vmem>> -> memref<64x128xf32, #tpu.memory_space<vmem>>
    %dma_wait3A_221 = arith.constant 0 : i32
    %dma_wait3A_222 = tpu.memref_slice %arg8[%dma_wait3A_216, %dma_wait3A_221] : memref<40x64xi32, #tpu.memory_space<vmem>> -> memref<1x64xi32, #tpu.memory_space<vmem>>
    %dma_wait3A_223 = tpu.memref_squeeze %dma_wait3A_222 : memref<1x64xi32, #tpu.memory_space<vmem>> -> memref<64xi32, #tpu.memory_space<vmem>>
    %dma_wait3A_224 = arith.constant 0 : i32
    %dma_wait3A_225 = arith.constant 0 : i32
    %dma_wait3A_226 = tpu.memref_slice %arg10[%dma_wait3A_224, %dma_wait3A_225] : memref<10112x128xf32, #tpu.memory_space<vmem_shared>> -> memref<10112x128xf32, #tpu.memory_space<vmem_shared>>
    tpu.wait_indirect_dma semaphore(%arg17 : memref<!tpu.dma_semaphore, #tpu.memory_space<semaphore_mem>>) src(%dma_wait3A_220 : memref<64x128xf32, #tpu.memory_space<vmem>>) dst(%dma_wait3A_226 : memref<10112x128xf32, #tpu.memory_space<vmem_shared>>)
    %dma_wait3A_227 = arith.constant 3 : i32
    %dma_wait3A_228 = arith.constant 0 : i32
    %dma_wait3A_229 = arith.constant 0 : i32
    %dma_wait3A_230 = arith.constant 0 : i32
    %dma_wait3A_231 = tpu.memref_slice %arg9[%dma_wait3A_227, %dma_wait3A_229, %dma_wait3A_230] : memref<4x64x128xf32, #tpu.memory_space<vmem>> -> memref<1x64x128xf32, #tpu.memory_space<vmem>>
    %dma_wait3A_232 = tpu.memref_squeeze %dma_wait3A_231 : memref<1x64x128xf32, #tpu.memory_space<vmem>> -> memref<64x128xf32, #tpu.memory_space<vmem>>
    %dma_wait3A_233 = arith.constant 0 : i32
    %dma_wait3A_234 = tpu.memref_slice %arg8[%dma_wait3A_228, %dma_wait3A_233] : memref<40x64xi32, #tpu.memory_space<vmem>> -> memref<1x64xi32, #tpu.memory_space<vmem>>
    %dma_wait3A_235 = tpu.memref_squeeze %dma_wait3A_234 : memref<1x64xi32, #tpu.memory_space<vmem>> -> memref<64xi32, #tpu.memory_space<vmem>>
    %dma_wait3A_236 = arith.constant 0 : i32
    %dma_wait3A_237 = arith.constant 0 : i32
    %dma_wait3A_238 = tpu.memref_slice %arg10[%dma_wait3A_236, %dma_wait3A_237] : memref<10112x128xf32, #tpu.memory_space<vmem_shared>> -> memref<10112x128xf32, #tpu.memory_space<vmem_shared>>
    tpu.wait_indirect_dma semaphore(%arg18 : memref<!tpu.dma_semaphore, #tpu.memory_space<semaphore_mem>>) src(%dma_wait3A_232 : memref<64x128xf32, #tpu.memory_space<vmem>>) dst(%dma_wait3A_238 : memref<10112x128xf32, #tpu.memory_space<vmem_shared>>)
    %mul3A_239 = arith.constant 160 : i32
    %mul3A_240 = arith.muli %arg1, %mul3A_239 : i32
    %add3A_241 = arith.constant 80 : i32
    %add3A_242 = arith.addi %mul3A_240, %add3A_241 : i32
    "tpu.region"() ({
      %run_scoped3A = tpu.sem_alloc : memref<!tpu.dma_semaphore, #tpu.memory_space<semaphore_mem>>
      %dma_start3A_486 = arith.constant 0 : i32
      %dma_start3A_487 = tpu.memref_slice %arg2[%add3A_242, %dma_start3A_486] : memref<2560x64xi32, #tpu.memory_space<hbm>> -> memref<40x64xi32, #tpu.memory_space<hbm>>
      %dma_start3A_488 = arith.constant 0 : i32
      %dma_start3A_489 = tpu.memref_slice %arg2[%add3A_242, %dma_start3A_488] : memref<2560x64xi32, #tpu.memory_space<hbm>> -> memref<40x64xi32, #tpu.memory_space<hbm>>
      tpu.enqueue_dma source(%dma_start3A_489 : memref<40x64xi32, #tpu.memory_space<hbm>>) target(%arg7 : memref<40x64xi32, #tpu.memory_space<vmem>>) target_semaphore(%run_scoped3A : memref<!tpu.dma_semaphore, #tpu.memory_space<semaphore_mem>>)
      %dma_wait3A_490 = arith.constant 0 : i32
      %dma_wait3A_491 = tpu.memref_slice %arg2[%add3A_242, %dma_wait3A_490] : memref<2560x64xi32, #tpu.memory_space<hbm>> -> memref<40x64xi32, #tpu.memory_space<hbm>>
      %dma_wait3A_492 = arith.constant 0 : i32
      %dma_wait3A_493 = tpu.memref_slice %arg2[%add3A_242, %dma_wait3A_492] : memref<2560x64xi32, #tpu.memory_space<hbm>> -> memref<40x64xi32, #tpu.memory_space<hbm>>
      tpu.wait_dma2 semaphore(%run_scoped3A : memref<!tpu.dma_semaphore, #tpu.memory_space<semaphore_mem>>) src(%dma_wait3A_493 : memref<40x64xi32, #tpu.memory_space<hbm>>) dst(%arg7 : memref<40x64xi32, #tpu.memory_space<vmem>>)
      tpu.yield
    }) : () -> ()
    "tpu.region"() ({
      %run_scoped3A = tpu.sem_alloc : memref<!tpu.dma_semaphore, #tpu.memory_space<semaphore_mem>>
      %dma_start3A_486 = arith.constant 0 : i32
      %dma_start3A_487 = tpu.memref_slice %arg3[%add3A_242, %dma_start3A_486] : memref<2560x64xi32, #tpu.memory_space<hbm>> -> memref<40x64xi32, #tpu.memory_space<hbm>>
      %dma_start3A_488 = arith.constant 0 : i32
      %dma_start3A_489 = tpu.memref_slice %arg3[%add3A_242, %dma_start3A_488] : memref<2560x64xi32, #tpu.memory_space<hbm>> -> memref<40x64xi32, #tpu.memory_space<hbm>>
      tpu.enqueue_dma source(%dma_start3A_489 : memref<40x64xi32, #tpu.memory_space<hbm>>) target(%arg8 : memref<40x64xi32, #tpu.memory_space<vmem>>) target_semaphore(%run_scoped3A : memref<!tpu.dma_semaphore, #tpu.memory_space<semaphore_mem>>)
      %dma_wait3A_490 = arith.constant 0 : i32
      %dma_wait3A_491 = tpu.memref_slice %arg3[%add3A_242, %dma_wait3A_490] : memref<2560x64xi32, #tpu.memory_space<hbm>> -> memref<40x64xi32, #tpu.memory_space<hbm>>
      %dma_wait3A_492 = arith.constant 0 : i32
      %dma_wait3A_493 = tpu.memref_slice %arg3[%add3A_242, %dma_wait3A_492] : memref<2560x64xi32, #tpu.memory_space<hbm>> -> memref<40x64xi32, #tpu.memory_space<hbm>>
      tpu.wait_dma2 semaphore(%run_scoped3A : memref<!tpu.dma_semaphore, #tpu.memory_space<semaphore_mem>>) src(%dma_wait3A_493 : memref<40x64xi32, #tpu.memory_space<hbm>>) dst(%arg8 : memref<40x64xi32, #tpu.memory_space<vmem>>)
      tpu.yield
    }) : () -> ()
    %dma_start3A_243 = arith.constant 0 : i32
    %dma_start3A_244 = arith.constant 0 : i32
    %dma_start3A_245 = arith.constant 0 : i32
    %dma_start3A_246 = arith.constant 0 : i32
    %dma_start3A_247 = tpu.memref_slice %arg9[%dma_start3A_244, %dma_start3A_245, %dma_start3A_246] : memref<4x64x128xf32, #tpu.memory_space<vmem>> -> memref<1x64x128xf32, #tpu.memory_space<vmem>>
    %dma_start3A_248 = tpu.memref_squeeze %dma_start3A_247 : memref<1x64x128xf32, #tpu.memory_space<vmem>> -> memref<64x128xf32, #tpu.memory_space<vmem>>
    %dma_start3A_249 = arith.constant 0 : i32
    %dma_start3A_250 = tpu.memref_slice %arg7[%dma_start3A_243, %dma_start3A_249] : memref<40x64xi32, #tpu.memory_space<vmem>> -> memref<1x64xi32, #tpu.memory_space<vmem>>
    %dma_start3A_251 = tpu.memref_squeeze %dma_start3A_250 : memref<1x64xi32, #tpu.memory_space<vmem>> -> memref<64xi32, #tpu.memory_space<vmem>>
    %dma_start3A_252 = arith.constant 0 : i32
    %dma_start3A_253 = arith.constant 0 : i32
    %dma_start3A_254 = tpu.memref_slice %arg4[%arg0, %dma_start3A_252, %dma_start3A_253] : memref<2x10112x128xf32, #tpu.memory_space<hbm>> -> memref<1x10112x128xf32, #tpu.memory_space<hbm>>
    %dma_start3A_255 = tpu.memref_squeeze %dma_start3A_254 : memref<1x10112x128xf32, #tpu.memory_space<hbm>> -> memref<10112x128xf32, #tpu.memory_space<hbm>>
    %dma_start3A_256 = arith.constant 0 : i32
    %dma_start3A_257 = arith.constant 0 : i32
    %dma_start3A_258 = tpu.memref_slice %dma_start3A_255[%dma_start3A_256, %dma_start3A_257] : memref<10112x128xf32, #tpu.memory_space<hbm>> -> memref<10112x128xf32, #tpu.memory_space<hbm>>
    tpu.enqueue_indirect_dma source(%dma_start3A_258 : memref<10112x128xf32, #tpu.memory_space<hbm>>) target(%dma_start3A_248 : memref<64x128xf32, #tpu.memory_space<vmem>>) offsets(%dma_start3A_251 : memref<64xi32, #tpu.memory_space<vmem>>) semaphore(%arg11 : memref<!tpu.dma_semaphore, #tpu.memory_space<semaphore_mem>>)
    %dma_start3A_259 = arith.constant 1 : i32
    %dma_start3A_260 = arith.constant 1 : i32
    %dma_start3A_261 = arith.constant 0 : i32
    %dma_start3A_262 = arith.constant 0 : i32
    %dma_start3A_263 = tpu.memref_slice %arg9[%dma_start3A_260, %dma_start3A_261, %dma_start3A_262] : memref<4x64x128xf32, #tpu.memory_space<vmem>> -> memref<1x64x128xf32, #tpu.memory_space<vmem>>
    %dma_start3A_264 = tpu.memref_squeeze %dma_start3A_263 : memref<1x64x128xf32, #tpu.memory_space<vmem>> -> memref<64x128xf32, #tpu.memory_space<vmem>>
    %dma_start3A_265 = arith.constant 0 : i32
    %dma_start3A_266 = tpu.memref_slice %arg7[%dma_start3A_259, %dma_start3A_265] : memref<40x64xi32, #tpu.memory_space<vmem>> -> memref<1x64xi32, #tpu.memory_space<vmem>>
    %dma_start3A_267 = tpu.memref_squeeze %dma_start3A_266 : memref<1x64xi32, #tpu.memory_space<vmem>> -> memref<64xi32, #tpu.memory_space<vmem>>
    %dma_start3A_268 = arith.constant 0 : i32
    %dma_start3A_269 = arith.constant 0 : i32
    %dma_start3A_270 = tpu.memref_slice %arg4[%arg0, %dma_start3A_268, %dma_start3A_269] : memref<2x10112x128xf32, #tpu.memory_space<hbm>> -> memref<1x10112x128xf32, #tpu.memory_space<hbm>>
    %dma_start3A_271 = tpu.memref_squeeze %dma_start3A_270 : memref<1x10112x128xf32, #tpu.memory_space<hbm>> -> memref<10112x128xf32, #tpu.memory_space<hbm>>
    %dma_start3A_272 = arith.constant 0 : i32
    %dma_start3A_273 = arith.constant 0 : i32
    %dma_start3A_274 = tpu.memref_slice %dma_start3A_271[%dma_start3A_272, %dma_start3A_273] : memref<10112x128xf32, #tpu.memory_space<hbm>> -> memref<10112x128xf32, #tpu.memory_space<hbm>>
    tpu.enqueue_indirect_dma source(%dma_start3A_274 : memref<10112x128xf32, #tpu.memory_space<hbm>>) target(%dma_start3A_264 : memref<64x128xf32, #tpu.memory_space<vmem>>) offsets(%dma_start3A_267 : memref<64xi32, #tpu.memory_space<vmem>>) semaphore(%arg12 : memref<!tpu.dma_semaphore, #tpu.memory_space<semaphore_mem>>)
    %dma_start3A_275 = arith.constant 2 : i32
    %dma_start3A_276 = arith.constant 2 : i32
    %dma_start3A_277 = arith.constant 0 : i32
    %dma_start3A_278 = arith.constant 0 : i32
    %dma_start3A_279 = tpu.memref_slice %arg9[%dma_start3A_276, %dma_start3A_277, %dma_start3A_278] : memref<4x64x128xf32, #tpu.memory_space<vmem>> -> memref<1x64x128xf32, #tpu.memory_space<vmem>>
    %dma_start3A_280 = tpu.memref_squeeze %dma_start3A_279 : memref<1x64x128xf32, #tpu.memory_space<vmem>> -> memref<64x128xf32, #tpu.memory_space<vmem>>
    %dma_start3A_281 = arith.constant 0 : i32
    %dma_start3A_282 = tpu.memref_slice %arg7[%dma_start3A_275, %dma_start3A_281] : memref<40x64xi32, #tpu.memory_space<vmem>> -> memref<1x64xi32, #tpu.memory_space<vmem>>
    %dma_start3A_283 = tpu.memref_squeeze %dma_start3A_282 : memref<1x64xi32, #tpu.memory_space<vmem>> -> memref<64xi32, #tpu.memory_space<vmem>>
    %dma_start3A_284 = arith.constant 0 : i32
    %dma_start3A_285 = arith.constant 0 : i32
    %dma_start3A_286 = tpu.memref_slice %arg4[%arg0, %dma_start3A_284, %dma_start3A_285] : memref<2x10112x128xf32, #tpu.memory_space<hbm>> -> memref<1x10112x128xf32, #tpu.memory_space<hbm>>
    %dma_start3A_287 = tpu.memref_squeeze %dma_start3A_286 : memref<1x10112x128xf32, #tpu.memory_space<hbm>> -> memref<10112x128xf32, #tpu.memory_space<hbm>>
    %dma_start3A_288 = arith.constant 0 : i32
    %dma_start3A_289 = arith.constant 0 : i32
    %dma_start3A_290 = tpu.memref_slice %dma_start3A_287[%dma_start3A_288, %dma_start3A_289] : memref<10112x128xf32, #tpu.memory_space<hbm>> -> memref<10112x128xf32, #tpu.memory_space<hbm>>
    tpu.enqueue_indirect_dma source(%dma_start3A_290 : memref<10112x128xf32, #tpu.memory_space<hbm>>) target(%dma_start3A_280 : memref<64x128xf32, #tpu.memory_space<vmem>>) offsets(%dma_start3A_283 : memref<64xi32, #tpu.memory_space<vmem>>) semaphore(%arg13 : memref<!tpu.dma_semaphore, #tpu.memory_space<semaphore_mem>>)
    %dma_start3A_291 = arith.constant 3 : i32
    %dma_start3A_292 = arith.constant 3 : i32
    %dma_start3A_293 = arith.constant 0 : i32
    %dma_start3A_294 = arith.constant 0 : i32
    %dma_start3A_295 = tpu.memref_slice %arg9[%dma_start3A_292, %dma_start3A_293, %dma_start3A_294] : memref<4x64x128xf32, #tpu.memory_space<vmem>> -> memref<1x64x128xf32, #tpu.memory_space<vmem>>
    %dma_start3A_296 = tpu.memref_squeeze %dma_start3A_295 : memref<1x64x128xf32, #tpu.memory_space<vmem>> -> memref<64x128xf32, #tpu.memory_space<vmem>>
    %dma_start3A_297 = arith.constant 0 : i32
    %dma_start3A_298 = tpu.memref_slice %arg7[%dma_start3A_291, %dma_start3A_297] : memref<40x64xi32, #tpu.memory_space<vmem>> -> memref<1x64xi32, #tpu.memory_space<vmem>>
    %dma_start3A_299 = tpu.memref_squeeze %dma_start3A_298 : memref<1x64xi32, #tpu.memory_space<vmem>> -> memref<64xi32, #tpu.memory_space<vmem>>
    %dma_start3A_300 = arith.constant 0 : i32
    %dma_start3A_301 = arith.constant 0 : i32
    %dma_start3A_302 = tpu.memref_slice %arg4[%arg0, %dma_start3A_300, %dma_start3A_301] : memref<2x10112x128xf32, #tpu.memory_space<hbm>> -> memref<1x10112x128xf32, #tpu.memory_space<hbm>>
    %dma_start3A_303 = tpu.memref_squeeze %dma_start3A_302 : memref<1x10112x128xf32, #tpu.memory_space<hbm>> -> memref<10112x128xf32, #tpu.memory_space<hbm>>
    %dma_start3A_304 = arith.constant 0 : i32
    %dma_start3A_305 = arith.constant 0 : i32
    %dma_start3A_306 = tpu.memref_slice %dma_start3A_303[%dma_start3A_304, %dma_start3A_305] : memref<10112x128xf32, #tpu.memory_space<hbm>> -> memref<10112x128xf32, #tpu.memory_space<hbm>>
    tpu.enqueue_indirect_dma source(%dma_start3A_306 : memref<10112x128xf32, #tpu.memory_space<hbm>>) target(%dma_start3A_296 : memref<64x128xf32, #tpu.memory_space<vmem>>) offsets(%dma_start3A_299 : memref<64xi32, #tpu.memory_space<vmem>>) semaphore(%arg14 : memref<!tpu.dma_semaphore, #tpu.memory_space<semaphore_mem>>)
    %scan3A_307 = arith.constant 0 : i32
    %scan3A_308 = arith.constant 10 : i32
    %scan3A_309 = arith.addi %scan3A_307, %scan3A_308 : i32
    %scan3A_310 = arith.constant 1 : i32
    scf.for %scan3A_486 = %scan3A_307 to %scan3A_309 step %scan3A_310  : i32 {
      %mul3A_487 = arith.constant 4 : i32
      %mul3A_488 = arith.muli %mul3A_487, %scan3A_486 : i32
      %add3A_489 = arith.constant 0 : i32
      %add3A_490 = arith.addi %mul3A_488, %add3A_489 : i32
      %dma_wait3A_491 = arith.constant 0 : i32
      %dma_wait3A_492 = arith.constant 0 : i32
      %dma_wait3A_493 = arith.constant 0 : i32
      %dma_wait3A_494 = arith.constant 0 : i32
      %dma_wait3A_495 = tpu.memref_slice %arg9[%dma_wait3A_492, %dma_wait3A_493, %dma_wait3A_494] : memref<4x64x128xf32, #tpu.memory_space<vmem>> -> memref<1x64x128xf32, #tpu.memory_space<vmem>>
      %dma_wait3A_496 = tpu.memref_squeeze %dma_wait3A_495 : memref<1x64x128xf32, #tpu.memory_space<vmem>> -> memref<64x128xf32, #tpu.memory_space<vmem>>
      %dma_wait3A_497 = arith.constant 0 : i32
      %dma_wait3A_498 = tpu.memref_slice %arg7[%dma_wait3A_491, %dma_wait3A_497] : memref<40x64xi32, #tpu.memory_space<vmem>> -> memref<1x64xi32, #tpu.memory_space<vmem>>
      %dma_wait3A_499 = tpu.memref_squeeze %dma_wait3A_498 : memref<1x64xi32, #tpu.memory_space<vmem>> -> memref<64xi32, #tpu.memory_space<vmem>>
      %dma_wait3A_500 = arith.constant 0 : i32
      %dma_wait3A_501 = arith.constant 0 : i32
      %dma_wait3A_502 = tpu.memref_slice %arg4[%arg0, %dma_wait3A_500, %dma_wait3A_501] : memref<2x10112x128xf32, #tpu.memory_space<hbm>> -> memref<1x10112x128xf32, #tpu.memory_space<hbm>>
      %dma_wait3A_503 = tpu.memref_squeeze %dma_wait3A_502 : memref<1x10112x128xf32, #tpu.memory_space<hbm>> -> memref<10112x128xf32, #tpu.memory_space<hbm>>
      %dma_wait3A_504 = arith.constant 0 : i32
      %dma_wait3A_505 = arith.constant 0 : i32
      %dma_wait3A_506 = tpu.memref_slice %dma_wait3A_503[%dma_wait3A_504, %dma_wait3A_505] : memref<10112x128xf32, #tpu.memory_space<hbm>> -> memref<10112x128xf32, #tpu.memory_space<hbm>>
      tpu.wait_indirect_dma semaphore(%arg11 : memref<!tpu.dma_semaphore, #tpu.memory_space<semaphore_mem>>) src(%dma_wait3A_506 : memref<10112x128xf32, #tpu.memory_space<hbm>>) dst(%dma_wait3A_496 : memref<64x128xf32, #tpu.memory_space<vmem>>)
      %dma_start3A_507 = arith.constant 0 : i32
      %dma_start3A_508 = arith.constant 0 : i32
      %dma_start3A_509 = arith.constant 0 : i32
      %dma_start3A_510 = tpu.memref_slice %arg9[%dma_start3A_507, %dma_start3A_508, %dma_start3A_509] : memref<4x64x128xf32, #tpu.memory_space<vmem>> -> memref<1x64x128xf32, #tpu.memory_space<vmem>>
      %dma_start3A_511 = tpu.memref_squeeze %dma_start3A_510 : memref<1x64x128xf32, #tpu.memory_space<vmem>> -> memref<64x128xf32, #tpu.memory_space<vmem>>
      %dma_start3A_512 = arith.constant 0 : i32
      %dma_start3A_513 = tpu.memref_slice %arg8[%add3A_490, %dma_start3A_512] : memref<40x64xi32, #tpu.memory_space<vmem>> -> memref<1x64xi32, #tpu.memory_space<vmem>>
      %dma_start3A_514 = tpu.memref_squeeze %dma_start3A_513 : memref<1x64xi32, #tpu.memory_space<vmem>> -> memref<64xi32, #tpu.memory_space<vmem>>
      %dma_start3A_515 = arith.constant 0 : i32
      %dma_start3A_516 = arith.constant 0 : i32
      %dma_start3A_517 = tpu.memref_slice %arg10[%dma_start3A_515, %dma_start3A_516] : memref<10112x128xf32, #tpu.memory_space<vmem_shared>> -> memref<10112x128xf32, #tpu.memory_space<vmem_shared>>
      tpu.enqueue_indirect_dma source(%dma_start3A_511 : memref<64x128xf32, #tpu.memory_space<vmem>>) target(%dma_start3A_517 : memref<10112x128xf32, #tpu.memory_space<vmem_shared>>) offsets(%dma_start3A_514 : memref<64xi32, #tpu.memory_space<vmem>>) semaphore(%arg15 : memref<!tpu.dma_semaphore, #tpu.memory_space<semaphore_mem>>) {add = true}
      %mul3A_518 = arith.constant 4 : i32
      %mul3A_519 = arith.muli %mul3A_518, %scan3A_486 : i32
      %add3A_520 = arith.constant 1 : i32
      %add3A_521 = arith.addi %mul3A_519, %add3A_520 : i32
      %dma_wait3A_522 = arith.constant 0 : i32
      %dma_wait3A_523 = arith.constant 1 : i32
      %dma_wait3A_524 = arith.constant 0 : i32
      %dma_wait3A_525 = arith.constant 0 : i32
      %dma_wait3A_526 = tpu.memref_slice %arg9[%dma_wait3A_523, %dma_wait3A_524, %dma_wait3A_525] : memref<4x64x128xf32, #tpu.memory_space<vmem>> -> memref<1x64x128xf32, #tpu.memory_space<vmem>>
      %dma_wait3A_527 = tpu.memref_squeeze %dma_wait3A_526 : memref<1x64x128xf32, #tpu.memory_space<vmem>> -> memref<64x128xf32, #tpu.memory_space<vmem>>
      %dma_wait3A_528 = arith.constant 0 : i32
      %dma_wait3A_529 = tpu.memref_slice %arg7[%dma_wait3A_522, %dma_wait3A_528] : memref<40x64xi32, #tpu.memory_space<vmem>> -> memref<1x64xi32, #tpu.memory_space<vmem>>
      %dma_wait3A_530 = tpu.memref_squeeze %dma_wait3A_529 : memref<1x64xi32, #tpu.memory_space<vmem>> -> memref<64xi32, #tpu.memory_space<vmem>>
      %dma_wait3A_531 = arith.constant 0 : i32
      %dma_wait3A_532 = arith.constant 0 : i32
      %dma_wait3A_533 = tpu.memref_slice %arg4[%arg0, %dma_wait3A_531, %dma_wait3A_532] : memref<2x10112x128xf32, #tpu.memory_space<hbm>> -> memref<1x10112x128xf32, #tpu.memory_space<hbm>>
      %dma_wait3A_534 = tpu.memref_squeeze %dma_wait3A_533 : memref<1x10112x128xf32, #tpu.memory_space<hbm>> -> memref<10112x128xf32, #tpu.memory_space<hbm>>
      %dma_wait3A_535 = arith.constant 0 : i32
      %dma_wait3A_536 = arith.constant 0 : i32
      %dma_wait3A_537 = tpu.memref_slice %dma_wait3A_534[%dma_wait3A_535, %dma_wait3A_536] : memref<10112x128xf32, #tpu.memory_space<hbm>> -> memref<10112x128xf32, #tpu.memory_space<hbm>>
      tpu.wait_indirect_dma semaphore(%arg12 : memref<!tpu.dma_semaphore, #tpu.memory_space<semaphore_mem>>) src(%dma_wait3A_537 : memref<10112x128xf32, #tpu.memory_space<hbm>>) dst(%dma_wait3A_527 : memref<64x128xf32, #tpu.memory_space<vmem>>)
      %dma_start3A_538 = arith.constant 1 : i32
      %dma_start3A_539 = arith.constant 0 : i32
      %dma_start3A_540 = arith.constant 0 : i32
      %dma_start3A_541 = tpu.memref_slice %arg9[%dma_start3A_538, %dma_start3A_539, %dma_start3A_540] : memref<4x64x128xf32, #tpu.memory_space<vmem>> -> memref<1x64x128xf32, #tpu.memory_space<vmem>>
      %dma_start3A_542 = tpu.memref_squeeze %dma_start3A_541 : memref<1x64x128xf32, #tpu.memory_space<vmem>> -> memref<64x128xf32, #tpu.memory_space<vmem>>
      %dma_start3A_543 = arith.constant 0 : i32
      %dma_start3A_544 = tpu.memref_slice %arg8[%add3A_521, %dma_start3A_543] : memref<40x64xi32, #tpu.memory_space<vmem>> -> memref<1x64xi32, #tpu.memory_space<vmem>>
      %dma_start3A_545 = tpu.memref_squeeze %dma_start3A_544 : memref<1x64xi32, #tpu.memory_space<vmem>> -> memref<64xi32, #tpu.memory_space<vmem>>
      %dma_start3A_546 = arith.constant 0 : i32
      %dma_start3A_547 = arith.constant 0 : i32
      %dma_start3A_548 = tpu.memref_slice %arg10[%dma_start3A_546, %dma_start3A_547] : memref<10112x128xf32, #tpu.memory_space<vmem_shared>> -> memref<10112x128xf32, #tpu.memory_space<vmem_shared>>
      tpu.enqueue_indirect_dma source(%dma_start3A_542 : memref<64x128xf32, #tpu.memory_space<vmem>>) target(%dma_start3A_548 : memref<10112x128xf32, #tpu.memory_space<vmem_shared>>) offsets(%dma_start3A_545 : memref<64xi32, #tpu.memory_space<vmem>>) semaphore(%arg16 : memref<!tpu.dma_semaphore, #tpu.memory_space<semaphore_mem>>) {add = true}
      %mul3A_549 = arith.constant 4 : i32
      %mul3A_550 = arith.muli %mul3A_549, %scan3A_486 : i32
      %add3A_551 = arith.constant 2 : i32
      %add3A_552 = arith.addi %mul3A_550, %add3A_551 : i32
      %dma_wait3A_553 = arith.constant 0 : i32
      %dma_wait3A_554 = arith.constant 2 : i32
      %dma_wait3A_555 = arith.constant 0 : i32
      %dma_wait3A_556 = arith.constant 0 : i32
      %dma_wait3A_557 = tpu.memref_slice %arg9[%dma_wait3A_554, %dma_wait3A_555, %dma_wait3A_556] : memref<4x64x128xf32, #tpu.memory_space<vmem>> -> memref<1x64x128xf32, #tpu.memory_space<vmem>>
      %dma_wait3A_558 = tpu.memref_squeeze %dma_wait3A_557 : memref<1x64x128xf32, #tpu.memory_space<vmem>> -> memref<64x128xf32, #tpu.memory_space<vmem>>
      %dma_wait3A_559 = arith.constant 0 : i32
      %dma_wait3A_560 = tpu.memref_slice %arg7[%dma_wait3A_553, %dma_wait3A_559] : memref<40x64xi32, #tpu.memory_space<vmem>> -> memref<1x64xi32, #tpu.memory_space<vmem>>
      %dma_wait3A_561 = tpu.memref_squeeze %dma_wait3A_560 : memref<1x64xi32, #tpu.memory_space<vmem>> -> memref<64xi32, #tpu.memory_space<vmem>>
      %dma_wait3A_562 = arith.constant 0 : i32
      %dma_wait3A_563 = arith.constant 0 : i32
      %dma_wait3A_564 = tpu.memref_slice %arg4[%arg0, %dma_wait3A_562, %dma_wait3A_563] : memref<2x10112x128xf32, #tpu.memory_space<hbm>> -> memref<1x10112x128xf32, #tpu.memory_space<hbm>>
      %dma_wait3A_565 = tpu.memref_squeeze %dma_wait3A_564 : memref<1x10112x128xf32, #tpu.memory_space<hbm>> -> memref<10112x128xf32, #tpu.memory_space<hbm>>
      %dma_wait3A_566 = arith.constant 0 : i32
      %dma_wait3A_567 = arith.constant 0 : i32
      %dma_wait3A_568 = tpu.memref_slice %dma_wait3A_565[%dma_wait3A_566, %dma_wait3A_567] : memref<10112x128xf32, #tpu.memory_space<hbm>> -> memref<10112x128xf32, #tpu.memory_space<hbm>>
      tpu.wait_indirect_dma semaphore(%arg13 : memref<!tpu.dma_semaphore, #tpu.memory_space<semaphore_mem>>) src(%dma_wait3A_568 : memref<10112x128xf32, #tpu.memory_space<hbm>>) dst(%dma_wait3A_558 : memref<64x128xf32, #tpu.memory_space<vmem>>)
      %dma_start3A_569 = arith.constant 2 : i32
      %dma_start3A_570 = arith.constant 0 : i32
      %dma_start3A_571 = arith.constant 0 : i32
      %dma_start3A_572 = tpu.memref_slice %arg9[%dma_start3A_569, %dma_start3A_570, %dma_start3A_571] : memref<4x64x128xf32, #tpu.memory_space<vmem>> -> memref<1x64x128xf32, #tpu.memory_space<vmem>>
      %dma_start3A_573 = tpu.memref_squeeze %dma_start3A_572 : memref<1x64x128xf32, #tpu.memory_space<vmem>> -> memref<64x128xf32, #tpu.memory_space<vmem>>
      %dma_start3A_574 = arith.constant 0 : i32
      %dma_start3A_575 = tpu.memref_slice %arg8[%add3A_552, %dma_start3A_574] : memref<40x64xi32, #tpu.memory_space<vmem>> -> memref<1x64xi32, #tpu.memory_space<vmem>>
      %dma_start3A_576 = tpu.memref_squeeze %dma_start3A_575 : memref<1x64xi32, #tpu.memory_space<vmem>> -> memref<64xi32, #tpu.memory_space<vmem>>
      %dma_start3A_577 = arith.constant 0 : i32
      %dma_start3A_578 = arith.constant 0 : i32
      %dma_start3A_579 = tpu.memref_slice %arg10[%dma_start3A_577, %dma_start3A_578] : memref<10112x128xf32, #tpu.memory_space<vmem_shared>> -> memref<10112x128xf32, #tpu.memory_space<vmem_shared>>
      tpu.enqueue_indirect_dma source(%dma_start3A_573 : memref<64x128xf32, #tpu.memory_space<vmem>>) target(%dma_start3A_579 : memref<10112x128xf32, #tpu.memory_space<vmem_shared>>) offsets(%dma_start3A_576 : memref<64xi32, #tpu.memory_space<vmem>>) semaphore(%arg17 : memref<!tpu.dma_semaphore, #tpu.memory_space<semaphore_mem>>) {add = true}
      %mul3A_580 = arith.constant 4 : i32
      %mul3A_581 = arith.muli %mul3A_580, %scan3A_486 : i32
      %add3A_582 = arith.constant 3 : i32
      %add3A_583 = arith.addi %mul3A_581, %add3A_582 : i32
      %dma_wait3A_584 = arith.constant 0 : i32
      %dma_wait3A_585 = arith.constant 3 : i32
      %dma_wait3A_586 = arith.constant 0 : i32
      %dma_wait3A_587 = arith.constant 0 : i32
      %dma_wait3A_588 = tpu.memref_slice %arg9[%dma_wait3A_585, %dma_wait3A_586, %dma_wait3A_587] : memref<4x64x128xf32, #tpu.memory_space<vmem>> -> memref<1x64x128xf32, #tpu.memory_space<vmem>>
      %dma_wait3A_589 = tpu.memref_squeeze %dma_wait3A_588 : memref<1x64x128xf32, #tpu.memory_space<vmem>> -> memref<64x128xf32, #tpu.memory_space<vmem>>
      %dma_wait3A_590 = arith.constant 0 : i32
      %dma_wait3A_591 = tpu.memref_slice %arg7[%dma_wait3A_584, %dma_wait3A_590] : memref<40x64xi32, #tpu.memory_space<vmem>> -> memref<1x64xi32, #tpu.memory_space<vmem>>
      %dma_wait3A_592 = tpu.memref_squeeze %dma_wait3A_591 : memref<1x64xi32, #tpu.memory_space<vmem>> -> memref<64xi32, #tpu.memory_space<vmem>>
      %dma_wait3A_593 = arith.constant 0 : i32
      %dma_wait3A_594 = arith.constant 0 : i32
      %dma_wait3A_595 = tpu.memref_slice %arg4[%arg0, %dma_wait3A_593, %dma_wait3A_594] : memref<2x10112x128xf32, #tpu.memory_space<hbm>> -> memref<1x10112x128xf32, #tpu.memory_space<hbm>>
      %dma_wait3A_596 = tpu.memref_squeeze %dma_wait3A_595 : memref<1x10112x128xf32, #tpu.memory_space<hbm>> -> memref<10112x128xf32, #tpu.memory_space<hbm>>
      %dma_wait3A_597 = arith.constant 0 : i32
      %dma_wait3A_598 = arith.constant 0 : i32
      %dma_wait3A_599 = tpu.memref_slice %dma_wait3A_596[%dma_wait3A_597, %dma_wait3A_598] : memref<10112x128xf32, #tpu.memory_space<hbm>> -> memref<10112x128xf32, #tpu.memory_space<hbm>>
      tpu.wait_indirect_dma semaphore(%arg14 : memref<!tpu.dma_semaphore, #tpu.memory_space<semaphore_mem>>) src(%dma_wait3A_599 : memref<10112x128xf32, #tpu.memory_space<hbm>>) dst(%dma_wait3A_589 : memref<64x128xf32, #tpu.memory_space<vmem>>)
      %dma_start3A_600 = arith.constant 3 : i32
      %dma_start3A_601 = arith.constant 0 : i32
      %dma_start3A_602 = arith.constant 0 : i32
      %dma_start3A_603 = tpu.memref_slice %arg9[%dma_start3A_600, %dma_start3A_601, %dma_start3A_602] : memref<4x64x128xf32, #tpu.memory_space<vmem>> -> memref<1x64x128xf32, #tpu.memory_space<vmem>>
      %dma_start3A_604 = tpu.memref_squeeze %dma_start3A_603 : memref<1x64x128xf32, #tpu.memory_space<vmem>> -> memref<64x128xf32, #tpu.memory_space<vmem>>
      %dma_start3A_605 = arith.constant 0 : i32
      %dma_start3A_606 = tpu.memref_slice %arg8[%add3A_583, %dma_start3A_605] : memref<40x64xi32, #tpu.memory_space<vmem>> -> memref<1x64xi32, #tpu.memory_space<vmem>>
      %dma_start3A_607 = tpu.memref_squeeze %dma_start3A_606 : memref<1x64xi32, #tpu.memory_space<vmem>> -> memref<64xi32, #tpu.memory_space<vmem>>
      %dma_start3A_608 = arith.constant 0 : i32
      %dma_start3A_609 = arith.constant 0 : i32
      %dma_start3A_610 = tpu.memref_slice %arg10[%dma_start3A_608, %dma_start3A_609] : memref<10112x128xf32, #tpu.memory_space<vmem_shared>> -> memref<10112x128xf32, #tpu.memory_space<vmem_shared>>
      tpu.enqueue_indirect_dma source(%dma_start3A_604 : memref<64x128xf32, #tpu.memory_space<vmem>>) target(%dma_start3A_610 : memref<10112x128xf32, #tpu.memory_space<vmem_shared>>) offsets(%dma_start3A_607 : memref<64xi32, #tpu.memory_space<vmem>>) semaphore(%arg18 : memref<!tpu.dma_semaphore, #tpu.memory_space<semaphore_mem>>) {add = true}
      %lt3A = arith.constant 9 : i32
      %lt3A_611 = arith.cmpi slt, %scan3A_486, %lt3A : i32
      %convert_element_type3A = arith.extui %lt3A_611 : i1 to i32
      %cond3A = arith.constant 0 : i32
      %cond3A_612 = arith.cmpi ne, %convert_element_type3A, %cond3A : i32
      scf.if %cond3A_612 {
        %dma_wait3A_628 = arith.constant 0 : i32
        %dma_wait3A_629 = arith.constant 0 : i32
        %dma_wait3A_630 = arith.constant 0 : i32
        %dma_wait3A_631 = arith.constant 0 : i32
        %dma_wait3A_632 = tpu.memref_slice %arg9[%dma_wait3A_628, %dma_wait3A_630, %dma_wait3A_631] : memref<4x64x128xf32, #tpu.memory_space<vmem>> -> memref<1x64x128xf32, #tpu.memory_space<vmem>>
        %dma_wait3A_633 = tpu.memref_squeeze %dma_wait3A_632 : memref<1x64x128xf32, #tpu.memory_space<vmem>> -> memref<64x128xf32, #tpu.memory_space<vmem>>
        %dma_wait3A_634 = arith.constant 0 : i32
        %dma_wait3A_635 = tpu.memref_slice %arg8[%dma_wait3A_629, %dma_wait3A_634] : memref<40x64xi32, #tpu.memory_space<vmem>> -> memref<1x64xi32, #tpu.memory_space<vmem>>
        %dma_wait3A_636 = tpu.memref_squeeze %dma_wait3A_635 : memref<1x64xi32, #tpu.memory_space<vmem>> -> memref<64xi32, #tpu.memory_space<vmem>>
        %dma_wait3A_637 = arith.constant 0 : i32
        %dma_wait3A_638 = arith.constant 0 : i32
        %dma_wait3A_639 = tpu.memref_slice %arg10[%dma_wait3A_637, %dma_wait3A_638] : memref<10112x128xf32, #tpu.memory_space<vmem_shared>> -> memref<10112x128xf32, #tpu.memory_space<vmem_shared>>
        tpu.wait_indirect_dma semaphore(%arg15 : memref<!tpu.dma_semaphore, #tpu.memory_space<semaphore_mem>>) src(%dma_wait3A_633 : memref<64x128xf32, #tpu.memory_space<vmem>>) dst(%dma_wait3A_639 : memref<10112x128xf32, #tpu.memory_space<vmem_shared>>)
        %add3A_640 = arith.constant 1 : i32
        %add3A_641 = arith.addi %scan3A_486, %add3A_640 : i32
        %mul3A_642 = arith.constant 4 : i32
        %mul3A_643 = arith.muli %mul3A_642, %add3A_641 : i32
        %add3A_644 = arith.constant 0 : i32
        %add3A_645 = arith.addi %mul3A_643, %add3A_644 : i32
        %dma_start3A_646 = arith.constant 0 : i32
        %dma_start3A_647 = arith.constant 0 : i32
        %dma_start3A_648 = arith.constant 0 : i32
        %dma_start3A_649 = tpu.memref_slice %arg9[%dma_start3A_646, %dma_start3A_647, %dma_start3A_648] : memref<4x64x128xf32, #tpu.memory_space<vmem>> -> memref<1x64x128xf32, #tpu.memory_space<vmem>>
        %dma_start3A_650 = tpu.memref_squeeze %dma_start3A_649 : memref<1x64x128xf32, #tpu.memory_space<vmem>> -> memref<64x128xf32, #tpu.memory_space<vmem>>
        %dma_start3A_651 = arith.constant 0 : i32
        %dma_start3A_652 = tpu.memref_slice %arg7[%add3A_645, %dma_start3A_651] : memref<40x64xi32, #tpu.memory_space<vmem>> -> memref<1x64xi32, #tpu.memory_space<vmem>>
        %dma_start3A_653 = tpu.memref_squeeze %dma_start3A_652 : memref<1x64xi32, #tpu.memory_space<vmem>> -> memref<64xi32, #tpu.memory_space<vmem>>
        %dma_start3A_654 = arith.constant 0 : i32
        %dma_start3A_655 = arith.constant 0 : i32
        %dma_start3A_656 = tpu.memref_slice %arg4[%arg0, %dma_start3A_654, %dma_start3A_655] : memref<2x10112x128xf32, #tpu.memory_space<hbm>> -> memref<1x10112x128xf32, #tpu.memory_space<hbm>>
        %dma_start3A_657 = tpu.memref_squeeze %dma_start3A_656 : memref<1x10112x128xf32, #tpu.memory_space<hbm>> -> memref<10112x128xf32, #tpu.memory_space<hbm>>
        %dma_start3A_658 = arith.constant 0 : i32
        %dma_start3A_659 = arith.constant 0 : i32
        %dma_start3A_660 = tpu.memref_slice %dma_start3A_657[%dma_start3A_658, %dma_start3A_659] : memref<10112x128xf32, #tpu.memory_space<hbm>> -> memref<10112x128xf32, #tpu.memory_space<hbm>>
        tpu.enqueue_indirect_dma source(%dma_start3A_660 : memref<10112x128xf32, #tpu.memory_space<hbm>>) target(%dma_start3A_650 : memref<64x128xf32, #tpu.memory_space<vmem>>) offsets(%dma_start3A_653 : memref<64xi32, #tpu.memory_space<vmem>>) semaphore(%arg11 : memref<!tpu.dma_semaphore, #tpu.memory_space<semaphore_mem>>)
      } else {
      }
      %lt3A_613 = arith.constant 9 : i32
      %lt3A_614 = arith.cmpi slt, %scan3A_486, %lt3A_613 : i32
      %convert_element_type3A_615 = arith.extui %lt3A_614 : i1 to i32
      %cond3A_616 = arith.constant 0 : i32
      %cond3A_617 = arith.cmpi ne, %convert_element_type3A_615, %cond3A_616 : i32
      scf.if %cond3A_617 {
        %dma_wait3A_628 = arith.constant 1 : i32
        %dma_wait3A_629 = arith.constant 0 : i32
        %dma_wait3A_630 = arith.constant 0 : i32
        %dma_wait3A_631 = arith.constant 0 : i32
        %dma_wait3A_632 = tpu.memref_slice %arg9[%dma_wait3A_628, %dma_wait3A_630, %dma_wait3A_631] : memref<4x64x128xf32, #tpu.memory_space<vmem>> -> memref<1x64x128xf32, #tpu.memory_space<vmem>>
        %dma_wait3A_633 = tpu.memref_squeeze %dma_wait3A_632 : memref<1x64x128xf32, #tpu.memory_space<vmem>> -> memref<64x128xf32, #tpu.memory_space<vmem>>
        %dma_wait3A_634 = arith.constant 0 : i32
        %dma_wait3A_635 = tpu.memref_slice %arg8[%dma_wait3A_629, %dma_wait3A_634] : memref<40x64xi32, #tpu.memory_space<vmem>> -> memref<1x64xi32, #tpu.memory_space<vmem>>
        %dma_wait3A_636 = tpu.memref_squeeze %dma_wait3A_635 : memref<1x64xi32, #tpu.memory_space<vmem>> -> memref<64xi32, #tpu.memory_space<vmem>>
        %dma_wait3A_637 = arith.constant 0 : i32
        %dma_wait3A_638 = arith.constant 0 : i32
        %dma_wait3A_639 = tpu.memref_slice %arg10[%dma_wait3A_637, %dma_wait3A_638] : memref<10112x128xf32, #tpu.memory_space<vmem_shared>> -> memref<10112x128xf32, #tpu.memory_space<vmem_shared>>
        tpu.wait_indirect_dma semaphore(%arg16 : memref<!tpu.dma_semaphore, #tpu.memory_space<semaphore_mem>>) src(%dma_wait3A_633 : memref<64x128xf32, #tpu.memory_space<vmem>>) dst(%dma_wait3A_639 : memref<10112x128xf32, #tpu.memory_space<vmem_shared>>)
        %add3A_640 = arith.constant 1 : i32
        %add3A_641 = arith.addi %scan3A_486, %add3A_640 : i32
        %mul3A_642 = arith.constant 4 : i32
        %mul3A_643 = arith.muli %mul3A_642, %add3A_641 : i32
        %add3A_644 = arith.constant 1 : i32
        %add3A_645 = arith.addi %mul3A_643, %add3A_644 : i32
        %dma_start3A_646 = arith.constant 1 : i32
        %dma_start3A_647 = arith.constant 0 : i32
        %dma_start3A_648 = arith.constant 0 : i32
        %dma_start3A_649 = tpu.memref_slice %arg9[%dma_start3A_646, %dma_start3A_647, %dma_start3A_648] : memref<4x64x128xf32, #tpu.memory_space<vmem>> -> memref<1x64x128xf32, #tpu.memory_space<vmem>>
        %dma_start3A_650 = tpu.memref_squeeze %dma_start3A_649 : memref<1x64x128xf32, #tpu.memory_space<vmem>> -> memref<64x128xf32, #tpu.memory_space<vmem>>
        %dma_start3A_651 = arith.constant 0 : i32
        %dma_start3A_652 = tpu.memref_slice %arg7[%add3A_645, %dma_start3A_651] : memref<40x64xi32, #tpu.memory_space<vmem>> -> memref<1x64xi32, #tpu.memory_space<vmem>>
        %dma_start3A_653 = tpu.memref_squeeze %dma_start3A_652 : memref<1x64xi32, #tpu.memory_space<vmem>> -> memref<64xi32, #tpu.memory_space<vmem>>
        %dma_start3A_654 = arith.constant 0 : i32
        %dma_start3A_655 = arith.constant 0 : i32
        %dma_start3A_656 = tpu.memref_slice %arg4[%arg0, %dma_start3A_654, %dma_start3A_655] : memref<2x10112x128xf32, #tpu.memory_space<hbm>> -> memref<1x10112x128xf32, #tpu.memory_space<hbm>>
        %dma_start3A_657 = tpu.memref_squeeze %dma_start3A_656 : memref<1x10112x128xf32, #tpu.memory_space<hbm>> -> memref<10112x128xf32, #tpu.memory_space<hbm>>
        %dma_start3A_658 = arith.constant 0 : i32
        %dma_start3A_659 = arith.constant 0 : i32
        %dma_start3A_660 = tpu.memref_slice %dma_start3A_657[%dma_start3A_658, %dma_start3A_659] : memref<10112x128xf32, #tpu.memory_space<hbm>> -> memref<10112x128xf32, #tpu.memory_space<hbm>>
        tpu.enqueue_indirect_dma source(%dma_start3A_660 : memref<10112x128xf32, #tpu.memory_space<hbm>>) target(%dma_start3A_650 : memref<64x128xf32, #tpu.memory_space<vmem>>) offsets(%dma_start3A_653 : memref<64xi32, #tpu.memory_space<vmem>>) semaphore(%arg12 : memref<!tpu.dma_semaphore, #tpu.memory_space<semaphore_mem>>)
      } else {
      }
      %lt3A_618 = arith.constant 9 : i32
      %lt3A_619 = arith.cmpi slt, %scan3A_486, %lt3A_618 : i32
      %convert_element_type3A_620 = arith.extui %lt3A_619 : i1 to i32
      %cond3A_621 = arith.constant 0 : i32
      %cond3A_622 = arith.cmpi ne, %convert_element_type3A_620, %cond3A_621 : i32
      scf.if %cond3A_622 {
        %dma_wait3A_628 = arith.constant 2 : i32
        %dma_wait3A_629 = arith.constant 0 : i32
        %dma_wait3A_630 = arith.constant 0 : i32
        %dma_wait3A_631 = arith.constant 0 : i32
        %dma_wait3A_632 = tpu.memref_slice %arg9[%dma_wait3A_628, %dma_wait3A_630, %dma_wait3A_631] : memref<4x64x128xf32, #tpu.memory_space<vmem>> -> memref<1x64x128xf32, #tpu.memory_space<vmem>>
        %dma_wait3A_633 = tpu.memref_squeeze %dma_wait3A_632 : memref<1x64x128xf32, #tpu.memory_space<vmem>> -> memref<64x128xf32, #tpu.memory_space<vmem>>
        %dma_wait3A_634 = arith.constant 0 : i32
        %dma_wait3A_635 = tpu.memref_slice %arg8[%dma_wait3A_629, %dma_wait3A_634] : memref<40x64xi32, #tpu.memory_space<vmem>> -> memref<1x64xi32, #tpu.memory_space<vmem>>
        %dma_wait3A_636 = tpu.memref_squeeze %dma_wait3A_635 : memref<1x64xi32, #tpu.memory_space<vmem>> -> memref<64xi32, #tpu.memory_space<vmem>>
        %dma_wait3A_637 = arith.constant 0 : i32
        %dma_wait3A_638 = arith.constant 0 : i32
        %dma_wait3A_639 = tpu.memref_slice %arg10[%dma_wait3A_637, %dma_wait3A_638] : memref<10112x128xf32, #tpu.memory_space<vmem_shared>> -> memref<10112x128xf32, #tpu.memory_space<vmem_shared>>
        tpu.wait_indirect_dma semaphore(%arg17 : memref<!tpu.dma_semaphore, #tpu.memory_space<semaphore_mem>>) src(%dma_wait3A_633 : memref<64x128xf32, #tpu.memory_space<vmem>>) dst(%dma_wait3A_639 : memref<10112x128xf32, #tpu.memory_space<vmem_shared>>)
        %add3A_640 = arith.constant 1 : i32
        %add3A_641 = arith.addi %scan3A_486, %add3A_640 : i32
        %mul3A_642 = arith.constant 4 : i32
        %mul3A_643 = arith.muli %mul3A_642, %add3A_641 : i32
        %add3A_644 = arith.constant 2 : i32
        %add3A_645 = arith.addi %mul3A_643, %add3A_644 : i32
        %dma_start3A_646 = arith.constant 2 : i32
        %dma_start3A_647 = arith.constant 0 : i32
        %dma_start3A_648 = arith.constant 0 : i32
        %dma_start3A_649 = tpu.memref_slice %arg9[%dma_start3A_646, %dma_start3A_647, %dma_start3A_648] : memref<4x64x128xf32, #tpu.memory_space<vmem>> -> memref<1x64x128xf32, #tpu.memory_space<vmem>>
        %dma_start3A_650 = tpu.memref_squeeze %dma_start3A_649 : memref<1x64x128xf32, #tpu.memory_space<vmem>> -> memref<64x128xf32, #tpu.memory_space<vmem>>
        %dma_start3A_651 = arith.constant 0 : i32
        %dma_start3A_652 = tpu.memref_slice %arg7[%add3A_645, %dma_start3A_651] : memref<40x64xi32, #tpu.memory_space<vmem>> -> memref<1x64xi32, #tpu.memory_space<vmem>>
        %dma_start3A_653 = tpu.memref_squeeze %dma_start3A_652 : memref<1x64xi32, #tpu.memory_space<vmem>> -> memref<64xi32, #tpu.memory_space<vmem>>
        %dma_start3A_654 = arith.constant 0 : i32
        %dma_start3A_655 = arith.constant 0 : i32
        %dma_start3A_656 = tpu.memref_slice %arg4[%arg0, %dma_start3A_654, %dma_start3A_655] : memref<2x10112x128xf32, #tpu.memory_space<hbm>> -> memref<1x10112x128xf32, #tpu.memory_space<hbm>>
        %dma_start3A_657 = tpu.memref_squeeze %dma_start3A_656 : memref<1x10112x128xf32, #tpu.memory_space<hbm>> -> memref<10112x128xf32, #tpu.memory_space<hbm>>
        %dma_start3A_658 = arith.constant 0 : i32
        %dma_start3A_659 = arith.constant 0 : i32
        %dma_start3A_660 = tpu.memref_slice %dma_start3A_657[%dma_start3A_658, %dma_start3A_659] : memref<10112x128xf32, #tpu.memory_space<hbm>> -> memref<10112x128xf32, #tpu.memory_space<hbm>>
        tpu.enqueue_indirect_dma source(%dma_start3A_660 : memref<10112x128xf32, #tpu.memory_space<hbm>>) target(%dma_start3A_650 : memref<64x128xf32, #tpu.memory_space<vmem>>) offsets(%dma_start3A_653 : memref<64xi32, #tpu.memory_space<vmem>>) semaphore(%arg13 : memref<!tpu.dma_semaphore, #tpu.memory_space<semaphore_mem>>)
      } else {
      }
      %lt3A_623 = arith.constant 9 : i32
      %lt3A_624 = arith.cmpi slt, %scan3A_486, %lt3A_623 : i32
      %convert_element_type3A_625 = arith.extui %lt3A_624 : i1 to i32
      %cond3A_626 = arith.constant 0 : i32
      %cond3A_627 = arith.cmpi ne, %convert_element_type3A_625, %cond3A_626 : i32
      scf.if %cond3A_627 {
        %dma_wait3A_628 = arith.constant 3 : i32
        %dma_wait3A_629 = arith.constant 0 : i32
        %dma_wait3A_630 = arith.constant 0 : i32
        %dma_wait3A_631 = arith.constant 0 : i32
        %dma_wait3A_632 = tpu.memref_slice %arg9[%dma_wait3A_628, %dma_wait3A_630, %dma_wait3A_631] : memref<4x64x128xf32, #tpu.memory_space<vmem>> -> memref<1x64x128xf32, #tpu.memory_space<vmem>>
        %dma_wait3A_633 = tpu.memref_squeeze %dma_wait3A_632 : memref<1x64x128xf32, #tpu.memory_space<vmem>> -> memref<64x128xf32, #tpu.memory_space<vmem>>
        %dma_wait3A_634 = arith.constant 0 : i32
        %dma_wait3A_635 = tpu.memref_slice %arg8[%dma_wait3A_629, %dma_wait3A_634] : memref<40x64xi32, #tpu.memory_space<vmem>> -> memref<1x64xi32, #tpu.memory_space<vmem>>
        %dma_wait3A_636 = tpu.memref_squeeze %dma_wait3A_635 : memref<1x64xi32, #tpu.memory_space<vmem>> -> memref<64xi32, #tpu.memory_space<vmem>>
        %dma_wait3A_637 = arith.constant 0 : i32
        %dma_wait3A_638 = arith.constant 0 : i32
        %dma_wait3A_639 = tpu.memref_slice %arg10[%dma_wait3A_637, %dma_wait3A_638] : memref<10112x128xf32, #tpu.memory_space<vmem_shared>> -> memref<10112x128xf32, #tpu.memory_space<vmem_shared>>
        tpu.wait_indirect_dma semaphore(%arg18 : memref<!tpu.dma_semaphore, #tpu.memory_space<semaphore_mem>>) src(%dma_wait3A_633 : memref<64x128xf32, #tpu.memory_space<vmem>>) dst(%dma_wait3A_639 : memref<10112x128xf32, #tpu.memory_space<vmem_shared>>)
        %add3A_640 = arith.constant 1 : i32
        %add3A_641 = arith.addi %scan3A_486, %add3A_640 : i32
        %mul3A_642 = arith.constant 4 : i32
        %mul3A_643 = arith.muli %mul3A_642, %add3A_641 : i32
        %add3A_644 = arith.constant 3 : i32
        %add3A_645 = arith.addi %mul3A_643, %add3A_644 : i32
        %dma_start3A_646 = arith.constant 3 : i32
        %dma_start3A_647 = arith.constant 0 : i32
        %dma_start3A_648 = arith.constant 0 : i32
        %dma_start3A_649 = tpu.memref_slice %arg9[%dma_start3A_646, %dma_start3A_647, %dma_start3A_648] : memref<4x64x128xf32, #tpu.memory_space<vmem>> -> memref<1x64x128xf32, #tpu.memory_space<vmem>>
        %dma_start3A_650 = tpu.memref_squeeze %dma_start3A_649 : memref<1x64x128xf32, #tpu.memory_space<vmem>> -> memref<64x128xf32, #tpu.memory_space<vmem>>
        %dma_start3A_651 = arith.constant 0 : i32
        %dma_start3A_652 = tpu.memref_slice %arg7[%add3A_645, %dma_start3A_651] : memref<40x64xi32, #tpu.memory_space<vmem>> -> memref<1x64xi32, #tpu.memory_space<vmem>>
        %dma_start3A_653 = tpu.memref_squeeze %dma_start3A_652 : memref<1x64xi32, #tpu.memory_space<vmem>> -> memref<64xi32, #tpu.memory_space<vmem>>
        %dma_start3A_654 = arith.constant 0 : i32
        %dma_start3A_655 = arith.constant 0 : i32
        %dma_start3A_656 = tpu.memref_slice %arg4[%arg0, %dma_start3A_654, %dma_start3A_655] : memref<2x10112x128xf32, #tpu.memory_space<hbm>> -> memref<1x10112x128xf32, #tpu.memory_space<hbm>>
        %dma_start3A_657 = tpu.memref_squeeze %dma_start3A_656 : memref<1x10112x128xf32, #tpu.memory_space<hbm>> -> memref<10112x128xf32, #tpu.memory_space<hbm>>
        %dma_start3A_658 = arith.constant 0 : i32
        %dma_start3A_659 = arith.constant 0 : i32
        %dma_start3A_660 = tpu.memref_slice %dma_start3A_657[%dma_start3A_658, %dma_start3A_659] : memref<10112x128xf32, #tpu.memory_space<hbm>> -> memref<10112x128xf32, #tpu.memory_space<hbm>>
        tpu.enqueue_indirect_dma source(%dma_start3A_660 : memref<10112x128xf32, #tpu.memory_space<hbm>>) target(%dma_start3A_650 : memref<64x128xf32, #tpu.memory_space<vmem>>) offsets(%dma_start3A_653 : memref<64xi32, #tpu.memory_space<vmem>>) semaphore(%arg14 : memref<!tpu.dma_semaphore, #tpu.memory_space<semaphore_mem>>)
      } else {
      }
    }
    %scan3A_311 = arith.constant 10 : i32
    %dma_wait3A_312 = arith.constant 0 : i32
    %dma_wait3A_313 = arith.constant 0 : i32
    %dma_wait3A_314 = arith.constant 0 : i32
    %dma_wait3A_315 = arith.constant 0 : i32
    %dma_wait3A_316 = tpu.memref_slice %arg9[%dma_wait3A_312, %dma_wait3A_314, %dma_wait3A_315] : memref<4x64x128xf32, #tpu.memory_space<vmem>> -> memref<1x64x128xf32, #tpu.memory_space<vmem>>
    %dma_wait3A_317 = tpu.memref_squeeze %dma_wait3A_316 : memref<1x64x128xf32, #tpu.memory_space<vmem>> -> memref<64x128xf32, #tpu.memory_space<vmem>>
    %dma_wait3A_318 = arith.constant 0 : i32
    %dma_wait3A_319 = tpu.memref_slice %arg8[%dma_wait3A_313, %dma_wait3A_318] : memref<40x64xi32, #tpu.memory_space<vmem>> -> memref<1x64xi32, #tpu.memory_space<vmem>>
    %dma_wait3A_320 = tpu.memref_squeeze %dma_wait3A_319 : memref<1x64xi32, #tpu.memory_space<vmem>> -> memref<64xi32, #tpu.memory_space<vmem>>
    %dma_wait3A_321 = arith.constant 0 : i32
    %dma_wait3A_322 = arith.constant 0 : i32
    %dma_wait3A_323 = tpu.memref_slice %arg10[%dma_wait3A_321, %dma_wait3A_322] : memref<10112x128xf32, #tpu.memory_space<vmem_shared>> -> memref<10112x128xf32, #tpu.memory_space<vmem_shared>>
    tpu.wait_indirect_dma semaphore(%arg15 : memref<!tpu.dma_semaphore, #tpu.memory_space<semaphore_mem>>) src(%dma_wait3A_317 : memref<64x128xf32, #tpu.memory_space<vmem>>) dst(%dma_wait3A_323 : memref<10112x128xf32, #tpu.memory_space<vmem_shared>>)
    %dma_wait3A_324 = arith.constant 1 : i32
    %dma_wait3A_325 = arith.constant 0 : i32
    %dma_wait3A_326 = arith.constant 0 : i32
    %dma_wait3A_327 = arith.constant 0 : i32
    %dma_wait3A_328 = tpu.memref_slice %arg9[%dma_wait3A_324, %dma_wait3A_326, %dma_wait3A_327] : memref<4x64x128xf32, #tpu.memory_space<vmem>> -> memref<1x64x128xf32, #tpu.memory_space<vmem>>
    %dma_wait3A_329 = tpu.memref_squeeze %dma_wait3A_328 : memref<1x64x128xf32, #tpu.memory_space<vmem>> -> memref<64x128xf32, #tpu.memory_space<vmem>>
    %dma_wait3A_330 = arith.constant 0 : i32
    %dma_wait3A_331 = tpu.memref_slice %arg8[%dma_wait3A_325, %dma_wait3A_330] : memref<40x64xi32, #tpu.memory_space<vmem>> -> memref<1x64xi32, #tpu.memory_space<vmem>>
    %dma_wait3A_332 = tpu.memref_squeeze %dma_wait3A_331 : memref<1x64xi32, #tpu.memory_space<vmem>> -> memref<64xi32, #tpu.memory_space<vmem>>
    %dma_wait3A_333 = arith.constant 0 : i32
    %dma_wait3A_334 = arith.constant 0 : i32
    %dma_wait3A_335 = tpu.memref_slice %arg10[%dma_wait3A_333, %dma_wait3A_334] : memref<10112x128xf32, #tpu.memory_space<vmem_shared>> -> memref<10112x128xf32, #tpu.memory_space<vmem_shared>>
    tpu.wait_indirect_dma semaphore(%arg16 : memref<!tpu.dma_semaphore, #tpu.memory_space<semaphore_mem>>) src(%dma_wait3A_329 : memref<64x128xf32, #tpu.memory_space<vmem>>) dst(%dma_wait3A_335 : memref<10112x128xf32, #tpu.memory_space<vmem_shared>>)
    %dma_wait3A_336 = arith.constant 2 : i32
    %dma_wait3A_337 = arith.constant 0 : i32
    %dma_wait3A_338 = arith.constant 0 : i32
    %dma_wait3A_339 = arith.constant 0 : i32
    %dma_wait3A_340 = tpu.memref_slice %arg9[%dma_wait3A_336, %dma_wait3A_338, %dma_wait3A_339] : memref<4x64x128xf32, #tpu.memory_space<vmem>> -> memref<1x64x128xf32, #tpu.memory_space<vmem>>
    %dma_wait3A_341 = tpu.memref_squeeze %dma_wait3A_340 : memref<1x64x128xf32, #tpu.memory_space<vmem>> -> memref<64x128xf32, #tpu.memory_space<vmem>>
    %dma_wait3A_342 = arith.constant 0 : i32
    %dma_wait3A_343 = tpu.memref_slice %arg8[%dma_wait3A_337, %dma_wait3A_342] : memref<40x64xi32, #tpu.memory_space<vmem>> -> memref<1x64xi32, #tpu.memory_space<vmem>>
    %dma_wait3A_344 = tpu.memref_squeeze %dma_wait3A_343 : memref<1x64xi32, #tpu.memory_space<vmem>> -> memref<64xi32, #tpu.memory_space<vmem>>
    %dma_wait3A_345 = arith.constant 0 : i32
    %dma_wait3A_346 = arith.constant 0 : i32
    %dma_wait3A_347 = tpu.memref_slice %arg10[%dma_wait3A_345, %dma_wait3A_346] : memref<10112x128xf32, #tpu.memory_space<vmem_shared>> -> memref<10112x128xf32, #tpu.memory_space<vmem_shared>>
    tpu.wait_indirect_dma semaphore(%arg17 : memref<!tpu.dma_semaphore, #tpu.memory_space<semaphore_mem>>) src(%dma_wait3A_341 : memref<64x128xf32, #tpu.memory_space<vmem>>) dst(%dma_wait3A_347 : memref<10112x128xf32, #tpu.memory_space<vmem_shared>>)
    %dma_wait3A_348 = arith.constant 3 : i32
    %dma_wait3A_349 = arith.constant 0 : i32
    %dma_wait3A_350 = arith.constant 0 : i32
    %dma_wait3A_351 = arith.constant 0 : i32
    %dma_wait3A_352 = tpu.memref_slice %arg9[%dma_wait3A_348, %dma_wait3A_350, %dma_wait3A_351] : memref<4x64x128xf32, #tpu.memory_space<vmem>> -> memref<1x64x128xf32, #tpu.memory_space<vmem>>
    %dma_wait3A_353 = tpu.memref_squeeze %dma_wait3A_352 : memref<1x64x128xf32, #tpu.memory_space<vmem>> -> memref<64x128xf32, #tpu.memory_space<vmem>>
    %dma_wait3A_354 = arith.constant 0 : i32
    %dma_wait3A_355 = tpu.memref_slice %arg8[%dma_wait3A_349, %dma_wait3A_354] : memref<40x64xi32, #tpu.memory_space<vmem>> -> memref<1x64xi32, #tpu.memory_space<vmem>>
    %dma_wait3A_356 = tpu.memref_squeeze %dma_wait3A_355 : memref<1x64xi32, #tpu.memory_space<vmem>> -> memref<64xi32, #tpu.memory_space<vmem>>
    %dma_wait3A_357 = arith.constant 0 : i32
    %dma_wait3A_358 = arith.constant 0 : i32
    %dma_wait3A_359 = tpu.memref_slice %arg10[%dma_wait3A_357, %dma_wait3A_358] : memref<10112x128xf32, #tpu.memory_space<vmem_shared>> -> memref<10112x128xf32, #tpu.memory_space<vmem_shared>>
    tpu.wait_indirect_dma semaphore(%arg18 : memref<!tpu.dma_semaphore, #tpu.memory_space<semaphore_mem>>) src(%dma_wait3A_353 : memref<64x128xf32, #tpu.memory_space<vmem>>) dst(%dma_wait3A_359 : memref<10112x128xf32, #tpu.memory_space<vmem_shared>>)
    %mul3A_360 = arith.constant 160 : i32
    %mul3A_361 = arith.muli %arg1, %mul3A_360 : i32
    %add3A_362 = arith.constant 120 : i32
    %add3A_363 = arith.addi %mul3A_361, %add3A_362 : i32
    "tpu.region"() ({
      %run_scoped3A = tpu.sem_alloc : memref<!tpu.dma_semaphore, #tpu.memory_space<semaphore_mem>>
      %dma_start3A_486 = arith.constant 0 : i32
      %dma_start3A_487 = tpu.memref_slice %arg2[%add3A_363, %dma_start3A_486] : memref<2560x64xi32, #tpu.memory_space<hbm>> -> memref<40x64xi32, #tpu.memory_space<hbm>>
      %dma_start3A_488 = arith.constant 0 : i32
      %dma_start3A_489 = tpu.memref_slice %arg2[%add3A_363, %dma_start3A_488] : memref<2560x64xi32, #tpu.memory_space<hbm>> -> memref<40x64xi32, #tpu.memory_space<hbm>>
      tpu.enqueue_dma source(%dma_start3A_489 : memref<40x64xi32, #tpu.memory_space<hbm>>) target(%arg7 : memref<40x64xi32, #tpu.memory_space<vmem>>) target_semaphore(%run_scoped3A : memref<!tpu.dma_semaphore, #tpu.memory_space<semaphore_mem>>)
      %dma_wait3A_490 = arith.constant 0 : i32
      %dma_wait3A_491 = tpu.memref_slice %arg2[%add3A_363, %dma_wait3A_490] : memref<2560x64xi32, #tpu.memory_space<hbm>> -> memref<40x64xi32, #tpu.memory_space<hbm>>
      %dma_wait3A_492 = arith.constant 0 : i32
      %dma_wait3A_493 = tpu.memref_slice %arg2[%add3A_363, %dma_wait3A_492] : memref<2560x64xi32, #tpu.memory_space<hbm>> -> memref<40x64xi32, #tpu.memory_space<hbm>>
      tpu.wait_dma2 semaphore(%run_scoped3A : memref<!tpu.dma_semaphore, #tpu.memory_space<semaphore_mem>>) src(%dma_wait3A_493 : memref<40x64xi32, #tpu.memory_space<hbm>>) dst(%arg7 : memref<40x64xi32, #tpu.memory_space<vmem>>)
      tpu.yield
    }) : () -> ()
    "tpu.region"() ({
      %run_scoped3A = tpu.sem_alloc : memref<!tpu.dma_semaphore, #tpu.memory_space<semaphore_mem>>
      %dma_start3A_486 = arith.constant 0 : i32
      %dma_start3A_487 = tpu.memref_slice %arg3[%add3A_363, %dma_start3A_486] : memref<2560x64xi32, #tpu.memory_space<hbm>> -> memref<40x64xi32, #tpu.memory_space<hbm>>
      %dma_start3A_488 = arith.constant 0 : i32
      %dma_start3A_489 = tpu.memref_slice %arg3[%add3A_363, %dma_start3A_488] : memref<2560x64xi32, #tpu.memory_space<hbm>> -> memref<40x64xi32, #tpu.memory_space<hbm>>
      tpu.enqueue_dma source(%dma_start3A_489 : memref<40x64xi32, #tpu.memory_space<hbm>>) target(%arg8 : memref<40x64xi32, #tpu.memory_space<vmem>>) target_semaphore(%run_scoped3A : memref<!tpu.dma_semaphore, #tpu.memory_space<semaphore_mem>>)
      %dma_wait3A_490 = arith.constant 0 : i32
      %dma_wait3A_491 = tpu.memref_slice %arg3[%add3A_363, %dma_wait3A_490] : memref<2560x64xi32, #tpu.memory_space<hbm>> -> memref<40x64xi32, #tpu.memory_space<hbm>>
      %dma_wait3A_492 = arith.constant 0 : i32
      %dma_wait3A_493 = tpu.memref_slice %arg3[%add3A_363, %dma_wait3A_492] : memref<2560x64xi32, #tpu.memory_space<hbm>> -> memref<40x64xi32, #tpu.memory_space<hbm>>
      tpu.wait_dma2 semaphore(%run_scoped3A : memref<!tpu.dma_semaphore, #tpu.memory_space<semaphore_mem>>) src(%dma_wait3A_493 : memref<40x64xi32, #tpu.memory_space<hbm>>) dst(%arg8 : memref<40x64xi32, #tpu.memory_space<vmem>>)
      tpu.yield
    }) : () -> ()
    %dma_start3A_364 = arith.constant 0 : i32
    %dma_start3A_365 = arith.constant 0 : i32
    %dma_start3A_366 = arith.constant 0 : i32
    %dma_start3A_367 = arith.constant 0 : i32
    %dma_start3A_368 = tpu.memref_slice %arg9[%dma_start3A_365, %dma_start3A_366, %dma_start3A_367] : memref<4x64x128xf32, #tpu.memory_space<vmem>> -> memref<1x64x128xf32, #tpu.memory_space<vmem>>
    %dma_start3A_369 = tpu.memref_squeeze %dma_start3A_368 : memref<1x64x128xf32, #tpu.memory_space<vmem>> -> memref<64x128xf32, #tpu.memory_space<vmem>>
    %dma_start3A_370 = arith.constant 0 : i32
    %dma_start3A_371 = tpu.memref_slice %arg7[%dma_start3A_364, %dma_start3A_370] : memref<40x64xi32, #tpu.memory_space<vmem>> -> memref<1x64xi32, #tpu.memory_space<vmem>>
    %dma_start3A_372 = tpu.memref_squeeze %dma_start3A_371 : memref<1x64xi32, #tpu.memory_space<vmem>> -> memref<64xi32, #tpu.memory_space<vmem>>
    %dma_start3A_373 = arith.constant 0 : i32
    %dma_start3A_374 = arith.constant 0 : i32
    %dma_start3A_375 = tpu.memref_slice %arg4[%arg0, %dma_start3A_373, %dma_start3A_374] : memref<2x10112x128xf32, #tpu.memory_space<hbm>> -> memref<1x10112x128xf32, #tpu.memory_space<hbm>>
    %dma_start3A_376 = tpu.memref_squeeze %dma_start3A_375 : memref<1x10112x128xf32, #tpu.memory_space<hbm>> -> memref<10112x128xf32, #tpu.memory_space<hbm>>
    %dma_start3A_377 = arith.constant 0 : i32
    %dma_start3A_378 = arith.constant 0 : i32
    %dma_start3A_379 = tpu.memref_slice %dma_start3A_376[%dma_start3A_377, %dma_start3A_378] : memref<10112x128xf32, #tpu.memory_space<hbm>> -> memref<10112x128xf32, #tpu.memory_space<hbm>>
    tpu.enqueue_indirect_dma source(%dma_start3A_379 : memref<10112x128xf32, #tpu.memory_space<hbm>>) target(%dma_start3A_369 : memref<64x128xf32, #tpu.memory_space<vmem>>) offsets(%dma_start3A_372 : memref<64xi32, #tpu.memory_space<vmem>>) semaphore(%arg11 : memref<!tpu.dma_semaphore, #tpu.memory_space<semaphore_mem>>)
    %dma_start3A_380 = arith.constant 1 : i32
    %dma_start3A_381 = arith.constant 1 : i32
    %dma_start3A_382 = arith.constant 0 : i32
    %dma_start3A_383 = arith.constant 0 : i32
    %dma_start3A_384 = tpu.memref_slice %arg9[%dma_start3A_381, %dma_start3A_382, %dma_start3A_383] : memref<4x64x128xf32, #tpu.memory_space<vmem>> -> memref<1x64x128xf32, #tpu.memory_space<vmem>>
    %dma_start3A_385 = tpu.memref_squeeze %dma_start3A_384 : memref<1x64x128xf32, #tpu.memory_space<vmem>> -> memref<64x128xf32, #tpu.memory_space<vmem>>
    %dma_start3A_386 = arith.constant 0 : i32
    %dma_start3A_387 = tpu.memref_slice %arg7[%dma_start3A_380, %dma_start3A_386] : memref<40x64xi32, #tpu.memory_space<vmem>> -> memref<1x64xi32, #tpu.memory_space<vmem>>
    %dma_start3A_388 = tpu.memref_squeeze %dma_start3A_387 : memref<1x64xi32, #tpu.memory_space<vmem>> -> memref<64xi32, #tpu.memory_space<vmem>>
    %dma_start3A_389 = arith.constant 0 : i32
    %dma_start3A_390 = arith.constant 0 : i32
    %dma_start3A_391 = tpu.memref_slice %arg4[%arg0, %dma_start3A_389, %dma_start3A_390] : memref<2x10112x128xf32, #tpu.memory_space<hbm>> -> memref<1x10112x128xf32, #tpu.memory_space<hbm>>
    %dma_start3A_392 = tpu.memref_squeeze %dma_start3A_391 : memref<1x10112x128xf32, #tpu.memory_space<hbm>> -> memref<10112x128xf32, #tpu.memory_space<hbm>>
    %dma_start3A_393 = arith.constant 0 : i32
    %dma_start3A_394 = arith.constant 0 : i32
    %dma_start3A_395 = tpu.memref_slice %dma_start3A_392[%dma_start3A_393, %dma_start3A_394] : memref<10112x128xf32, #tpu.memory_space<hbm>> -> memref<10112x128xf32, #tpu.memory_space<hbm>>
    tpu.enqueue_indirect_dma source(%dma_start3A_395 : memref<10112x128xf32, #tpu.memory_space<hbm>>) target(%dma_start3A_385 : memref<64x128xf32, #tpu.memory_space<vmem>>) offsets(%dma_start3A_388 : memref<64xi32, #tpu.memory_space<vmem>>) semaphore(%arg12 : memref<!tpu.dma_semaphore, #tpu.memory_space<semaphore_mem>>)
    %dma_start3A_396 = arith.constant 2 : i32
    %dma_start3A_397 = arith.constant 2 : i32
    %dma_start3A_398 = arith.constant 0 : i32
    %dma_start3A_399 = arith.constant 0 : i32
    %dma_start3A_400 = tpu.memref_slice %arg9[%dma_start3A_397, %dma_start3A_398, %dma_start3A_399] : memref<4x64x128xf32, #tpu.memory_space<vmem>> -> memref<1x64x128xf32, #tpu.memory_space<vmem>>
    %dma_start3A_401 = tpu.memref_squeeze %dma_start3A_400 : memref<1x64x128xf32, #tpu.memory_space<vmem>> -> memref<64x128xf32, #tpu.memory_space<vmem>>
    %dma_start3A_402 = arith.constant 0 : i32
    %dma_start3A_403 = tpu.memref_slice %arg7[%dma_start3A_396, %dma_start3A_402] : memref<40x64xi32, #tpu.memory_space<vmem>> -> memref<1x64xi32, #tpu.memory_space<vmem>>
    %dma_start3A_404 = tpu.memref_squeeze %dma_start3A_403 : memref<1x64xi32, #tpu.memory_space<vmem>> -> memref<64xi32, #tpu.memory_space<vmem>>
    %dma_start3A_405 = arith.constant 0 : i32
    %dma_start3A_406 = arith.constant 0 : i32
    %dma_start3A_407 = tpu.memref_slice %arg4[%arg0, %dma_start3A_405, %dma_start3A_406] : memref<2x10112x128xf32, #tpu.memory_space<hbm>> -> memref<1x10112x128xf32, #tpu.memory_space<hbm>>
    %dma_start3A_408 = tpu.memref_squeeze %dma_start3A_407 : memref<1x10112x128xf32, #tpu.memory_space<hbm>> -> memref<10112x128xf32, #tpu.memory_space<hbm>>
    %dma_start3A_409 = arith.constant 0 : i32
    %dma_start3A_410 = arith.constant 0 : i32
    %dma_start3A_411 = tpu.memref_slice %dma_start3A_408[%dma_start3A_409, %dma_start3A_410] : memref<10112x128xf32, #tpu.memory_space<hbm>> -> memref<10112x128xf32, #tpu.memory_space<hbm>>
    tpu.enqueue_indirect_dma source(%dma_start3A_411 : memref<10112x128xf32, #tpu.memory_space<hbm>>) target(%dma_start3A_401 : memref<64x128xf32, #tpu.memory_space<vmem>>) offsets(%dma_start3A_404 : memref<64xi32, #tpu.memory_space<vmem>>) semaphore(%arg13 : memref<!tpu.dma_semaphore, #tpu.memory_space<semaphore_mem>>)
    %dma_start3A_412 = arith.constant 3 : i32
    %dma_start3A_413 = arith.constant 3 : i32
    %dma_start3A_414 = arith.constant 0 : i32
    %dma_start3A_415 = arith.constant 0 : i32
    %dma_start3A_416 = tpu.memref_slice %arg9[%dma_start3A_413, %dma_start3A_414, %dma_start3A_415] : memref<4x64x128xf32, #tpu.memory_space<vmem>> -> memref<1x64x128xf32, #tpu.memory_space<vmem>>
    %dma_start3A_417 = tpu.memref_squeeze %dma_start3A_416 : memref<1x64x128xf32, #tpu.memory_space<vmem>> -> memref<64x128xf32, #tpu.memory_space<vmem>>
    %dma_start3A_418 = arith.constant 0 : i32
    %dma_start3A_419 = tpu.memref_slice %arg7[%dma_start3A_412, %dma_start3A_418] : memref<40x64xi32, #tpu.memory_space<vmem>> -> memref<1x64xi32, #tpu.memory_space<vmem>>
    %dma_start3A_420 = tpu.memref_squeeze %dma_start3A_419 : memref<1x64xi32, #tpu.memory_space<vmem>> -> memref<64xi32, #tpu.memory_space<vmem>>
    %dma_start3A_421 = arith.constant 0 : i32
    %dma_start3A_422 = arith.constant 0 : i32
    %dma_start3A_423 = tpu.memref_slice %arg4[%arg0, %dma_start3A_421, %dma_start3A_422] : memref<2x10112x128xf32, #tpu.memory_space<hbm>> -> memref<1x10112x128xf32, #tpu.memory_space<hbm>>
    %dma_start3A_424 = tpu.memref_squeeze %dma_start3A_423 : memref<1x10112x128xf32, #tpu.memory_space<hbm>> -> memref<10112x128xf32, #tpu.memory_space<hbm>>
    %dma_start3A_425 = arith.constant 0 : i32
    %dma_start3A_426 = arith.constant 0 : i32
    %dma_start3A_427 = tpu.memref_slice %dma_start3A_424[%dma_start3A_425, %dma_start3A_426] : memref<10112x128xf32, #tpu.memory_space<hbm>> -> memref<10112x128xf32, #tpu.memory_space<hbm>>
    tpu.enqueue_indirect_dma source(%dma_start3A_427 : memref<10112x128xf32, #tpu.memory_space<hbm>>) target(%dma_start3A_417 : memref<64x128xf32, #tpu.memory_space<vmem>>) offsets(%dma_start3A_420 : memref<64xi32, #tpu.memory_space<vmem>>) semaphore(%arg14 : memref<!tpu.dma_semaphore, #tpu.memory_space<semaphore_mem>>)
    %scan3A_428 = arith.constant 0 : i32
    %scan3A_429 = arith.constant 10 : i32
    %scan3A_430 = arith.addi %scan3A_428, %scan3A_429 : i32
    %scan3A_431 = arith.constant 1 : i32
    scf.for %scan3A_486 = %scan3A_428 to %scan3A_430 step %scan3A_431  : i32 {
      %mul3A_487 = arith.constant 4 : i32
      %mul3A_488 = arith.muli %mul3A_487, %scan3A_486 : i32
      %add3A_489 = arith.constant 0 : i32
      %add3A_490 = arith.addi %mul3A_488, %add3A_489 : i32
      %dma_wait3A_491 = arith.constant 0 : i32
      %dma_wait3A_492 = arith.constant 0 : i32
      %dma_wait3A_493 = arith.constant 0 : i32
      %dma_wait3A_494 = arith.constant 0 : i32
      %dma_wait3A_495 = tpu.memref_slice %arg9[%dma_wait3A_492, %dma_wait3A_493, %dma_wait3A_494] : memref<4x64x128xf32, #tpu.memory_space<vmem>> -> memref<1x64x128xf32, #tpu.memory_space<vmem>>
      %dma_wait3A_496 = tpu.memref_squeeze %dma_wait3A_495 : memref<1x64x128xf32, #tpu.memory_space<vmem>> -> memref<64x128xf32, #tpu.memory_space<vmem>>
      %dma_wait3A_497 = arith.constant 0 : i32
      %dma_wait3A_498 = tpu.memref_slice %arg7[%dma_wait3A_491, %dma_wait3A_497] : memref<40x64xi32, #tpu.memory_space<vmem>> -> memref<1x64xi32, #tpu.memory_space<vmem>>
      %dma_wait3A_499 = tpu.memref_squeeze %dma_wait3A_498 : memref<1x64xi32, #tpu.memory_space<vmem>> -> memref<64xi32, #tpu.memory_space<vmem>>
      %dma_wait3A_500 = arith.constant 0 : i32
      %dma_wait3A_501 = arith.constant 0 : i32
      %dma_wait3A_502 = tpu.memref_slice %arg4[%arg0, %dma_wait3A_500, %dma_wait3A_501] : memref<2x10112x128xf32, #tpu.memory_space<hbm>> -> memref<1x10112x128xf32, #tpu.memory_space<hbm>>
      %dma_wait3A_503 = tpu.memref_squeeze %dma_wait3A_502 : memref<1x10112x128xf32, #tpu.memory_space<hbm>> -> memref<10112x128xf32, #tpu.memory_space<hbm>>
      %dma_wait3A_504 = arith.constant 0 : i32
      %dma_wait3A_505 = arith.constant 0 : i32
      %dma_wait3A_506 = tpu.memref_slice %dma_wait3A_503[%dma_wait3A_504, %dma_wait3A_505] : memref<10112x128xf32, #tpu.memory_space<hbm>> -> memref<10112x128xf32, #tpu.memory_space<hbm>>
      tpu.wait_indirect_dma semaphore(%arg11 : memref<!tpu.dma_semaphore, #tpu.memory_space<semaphore_mem>>) src(%dma_wait3A_506 : memref<10112x128xf32, #tpu.memory_space<hbm>>) dst(%dma_wait3A_496 : memref<64x128xf32, #tpu.memory_space<vmem>>)
      %dma_start3A_507 = arith.constant 0 : i32
      %dma_start3A_508 = arith.constant 0 : i32
      %dma_start3A_509 = arith.constant 0 : i32
      %dma_start3A_510 = tpu.memref_slice %arg9[%dma_start3A_507, %dma_start3A_508, %dma_start3A_509] : memref<4x64x128xf32, #tpu.memory_space<vmem>> -> memref<1x64x128xf32, #tpu.memory_space<vmem>>
      %dma_start3A_511 = tpu.memref_squeeze %dma_start3A_510 : memref<1x64x128xf32, #tpu.memory_space<vmem>> -> memref<64x128xf32, #tpu.memory_space<vmem>>
      %dma_start3A_512 = arith.constant 0 : i32
      %dma_start3A_513 = tpu.memref_slice %arg8[%add3A_490, %dma_start3A_512] : memref<40x64xi32, #tpu.memory_space<vmem>> -> memref<1x64xi32, #tpu.memory_space<vmem>>
      %dma_start3A_514 = tpu.memref_squeeze %dma_start3A_513 : memref<1x64xi32, #tpu.memory_space<vmem>> -> memref<64xi32, #tpu.memory_space<vmem>>
      %dma_start3A_515 = arith.constant 0 : i32
      %dma_start3A_516 = arith.constant 0 : i32
      %dma_start3A_517 = tpu.memref_slice %arg10[%dma_start3A_515, %dma_start3A_516] : memref<10112x128xf32, #tpu.memory_space<vmem_shared>> -> memref<10112x128xf32, #tpu.memory_space<vmem_shared>>
      tpu.enqueue_indirect_dma source(%dma_start3A_511 : memref<64x128xf32, #tpu.memory_space<vmem>>) target(%dma_start3A_517 : memref<10112x128xf32, #tpu.memory_space<vmem_shared>>) offsets(%dma_start3A_514 : memref<64xi32, #tpu.memory_space<vmem>>) semaphore(%arg15 : memref<!tpu.dma_semaphore, #tpu.memory_space<semaphore_mem>>) {add = true}
      %mul3A_518 = arith.constant 4 : i32
      %mul3A_519 = arith.muli %mul3A_518, %scan3A_486 : i32
      %add3A_520 = arith.constant 1 : i32
      %add3A_521 = arith.addi %mul3A_519, %add3A_520 : i32
      %dma_wait3A_522 = arith.constant 0 : i32
      %dma_wait3A_523 = arith.constant 1 : i32
      %dma_wait3A_524 = arith.constant 0 : i32
      %dma_wait3A_525 = arith.constant 0 : i32
      %dma_wait3A_526 = tpu.memref_slice %arg9[%dma_wait3A_523, %dma_wait3A_524, %dma_wait3A_525] : memref<4x64x128xf32, #tpu.memory_space<vmem>> -> memref<1x64x128xf32, #tpu.memory_space<vmem>>
      %dma_wait3A_527 = tpu.memref_squeeze %dma_wait3A_526 : memref<1x64x128xf32, #tpu.memory_space<vmem>> -> memref<64x128xf32, #tpu.memory_space<vmem>>
      %dma_wait3A_528 = arith.constant 0 : i32
      %dma_wait3A_529 = tpu.memref_slice %arg7[%dma_wait3A_522, %dma_wait3A_528] : memref<40x64xi32, #tpu.memory_space<vmem>> -> memref<1x64xi32, #tpu.memory_space<vmem>>
      %dma_wait3A_530 = tpu.memref_squeeze %dma_wait3A_529 : memref<1x64xi32, #tpu.memory_space<vmem>> -> memref<64xi32, #tpu.memory_space<vmem>>
      %dma_wait3A_531 = arith.constant 0 : i32
      %dma_wait3A_532 = arith.constant 0 : i32
      %dma_wait3A_533 = tpu.memref_slice %arg4[%arg0, %dma_wait3A_531, %dma_wait3A_532] : memref<2x10112x128xf32, #tpu.memory_space<hbm>> -> memref<1x10112x128xf32, #tpu.memory_space<hbm>>
      %dma_wait3A_534 = tpu.memref_squeeze %dma_wait3A_533 : memref<1x10112x128xf32, #tpu.memory_space<hbm>> -> memref<10112x128xf32, #tpu.memory_space<hbm>>
      %dma_wait3A_535 = arith.constant 0 : i32
      %dma_wait3A_536 = arith.constant 0 : i32
      %dma_wait3A_537 = tpu.memref_slice %dma_wait3A_534[%dma_wait3A_535, %dma_wait3A_536] : memref<10112x128xf32, #tpu.memory_space<hbm>> -> memref<10112x128xf32, #tpu.memory_space<hbm>>
      tpu.wait_indirect_dma semaphore(%arg12 : memref<!tpu.dma_semaphore, #tpu.memory_space<semaphore_mem>>) src(%dma_wait3A_537 : memref<10112x128xf32, #tpu.memory_space<hbm>>) dst(%dma_wait3A_527 : memref<64x128xf32, #tpu.memory_space<vmem>>)
      %dma_start3A_538 = arith.constant 1 : i32
      %dma_start3A_539 = arith.constant 0 : i32
      %dma_start3A_540 = arith.constant 0 : i32
      %dma_start3A_541 = tpu.memref_slice %arg9[%dma_start3A_538, %dma_start3A_539, %dma_start3A_540] : memref<4x64x128xf32, #tpu.memory_space<vmem>> -> memref<1x64x128xf32, #tpu.memory_space<vmem>>
      %dma_start3A_542 = tpu.memref_squeeze %dma_start3A_541 : memref<1x64x128xf32, #tpu.memory_space<vmem>> -> memref<64x128xf32, #tpu.memory_space<vmem>>
      %dma_start3A_543 = arith.constant 0 : i32
      %dma_start3A_544 = tpu.memref_slice %arg8[%add3A_521, %dma_start3A_543] : memref<40x64xi32, #tpu.memory_space<vmem>> -> memref<1x64xi32, #tpu.memory_space<vmem>>
      %dma_start3A_545 = tpu.memref_squeeze %dma_start3A_544 : memref<1x64xi32, #tpu.memory_space<vmem>> -> memref<64xi32, #tpu.memory_space<vmem>>
      %dma_start3A_546 = arith.constant 0 : i32
      %dma_start3A_547 = arith.constant 0 : i32
      %dma_start3A_548 = tpu.memref_slice %arg10[%dma_start3A_546, %dma_start3A_547] : memref<10112x128xf32, #tpu.memory_space<vmem_shared>> -> memref<10112x128xf32, #tpu.memory_space<vmem_shared>>
      tpu.enqueue_indirect_dma source(%dma_start3A_542 : memref<64x128xf32, #tpu.memory_space<vmem>>) target(%dma_start3A_548 : memref<10112x128xf32, #tpu.memory_space<vmem_shared>>) offsets(%dma_start3A_545 : memref<64xi32, #tpu.memory_space<vmem>>) semaphore(%arg16 : memref<!tpu.dma_semaphore, #tpu.memory_space<semaphore_mem>>) {add = true}
      %mul3A_549 = arith.constant 4 : i32
      %mul3A_550 = arith.muli %mul3A_549, %scan3A_486 : i32
      %add3A_551 = arith.constant 2 : i32
      %add3A_552 = arith.addi %mul3A_550, %add3A_551 : i32
      %dma_wait3A_553 = arith.constant 0 : i32
      %dma_wait3A_554 = arith.constant 2 : i32
      %dma_wait3A_555 = arith.constant 0 : i32
      %dma_wait3A_556 = arith.constant 0 : i32
      %dma_wait3A_557 = tpu.memref_slice %arg9[%dma_wait3A_554, %dma_wait3A_555, %dma_wait3A_556] : memref<4x64x128xf32, #tpu.memory_space<vmem>> -> memref<1x64x128xf32, #tpu.memory_space<vmem>>
      %dma_wait3A_558 = tpu.memref_squeeze %dma_wait3A_557 : memref<1x64x128xf32, #tpu.memory_space<vmem>> -> memref<64x128xf32, #tpu.memory_space<vmem>>
      %dma_wait3A_559 = arith.constant 0 : i32
      %dma_wait3A_560 = tpu.memref_slice %arg7[%dma_wait3A_553, %dma_wait3A_559] : memref<40x64xi32, #tpu.memory_space<vmem>> -> memref<1x64xi32, #tpu.memory_space<vmem>>
      %dma_wait3A_561 = tpu.memref_squeeze %dma_wait3A_560 : memref<1x64xi32, #tpu.memory_space<vmem>> -> memref<64xi32, #tpu.memory_space<vmem>>
      %dma_wait3A_562 = arith.constant 0 : i32
      %dma_wait3A_563 = arith.constant 0 : i32
      %dma_wait3A_564 = tpu.memref_slice %arg4[%arg0, %dma_wait3A_562, %dma_wait3A_563] : memref<2x10112x128xf32, #tpu.memory_space<hbm>> -> memref<1x10112x128xf32, #tpu.memory_space<hbm>>
      %dma_wait3A_565 = tpu.memref_squeeze %dma_wait3A_564 : memref<1x10112x128xf32, #tpu.memory_space<hbm>> -> memref<10112x128xf32, #tpu.memory_space<hbm>>
      %dma_wait3A_566 = arith.constant 0 : i32
      %dma_wait3A_567 = arith.constant 0 : i32
      %dma_wait3A_568 = tpu.memref_slice %dma_wait3A_565[%dma_wait3A_566, %dma_wait3A_567] : memref<10112x128xf32, #tpu.memory_space<hbm>> -> memref<10112x128xf32, #tpu.memory_space<hbm>>
      tpu.wait_indirect_dma semaphore(%arg13 : memref<!tpu.dma_semaphore, #tpu.memory_space<semaphore_mem>>) src(%dma_wait3A_568 : memref<10112x128xf32, #tpu.memory_space<hbm>>) dst(%dma_wait3A_558 : memref<64x128xf32, #tpu.memory_space<vmem>>)
      %dma_start3A_569 = arith.constant 2 : i32
      %dma_start3A_570 = arith.constant 0 : i32
      %dma_start3A_571 = arith.constant 0 : i32
      %dma_start3A_572 = tpu.memref_slice %arg9[%dma_start3A_569, %dma_start3A_570, %dma_start3A_571] : memref<4x64x128xf32, #tpu.memory_space<vmem>> -> memref<1x64x128xf32, #tpu.memory_space<vmem>>
      %dma_start3A_573 = tpu.memref_squeeze %dma_start3A_572 : memref<1x64x128xf32, #tpu.memory_space<vmem>> -> memref<64x128xf32, #tpu.memory_space<vmem>>
      %dma_start3A_574 = arith.constant 0 : i32
      %dma_start3A_575 = tpu.memref_slice %arg8[%add3A_552, %dma_start3A_574] : memref<40x64xi32, #tpu.memory_space<vmem>> -> memref<1x64xi32, #tpu.memory_space<vmem>>
      %dma_start3A_576 = tpu.memref_squeeze %dma_start3A_575 : memref<1x64xi32, #tpu.memory_space<vmem>> -> memref<64xi32, #tpu.memory_space<vmem>>
      %dma_start3A_577 = arith.constant 0 : i32
      %dma_start3A_578 = arith.constant 0 : i32
      %dma_start3A_579 = tpu.memref_slice %arg10[%dma_start3A_577, %dma_start3A_578] : memref<10112x128xf32, #tpu.memory_space<vmem_shared>> -> memref<10112x128xf32, #tpu.memory_space<vmem_shared>>
      tpu.enqueue_indirect_dma source(%dma_start3A_573 : memref<64x128xf32, #tpu.memory_space<vmem>>) target(%dma_start3A_579 : memref<10112x128xf32, #tpu.memory_space<vmem_shared>>) offsets(%dma_start3A_576 : memref<64xi32, #tpu.memory_space<vmem>>) semaphore(%arg17 : memref<!tpu.dma_semaphore, #tpu.memory_space<semaphore_mem>>) {add = true}
      %mul3A_580 = arith.constant 4 : i32
      %mul3A_581 = arith.muli %mul3A_580, %scan3A_486 : i32
      %add3A_582 = arith.constant 3 : i32
      %add3A_583 = arith.addi %mul3A_581, %add3A_582 : i32
      %dma_wait3A_584 = arith.constant 0 : i32
      %dma_wait3A_585 = arith.constant 3 : i32
      %dma_wait3A_586 = arith.constant 0 : i32
      %dma_wait3A_587 = arith.constant 0 : i32
      %dma_wait3A_588 = tpu.memref_slice %arg9[%dma_wait3A_585, %dma_wait3A_586, %dma_wait3A_587] : memref<4x64x128xf32, #tpu.memory_space<vmem>> -> memref<1x64x128xf32, #tpu.memory_space<vmem>>
      %dma_wait3A_589 = tpu.memref_squeeze %dma_wait3A_588 : memref<1x64x128xf32, #tpu.memory_space<vmem>> -> memref<64x128xf32, #tpu.memory_space<vmem>>
      %dma_wait3A_590 = arith.constant 0 : i32
      %dma_wait3A_591 = tpu.memref_slice %arg7[%dma_wait3A_584, %dma_wait3A_590] : memref<40x64xi32, #tpu.memory_space<vmem>> -> memref<1x64xi32, #tpu.memory_space<vmem>>
      %dma_wait3A_592 = tpu.memref_squeeze %dma_wait3A_591 : memref<1x64xi32, #tpu.memory_space<vmem>> -> memref<64xi32, #tpu.memory_space<vmem>>
      %dma_wait3A_593 = arith.constant 0 : i32
      %dma_wait3A_594 = arith.constant 0 : i32
      %dma_wait3A_595 = tpu.memref_slice %arg4[%arg0, %dma_wait3A_593, %dma_wait3A_594] : memref<2x10112x128xf32, #tpu.memory_space<hbm>> -> memref<1x10112x128xf32, #tpu.memory_space<hbm>>
      %dma_wait3A_596 = tpu.memref_squeeze %dma_wait3A_595 : memref<1x10112x128xf32, #tpu.memory_space<hbm>> -> memref<10112x128xf32, #tpu.memory_space<hbm>>
      %dma_wait3A_597 = arith.constant 0 : i32
      %dma_wait3A_598 = arith.constant 0 : i32
      %dma_wait3A_599 = tpu.memref_slice %dma_wait3A_596[%dma_wait3A_597, %dma_wait3A_598] : memref<10112x128xf32, #tpu.memory_space<hbm>> -> memref<10112x128xf32, #tpu.memory_space<hbm>>
      tpu.wait_indirect_dma semaphore(%arg14 : memref<!tpu.dma_semaphore, #tpu.memory_space<semaphore_mem>>) src(%dma_wait3A_599 : memref<10112x128xf32, #tpu.memory_space<hbm>>) dst(%dma_wait3A_589 : memref<64x128xf32, #tpu.memory_space<vmem>>)
      %dma_start3A_600 = arith.constant 3 : i32
      %dma_start3A_601 = arith.constant 0 : i32
      %dma_start3A_602 = arith.constant 0 : i32
      %dma_start3A_603 = tpu.memref_slice %arg9[%dma_start3A_600, %dma_start3A_601, %dma_start3A_602] : memref<4x64x128xf32, #tpu.memory_space<vmem>> -> memref<1x64x128xf32, #tpu.memory_space<vmem>>
      %dma_start3A_604 = tpu.memref_squeeze %dma_start3A_603 : memref<1x64x128xf32, #tpu.memory_space<vmem>> -> memref<64x128xf32, #tpu.memory_space<vmem>>
      %dma_start3A_605 = arith.constant 0 : i32
      %dma_start3A_606 = tpu.memref_slice %arg8[%add3A_583, %dma_start3A_605] : memref<40x64xi32, #tpu.memory_space<vmem>> -> memref<1x64xi32, #tpu.memory_space<vmem>>
      %dma_start3A_607 = tpu.memref_squeeze %dma_start3A_606 : memref<1x64xi32, #tpu.memory_space<vmem>> -> memref<64xi32, #tpu.memory_space<vmem>>
      %dma_start3A_608 = arith.constant 0 : i32
      %dma_start3A_609 = arith.constant 0 : i32
      %dma_start3A_610 = tpu.memref_slice %arg10[%dma_start3A_608, %dma_start3A_609] : memref<10112x128xf32, #tpu.memory_space<vmem_shared>> -> memref<10112x128xf32, #tpu.memory_space<vmem_shared>>
      tpu.enqueue_indirect_dma source(%dma_start3A_604 : memref<64x128xf32, #tpu.memory_space<vmem>>) target(%dma_start3A_610 : memref<10112x128xf32, #tpu.memory_space<vmem_shared>>) offsets(%dma_start3A_607 : memref<64xi32, #tpu.memory_space<vmem>>) semaphore(%arg18 : memref<!tpu.dma_semaphore, #tpu.memory_space<semaphore_mem>>) {add = true}
      %lt3A = arith.constant 9 : i32
      %lt3A_611 = arith.cmpi slt, %scan3A_486, %lt3A : i32
      %convert_element_type3A = arith.extui %lt3A_611 : i1 to i32
      %cond3A = arith.constant 0 : i32
      %cond3A_612 = arith.cmpi ne, %convert_element_type3A, %cond3A : i32
      scf.if %cond3A_612 {
        %dma_wait3A_628 = arith.constant 0 : i32
        %dma_wait3A_629 = arith.constant 0 : i32
        %dma_wait3A_630 = arith.constant 0 : i32
        %dma_wait3A_631 = arith.constant 0 : i32
        %dma_wait3A_632 = tpu.memref_slice %arg9[%dma_wait3A_628, %dma_wait3A_630, %dma_wait3A_631] : memref<4x64x128xf32, #tpu.memory_space<vmem>> -> memref<1x64x128xf32, #tpu.memory_space<vmem>>
        %dma_wait3A_633 = tpu.memref_squeeze %dma_wait3A_632 : memref<1x64x128xf32, #tpu.memory_space<vmem>> -> memref<64x128xf32, #tpu.memory_space<vmem>>
        %dma_wait3A_634 = arith.constant 0 : i32
        %dma_wait3A_635 = tpu.memref_slice %arg8[%dma_wait3A_629, %dma_wait3A_634] : memref<40x64xi32, #tpu.memory_space<vmem>> -> memref<1x64xi32, #tpu.memory_space<vmem>>
        %dma_wait3A_636 = tpu.memref_squeeze %dma_wait3A_635 : memref<1x64xi32, #tpu.memory_space<vmem>> -> memref<64xi32, #tpu.memory_space<vmem>>
        %dma_wait3A_637 = arith.constant 0 : i32
        %dma_wait3A_638 = arith.constant 0 : i32
        %dma_wait3A_639 = tpu.memref_slice %arg10[%dma_wait3A_637, %dma_wait3A_638] : memref<10112x128xf32, #tpu.memory_space<vmem_shared>> -> memref<10112x128xf32, #tpu.memory_space<vmem_shared>>
        tpu.wait_indirect_dma semaphore(%arg15 : memref<!tpu.dma_semaphore, #tpu.memory_space<semaphore_mem>>) src(%dma_wait3A_633 : memref<64x128xf32, #tpu.memory_space<vmem>>) dst(%dma_wait3A_639 : memref<10112x128xf32, #tpu.memory_space<vmem_shared>>)
        %add3A_640 = arith.constant 1 : i32
        %add3A_641 = arith.addi %scan3A_486, %add3A_640 : i32
        %mul3A_642 = arith.constant 4 : i32
        %mul3A_643 = arith.muli %mul3A_642, %add3A_641 : i32
        %add3A_644 = arith.constant 0 : i32
        %add3A_645 = arith.addi %mul3A_643, %add3A_644 : i32
        %dma_start3A_646 = arith.constant 0 : i32
        %dma_start3A_647 = arith.constant 0 : i32
        %dma_start3A_648 = arith.constant 0 : i32
        %dma_start3A_649 = tpu.memref_slice %arg9[%dma_start3A_646, %dma_start3A_647, %dma_start3A_648] : memref<4x64x128xf32, #tpu.memory_space<vmem>> -> memref<1x64x128xf32, #tpu.memory_space<vmem>>
        %dma_start3A_650 = tpu.memref_squeeze %dma_start3A_649 : memref<1x64x128xf32, #tpu.memory_space<vmem>> -> memref<64x128xf32, #tpu.memory_space<vmem>>
        %dma_start3A_651 = arith.constant 0 : i32
        %dma_start3A_652 = tpu.memref_slice %arg7[%add3A_645, %dma_start3A_651] : memref<40x64xi32, #tpu.memory_space<vmem>> -> memref<1x64xi32, #tpu.memory_space<vmem>>
        %dma_start3A_653 = tpu.memref_squeeze %dma_start3A_652 : memref<1x64xi32, #tpu.memory_space<vmem>> -> memref<64xi32, #tpu.memory_space<vmem>>
        %dma_start3A_654 = arith.constant 0 : i32
        %dma_start3A_655 = arith.constant 0 : i32
        %dma_start3A_656 = tpu.memref_slice %arg4[%arg0, %dma_start3A_654, %dma_start3A_655] : memref<2x10112x128xf32, #tpu.memory_space<hbm>> -> memref<1x10112x128xf32, #tpu.memory_space<hbm>>
        %dma_start3A_657 = tpu.memref_squeeze %dma_start3A_656 : memref<1x10112x128xf32, #tpu.memory_space<hbm>> -> memref<10112x128xf32, #tpu.memory_space<hbm>>
        %dma_start3A_658 = arith.constant 0 : i32
        %dma_start3A_659 = arith.constant 0 : i32
        %dma_start3A_660 = tpu.memref_slice %dma_start3A_657[%dma_start3A_658, %dma_start3A_659] : memref<10112x128xf32, #tpu.memory_space<hbm>> -> memref<10112x128xf32, #tpu.memory_space<hbm>>
        tpu.enqueue_indirect_dma source(%dma_start3A_660 : memref<10112x128xf32, #tpu.memory_space<hbm>>) target(%dma_start3A_650 : memref<64x128xf32, #tpu.memory_space<vmem>>) offsets(%dma_start3A_653 : memref<64xi32, #tpu.memory_space<vmem>>) semaphore(%arg11 : memref<!tpu.dma_semaphore, #tpu.memory_space<semaphore_mem>>)
      } else {
      }
      %lt3A_613 = arith.constant 9 : i32
      %lt3A_614 = arith.cmpi slt, %scan3A_486, %lt3A_613 : i32
      %convert_element_type3A_615 = arith.extui %lt3A_614 : i1 to i32
      %cond3A_616 = arith.constant 0 : i32
      %cond3A_617 = arith.cmpi ne, %convert_element_type3A_615, %cond3A_616 : i32
      scf.if %cond3A_617 {
        %dma_wait3A_628 = arith.constant 1 : i32
        %dma_wait3A_629 = arith.constant 0 : i32
        %dma_wait3A_630 = arith.constant 0 : i32
        %dma_wait3A_631 = arith.constant 0 : i32
        %dma_wait3A_632 = tpu.memref_slice %arg9[%dma_wait3A_628, %dma_wait3A_630, %dma_wait3A_631] : memref<4x64x128xf32, #tpu.memory_space<vmem>> -> memref<1x64x128xf32, #tpu.memory_space<vmem>>
        %dma_wait3A_633 = tpu.memref_squeeze %dma_wait3A_632 : memref<1x64x128xf32, #tpu.memory_space<vmem>> -> memref<64x128xf32, #tpu.memory_space<vmem>>
        %dma_wait3A_634 = arith.constant 0 : i32
        %dma_wait3A_635 = tpu.memref_slice %arg8[%dma_wait3A_629, %dma_wait3A_634] : memref<40x64xi32, #tpu.memory_space<vmem>> -> memref<1x64xi32, #tpu.memory_space<vmem>>
        %dma_wait3A_636 = tpu.memref_squeeze %dma_wait3A_635 : memref<1x64xi32, #tpu.memory_space<vmem>> -> memref<64xi32, #tpu.memory_space<vmem>>
        %dma_wait3A_637 = arith.constant 0 : i32
        %dma_wait3A_638 = arith.constant 0 : i32
        %dma_wait3A_639 = tpu.memref_slice %arg10[%dma_wait3A_637, %dma_wait3A_638] : memref<10112x128xf32, #tpu.memory_space<vmem_shared>> -> memref<10112x128xf32, #tpu.memory_space<vmem_shared>>
        tpu.wait_indirect_dma semaphore(%arg16 : memref<!tpu.dma_semaphore, #tpu.memory_space<semaphore_mem>>) src(%dma_wait3A_633 : memref<64x128xf32, #tpu.memory_space<vmem>>) dst(%dma_wait3A_639 : memref<10112x128xf32, #tpu.memory_space<vmem_shared>>)
        %add3A_640 = arith.constant 1 : i32
        %add3A_641 = arith.addi %scan3A_486, %add3A_640 : i32
        %mul3A_642 = arith.constant 4 : i32
        %mul3A_643 = arith.muli %mul3A_642, %add3A_641 : i32
        %add3A_644 = arith.constant 1 : i32
        %add3A_645 = arith.addi %mul3A_643, %add3A_644 : i32
        %dma_start3A_646 = arith.constant 1 : i32
        %dma_start3A_647 = arith.constant 0 : i32
        %dma_start3A_648 = arith.constant 0 : i32
        %dma_start3A_649 = tpu.memref_slice %arg9[%dma_start3A_646, %dma_start3A_647, %dma_start3A_648] : memref<4x64x128xf32, #tpu.memory_space<vmem>> -> memref<1x64x128xf32, #tpu.memory_space<vmem>>
        %dma_start3A_650 = tpu.memref_squeeze %dma_start3A_649 : memref<1x64x128xf32, #tpu.memory_space<vmem>> -> memref<64x128xf32, #tpu.memory_space<vmem>>
        %dma_start3A_651 = arith.constant 0 : i32
        %dma_start3A_652 = tpu.memref_slice %arg7[%add3A_645, %dma_start3A_651] : memref<40x64xi32, #tpu.memory_space<vmem>> -> memref<1x64xi32, #tpu.memory_space<vmem>>
        %dma_start3A_653 = tpu.memref_squeeze %dma_start3A_652 : memref<1x64xi32, #tpu.memory_space<vmem>> -> memref<64xi32, #tpu.memory_space<vmem>>
        %dma_start3A_654 = arith.constant 0 : i32
        %dma_start3A_655 = arith.constant 0 : i32
        %dma_start3A_656 = tpu.memref_slice %arg4[%arg0, %dma_start3A_654, %dma_start3A_655] : memref<2x10112x128xf32, #tpu.memory_space<hbm>> -> memref<1x10112x128xf32, #tpu.memory_space<hbm>>
        %dma_start3A_657 = tpu.memref_squeeze %dma_start3A_656 : memref<1x10112x128xf32, #tpu.memory_space<hbm>> -> memref<10112x128xf32, #tpu.memory_space<hbm>>
        %dma_start3A_658 = arith.constant 0 : i32
        %dma_start3A_659 = arith.constant 0 : i32
        %dma_start3A_660 = tpu.memref_slice %dma_start3A_657[%dma_start3A_658, %dma_start3A_659] : memref<10112x128xf32, #tpu.memory_space<hbm>> -> memref<10112x128xf32, #tpu.memory_space<hbm>>
        tpu.enqueue_indirect_dma source(%dma_start3A_660 : memref<10112x128xf32, #tpu.memory_space<hbm>>) target(%dma_start3A_650 : memref<64x128xf32, #tpu.memory_space<vmem>>) offsets(%dma_start3A_653 : memref<64xi32, #tpu.memory_space<vmem>>) semaphore(%arg12 : memref<!tpu.dma_semaphore, #tpu.memory_space<semaphore_mem>>)
      } else {
      }
      %lt3A_618 = arith.constant 9 : i32
      %lt3A_619 = arith.cmpi slt, %scan3A_486, %lt3A_618 : i32
      %convert_element_type3A_620 = arith.extui %lt3A_619 : i1 to i32
      %cond3A_621 = arith.constant 0 : i32
      %cond3A_622 = arith.cmpi ne, %convert_element_type3A_620, %cond3A_621 : i32
      scf.if %cond3A_622 {
        %dma_wait3A_628 = arith.constant 2 : i32
        %dma_wait3A_629 = arith.constant 0 : i32
        %dma_wait3A_630 = arith.constant 0 : i32
        %dma_wait3A_631 = arith.constant 0 : i32
        %dma_wait3A_632 = tpu.memref_slice %arg9[%dma_wait3A_628, %dma_wait3A_630, %dma_wait3A_631] : memref<4x64x128xf32, #tpu.memory_space<vmem>> -> memref<1x64x128xf32, #tpu.memory_space<vmem>>
        %dma_wait3A_633 = tpu.memref_squeeze %dma_wait3A_632 : memref<1x64x128xf32, #tpu.memory_space<vmem>> -> memref<64x128xf32, #tpu.memory_space<vmem>>
        %dma_wait3A_634 = arith.constant 0 : i32
        %dma_wait3A_635 = tpu.memref_slice %arg8[%dma_wait3A_629, %dma_wait3A_634] : memref<40x64xi32, #tpu.memory_space<vmem>> -> memref<1x64xi32, #tpu.memory_space<vmem>>
        %dma_wait3A_636 = tpu.memref_squeeze %dma_wait3A_635 : memref<1x64xi32, #tpu.memory_space<vmem>> -> memref<64xi32, #tpu.memory_space<vmem>>
        %dma_wait3A_637 = arith.constant 0 : i32
        %dma_wait3A_638 = arith.constant 0 : i32
        %dma_wait3A_639 = tpu.memref_slice %arg10[%dma_wait3A_637, %dma_wait3A_638] : memref<10112x128xf32, #tpu.memory_space<vmem_shared>> -> memref<10112x128xf32, #tpu.memory_space<vmem_shared>>
        tpu.wait_indirect_dma semaphore(%arg17 : memref<!tpu.dma_semaphore, #tpu.memory_space<semaphore_mem>>) src(%dma_wait3A_633 : memref<64x128xf32, #tpu.memory_space<vmem>>) dst(%dma_wait3A_639 : memref<10112x128xf32, #tpu.memory_space<vmem_shared>>)
        %add3A_640 = arith.constant 1 : i32
        %add3A_641 = arith.addi %scan3A_486, %add3A_640 : i32
        %mul3A_642 = arith.constant 4 : i32
        %mul3A_643 = arith.muli %mul3A_642, %add3A_641 : i32
        %add3A_644 = arith.constant 2 : i32
        %add3A_645 = arith.addi %mul3A_643, %add3A_644 : i32
        %dma_start3A_646 = arith.constant 2 : i32
        %dma_start3A_647 = arith.constant 0 : i32
        %dma_start3A_648 = arith.constant 0 : i32
        %dma_start3A_649 = tpu.memref_slice %arg9[%dma_start3A_646, %dma_start3A_647, %dma_start3A_648] : memref<4x64x128xf32, #tpu.memory_space<vmem>> -> memref<1x64x128xf32, #tpu.memory_space<vmem>>
        %dma_start3A_650 = tpu.memref_squeeze %dma_start3A_649 : memref<1x64x128xf32, #tpu.memory_space<vmem>> -> memref<64x128xf32, #tpu.memory_space<vmem>>
        %dma_start3A_651 = arith.constant 0 : i32
        %dma_start3A_652 = tpu.memref_slice %arg7[%add3A_645, %dma_start3A_651] : memref<40x64xi32, #tpu.memory_space<vmem>> -> memref<1x64xi32, #tpu.memory_space<vmem>>
        %dma_start3A_653 = tpu.memref_squeeze %dma_start3A_652 : memref<1x64xi32, #tpu.memory_space<vmem>> -> memref<64xi32, #tpu.memory_space<vmem>>
        %dma_start3A_654 = arith.constant 0 : i32
        %dma_start3A_655 = arith.constant 0 : i32
        %dma_start3A_656 = tpu.memref_slice %arg4[%arg0, %dma_start3A_654, %dma_start3A_655] : memref<2x10112x128xf32, #tpu.memory_space<hbm>> -> memref<1x10112x128xf32, #tpu.memory_space<hbm>>
        %dma_start3A_657 = tpu.memref_squeeze %dma_start3A_656 : memref<1x10112x128xf32, #tpu.memory_space<hbm>> -> memref<10112x128xf32, #tpu.memory_space<hbm>>
        %dma_start3A_658 = arith.constant 0 : i32
        %dma_start3A_659 = arith.constant 0 : i32
        %dma_start3A_660 = tpu.memref_slice %dma_start3A_657[%dma_start3A_658, %dma_start3A_659] : memref<10112x128xf32, #tpu.memory_space<hbm>> -> memref<10112x128xf32, #tpu.memory_space<hbm>>
        tpu.enqueue_indirect_dma source(%dma_start3A_660 : memref<10112x128xf32, #tpu.memory_space<hbm>>) target(%dma_start3A_650 : memref<64x128xf32, #tpu.memory_space<vmem>>) offsets(%dma_start3A_653 : memref<64xi32, #tpu.memory_space<vmem>>) semaphore(%arg13 : memref<!tpu.dma_semaphore, #tpu.memory_space<semaphore_mem>>)
      } else {
      }
      %lt3A_623 = arith.constant 9 : i32
      %lt3A_624 = arith.cmpi slt, %scan3A_486, %lt3A_623 : i32
      %convert_element_type3A_625 = arith.extui %lt3A_624 : i1 to i32
      %cond3A_626 = arith.constant 0 : i32
      %cond3A_627 = arith.cmpi ne, %convert_element_type3A_625, %cond3A_626 : i32
      scf.if %cond3A_627 {
        %dma_wait3A_628 = arith.constant 3 : i32
        %dma_wait3A_629 = arith.constant 0 : i32
        %dma_wait3A_630 = arith.constant 0 : i32
        %dma_wait3A_631 = arith.constant 0 : i32
        %dma_wait3A_632 = tpu.memref_slice %arg9[%dma_wait3A_628, %dma_wait3A_630, %dma_wait3A_631] : memref<4x64x128xf32, #tpu.memory_space<vmem>> -> memref<1x64x128xf32, #tpu.memory_space<vmem>>
        %dma_wait3A_633 = tpu.memref_squeeze %dma_wait3A_632 : memref<1x64x128xf32, #tpu.memory_space<vmem>> -> memref<64x128xf32, #tpu.memory_space<vmem>>
        %dma_wait3A_634 = arith.constant 0 : i32
        %dma_wait3A_635 = tpu.memref_slice %arg8[%dma_wait3A_629, %dma_wait3A_634] : memref<40x64xi32, #tpu.memory_space<vmem>> -> memref<1x64xi32, #tpu.memory_space<vmem>>
        %dma_wait3A_636 = tpu.memref_squeeze %dma_wait3A_635 : memref<1x64xi32, #tpu.memory_space<vmem>> -> memref<64xi32, #tpu.memory_space<vmem>>
        %dma_wait3A_637 = arith.constant 0 : i32
        %dma_wait3A_638 = arith.constant 0 : i32
        %dma_wait3A_639 = tpu.memref_slice %arg10[%dma_wait3A_637, %dma_wait3A_638] : memref<10112x128xf32, #tpu.memory_space<vmem_shared>> -> memref<10112x128xf32, #tpu.memory_space<vmem_shared>>
        tpu.wait_indirect_dma semaphore(%arg18 : memref<!tpu.dma_semaphore, #tpu.memory_space<semaphore_mem>>) src(%dma_wait3A_633 : memref<64x128xf32, #tpu.memory_space<vmem>>) dst(%dma_wait3A_639 : memref<10112x128xf32, #tpu.memory_space<vmem_shared>>)
        %add3A_640 = arith.constant 1 : i32
        %add3A_641 = arith.addi %scan3A_486, %add3A_640 : i32
        %mul3A_642 = arith.constant 4 : i32
        %mul3A_643 = arith.muli %mul3A_642, %add3A_641 : i32
        %add3A_644 = arith.constant 3 : i32
        %add3A_645 = arith.addi %mul3A_643, %add3A_644 : i32
        %dma_start3A_646 = arith.constant 3 : i32
        %dma_start3A_647 = arith.constant 0 : i32
        %dma_start3A_648 = arith.constant 0 : i32
        %dma_start3A_649 = tpu.memref_slice %arg9[%dma_start3A_646, %dma_start3A_647, %dma_start3A_648] : memref<4x64x128xf32, #tpu.memory_space<vmem>> -> memref<1x64x128xf32, #tpu.memory_space<vmem>>
        %dma_start3A_650 = tpu.memref_squeeze %dma_start3A_649 : memref<1x64x128xf32, #tpu.memory_space<vmem>> -> memref<64x128xf32, #tpu.memory_space<vmem>>
        %dma_start3A_651 = arith.constant 0 : i32
        %dma_start3A_652 = tpu.memref_slice %arg7[%add3A_645, %dma_start3A_651] : memref<40x64xi32, #tpu.memory_space<vmem>> -> memref<1x64xi32, #tpu.memory_space<vmem>>
        %dma_start3A_653 = tpu.memref_squeeze %dma_start3A_652 : memref<1x64xi32, #tpu.memory_space<vmem>> -> memref<64xi32, #tpu.memory_space<vmem>>
        %dma_start3A_654 = arith.constant 0 : i32
        %dma_start3A_655 = arith.constant 0 : i32
        %dma_start3A_656 = tpu.memref_slice %arg4[%arg0, %dma_start3A_654, %dma_start3A_655] : memref<2x10112x128xf32, #tpu.memory_space<hbm>> -> memref<1x10112x128xf32, #tpu.memory_space<hbm>>
        %dma_start3A_657 = tpu.memref_squeeze %dma_start3A_656 : memref<1x10112x128xf32, #tpu.memory_space<hbm>> -> memref<10112x128xf32, #tpu.memory_space<hbm>>
        %dma_start3A_658 = arith.constant 0 : i32
        %dma_start3A_659 = arith.constant 0 : i32
        %dma_start3A_660 = tpu.memref_slice %dma_start3A_657[%dma_start3A_658, %dma_start3A_659] : memref<10112x128xf32, #tpu.memory_space<hbm>> -> memref<10112x128xf32, #tpu.memory_space<hbm>>
        tpu.enqueue_indirect_dma source(%dma_start3A_660 : memref<10112x128xf32, #tpu.memory_space<hbm>>) target(%dma_start3A_650 : memref<64x128xf32, #tpu.memory_space<vmem>>) offsets(%dma_start3A_653 : memref<64xi32, #tpu.memory_space<vmem>>) semaphore(%arg14 : memref<!tpu.dma_semaphore, #tpu.memory_space<semaphore_mem>>)
      } else {
      }
    }
    %scan3A_432 = arith.constant 10 : i32
    %dma_wait3A_433 = arith.constant 0 : i32
    %dma_wait3A_434 = arith.constant 0 : i32
    %dma_wait3A_435 = arith.constant 0 : i32
    %dma_wait3A_436 = arith.constant 0 : i32
    %dma_wait3A_437 = tpu.memref_slice %arg9[%dma_wait3A_433, %dma_wait3A_435, %dma_wait3A_436] : memref<4x64x128xf32, #tpu.memory_space<vmem>> -> memref<1x64x128xf32, #tpu.memory_space<vmem>>
    %dma_wait3A_438 = tpu.memref_squeeze %dma_wait3A_437 : memref<1x64x128xf32, #tpu.memory_space<vmem>> -> memref<64x128xf32, #tpu.memory_space<vmem>>
    %dma_wait3A_439 = arith.constant 0 : i32
    %dma_wait3A_440 = tpu.memref_slice %arg8[%dma_wait3A_434, %dma_wait3A_439] : memref<40x64xi32, #tpu.memory_space<vmem>> -> memref<1x64xi32, #tpu.memory_space<vmem>>
    %dma_wait3A_441 = tpu.memref_squeeze %dma_wait3A_440 : memref<1x64xi32, #tpu.memory_space<vmem>> -> memref<64xi32, #tpu.memory_space<vmem>>
    %dma_wait3A_442 = arith.constant 0 : i32
    %dma_wait3A_443 = arith.constant 0 : i32
    %dma_wait3A_444 = tpu.memref_slice %arg10[%dma_wait3A_442, %dma_wait3A_443] : memref<10112x128xf32, #tpu.memory_space<vmem_shared>> -> memref<10112x128xf32, #tpu.memory_space<vmem_shared>>
    tpu.wait_indirect_dma semaphore(%arg15 : memref<!tpu.dma_semaphore, #tpu.memory_space<semaphore_mem>>) src(%dma_wait3A_438 : memref<64x128xf32, #tpu.memory_space<vmem>>) dst(%dma_wait3A_444 : memref<10112x128xf32, #tpu.memory_space<vmem_shared>>)
    %dma_wait3A_445 = arith.constant 1 : i32
    %dma_wait3A_446 = arith.constant 0 : i32
    %dma_wait3A_447 = arith.constant 0 : i32
    %dma_wait3A_448 = arith.constant 0 : i32
    %dma_wait3A_449 = tpu.memref_slice %arg9[%dma_wait3A_445, %dma_wait3A_447, %dma_wait3A_448] : memref<4x64x128xf32, #tpu.memory_space<vmem>> -> memref<1x64x128xf32, #tpu.memory_space<vmem>>
    %dma_wait3A_450 = tpu.memref_squeeze %dma_wait3A_449 : memref<1x64x128xf32, #tpu.memory_space<vmem>> -> memref<64x128xf32, #tpu.memory_space<vmem>>
    %dma_wait3A_451 = arith.constant 0 : i32
    %dma_wait3A_452 = tpu.memref_slice %arg8[%dma_wait3A_446, %dma_wait3A_451] : memref<40x64xi32, #tpu.memory_space<vmem>> -> memref<1x64xi32, #tpu.memory_space<vmem>>
    %dma_wait3A_453 = tpu.memref_squeeze %dma_wait3A_452 : memref<1x64xi32, #tpu.memory_space<vmem>> -> memref<64xi32, #tpu.memory_space<vmem>>
    %dma_wait3A_454 = arith.constant 0 : i32
    %dma_wait3A_455 = arith.constant 0 : i32
    %dma_wait3A_456 = tpu.memref_slice %arg10[%dma_wait3A_454, %dma_wait3A_455] : memref<10112x128xf32, #tpu.memory_space<vmem_shared>> -> memref<10112x128xf32, #tpu.memory_space<vmem_shared>>
    tpu.wait_indirect_dma semaphore(%arg16 : memref<!tpu.dma_semaphore, #tpu.memory_space<semaphore_mem>>) src(%dma_wait3A_450 : memref<64x128xf32, #tpu.memory_space<vmem>>) dst(%dma_wait3A_456 : memref<10112x128xf32, #tpu.memory_space<vmem_shared>>)
    %dma_wait3A_457 = arith.constant 2 : i32
    %dma_wait3A_458 = arith.constant 0 : i32
    %dma_wait3A_459 = arith.constant 0 : i32
    %dma_wait3A_460 = arith.constant 0 : i32
    %dma_wait3A_461 = tpu.memref_slice %arg9[%dma_wait3A_457, %dma_wait3A_459, %dma_wait3A_460] : memref<4x64x128xf32, #tpu.memory_space<vmem>> -> memref<1x64x128xf32, #tpu.memory_space<vmem>>
    %dma_wait3A_462 = tpu.memref_squeeze %dma_wait3A_461 : memref<1x64x128xf32, #tpu.memory_space<vmem>> -> memref<64x128xf32, #tpu.memory_space<vmem>>
    %dma_wait3A_463 = arith.constant 0 : i32
    %dma_wait3A_464 = tpu.memref_slice %arg8[%dma_wait3A_458, %dma_wait3A_463] : memref<40x64xi32, #tpu.memory_space<vmem>> -> memref<1x64xi32, #tpu.memory_space<vmem>>
    %dma_wait3A_465 = tpu.memref_squeeze %dma_wait3A_464 : memref<1x64xi32, #tpu.memory_space<vmem>> -> memref<64xi32, #tpu.memory_space<vmem>>
    %dma_wait3A_466 = arith.constant 0 : i32
    %dma_wait3A_467 = arith.constant 0 : i32
    %dma_wait3A_468 = tpu.memref_slice %arg10[%dma_wait3A_466, %dma_wait3A_467] : memref<10112x128xf32, #tpu.memory_space<vmem_shared>> -> memref<10112x128xf32, #tpu.memory_space<vmem_shared>>
    tpu.wait_indirect_dma semaphore(%arg17 : memref<!tpu.dma_semaphore, #tpu.memory_space<semaphore_mem>>) src(%dma_wait3A_462 : memref<64x128xf32, #tpu.memory_space<vmem>>) dst(%dma_wait3A_468 : memref<10112x128xf32, #tpu.memory_space<vmem_shared>>)
    %dma_wait3A_469 = arith.constant 3 : i32
    %dma_wait3A_470 = arith.constant 0 : i32
    %dma_wait3A_471 = arith.constant 0 : i32
    %dma_wait3A_472 = arith.constant 0 : i32
    %dma_wait3A_473 = tpu.memref_slice %arg9[%dma_wait3A_469, %dma_wait3A_471, %dma_wait3A_472] : memref<4x64x128xf32, #tpu.memory_space<vmem>> -> memref<1x64x128xf32, #tpu.memory_space<vmem>>
    %dma_wait3A_474 = tpu.memref_squeeze %dma_wait3A_473 : memref<1x64x128xf32, #tpu.memory_space<vmem>> -> memref<64x128xf32, #tpu.memory_space<vmem>>
    %dma_wait3A_475 = arith.constant 0 : i32
    %dma_wait3A_476 = tpu.memref_slice %arg8[%dma_wait3A_470, %dma_wait3A_475] : memref<40x64xi32, #tpu.memory_space<vmem>> -> memref<1x64xi32, #tpu.memory_space<vmem>>
    %dma_wait3A_477 = tpu.memref_squeeze %dma_wait3A_476 : memref<1x64xi32, #tpu.memory_space<vmem>> -> memref<64xi32, #tpu.memory_space<vmem>>
    %dma_wait3A_478 = arith.constant 0 : i32
    %dma_wait3A_479 = arith.constant 0 : i32
    %dma_wait3A_480 = tpu.memref_slice %arg10[%dma_wait3A_478, %dma_wait3A_479] : memref<10112x128xf32, #tpu.memory_space<vmem_shared>> -> memref<10112x128xf32, #tpu.memory_space<vmem_shared>>
    tpu.wait_indirect_dma semaphore(%arg18 : memref<!tpu.dma_semaphore, #tpu.memory_space<semaphore_mem>>) src(%dma_wait3A_474 : memref<64x128xf32, #tpu.memory_space<vmem>>) dst(%dma_wait3A_480 : memref<10112x128xf32, #tpu.memory_space<vmem_shared>>)
    %barrier3A_481 = arith.constant 0 : index
    tpu.barrier barrier_id(%barrier3A_481)
    %mul3A_482 = arith.constant 632 : i32
    %mul3A_483 = arith.muli %arg1, %mul3A_482 : i32
    %mul3A_484 = arith.constant 632 : i32
    %mul3A_485 = arith.muli %arg1, %mul3A_484 : i32
    "tpu.region"() ({
      %run_scoped3A = tpu.sem_alloc : memref<!tpu.dma_semaphore, #tpu.memory_space<semaphore_mem>>
      %dma_start3A_486 = arith.constant 0 : i32
      %dma_start3A_487 = arith.constant 0 : i32
      %dma_start3A_488 = tpu.memref_slice %arg6[%arg0, %dma_start3A_486, %dma_start3A_487] : memref<2x10112x128xf32, #tpu.memory_space<hbm>> -> memref<1x10112x128xf32, #tpu.memory_space<hbm>>
      %dma_start3A_489 = tpu.memref_squeeze %dma_start3A_488 : memref<1x10112x128xf32, #tpu.memory_space<hbm>> -> memref<10112x128xf32, #tpu.memory_space<hbm>>
      %dma_start3A_490 = arith.constant 0 : i32
      %dma_start3A_491 = tpu.memref_slice %dma_start3A_489[%mul3A_485, %dma_start3A_490] : memref<10112x128xf32, #tpu.memory_space<hbm>> -> memref<632x128xf32, #tpu.memory_space<hbm>>
      %dma_start3A_492 = arith.constant 0 : i32
      %dma_start3A_493 = tpu.memref_slice %arg10[%mul3A_483, %dma_start3A_492] : memref<10112x128xf32, #tpu.memory_space<vmem_shared>> -> memref<632x128xf32, #tpu.memory_space<vmem_shared>>
      tpu.enqueue_dma source(%dma_start3A_493 : memref<632x128xf32, #tpu.memory_space<vmem_shared>>) target(%dma_start3A_491 : memref<632x128xf32, #tpu.memory_space<hbm>>) target_semaphore(%run_scoped3A : memref<!tpu.dma_semaphore, #tpu.memory_space<semaphore_mem>>)
      %dma_wait3A_494 = arith.constant 0 : i32
      %dma_wait3A_495 = arith.constant 0 : i32
      %dma_wait3A_496 = tpu.memref_slice %arg6[%arg0, %dma_wait3A_494, %dma_wait3A_495] : memref<2x10112x128xf32, #tpu.memory_space<hbm>> -> memref<1x10112x128xf32, #tpu.memory_space<hbm>>
      %dma_wait3A_497 = tpu.memref_squeeze %dma_wait3A_496 : memref<1x10112x128xf32, #tpu.memory_space<hbm>> -> memref<10112x128xf32, #tpu.memory_space<hbm>>
      %dma_wait3A_498 = arith.constant 0 : i32
      %dma_wait3A_499 = tpu.memref_slice %dma_wait3A_497[%mul3A_485, %dma_wait3A_498] : memref<10112x128xf32, #tpu.memory_space<hbm>> -> memref<632x128xf32, #tpu.memory_space<hbm>>
      %dma_wait3A_500 = arith.constant 0 : i32
      %dma_wait3A_501 = tpu.memref_slice %arg10[%mul3A_483, %dma_wait3A_500] : memref<10112x128xf32, #tpu.memory_space<vmem_shared>> -> memref<632x128xf32, #tpu.memory_space<vmem_shared>>
      tpu.wait_dma2 semaphore(%run_scoped3A : memref<!tpu.dma_semaphore, #tpu.memory_space<semaphore_mem>>) src(%dma_wait3A_501 : memref<632x128xf32, #tpu.memory_space<vmem_shared>>) dst(%dma_wait3A_499 : memref<632x128xf32, #tpu.memory_space<hbm>>)
      tpu.yield
    }) : () -> ()
    return
  }
}

#map = affine_map<(d0, d1) -> (0, 0)>
#map1 = affine_map<(d0, d1) -> (0, 0, 0)>
module attributes {stable_mosaic.version = 14 : i64} {
  func.func @_agg40_kernel(%arg0: i32, %arg1: i32, %arg2: memref<2560x64xi32, #tpu.memory_space<hbm>>, %arg3: memref<2560x64xi32, #tpu.memory_space<hbm>>, %arg4: memref<10112x128xf32, #tpu.memory_space<hbm>>, %arg5: memref<632x128xf32, #tpu.memory_space<hbm>>, %arg6: memref<2x10112x128xf32, #tpu.memory_space<hbm>>, %arg7: memref<40x64xi32, #tpu.memory_space<vmem>>, %arg8: memref<40x64xi32, #tpu.memory_space<vmem>>, %arg9: memref<4x64x128xf32, #tpu.memory_space<vmem>>, %arg10: memref<10112x128xf32, #tpu.memory_space<vmem_shared>>, %arg11: memref<!tpu.dma_semaphore, #tpu.memory_space<semaphore_mem>>, %arg12: memref<!tpu.dma_semaphore, #tpu.memory_space<semaphore_mem>>, %arg13: memref<!tpu.dma_semaphore, #tpu.memory_space<semaphore_mem>>, %arg14: memref<!tpu.dma_semaphore, #tpu.memory_space<semaphore_mem>>, %arg15: memref<!tpu.dma_semaphore, #tpu.memory_space<semaphore_mem>>, %arg16: memref<!tpu.dma_semaphore, #tpu.memory_space<semaphore_mem>>, %arg17: memref<!tpu.dma_semaphore, #tpu.memory_space<semaphore_mem>>, %arg18: memref<!tpu.dma_semaphore, #tpu.memory_space<semaphore_mem>>) attributes {dimension_semantics = [#tpu.dimension_semantics<core_parallel>, #tpu.dimension_semantics<subcore_parallel>], iteration_bounds = array<i64: 2, 16>, scalar_prefetch = 0 : i64, scratch_operands = 12 : i64, tpu.core_type = #tpu.core_type<sc_vector_subcore>, window_params = [{transform_indices = #map}, {transform_indices = #map}, {transform_indices = #map}, {transform_indices = #map}, {transform_indices = #map1}]} {
    %mul3A = arith.constant 16 : i32
    %mul3A_0 = arith.muli %arg0, %mul3A : i32
    %add3A = arith.addi %mul3A_0, %arg1 : i32
    %mul3A_1 = arith.constant 632 : i32
    %mul3A_2 = arith.muli %arg1, %mul3A_1 : i32
    "tpu.region"() ({
      %run_scoped3A = tpu.sem_alloc : memref<!tpu.dma_semaphore, #tpu.memory_space<semaphore_mem>>
      %dma_start3A_215 = arith.constant 0 : i32
      %dma_start3A_216 = tpu.memref_slice %arg10[%mul3A_2, %dma_start3A_215] : memref<10112x128xf32, #tpu.memory_space<vmem_shared>> -> memref<632x128xf32, #tpu.memory_space<vmem_shared>>
      tpu.enqueue_dma source(%arg5 : memref<632x128xf32, #tpu.memory_space<hbm>>) target(%dma_start3A_216 : memref<632x128xf32, #tpu.memory_space<vmem_shared>>) target_semaphore(%run_scoped3A : memref<!tpu.dma_semaphore, #tpu.memory_space<semaphore_mem>>)
      %dma_wait3A_217 = arith.constant 0 : i32
      %dma_wait3A_218 = tpu.memref_slice %arg10[%mul3A_2, %dma_wait3A_217] : memref<10112x128xf32, #tpu.memory_space<vmem_shared>> -> memref<632x128xf32, #tpu.memory_space<vmem_shared>>
      tpu.wait_dma2 semaphore(%run_scoped3A : memref<!tpu.dma_semaphore, #tpu.memory_space<semaphore_mem>>) src(%arg5 : memref<632x128xf32, #tpu.memory_space<hbm>>) dst(%dma_wait3A_218 : memref<632x128xf32, #tpu.memory_space<vmem_shared>>)
      tpu.yield
    }) : () -> ()
    %barrier3A = arith.constant 0 : index
    tpu.barrier barrier_id(%barrier3A)
    %mul3A_3 = arith.constant 80 : i32
    %mul3A_4 = arith.muli %add3A, %mul3A_3 : i32
    %add3A_5 = arith.constant 0 : i32
    %add3A_6 = arith.addi %mul3A_4, %add3A_5 : i32
    "tpu.region"() ({
      %run_scoped3A = tpu.sem_alloc : memref<!tpu.dma_semaphore, #tpu.memory_space<semaphore_mem>>
      %dma_start3A_215 = arith.constant 0 : i32
      %dma_start3A_216 = tpu.memref_slice %arg2[%add3A_6, %dma_start3A_215] : memref<2560x64xi32, #tpu.memory_space<hbm>> -> memref<40x64xi32, #tpu.memory_space<hbm>>
      %dma_start3A_217 = arith.constant 0 : i32
      %dma_start3A_218 = tpu.memref_slice %arg2[%add3A_6, %dma_start3A_217] : memref<2560x64xi32, #tpu.memory_space<hbm>> -> memref<40x64xi32, #tpu.memory_space<hbm>>
      tpu.enqueue_dma source(%dma_start3A_218 : memref<40x64xi32, #tpu.memory_space<hbm>>) target(%arg7 : memref<40x64xi32, #tpu.memory_space<vmem>>) target_semaphore(%run_scoped3A : memref<!tpu.dma_semaphore, #tpu.memory_space<semaphore_mem>>)
      %dma_wait3A_219 = arith.constant 0 : i32
      %dma_wait3A_220 = tpu.memref_slice %arg2[%add3A_6, %dma_wait3A_219] : memref<2560x64xi32, #tpu.memory_space<hbm>> -> memref<40x64xi32, #tpu.memory_space<hbm>>
      %dma_wait3A_221 = arith.constant 0 : i32
      %dma_wait3A_222 = tpu.memref_slice %arg2[%add3A_6, %dma_wait3A_221] : memref<2560x64xi32, #tpu.memory_space<hbm>> -> memref<40x64xi32, #tpu.memory_space<hbm>>
      tpu.wait_dma2 semaphore(%run_scoped3A : memref<!tpu.dma_semaphore, #tpu.memory_space<semaphore_mem>>) src(%dma_wait3A_222 : memref<40x64xi32, #tpu.memory_space<hbm>>) dst(%arg7 : memref<40x64xi32, #tpu.memory_space<vmem>>)
      tpu.yield
    }) : () -> ()
    "tpu.region"() ({
      %run_scoped3A = tpu.sem_alloc : memref<!tpu.dma_semaphore, #tpu.memory_space<semaphore_mem>>
      %dma_start3A_215 = arith.constant 0 : i32
      %dma_start3A_216 = tpu.memref_slice %arg3[%add3A_6, %dma_start3A_215] : memref<2560x64xi32, #tpu.memory_space<hbm>> -> memref<40x64xi32, #tpu.memory_space<hbm>>
      %dma_start3A_217 = arith.constant 0 : i32
      %dma_start3A_218 = tpu.memref_slice %arg3[%add3A_6, %dma_start3A_217] : memref<2560x64xi32, #tpu.memory_space<hbm>> -> memref<40x64xi32, #tpu.memory_space<hbm>>
      tpu.enqueue_dma source(%dma_start3A_218 : memref<40x64xi32, #tpu.memory_space<hbm>>) target(%arg8 : memref<40x64xi32, #tpu.memory_space<vmem>>) target_semaphore(%run_scoped3A : memref<!tpu.dma_semaphore, #tpu.memory_space<semaphore_mem>>)
      %dma_wait3A_219 = arith.constant 0 : i32
      %dma_wait3A_220 = tpu.memref_slice %arg3[%add3A_6, %dma_wait3A_219] : memref<2560x64xi32, #tpu.memory_space<hbm>> -> memref<40x64xi32, #tpu.memory_space<hbm>>
      %dma_wait3A_221 = arith.constant 0 : i32
      %dma_wait3A_222 = tpu.memref_slice %arg3[%add3A_6, %dma_wait3A_221] : memref<2560x64xi32, #tpu.memory_space<hbm>> -> memref<40x64xi32, #tpu.memory_space<hbm>>
      tpu.wait_dma2 semaphore(%run_scoped3A : memref<!tpu.dma_semaphore, #tpu.memory_space<semaphore_mem>>) src(%dma_wait3A_222 : memref<40x64xi32, #tpu.memory_space<hbm>>) dst(%arg8 : memref<40x64xi32, #tpu.memory_space<vmem>>)
      tpu.yield
    }) : () -> ()
    %dma_start3A = arith.constant 0 : i32
    %dma_start3A_7 = arith.constant 0 : i32
    %dma_start3A_8 = arith.constant 0 : i32
    %dma_start3A_9 = arith.constant 0 : i32
    %dma_start3A_10 = tpu.memref_slice %arg9[%dma_start3A_7, %dma_start3A_8, %dma_start3A_9] : memref<4x64x128xf32, #tpu.memory_space<vmem>> -> memref<1x64x128xf32, #tpu.memory_space<vmem>>
    %dma_start3A_11 = tpu.memref_squeeze %dma_start3A_10 : memref<1x64x128xf32, #tpu.memory_space<vmem>> -> memref<64x128xf32, #tpu.memory_space<vmem>>
    %dma_start3A_12 = arith.constant 0 : i32
    %dma_start3A_13 = tpu.memref_slice %arg7[%dma_start3A, %dma_start3A_12] : memref<40x64xi32, #tpu.memory_space<vmem>> -> memref<1x64xi32, #tpu.memory_space<vmem>>
    %dma_start3A_14 = tpu.memref_squeeze %dma_start3A_13 : memref<1x64xi32, #tpu.memory_space<vmem>> -> memref<64xi32, #tpu.memory_space<vmem>>
    %dma_start3A_15 = arith.constant 0 : i32
    %dma_start3A_16 = arith.constant 0 : i32
    %dma_start3A_17 = tpu.memref_slice %arg4[%dma_start3A_15, %dma_start3A_16] : memref<10112x128xf32, #tpu.memory_space<hbm>> -> memref<10112x128xf32, #tpu.memory_space<hbm>>
    tpu.enqueue_indirect_dma source(%dma_start3A_17 : memref<10112x128xf32, #tpu.memory_space<hbm>>) target(%dma_start3A_11 : memref<64x128xf32, #tpu.memory_space<vmem>>) offsets(%dma_start3A_14 : memref<64xi32, #tpu.memory_space<vmem>>) semaphore(%arg11 : memref<!tpu.dma_semaphore, #tpu.memory_space<semaphore_mem>>)
    %dma_start3A_18 = arith.constant 1 : i32
    %dma_start3A_19 = arith.constant 1 : i32
    %dma_start3A_20 = arith.constant 0 : i32
    %dma_start3A_21 = arith.constant 0 : i32
    %dma_start3A_22 = tpu.memref_slice %arg9[%dma_start3A_19, %dma_start3A_20, %dma_start3A_21] : memref<4x64x128xf32, #tpu.memory_space<vmem>> -> memref<1x64x128xf32, #tpu.memory_space<vmem>>
    %dma_start3A_23 = tpu.memref_squeeze %dma_start3A_22 : memref<1x64x128xf32, #tpu.memory_space<vmem>> -> memref<64x128xf32, #tpu.memory_space<vmem>>
    %dma_start3A_24 = arith.constant 0 : i32
    %dma_start3A_25 = tpu.memref_slice %arg7[%dma_start3A_18, %dma_start3A_24] : memref<40x64xi32, #tpu.memory_space<vmem>> -> memref<1x64xi32, #tpu.memory_space<vmem>>
    %dma_start3A_26 = tpu.memref_squeeze %dma_start3A_25 : memref<1x64xi32, #tpu.memory_space<vmem>> -> memref<64xi32, #tpu.memory_space<vmem>>
    %dma_start3A_27 = arith.constant 0 : i32
    %dma_start3A_28 = arith.constant 0 : i32
    %dma_start3A_29 = tpu.memref_slice %arg4[%dma_start3A_27, %dma_start3A_28] : memref<10112x128xf32, #tpu.memory_space<hbm>> -> memref<10112x128xf32, #tpu.memory_space<hbm>>
    tpu.enqueue_indirect_dma source(%dma_start3A_29 : memref<10112x128xf32, #tpu.memory_space<hbm>>) target(%dma_start3A_23 : memref<64x128xf32, #tpu.memory_space<vmem>>) offsets(%dma_start3A_26 : memref<64xi32, #tpu.memory_space<vmem>>) semaphore(%arg12 : memref<!tpu.dma_semaphore, #tpu.memory_space<semaphore_mem>>)
    %dma_start3A_30 = arith.constant 2 : i32
    %dma_start3A_31 = arith.constant 2 : i32
    %dma_start3A_32 = arith.constant 0 : i32
    %dma_start3A_33 = arith.constant 0 : i32
    %dma_start3A_34 = tpu.memref_slice %arg9[%dma_start3A_31, %dma_start3A_32, %dma_start3A_33] : memref<4x64x128xf32, #tpu.memory_space<vmem>> -> memref<1x64x128xf32, #tpu.memory_space<vmem>>
    %dma_start3A_35 = tpu.memref_squeeze %dma_start3A_34 : memref<1x64x128xf32, #tpu.memory_space<vmem>> -> memref<64x128xf32, #tpu.memory_space<vmem>>
    %dma_start3A_36 = arith.constant 0 : i32
    %dma_start3A_37 = tpu.memref_slice %arg7[%dma_start3A_30, %dma_start3A_36] : memref<40x64xi32, #tpu.memory_space<vmem>> -> memref<1x64xi32, #tpu.memory_space<vmem>>
    %dma_start3A_38 = tpu.memref_squeeze %dma_start3A_37 : memref<1x64xi32, #tpu.memory_space<vmem>> -> memref<64xi32, #tpu.memory_space<vmem>>
    %dma_start3A_39 = arith.constant 0 : i32
    %dma_start3A_40 = arith.constant 0 : i32
    %dma_start3A_41 = tpu.memref_slice %arg4[%dma_start3A_39, %dma_start3A_40] : memref<10112x128xf32, #tpu.memory_space<hbm>> -> memref<10112x128xf32, #tpu.memory_space<hbm>>
    tpu.enqueue_indirect_dma source(%dma_start3A_41 : memref<10112x128xf32, #tpu.memory_space<hbm>>) target(%dma_start3A_35 : memref<64x128xf32, #tpu.memory_space<vmem>>) offsets(%dma_start3A_38 : memref<64xi32, #tpu.memory_space<vmem>>) semaphore(%arg13 : memref<!tpu.dma_semaphore, #tpu.memory_space<semaphore_mem>>)
    %dma_start3A_42 = arith.constant 3 : i32
    %dma_start3A_43 = arith.constant 3 : i32
    %dma_start3A_44 = arith.constant 0 : i32
    %dma_start3A_45 = arith.constant 0 : i32
    %dma_start3A_46 = tpu.memref_slice %arg9[%dma_start3A_43, %dma_start3A_44, %dma_start3A_45] : memref<4x64x128xf32, #tpu.memory_space<vmem>> -> memref<1x64x128xf32, #tpu.memory_space<vmem>>
    %dma_start3A_47 = tpu.memref_squeeze %dma_start3A_46 : memref<1x64x128xf32, #tpu.memory_space<vmem>> -> memref<64x128xf32, #tpu.memory_space<vmem>>
    %dma_start3A_48 = arith.constant 0 : i32
    %dma_start3A_49 = tpu.memref_slice %arg7[%dma_start3A_42, %dma_start3A_48] : memref<40x64xi32, #tpu.memory_space<vmem>> -> memref<1x64xi32, #tpu.memory_space<vmem>>
    %dma_start3A_50 = tpu.memref_squeeze %dma_start3A_49 : memref<1x64xi32, #tpu.memory_space<vmem>> -> memref<64xi32, #tpu.memory_space<vmem>>
    %dma_start3A_51 = arith.constant 0 : i32
    %dma_start3A_52 = arith.constant 0 : i32
    %dma_start3A_53 = tpu.memref_slice %arg4[%dma_start3A_51, %dma_start3A_52] : memref<10112x128xf32, #tpu.memory_space<hbm>> -> memref<10112x128xf32, #tpu.memory_space<hbm>>
    tpu.enqueue_indirect_dma source(%dma_start3A_53 : memref<10112x128xf32, #tpu.memory_space<hbm>>) target(%dma_start3A_47 : memref<64x128xf32, #tpu.memory_space<vmem>>) offsets(%dma_start3A_50 : memref<64xi32, #tpu.memory_space<vmem>>) semaphore(%arg14 : memref<!tpu.dma_semaphore, #tpu.memory_space<semaphore_mem>>)
    %scan3A = arith.constant 0 : i32
    %scan3A_54 = arith.constant 10 : i32
    %scan3A_55 = arith.addi %scan3A, %scan3A_54 : i32
    %scan3A_56 = arith.constant 1 : i32
    scf.for %scan3A_215 = %scan3A to %scan3A_55 step %scan3A_56  : i32 {
      %mul3A_216 = arith.constant 4 : i32
      %mul3A_217 = arith.muli %mul3A_216, %scan3A_215 : i32
      %add3A_218 = arith.constant 0 : i32
      %add3A_219 = arith.addi %mul3A_217, %add3A_218 : i32
      %dma_wait3A_220 = arith.constant 0 : i32
      %dma_wait3A_221 = arith.constant 0 : i32
      %dma_wait3A_222 = arith.constant 0 : i32
      %dma_wait3A_223 = arith.constant 0 : i32
      %dma_wait3A_224 = tpu.memref_slice %arg9[%dma_wait3A_221, %dma_wait3A_222, %dma_wait3A_223] : memref<4x64x128xf32, #tpu.memory_space<vmem>> -> memref<1x64x128xf32, #tpu.memory_space<vmem>>
      %dma_wait3A_225 = tpu.memref_squeeze %dma_wait3A_224 : memref<1x64x128xf32, #tpu.memory_space<vmem>> -> memref<64x128xf32, #tpu.memory_space<vmem>>
      %dma_wait3A_226 = arith.constant 0 : i32
      %dma_wait3A_227 = tpu.memref_slice %arg7[%dma_wait3A_220, %dma_wait3A_226] : memref<40x64xi32, #tpu.memory_space<vmem>> -> memref<1x64xi32, #tpu.memory_space<vmem>>
      %dma_wait3A_228 = tpu.memref_squeeze %dma_wait3A_227 : memref<1x64xi32, #tpu.memory_space<vmem>> -> memref<64xi32, #tpu.memory_space<vmem>>
      %dma_wait3A_229 = arith.constant 0 : i32
      %dma_wait3A_230 = arith.constant 0 : i32
      %dma_wait3A_231 = tpu.memref_slice %arg4[%dma_wait3A_229, %dma_wait3A_230] : memref<10112x128xf32, #tpu.memory_space<hbm>> -> memref<10112x128xf32, #tpu.memory_space<hbm>>
      tpu.wait_indirect_dma semaphore(%arg11 : memref<!tpu.dma_semaphore, #tpu.memory_space<semaphore_mem>>) src(%dma_wait3A_231 : memref<10112x128xf32, #tpu.memory_space<hbm>>) dst(%dma_wait3A_225 : memref<64x128xf32, #tpu.memory_space<vmem>>)
      %dma_start3A_232 = arith.constant 0 : i32
      %dma_start3A_233 = arith.constant 0 : i32
      %dma_start3A_234 = arith.constant 0 : i32
      %dma_start3A_235 = tpu.memref_slice %arg9[%dma_start3A_232, %dma_start3A_233, %dma_start3A_234] : memref<4x64x128xf32, #tpu.memory_space<vmem>> -> memref<1x64x128xf32, #tpu.memory_space<vmem>>
      %dma_start3A_236 = tpu.memref_squeeze %dma_start3A_235 : memref<1x64x128xf32, #tpu.memory_space<vmem>> -> memref<64x128xf32, #tpu.memory_space<vmem>>
      %dma_start3A_237 = arith.constant 0 : i32
      %dma_start3A_238 = tpu.memref_slice %arg8[%add3A_219, %dma_start3A_237] : memref<40x64xi32, #tpu.memory_space<vmem>> -> memref<1x64xi32, #tpu.memory_space<vmem>>
      %dma_start3A_239 = tpu.memref_squeeze %dma_start3A_238 : memref<1x64xi32, #tpu.memory_space<vmem>> -> memref<64xi32, #tpu.memory_space<vmem>>
      %dma_start3A_240 = arith.constant 0 : i32
      %dma_start3A_241 = arith.constant 0 : i32
      %dma_start3A_242 = tpu.memref_slice %arg10[%dma_start3A_240, %dma_start3A_241] : memref<10112x128xf32, #tpu.memory_space<vmem_shared>> -> memref<10112x128xf32, #tpu.memory_space<vmem_shared>>
      tpu.enqueue_indirect_dma source(%dma_start3A_236 : memref<64x128xf32, #tpu.memory_space<vmem>>) target(%dma_start3A_242 : memref<10112x128xf32, #tpu.memory_space<vmem_shared>>) offsets(%dma_start3A_239 : memref<64xi32, #tpu.memory_space<vmem>>) semaphore(%arg15 : memref<!tpu.dma_semaphore, #tpu.memory_space<semaphore_mem>>) {add = true}
      %mul3A_243 = arith.constant 4 : i32
      %mul3A_244 = arith.muli %mul3A_243, %scan3A_215 : i32
      %add3A_245 = arith.constant 1 : i32
      %add3A_246 = arith.addi %mul3A_244, %add3A_245 : i32
      %dma_wait3A_247 = arith.constant 0 : i32
      %dma_wait3A_248 = arith.constant 1 : i32
      %dma_wait3A_249 = arith.constant 0 : i32
      %dma_wait3A_250 = arith.constant 0 : i32
      %dma_wait3A_251 = tpu.memref_slice %arg9[%dma_wait3A_248, %dma_wait3A_249, %dma_wait3A_250] : memref<4x64x128xf32, #tpu.memory_space<vmem>> -> memref<1x64x128xf32, #tpu.memory_space<vmem>>
      %dma_wait3A_252 = tpu.memref_squeeze %dma_wait3A_251 : memref<1x64x128xf32, #tpu.memory_space<vmem>> -> memref<64x128xf32, #tpu.memory_space<vmem>>
      %dma_wait3A_253 = arith.constant 0 : i32
      %dma_wait3A_254 = tpu.memref_slice %arg7[%dma_wait3A_247, %dma_wait3A_253] : memref<40x64xi32, #tpu.memory_space<vmem>> -> memref<1x64xi32, #tpu.memory_space<vmem>>
      %dma_wait3A_255 = tpu.memref_squeeze %dma_wait3A_254 : memref<1x64xi32, #tpu.memory_space<vmem>> -> memref<64xi32, #tpu.memory_space<vmem>>
      %dma_wait3A_256 = arith.constant 0 : i32
      %dma_wait3A_257 = arith.constant 0 : i32
      %dma_wait3A_258 = tpu.memref_slice %arg4[%dma_wait3A_256, %dma_wait3A_257] : memref<10112x128xf32, #tpu.memory_space<hbm>> -> memref<10112x128xf32, #tpu.memory_space<hbm>>
      tpu.wait_indirect_dma semaphore(%arg12 : memref<!tpu.dma_semaphore, #tpu.memory_space<semaphore_mem>>) src(%dma_wait3A_258 : memref<10112x128xf32, #tpu.memory_space<hbm>>) dst(%dma_wait3A_252 : memref<64x128xf32, #tpu.memory_space<vmem>>)
      %dma_start3A_259 = arith.constant 1 : i32
      %dma_start3A_260 = arith.constant 0 : i32
      %dma_start3A_261 = arith.constant 0 : i32
      %dma_start3A_262 = tpu.memref_slice %arg9[%dma_start3A_259, %dma_start3A_260, %dma_start3A_261] : memref<4x64x128xf32, #tpu.memory_space<vmem>> -> memref<1x64x128xf32, #tpu.memory_space<vmem>>
      %dma_start3A_263 = tpu.memref_squeeze %dma_start3A_262 : memref<1x64x128xf32, #tpu.memory_space<vmem>> -> memref<64x128xf32, #tpu.memory_space<vmem>>
      %dma_start3A_264 = arith.constant 0 : i32
      %dma_start3A_265 = tpu.memref_slice %arg8[%add3A_246, %dma_start3A_264] : memref<40x64xi32, #tpu.memory_space<vmem>> -> memref<1x64xi32, #tpu.memory_space<vmem>>
      %dma_start3A_266 = tpu.memref_squeeze %dma_start3A_265 : memref<1x64xi32, #tpu.memory_space<vmem>> -> memref<64xi32, #tpu.memory_space<vmem>>
      %dma_start3A_267 = arith.constant 0 : i32
      %dma_start3A_268 = arith.constant 0 : i32
      %dma_start3A_269 = tpu.memref_slice %arg10[%dma_start3A_267, %dma_start3A_268] : memref<10112x128xf32, #tpu.memory_space<vmem_shared>> -> memref<10112x128xf32, #tpu.memory_space<vmem_shared>>
      tpu.enqueue_indirect_dma source(%dma_start3A_263 : memref<64x128xf32, #tpu.memory_space<vmem>>) target(%dma_start3A_269 : memref<10112x128xf32, #tpu.memory_space<vmem_shared>>) offsets(%dma_start3A_266 : memref<64xi32, #tpu.memory_space<vmem>>) semaphore(%arg16 : memref<!tpu.dma_semaphore, #tpu.memory_space<semaphore_mem>>) {add = true}
      %mul3A_270 = arith.constant 4 : i32
      %mul3A_271 = arith.muli %mul3A_270, %scan3A_215 : i32
      %add3A_272 = arith.constant 2 : i32
      %add3A_273 = arith.addi %mul3A_271, %add3A_272 : i32
      %dma_wait3A_274 = arith.constant 0 : i32
      %dma_wait3A_275 = arith.constant 2 : i32
      %dma_wait3A_276 = arith.constant 0 : i32
      %dma_wait3A_277 = arith.constant 0 : i32
      %dma_wait3A_278 = tpu.memref_slice %arg9[%dma_wait3A_275, %dma_wait3A_276, %dma_wait3A_277] : memref<4x64x128xf32, #tpu.memory_space<vmem>> -> memref<1x64x128xf32, #tpu.memory_space<vmem>>
      %dma_wait3A_279 = tpu.memref_squeeze %dma_wait3A_278 : memref<1x64x128xf32, #tpu.memory_space<vmem>> -> memref<64x128xf32, #tpu.memory_space<vmem>>
      %dma_wait3A_280 = arith.constant 0 : i32
      %dma_wait3A_281 = tpu.memref_slice %arg7[%dma_wait3A_274, %dma_wait3A_280] : memref<40x64xi32, #tpu.memory_space<vmem>> -> memref<1x64xi32, #tpu.memory_space<vmem>>
      %dma_wait3A_282 = tpu.memref_squeeze %dma_wait3A_281 : memref<1x64xi32, #tpu.memory_space<vmem>> -> memref<64xi32, #tpu.memory_space<vmem>>
      %dma_wait3A_283 = arith.constant 0 : i32
      %dma_wait3A_284 = arith.constant 0 : i32
      %dma_wait3A_285 = tpu.memref_slice %arg4[%dma_wait3A_283, %dma_wait3A_284] : memref<10112x128xf32, #tpu.memory_space<hbm>> -> memref<10112x128xf32, #tpu.memory_space<hbm>>
      tpu.wait_indirect_dma semaphore(%arg13 : memref<!tpu.dma_semaphore, #tpu.memory_space<semaphore_mem>>) src(%dma_wait3A_285 : memref<10112x128xf32, #tpu.memory_space<hbm>>) dst(%dma_wait3A_279 : memref<64x128xf32, #tpu.memory_space<vmem>>)
      %dma_start3A_286 = arith.constant 2 : i32
      %dma_start3A_287 = arith.constant 0 : i32
      %dma_start3A_288 = arith.constant 0 : i32
      %dma_start3A_289 = tpu.memref_slice %arg9[%dma_start3A_286, %dma_start3A_287, %dma_start3A_288] : memref<4x64x128xf32, #tpu.memory_space<vmem>> -> memref<1x64x128xf32, #tpu.memory_space<vmem>>
      %dma_start3A_290 = tpu.memref_squeeze %dma_start3A_289 : memref<1x64x128xf32, #tpu.memory_space<vmem>> -> memref<64x128xf32, #tpu.memory_space<vmem>>
      %dma_start3A_291 = arith.constant 0 : i32
      %dma_start3A_292 = tpu.memref_slice %arg8[%add3A_273, %dma_start3A_291] : memref<40x64xi32, #tpu.memory_space<vmem>> -> memref<1x64xi32, #tpu.memory_space<vmem>>
      %dma_start3A_293 = tpu.memref_squeeze %dma_start3A_292 : memref<1x64xi32, #tpu.memory_space<vmem>> -> memref<64xi32, #tpu.memory_space<vmem>>
      %dma_start3A_294 = arith.constant 0 : i32
      %dma_start3A_295 = arith.constant 0 : i32
      %dma_start3A_296 = tpu.memref_slice %arg10[%dma_start3A_294, %dma_start3A_295] : memref<10112x128xf32, #tpu.memory_space<vmem_shared>> -> memref<10112x128xf32, #tpu.memory_space<vmem_shared>>
      tpu.enqueue_indirect_dma source(%dma_start3A_290 : memref<64x128xf32, #tpu.memory_space<vmem>>) target(%dma_start3A_296 : memref<10112x128xf32, #tpu.memory_space<vmem_shared>>) offsets(%dma_start3A_293 : memref<64xi32, #tpu.memory_space<vmem>>) semaphore(%arg17 : memref<!tpu.dma_semaphore, #tpu.memory_space<semaphore_mem>>) {add = true}
      %mul3A_297 = arith.constant 4 : i32
      %mul3A_298 = arith.muli %mul3A_297, %scan3A_215 : i32
      %add3A_299 = arith.constant 3 : i32
      %add3A_300 = arith.addi %mul3A_298, %add3A_299 : i32
      %dma_wait3A_301 = arith.constant 0 : i32
      %dma_wait3A_302 = arith.constant 3 : i32
      %dma_wait3A_303 = arith.constant 0 : i32
      %dma_wait3A_304 = arith.constant 0 : i32
      %dma_wait3A_305 = tpu.memref_slice %arg9[%dma_wait3A_302, %dma_wait3A_303, %dma_wait3A_304] : memref<4x64x128xf32, #tpu.memory_space<vmem>> -> memref<1x64x128xf32, #tpu.memory_space<vmem>>
      %dma_wait3A_306 = tpu.memref_squeeze %dma_wait3A_305 : memref<1x64x128xf32, #tpu.memory_space<vmem>> -> memref<64x128xf32, #tpu.memory_space<vmem>>
      %dma_wait3A_307 = arith.constant 0 : i32
      %dma_wait3A_308 = tpu.memref_slice %arg7[%dma_wait3A_301, %dma_wait3A_307] : memref<40x64xi32, #tpu.memory_space<vmem>> -> memref<1x64xi32, #tpu.memory_space<vmem>>
      %dma_wait3A_309 = tpu.memref_squeeze %dma_wait3A_308 : memref<1x64xi32, #tpu.memory_space<vmem>> -> memref<64xi32, #tpu.memory_space<vmem>>
      %dma_wait3A_310 = arith.constant 0 : i32
      %dma_wait3A_311 = arith.constant 0 : i32
      %dma_wait3A_312 = tpu.memref_slice %arg4[%dma_wait3A_310, %dma_wait3A_311] : memref<10112x128xf32, #tpu.memory_space<hbm>> -> memref<10112x128xf32, #tpu.memory_space<hbm>>
      tpu.wait_indirect_dma semaphore(%arg14 : memref<!tpu.dma_semaphore, #tpu.memory_space<semaphore_mem>>) src(%dma_wait3A_312 : memref<10112x128xf32, #tpu.memory_space<hbm>>) dst(%dma_wait3A_306 : memref<64x128xf32, #tpu.memory_space<vmem>>)
      %dma_start3A_313 = arith.constant 3 : i32
      %dma_start3A_314 = arith.constant 0 : i32
      %dma_start3A_315 = arith.constant 0 : i32
      %dma_start3A_316 = tpu.memref_slice %arg9[%dma_start3A_313, %dma_start3A_314, %dma_start3A_315] : memref<4x64x128xf32, #tpu.memory_space<vmem>> -> memref<1x64x128xf32, #tpu.memory_space<vmem>>
      %dma_start3A_317 = tpu.memref_squeeze %dma_start3A_316 : memref<1x64x128xf32, #tpu.memory_space<vmem>> -> memref<64x128xf32, #tpu.memory_space<vmem>>
      %dma_start3A_318 = arith.constant 0 : i32
      %dma_start3A_319 = tpu.memref_slice %arg8[%add3A_300, %dma_start3A_318] : memref<40x64xi32, #tpu.memory_space<vmem>> -> memref<1x64xi32, #tpu.memory_space<vmem>>
      %dma_start3A_320 = tpu.memref_squeeze %dma_start3A_319 : memref<1x64xi32, #tpu.memory_space<vmem>> -> memref<64xi32, #tpu.memory_space<vmem>>
      %dma_start3A_321 = arith.constant 0 : i32
      %dma_start3A_322 = arith.constant 0 : i32
      %dma_start3A_323 = tpu.memref_slice %arg10[%dma_start3A_321, %dma_start3A_322] : memref<10112x128xf32, #tpu.memory_space<vmem_shared>> -> memref<10112x128xf32, #tpu.memory_space<vmem_shared>>
      tpu.enqueue_indirect_dma source(%dma_start3A_317 : memref<64x128xf32, #tpu.memory_space<vmem>>) target(%dma_start3A_323 : memref<10112x128xf32, #tpu.memory_space<vmem_shared>>) offsets(%dma_start3A_320 : memref<64xi32, #tpu.memory_space<vmem>>) semaphore(%arg18 : memref<!tpu.dma_semaphore, #tpu.memory_space<semaphore_mem>>) {add = true}
      %lt3A = arith.constant 9 : i32
      %lt3A_324 = arith.cmpi slt, %scan3A_215, %lt3A : i32
      %convert_element_type3A = arith.extui %lt3A_324 : i1 to i32
      %cond3A = arith.constant 0 : i32
      %cond3A_325 = arith.cmpi ne, %convert_element_type3A, %cond3A : i32
      scf.if %cond3A_325 {
        %dma_wait3A_341 = arith.constant 0 : i32
        %dma_wait3A_342 = arith.constant 0 : i32
        %dma_wait3A_343 = arith.constant 0 : i32
        %dma_wait3A_344 = arith.constant 0 : i32
        %dma_wait3A_345 = tpu.memref_slice %arg9[%dma_wait3A_341, %dma_wait3A_343, %dma_wait3A_344] : memref<4x64x128xf32, #tpu.memory_space<vmem>> -> memref<1x64x128xf32, #tpu.memory_space<vmem>>
        %dma_wait3A_346 = tpu.memref_squeeze %dma_wait3A_345 : memref<1x64x128xf32, #tpu.memory_space<vmem>> -> memref<64x128xf32, #tpu.memory_space<vmem>>
        %dma_wait3A_347 = arith.constant 0 : i32
        %dma_wait3A_348 = tpu.memref_slice %arg8[%dma_wait3A_342, %dma_wait3A_347] : memref<40x64xi32, #tpu.memory_space<vmem>> -> memref<1x64xi32, #tpu.memory_space<vmem>>
        %dma_wait3A_349 = tpu.memref_squeeze %dma_wait3A_348 : memref<1x64xi32, #tpu.memory_space<vmem>> -> memref<64xi32, #tpu.memory_space<vmem>>
        %dma_wait3A_350 = arith.constant 0 : i32
        %dma_wait3A_351 = arith.constant 0 : i32
        %dma_wait3A_352 = tpu.memref_slice %arg10[%dma_wait3A_350, %dma_wait3A_351] : memref<10112x128xf32, #tpu.memory_space<vmem_shared>> -> memref<10112x128xf32, #tpu.memory_space<vmem_shared>>
        tpu.wait_indirect_dma semaphore(%arg15 : memref<!tpu.dma_semaphore, #tpu.memory_space<semaphore_mem>>) src(%dma_wait3A_346 : memref<64x128xf32, #tpu.memory_space<vmem>>) dst(%dma_wait3A_352 : memref<10112x128xf32, #tpu.memory_space<vmem_shared>>)
        %add3A_353 = arith.constant 1 : i32
        %add3A_354 = arith.addi %scan3A_215, %add3A_353 : i32
        %mul3A_355 = arith.constant 4 : i32
        %mul3A_356 = arith.muli %mul3A_355, %add3A_354 : i32
        %add3A_357 = arith.constant 0 : i32
        %add3A_358 = arith.addi %mul3A_356, %add3A_357 : i32
        %dma_start3A_359 = arith.constant 0 : i32
        %dma_start3A_360 = arith.constant 0 : i32
        %dma_start3A_361 = arith.constant 0 : i32
        %dma_start3A_362 = tpu.memref_slice %arg9[%dma_start3A_359, %dma_start3A_360, %dma_start3A_361] : memref<4x64x128xf32, #tpu.memory_space<vmem>> -> memref<1x64x128xf32, #tpu.memory_space<vmem>>
        %dma_start3A_363 = tpu.memref_squeeze %dma_start3A_362 : memref<1x64x128xf32, #tpu.memory_space<vmem>> -> memref<64x128xf32, #tpu.memory_space<vmem>>
        %dma_start3A_364 = arith.constant 0 : i32
        %dma_start3A_365 = tpu.memref_slice %arg7[%add3A_358, %dma_start3A_364] : memref<40x64xi32, #tpu.memory_space<vmem>> -> memref<1x64xi32, #tpu.memory_space<vmem>>
        %dma_start3A_366 = tpu.memref_squeeze %dma_start3A_365 : memref<1x64xi32, #tpu.memory_space<vmem>> -> memref<64xi32, #tpu.memory_space<vmem>>
        %dma_start3A_367 = arith.constant 0 : i32
        %dma_start3A_368 = arith.constant 0 : i32
        %dma_start3A_369 = tpu.memref_slice %arg4[%dma_start3A_367, %dma_start3A_368] : memref<10112x128xf32, #tpu.memory_space<hbm>> -> memref<10112x128xf32, #tpu.memory_space<hbm>>
        tpu.enqueue_indirect_dma source(%dma_start3A_369 : memref<10112x128xf32, #tpu.memory_space<hbm>>) target(%dma_start3A_363 : memref<64x128xf32, #tpu.memory_space<vmem>>) offsets(%dma_start3A_366 : memref<64xi32, #tpu.memory_space<vmem>>) semaphore(%arg11 : memref<!tpu.dma_semaphore, #tpu.memory_space<semaphore_mem>>)
      } else {
      }
      %lt3A_326 = arith.constant 9 : i32
      %lt3A_327 = arith.cmpi slt, %scan3A_215, %lt3A_326 : i32
      %convert_element_type3A_328 = arith.extui %lt3A_327 : i1 to i32
      %cond3A_329 = arith.constant 0 : i32
      %cond3A_330 = arith.cmpi ne, %convert_element_type3A_328, %cond3A_329 : i32
      scf.if %cond3A_330 {
        %dma_wait3A_341 = arith.constant 1 : i32
        %dma_wait3A_342 = arith.constant 0 : i32
        %dma_wait3A_343 = arith.constant 0 : i32
        %dma_wait3A_344 = arith.constant 0 : i32
        %dma_wait3A_345 = tpu.memref_slice %arg9[%dma_wait3A_341, %dma_wait3A_343, %dma_wait3A_344] : memref<4x64x128xf32, #tpu.memory_space<vmem>> -> memref<1x64x128xf32, #tpu.memory_space<vmem>>
        %dma_wait3A_346 = tpu.memref_squeeze %dma_wait3A_345 : memref<1x64x128xf32, #tpu.memory_space<vmem>> -> memref<64x128xf32, #tpu.memory_space<vmem>>
        %dma_wait3A_347 = arith.constant 0 : i32
        %dma_wait3A_348 = tpu.memref_slice %arg8[%dma_wait3A_342, %dma_wait3A_347] : memref<40x64xi32, #tpu.memory_space<vmem>> -> memref<1x64xi32, #tpu.memory_space<vmem>>
        %dma_wait3A_349 = tpu.memref_squeeze %dma_wait3A_348 : memref<1x64xi32, #tpu.memory_space<vmem>> -> memref<64xi32, #tpu.memory_space<vmem>>
        %dma_wait3A_350 = arith.constant 0 : i32
        %dma_wait3A_351 = arith.constant 0 : i32
        %dma_wait3A_352 = tpu.memref_slice %arg10[%dma_wait3A_350, %dma_wait3A_351] : memref<10112x128xf32, #tpu.memory_space<vmem_shared>> -> memref<10112x128xf32, #tpu.memory_space<vmem_shared>>
        tpu.wait_indirect_dma semaphore(%arg16 : memref<!tpu.dma_semaphore, #tpu.memory_space<semaphore_mem>>) src(%dma_wait3A_346 : memref<64x128xf32, #tpu.memory_space<vmem>>) dst(%dma_wait3A_352 : memref<10112x128xf32, #tpu.memory_space<vmem_shared>>)
        %add3A_353 = arith.constant 1 : i32
        %add3A_354 = arith.addi %scan3A_215, %add3A_353 : i32
        %mul3A_355 = arith.constant 4 : i32
        %mul3A_356 = arith.muli %mul3A_355, %add3A_354 : i32
        %add3A_357 = arith.constant 1 : i32
        %add3A_358 = arith.addi %mul3A_356, %add3A_357 : i32
        %dma_start3A_359 = arith.constant 1 : i32
        %dma_start3A_360 = arith.constant 0 : i32
        %dma_start3A_361 = arith.constant 0 : i32
        %dma_start3A_362 = tpu.memref_slice %arg9[%dma_start3A_359, %dma_start3A_360, %dma_start3A_361] : memref<4x64x128xf32, #tpu.memory_space<vmem>> -> memref<1x64x128xf32, #tpu.memory_space<vmem>>
        %dma_start3A_363 = tpu.memref_squeeze %dma_start3A_362 : memref<1x64x128xf32, #tpu.memory_space<vmem>> -> memref<64x128xf32, #tpu.memory_space<vmem>>
        %dma_start3A_364 = arith.constant 0 : i32
        %dma_start3A_365 = tpu.memref_slice %arg7[%add3A_358, %dma_start3A_364] : memref<40x64xi32, #tpu.memory_space<vmem>> -> memref<1x64xi32, #tpu.memory_space<vmem>>
        %dma_start3A_366 = tpu.memref_squeeze %dma_start3A_365 : memref<1x64xi32, #tpu.memory_space<vmem>> -> memref<64xi32, #tpu.memory_space<vmem>>
        %dma_start3A_367 = arith.constant 0 : i32
        %dma_start3A_368 = arith.constant 0 : i32
        %dma_start3A_369 = tpu.memref_slice %arg4[%dma_start3A_367, %dma_start3A_368] : memref<10112x128xf32, #tpu.memory_space<hbm>> -> memref<10112x128xf32, #tpu.memory_space<hbm>>
        tpu.enqueue_indirect_dma source(%dma_start3A_369 : memref<10112x128xf32, #tpu.memory_space<hbm>>) target(%dma_start3A_363 : memref<64x128xf32, #tpu.memory_space<vmem>>) offsets(%dma_start3A_366 : memref<64xi32, #tpu.memory_space<vmem>>) semaphore(%arg12 : memref<!tpu.dma_semaphore, #tpu.memory_space<semaphore_mem>>)
      } else {
      }
      %lt3A_331 = arith.constant 9 : i32
      %lt3A_332 = arith.cmpi slt, %scan3A_215, %lt3A_331 : i32
      %convert_element_type3A_333 = arith.extui %lt3A_332 : i1 to i32
      %cond3A_334 = arith.constant 0 : i32
      %cond3A_335 = arith.cmpi ne, %convert_element_type3A_333, %cond3A_334 : i32
      scf.if %cond3A_335 {
        %dma_wait3A_341 = arith.constant 2 : i32
        %dma_wait3A_342 = arith.constant 0 : i32
        %dma_wait3A_343 = arith.constant 0 : i32
        %dma_wait3A_344 = arith.constant 0 : i32
        %dma_wait3A_345 = tpu.memref_slice %arg9[%dma_wait3A_341, %dma_wait3A_343, %dma_wait3A_344] : memref<4x64x128xf32, #tpu.memory_space<vmem>> -> memref<1x64x128xf32, #tpu.memory_space<vmem>>
        %dma_wait3A_346 = tpu.memref_squeeze %dma_wait3A_345 : memref<1x64x128xf32, #tpu.memory_space<vmem>> -> memref<64x128xf32, #tpu.memory_space<vmem>>
        %dma_wait3A_347 = arith.constant 0 : i32
        %dma_wait3A_348 = tpu.memref_slice %arg8[%dma_wait3A_342, %dma_wait3A_347] : memref<40x64xi32, #tpu.memory_space<vmem>> -> memref<1x64xi32, #tpu.memory_space<vmem>>
        %dma_wait3A_349 = tpu.memref_squeeze %dma_wait3A_348 : memref<1x64xi32, #tpu.memory_space<vmem>> -> memref<64xi32, #tpu.memory_space<vmem>>
        %dma_wait3A_350 = arith.constant 0 : i32
        %dma_wait3A_351 = arith.constant 0 : i32
        %dma_wait3A_352 = tpu.memref_slice %arg10[%dma_wait3A_350, %dma_wait3A_351] : memref<10112x128xf32, #tpu.memory_space<vmem_shared>> -> memref<10112x128xf32, #tpu.memory_space<vmem_shared>>
        tpu.wait_indirect_dma semaphore(%arg17 : memref<!tpu.dma_semaphore, #tpu.memory_space<semaphore_mem>>) src(%dma_wait3A_346 : memref<64x128xf32, #tpu.memory_space<vmem>>) dst(%dma_wait3A_352 : memref<10112x128xf32, #tpu.memory_space<vmem_shared>>)
        %add3A_353 = arith.constant 1 : i32
        %add3A_354 = arith.addi %scan3A_215, %add3A_353 : i32
        %mul3A_355 = arith.constant 4 : i32
        %mul3A_356 = arith.muli %mul3A_355, %add3A_354 : i32
        %add3A_357 = arith.constant 2 : i32
        %add3A_358 = arith.addi %mul3A_356, %add3A_357 : i32
        %dma_start3A_359 = arith.constant 2 : i32
        %dma_start3A_360 = arith.constant 0 : i32
        %dma_start3A_361 = arith.constant 0 : i32
        %dma_start3A_362 = tpu.memref_slice %arg9[%dma_start3A_359, %dma_start3A_360, %dma_start3A_361] : memref<4x64x128xf32, #tpu.memory_space<vmem>> -> memref<1x64x128xf32, #tpu.memory_space<vmem>>
        %dma_start3A_363 = tpu.memref_squeeze %dma_start3A_362 : memref<1x64x128xf32, #tpu.memory_space<vmem>> -> memref<64x128xf32, #tpu.memory_space<vmem>>
        %dma_start3A_364 = arith.constant 0 : i32
        %dma_start3A_365 = tpu.memref_slice %arg7[%add3A_358, %dma_start3A_364] : memref<40x64xi32, #tpu.memory_space<vmem>> -> memref<1x64xi32, #tpu.memory_space<vmem>>
        %dma_start3A_366 = tpu.memref_squeeze %dma_start3A_365 : memref<1x64xi32, #tpu.memory_space<vmem>> -> memref<64xi32, #tpu.memory_space<vmem>>
        %dma_start3A_367 = arith.constant 0 : i32
        %dma_start3A_368 = arith.constant 0 : i32
        %dma_start3A_369 = tpu.memref_slice %arg4[%dma_start3A_367, %dma_start3A_368] : memref<10112x128xf32, #tpu.memory_space<hbm>> -> memref<10112x128xf32, #tpu.memory_space<hbm>>
        tpu.enqueue_indirect_dma source(%dma_start3A_369 : memref<10112x128xf32, #tpu.memory_space<hbm>>) target(%dma_start3A_363 : memref<64x128xf32, #tpu.memory_space<vmem>>) offsets(%dma_start3A_366 : memref<64xi32, #tpu.memory_space<vmem>>) semaphore(%arg13 : memref<!tpu.dma_semaphore, #tpu.memory_space<semaphore_mem>>)
      } else {
      }
      %lt3A_336 = arith.constant 9 : i32
      %lt3A_337 = arith.cmpi slt, %scan3A_215, %lt3A_336 : i32
      %convert_element_type3A_338 = arith.extui %lt3A_337 : i1 to i32
      %cond3A_339 = arith.constant 0 : i32
      %cond3A_340 = arith.cmpi ne, %convert_element_type3A_338, %cond3A_339 : i32
      scf.if %cond3A_340 {
        %dma_wait3A_341 = arith.constant 3 : i32
        %dma_wait3A_342 = arith.constant 0 : i32
        %dma_wait3A_343 = arith.constant 0 : i32
        %dma_wait3A_344 = arith.constant 0 : i32
        %dma_wait3A_345 = tpu.memref_slice %arg9[%dma_wait3A_341, %dma_wait3A_343, %dma_wait3A_344] : memref<4x64x128xf32, #tpu.memory_space<vmem>> -> memref<1x64x128xf32, #tpu.memory_space<vmem>>
        %dma_wait3A_346 = tpu.memref_squeeze %dma_wait3A_345 : memref<1x64x128xf32, #tpu.memory_space<vmem>> -> memref<64x128xf32, #tpu.memory_space<vmem>>
        %dma_wait3A_347 = arith.constant 0 : i32
        %dma_wait3A_348 = tpu.memref_slice %arg8[%dma_wait3A_342, %dma_wait3A_347] : memref<40x64xi32, #tpu.memory_space<vmem>> -> memref<1x64xi32, #tpu.memory_space<vmem>>
        %dma_wait3A_349 = tpu.memref_squeeze %dma_wait3A_348 : memref<1x64xi32, #tpu.memory_space<vmem>> -> memref<64xi32, #tpu.memory_space<vmem>>
        %dma_wait3A_350 = arith.constant 0 : i32
        %dma_wait3A_351 = arith.constant 0 : i32
        %dma_wait3A_352 = tpu.memref_slice %arg10[%dma_wait3A_350, %dma_wait3A_351] : memref<10112x128xf32, #tpu.memory_space<vmem_shared>> -> memref<10112x128xf32, #tpu.memory_space<vmem_shared>>
        tpu.wait_indirect_dma semaphore(%arg18 : memref<!tpu.dma_semaphore, #tpu.memory_space<semaphore_mem>>) src(%dma_wait3A_346 : memref<64x128xf32, #tpu.memory_space<vmem>>) dst(%dma_wait3A_352 : memref<10112x128xf32, #tpu.memory_space<vmem_shared>>)
        %add3A_353 = arith.constant 1 : i32
        %add3A_354 = arith.addi %scan3A_215, %add3A_353 : i32
        %mul3A_355 = arith.constant 4 : i32
        %mul3A_356 = arith.muli %mul3A_355, %add3A_354 : i32
        %add3A_357 = arith.constant 3 : i32
        %add3A_358 = arith.addi %mul3A_356, %add3A_357 : i32
        %dma_start3A_359 = arith.constant 3 : i32
        %dma_start3A_360 = arith.constant 0 : i32
        %dma_start3A_361 = arith.constant 0 : i32
        %dma_start3A_362 = tpu.memref_slice %arg9[%dma_start3A_359, %dma_start3A_360, %dma_start3A_361] : memref<4x64x128xf32, #tpu.memory_space<vmem>> -> memref<1x64x128xf32, #tpu.memory_space<vmem>>
        %dma_start3A_363 = tpu.memref_squeeze %dma_start3A_362 : memref<1x64x128xf32, #tpu.memory_space<vmem>> -> memref<64x128xf32, #tpu.memory_space<vmem>>
        %dma_start3A_364 = arith.constant 0 : i32
        %dma_start3A_365 = tpu.memref_slice %arg7[%add3A_358, %dma_start3A_364] : memref<40x64xi32, #tpu.memory_space<vmem>> -> memref<1x64xi32, #tpu.memory_space<vmem>>
        %dma_start3A_366 = tpu.memref_squeeze %dma_start3A_365 : memref<1x64xi32, #tpu.memory_space<vmem>> -> memref<64xi32, #tpu.memory_space<vmem>>
        %dma_start3A_367 = arith.constant 0 : i32
        %dma_start3A_368 = arith.constant 0 : i32
        %dma_start3A_369 = tpu.memref_slice %arg4[%dma_start3A_367, %dma_start3A_368] : memref<10112x128xf32, #tpu.memory_space<hbm>> -> memref<10112x128xf32, #tpu.memory_space<hbm>>
        tpu.enqueue_indirect_dma source(%dma_start3A_369 : memref<10112x128xf32, #tpu.memory_space<hbm>>) target(%dma_start3A_363 : memref<64x128xf32, #tpu.memory_space<vmem>>) offsets(%dma_start3A_366 : memref<64xi32, #tpu.memory_space<vmem>>) semaphore(%arg14 : memref<!tpu.dma_semaphore, #tpu.memory_space<semaphore_mem>>)
      } else {
      }
    }
    %scan3A_57 = arith.constant 10 : i32
    %dma_wait3A = arith.constant 0 : i32
    %dma_wait3A_58 = arith.constant 0 : i32
    %dma_wait3A_59 = arith.constant 0 : i32
    %dma_wait3A_60 = arith.constant 0 : i32
    %dma_wait3A_61 = tpu.memref_slice %arg9[%dma_wait3A, %dma_wait3A_59, %dma_wait3A_60] : memref<4x64x128xf32, #tpu.memory_space<vmem>> -> memref<1x64x128xf32, #tpu.memory_space<vmem>>
    %dma_wait3A_62 = tpu.memref_squeeze %dma_wait3A_61 : memref<1x64x128xf32, #tpu.memory_space<vmem>> -> memref<64x128xf32, #tpu.memory_space<vmem>>
    %dma_wait3A_63 = arith.constant 0 : i32
    %dma_wait3A_64 = tpu.memref_slice %arg8[%dma_wait3A_58, %dma_wait3A_63] : memref<40x64xi32, #tpu.memory_space<vmem>> -> memref<1x64xi32, #tpu.memory_space<vmem>>
    %dma_wait3A_65 = tpu.memref_squeeze %dma_wait3A_64 : memref<1x64xi32, #tpu.memory_space<vmem>> -> memref<64xi32, #tpu.memory_space<vmem>>
    %dma_wait3A_66 = arith.constant 0 : i32
    %dma_wait3A_67 = arith.constant 0 : i32
    %dma_wait3A_68 = tpu.memref_slice %arg10[%dma_wait3A_66, %dma_wait3A_67] : memref<10112x128xf32, #tpu.memory_space<vmem_shared>> -> memref<10112x128xf32, #tpu.memory_space<vmem_shared>>
    tpu.wait_indirect_dma semaphore(%arg15 : memref<!tpu.dma_semaphore, #tpu.memory_space<semaphore_mem>>) src(%dma_wait3A_62 : memref<64x128xf32, #tpu.memory_space<vmem>>) dst(%dma_wait3A_68 : memref<10112x128xf32, #tpu.memory_space<vmem_shared>>)
    %dma_wait3A_69 = arith.constant 1 : i32
    %dma_wait3A_70 = arith.constant 0 : i32
    %dma_wait3A_71 = arith.constant 0 : i32
    %dma_wait3A_72 = arith.constant 0 : i32
    %dma_wait3A_73 = tpu.memref_slice %arg9[%dma_wait3A_69, %dma_wait3A_71, %dma_wait3A_72] : memref<4x64x128xf32, #tpu.memory_space<vmem>> -> memref<1x64x128xf32, #tpu.memory_space<vmem>>
    %dma_wait3A_74 = tpu.memref_squeeze %dma_wait3A_73 : memref<1x64x128xf32, #tpu.memory_space<vmem>> -> memref<64x128xf32, #tpu.memory_space<vmem>>
    %dma_wait3A_75 = arith.constant 0 : i32
    %dma_wait3A_76 = tpu.memref_slice %arg8[%dma_wait3A_70, %dma_wait3A_75] : memref<40x64xi32, #tpu.memory_space<vmem>> -> memref<1x64xi32, #tpu.memory_space<vmem>>
    %dma_wait3A_77 = tpu.memref_squeeze %dma_wait3A_76 : memref<1x64xi32, #tpu.memory_space<vmem>> -> memref<64xi32, #tpu.memory_space<vmem>>
    %dma_wait3A_78 = arith.constant 0 : i32
    %dma_wait3A_79 = arith.constant 0 : i32
    %dma_wait3A_80 = tpu.memref_slice %arg10[%dma_wait3A_78, %dma_wait3A_79] : memref<10112x128xf32, #tpu.memory_space<vmem_shared>> -> memref<10112x128xf32, #tpu.memory_space<vmem_shared>>
    tpu.wait_indirect_dma semaphore(%arg16 : memref<!tpu.dma_semaphore, #tpu.memory_space<semaphore_mem>>) src(%dma_wait3A_74 : memref<64x128xf32, #tpu.memory_space<vmem>>) dst(%dma_wait3A_80 : memref<10112x128xf32, #tpu.memory_space<vmem_shared>>)
    %dma_wait3A_81 = arith.constant 2 : i32
    %dma_wait3A_82 = arith.constant 0 : i32
    %dma_wait3A_83 = arith.constant 0 : i32
    %dma_wait3A_84 = arith.constant 0 : i32
    %dma_wait3A_85 = tpu.memref_slice %arg9[%dma_wait3A_81, %dma_wait3A_83, %dma_wait3A_84] : memref<4x64x128xf32, #tpu.memory_space<vmem>> -> memref<1x64x128xf32, #tpu.memory_space<vmem>>
    %dma_wait3A_86 = tpu.memref_squeeze %dma_wait3A_85 : memref<1x64x128xf32, #tpu.memory_space<vmem>> -> memref<64x128xf32, #tpu.memory_space<vmem>>
    %dma_wait3A_87 = arith.constant 0 : i32
    %dma_wait3A_88 = tpu.memref_slice %arg8[%dma_wait3A_82, %dma_wait3A_87] : memref<40x64xi32, #tpu.memory_space<vmem>> -> memref<1x64xi32, #tpu.memory_space<vmem>>
    %dma_wait3A_89 = tpu.memref_squeeze %dma_wait3A_88 : memref<1x64xi32, #tpu.memory_space<vmem>> -> memref<64xi32, #tpu.memory_space<vmem>>
    %dma_wait3A_90 = arith.constant 0 : i32
    %dma_wait3A_91 = arith.constant 0 : i32
    %dma_wait3A_92 = tpu.memref_slice %arg10[%dma_wait3A_90, %dma_wait3A_91] : memref<10112x128xf32, #tpu.memory_space<vmem_shared>> -> memref<10112x128xf32, #tpu.memory_space<vmem_shared>>
    tpu.wait_indirect_dma semaphore(%arg17 : memref<!tpu.dma_semaphore, #tpu.memory_space<semaphore_mem>>) src(%dma_wait3A_86 : memref<64x128xf32, #tpu.memory_space<vmem>>) dst(%dma_wait3A_92 : memref<10112x128xf32, #tpu.memory_space<vmem_shared>>)
    %dma_wait3A_93 = arith.constant 3 : i32
    %dma_wait3A_94 = arith.constant 0 : i32
    %dma_wait3A_95 = arith.constant 0 : i32
    %dma_wait3A_96 = arith.constant 0 : i32
    %dma_wait3A_97 = tpu.memref_slice %arg9[%dma_wait3A_93, %dma_wait3A_95, %dma_wait3A_96] : memref<4x64x128xf32, #tpu.memory_space<vmem>> -> memref<1x64x128xf32, #tpu.memory_space<vmem>>
    %dma_wait3A_98 = tpu.memref_squeeze %dma_wait3A_97 : memref<1x64x128xf32, #tpu.memory_space<vmem>> -> memref<64x128xf32, #tpu.memory_space<vmem>>
    %dma_wait3A_99 = arith.constant 0 : i32
    %dma_wait3A_100 = tpu.memref_slice %arg8[%dma_wait3A_94, %dma_wait3A_99] : memref<40x64xi32, #tpu.memory_space<vmem>> -> memref<1x64xi32, #tpu.memory_space<vmem>>
    %dma_wait3A_101 = tpu.memref_squeeze %dma_wait3A_100 : memref<1x64xi32, #tpu.memory_space<vmem>> -> memref<64xi32, #tpu.memory_space<vmem>>
    %dma_wait3A_102 = arith.constant 0 : i32
    %dma_wait3A_103 = arith.constant 0 : i32
    %dma_wait3A_104 = tpu.memref_slice %arg10[%dma_wait3A_102, %dma_wait3A_103] : memref<10112x128xf32, #tpu.memory_space<vmem_shared>> -> memref<10112x128xf32, #tpu.memory_space<vmem_shared>>
    tpu.wait_indirect_dma semaphore(%arg18 : memref<!tpu.dma_semaphore, #tpu.memory_space<semaphore_mem>>) src(%dma_wait3A_98 : memref<64x128xf32, #tpu.memory_space<vmem>>) dst(%dma_wait3A_104 : memref<10112x128xf32, #tpu.memory_space<vmem_shared>>)
    %mul3A_105 = arith.constant 80 : i32
    %mul3A_106 = arith.muli %add3A, %mul3A_105 : i32
    %add3A_107 = arith.constant 40 : i32
    %add3A_108 = arith.addi %mul3A_106, %add3A_107 : i32
    "tpu.region"() ({
      %run_scoped3A = tpu.sem_alloc : memref<!tpu.dma_semaphore, #tpu.memory_space<semaphore_mem>>
      %dma_start3A_215 = arith.constant 0 : i32
      %dma_start3A_216 = tpu.memref_slice %arg2[%add3A_108, %dma_start3A_215] : memref<2560x64xi32, #tpu.memory_space<hbm>> -> memref<40x64xi32, #tpu.memory_space<hbm>>
      %dma_start3A_217 = arith.constant 0 : i32
      %dma_start3A_218 = tpu.memref_slice %arg2[%add3A_108, %dma_start3A_217] : memref<2560x64xi32, #tpu.memory_space<hbm>> -> memref<40x64xi32, #tpu.memory_space<hbm>>
      tpu.enqueue_dma source(%dma_start3A_218 : memref<40x64xi32, #tpu.memory_space<hbm>>) target(%arg7 : memref<40x64xi32, #tpu.memory_space<vmem>>) target_semaphore(%run_scoped3A : memref<!tpu.dma_semaphore, #tpu.memory_space<semaphore_mem>>)
      %dma_wait3A_219 = arith.constant 0 : i32
      %dma_wait3A_220 = tpu.memref_slice %arg2[%add3A_108, %dma_wait3A_219] : memref<2560x64xi32, #tpu.memory_space<hbm>> -> memref<40x64xi32, #tpu.memory_space<hbm>>
      %dma_wait3A_221 = arith.constant 0 : i32
      %dma_wait3A_222 = tpu.memref_slice %arg2[%add3A_108, %dma_wait3A_221] : memref<2560x64xi32, #tpu.memory_space<hbm>> -> memref<40x64xi32, #tpu.memory_space<hbm>>
      tpu.wait_dma2 semaphore(%run_scoped3A : memref<!tpu.dma_semaphore, #tpu.memory_space<semaphore_mem>>) src(%dma_wait3A_222 : memref<40x64xi32, #tpu.memory_space<hbm>>) dst(%arg7 : memref<40x64xi32, #tpu.memory_space<vmem>>)
      tpu.yield
    }) : () -> ()
    "tpu.region"() ({
      %run_scoped3A = tpu.sem_alloc : memref<!tpu.dma_semaphore, #tpu.memory_space<semaphore_mem>>
      %dma_start3A_215 = arith.constant 0 : i32
      %dma_start3A_216 = tpu.memref_slice %arg3[%add3A_108, %dma_start3A_215] : memref<2560x64xi32, #tpu.memory_space<hbm>> -> memref<40x64xi32, #tpu.memory_space<hbm>>
      %dma_start3A_217 = arith.constant 0 : i32
      %dma_start3A_218 = tpu.memref_slice %arg3[%add3A_108, %dma_start3A_217] : memref<2560x64xi32, #tpu.memory_space<hbm>> -> memref<40x64xi32, #tpu.memory_space<hbm>>
      tpu.enqueue_dma source(%dma_start3A_218 : memref<40x64xi32, #tpu.memory_space<hbm>>) target(%arg8 : memref<40x64xi32, #tpu.memory_space<vmem>>) target_semaphore(%run_scoped3A : memref<!tpu.dma_semaphore, #tpu.memory_space<semaphore_mem>>)
      %dma_wait3A_219 = arith.constant 0 : i32
      %dma_wait3A_220 = tpu.memref_slice %arg3[%add3A_108, %dma_wait3A_219] : memref<2560x64xi32, #tpu.memory_space<hbm>> -> memref<40x64xi32, #tpu.memory_space<hbm>>
      %dma_wait3A_221 = arith.constant 0 : i32
      %dma_wait3A_222 = tpu.memref_slice %arg3[%add3A_108, %dma_wait3A_221] : memref<2560x64xi32, #tpu.memory_space<hbm>> -> memref<40x64xi32, #tpu.memory_space<hbm>>
      tpu.wait_dma2 semaphore(%run_scoped3A : memref<!tpu.dma_semaphore, #tpu.memory_space<semaphore_mem>>) src(%dma_wait3A_222 : memref<40x64xi32, #tpu.memory_space<hbm>>) dst(%arg8 : memref<40x64xi32, #tpu.memory_space<vmem>>)
      tpu.yield
    }) : () -> ()
    %dma_start3A_109 = arith.constant 0 : i32
    %dma_start3A_110 = arith.constant 0 : i32
    %dma_start3A_111 = arith.constant 0 : i32
    %dma_start3A_112 = arith.constant 0 : i32
    %dma_start3A_113 = tpu.memref_slice %arg9[%dma_start3A_110, %dma_start3A_111, %dma_start3A_112] : memref<4x64x128xf32, #tpu.memory_space<vmem>> -> memref<1x64x128xf32, #tpu.memory_space<vmem>>
    %dma_start3A_114 = tpu.memref_squeeze %dma_start3A_113 : memref<1x64x128xf32, #tpu.memory_space<vmem>> -> memref<64x128xf32, #tpu.memory_space<vmem>>
    %dma_start3A_115 = arith.constant 0 : i32
    %dma_start3A_116 = tpu.memref_slice %arg7[%dma_start3A_109, %dma_start3A_115] : memref<40x64xi32, #tpu.memory_space<vmem>> -> memref<1x64xi32, #tpu.memory_space<vmem>>
    %dma_start3A_117 = tpu.memref_squeeze %dma_start3A_116 : memref<1x64xi32, #tpu.memory_space<vmem>> -> memref<64xi32, #tpu.memory_space<vmem>>
    %dma_start3A_118 = arith.constant 0 : i32
    %dma_start3A_119 = arith.constant 0 : i32
    %dma_start3A_120 = tpu.memref_slice %arg4[%dma_start3A_118, %dma_start3A_119] : memref<10112x128xf32, #tpu.memory_space<hbm>> -> memref<10112x128xf32, #tpu.memory_space<hbm>>
    tpu.enqueue_indirect_dma source(%dma_start3A_120 : memref<10112x128xf32, #tpu.memory_space<hbm>>) target(%dma_start3A_114 : memref<64x128xf32, #tpu.memory_space<vmem>>) offsets(%dma_start3A_117 : memref<64xi32, #tpu.memory_space<vmem>>) semaphore(%arg11 : memref<!tpu.dma_semaphore, #tpu.memory_space<semaphore_mem>>)
    %dma_start3A_121 = arith.constant 1 : i32
    %dma_start3A_122 = arith.constant 1 : i32
    %dma_start3A_123 = arith.constant 0 : i32
    %dma_start3A_124 = arith.constant 0 : i32
    %dma_start3A_125 = tpu.memref_slice %arg9[%dma_start3A_122, %dma_start3A_123, %dma_start3A_124] : memref<4x64x128xf32, #tpu.memory_space<vmem>> -> memref<1x64x128xf32, #tpu.memory_space<vmem>>
    %dma_start3A_126 = tpu.memref_squeeze %dma_start3A_125 : memref<1x64x128xf32, #tpu.memory_space<vmem>> -> memref<64x128xf32, #tpu.memory_space<vmem>>
    %dma_start3A_127 = arith.constant 0 : i32
    %dma_start3A_128 = tpu.memref_slice %arg7[%dma_start3A_121, %dma_start3A_127] : memref<40x64xi32, #tpu.memory_space<vmem>> -> memref<1x64xi32, #tpu.memory_space<vmem>>
    %dma_start3A_129 = tpu.memref_squeeze %dma_start3A_128 : memref<1x64xi32, #tpu.memory_space<vmem>> -> memref<64xi32, #tpu.memory_space<vmem>>
    %dma_start3A_130 = arith.constant 0 : i32
    %dma_start3A_131 = arith.constant 0 : i32
    %dma_start3A_132 = tpu.memref_slice %arg4[%dma_start3A_130, %dma_start3A_131] : memref<10112x128xf32, #tpu.memory_space<hbm>> -> memref<10112x128xf32, #tpu.memory_space<hbm>>
    tpu.enqueue_indirect_dma source(%dma_start3A_132 : memref<10112x128xf32, #tpu.memory_space<hbm>>) target(%dma_start3A_126 : memref<64x128xf32, #tpu.memory_space<vmem>>) offsets(%dma_start3A_129 : memref<64xi32, #tpu.memory_space<vmem>>) semaphore(%arg12 : memref<!tpu.dma_semaphore, #tpu.memory_space<semaphore_mem>>)
    %dma_start3A_133 = arith.constant 2 : i32
    %dma_start3A_134 = arith.constant 2 : i32
    %dma_start3A_135 = arith.constant 0 : i32
    %dma_start3A_136 = arith.constant 0 : i32
    %dma_start3A_137 = tpu.memref_slice %arg9[%dma_start3A_134, %dma_start3A_135, %dma_start3A_136] : memref<4x64x128xf32, #tpu.memory_space<vmem>> -> memref<1x64x128xf32, #tpu.memory_space<vmem>>
    %dma_start3A_138 = tpu.memref_squeeze %dma_start3A_137 : memref<1x64x128xf32, #tpu.memory_space<vmem>> -> memref<64x128xf32, #tpu.memory_space<vmem>>
    %dma_start3A_139 = arith.constant 0 : i32
    %dma_start3A_140 = tpu.memref_slice %arg7[%dma_start3A_133, %dma_start3A_139] : memref<40x64xi32, #tpu.memory_space<vmem>> -> memref<1x64xi32, #tpu.memory_space<vmem>>
    %dma_start3A_141 = tpu.memref_squeeze %dma_start3A_140 : memref<1x64xi32, #tpu.memory_space<vmem>> -> memref<64xi32, #tpu.memory_space<vmem>>
    %dma_start3A_142 = arith.constant 0 : i32
    %dma_start3A_143 = arith.constant 0 : i32
    %dma_start3A_144 = tpu.memref_slice %arg4[%dma_start3A_142, %dma_start3A_143] : memref<10112x128xf32, #tpu.memory_space<hbm>> -> memref<10112x128xf32, #tpu.memory_space<hbm>>
    tpu.enqueue_indirect_dma source(%dma_start3A_144 : memref<10112x128xf32, #tpu.memory_space<hbm>>) target(%dma_start3A_138 : memref<64x128xf32, #tpu.memory_space<vmem>>) offsets(%dma_start3A_141 : memref<64xi32, #tpu.memory_space<vmem>>) semaphore(%arg13 : memref<!tpu.dma_semaphore, #tpu.memory_space<semaphore_mem>>)
    %dma_start3A_145 = arith.constant 3 : i32
    %dma_start3A_146 = arith.constant 3 : i32
    %dma_start3A_147 = arith.constant 0 : i32
    %dma_start3A_148 = arith.constant 0 : i32
    %dma_start3A_149 = tpu.memref_slice %arg9[%dma_start3A_146, %dma_start3A_147, %dma_start3A_148] : memref<4x64x128xf32, #tpu.memory_space<vmem>> -> memref<1x64x128xf32, #tpu.memory_space<vmem>>
    %dma_start3A_150 = tpu.memref_squeeze %dma_start3A_149 : memref<1x64x128xf32, #tpu.memory_space<vmem>> -> memref<64x128xf32, #tpu.memory_space<vmem>>
    %dma_start3A_151 = arith.constant 0 : i32
    %dma_start3A_152 = tpu.memref_slice %arg7[%dma_start3A_145, %dma_start3A_151] : memref<40x64xi32, #tpu.memory_space<vmem>> -> memref<1x64xi32, #tpu.memory_space<vmem>>
    %dma_start3A_153 = tpu.memref_squeeze %dma_start3A_152 : memref<1x64xi32, #tpu.memory_space<vmem>> -> memref<64xi32, #tpu.memory_space<vmem>>
    %dma_start3A_154 = arith.constant 0 : i32
    %dma_start3A_155 = arith.constant 0 : i32
    %dma_start3A_156 = tpu.memref_slice %arg4[%dma_start3A_154, %dma_start3A_155] : memref<10112x128xf32, #tpu.memory_space<hbm>> -> memref<10112x128xf32, #tpu.memory_space<hbm>>
    tpu.enqueue_indirect_dma source(%dma_start3A_156 : memref<10112x128xf32, #tpu.memory_space<hbm>>) target(%dma_start3A_150 : memref<64x128xf32, #tpu.memory_space<vmem>>) offsets(%dma_start3A_153 : memref<64xi32, #tpu.memory_space<vmem>>) semaphore(%arg14 : memref<!tpu.dma_semaphore, #tpu.memory_space<semaphore_mem>>)
    %scan3A_157 = arith.constant 0 : i32
    %scan3A_158 = arith.constant 10 : i32
    %scan3A_159 = arith.addi %scan3A_157, %scan3A_158 : i32
    %scan3A_160 = arith.constant 1 : i32
    scf.for %scan3A_215 = %scan3A_157 to %scan3A_159 step %scan3A_160  : i32 {
      %mul3A_216 = arith.constant 4 : i32
      %mul3A_217 = arith.muli %mul3A_216, %scan3A_215 : i32
      %add3A_218 = arith.constant 0 : i32
      %add3A_219 = arith.addi %mul3A_217, %add3A_218 : i32
      %dma_wait3A_220 = arith.constant 0 : i32
      %dma_wait3A_221 = arith.constant 0 : i32
      %dma_wait3A_222 = arith.constant 0 : i32
      %dma_wait3A_223 = arith.constant 0 : i32
      %dma_wait3A_224 = tpu.memref_slice %arg9[%dma_wait3A_221, %dma_wait3A_222, %dma_wait3A_223] : memref<4x64x128xf32, #tpu.memory_space<vmem>> -> memref<1x64x128xf32, #tpu.memory_space<vmem>>
      %dma_wait3A_225 = tpu.memref_squeeze %dma_wait3A_224 : memref<1x64x128xf32, #tpu.memory_space<vmem>> -> memref<64x128xf32, #tpu.memory_space<vmem>>
      %dma_wait3A_226 = arith.constant 0 : i32
      %dma_wait3A_227 = tpu.memref_slice %arg7[%dma_wait3A_220, %dma_wait3A_226] : memref<40x64xi32, #tpu.memory_space<vmem>> -> memref<1x64xi32, #tpu.memory_space<vmem>>
      %dma_wait3A_228 = tpu.memref_squeeze %dma_wait3A_227 : memref<1x64xi32, #tpu.memory_space<vmem>> -> memref<64xi32, #tpu.memory_space<vmem>>
      %dma_wait3A_229 = arith.constant 0 : i32
      %dma_wait3A_230 = arith.constant 0 : i32
      %dma_wait3A_231 = tpu.memref_slice %arg4[%dma_wait3A_229, %dma_wait3A_230] : memref<10112x128xf32, #tpu.memory_space<hbm>> -> memref<10112x128xf32, #tpu.memory_space<hbm>>
      tpu.wait_indirect_dma semaphore(%arg11 : memref<!tpu.dma_semaphore, #tpu.memory_space<semaphore_mem>>) src(%dma_wait3A_231 : memref<10112x128xf32, #tpu.memory_space<hbm>>) dst(%dma_wait3A_225 : memref<64x128xf32, #tpu.memory_space<vmem>>)
      %dma_start3A_232 = arith.constant 0 : i32
      %dma_start3A_233 = arith.constant 0 : i32
      %dma_start3A_234 = arith.constant 0 : i32
      %dma_start3A_235 = tpu.memref_slice %arg9[%dma_start3A_232, %dma_start3A_233, %dma_start3A_234] : memref<4x64x128xf32, #tpu.memory_space<vmem>> -> memref<1x64x128xf32, #tpu.memory_space<vmem>>
      %dma_start3A_236 = tpu.memref_squeeze %dma_start3A_235 : memref<1x64x128xf32, #tpu.memory_space<vmem>> -> memref<64x128xf32, #tpu.memory_space<vmem>>
      %dma_start3A_237 = arith.constant 0 : i32
      %dma_start3A_238 = tpu.memref_slice %arg8[%add3A_219, %dma_start3A_237] : memref<40x64xi32, #tpu.memory_space<vmem>> -> memref<1x64xi32, #tpu.memory_space<vmem>>
      %dma_start3A_239 = tpu.memref_squeeze %dma_start3A_238 : memref<1x64xi32, #tpu.memory_space<vmem>> -> memref<64xi32, #tpu.memory_space<vmem>>
      %dma_start3A_240 = arith.constant 0 : i32
      %dma_start3A_241 = arith.constant 0 : i32
      %dma_start3A_242 = tpu.memref_slice %arg10[%dma_start3A_240, %dma_start3A_241] : memref<10112x128xf32, #tpu.memory_space<vmem_shared>> -> memref<10112x128xf32, #tpu.memory_space<vmem_shared>>
      tpu.enqueue_indirect_dma source(%dma_start3A_236 : memref<64x128xf32, #tpu.memory_space<vmem>>) target(%dma_start3A_242 : memref<10112x128xf32, #tpu.memory_space<vmem_shared>>) offsets(%dma_start3A_239 : memref<64xi32, #tpu.memory_space<vmem>>) semaphore(%arg15 : memref<!tpu.dma_semaphore, #tpu.memory_space<semaphore_mem>>) {add = true}
      %mul3A_243 = arith.constant 4 : i32
      %mul3A_244 = arith.muli %mul3A_243, %scan3A_215 : i32
      %add3A_245 = arith.constant 1 : i32
      %add3A_246 = arith.addi %mul3A_244, %add3A_245 : i32
      %dma_wait3A_247 = arith.constant 0 : i32
      %dma_wait3A_248 = arith.constant 1 : i32
      %dma_wait3A_249 = arith.constant 0 : i32
      %dma_wait3A_250 = arith.constant 0 : i32
      %dma_wait3A_251 = tpu.memref_slice %arg9[%dma_wait3A_248, %dma_wait3A_249, %dma_wait3A_250] : memref<4x64x128xf32, #tpu.memory_space<vmem>> -> memref<1x64x128xf32, #tpu.memory_space<vmem>>
      %dma_wait3A_252 = tpu.memref_squeeze %dma_wait3A_251 : memref<1x64x128xf32, #tpu.memory_space<vmem>> -> memref<64x128xf32, #tpu.memory_space<vmem>>
      %dma_wait3A_253 = arith.constant 0 : i32
      %dma_wait3A_254 = tpu.memref_slice %arg7[%dma_wait3A_247, %dma_wait3A_253] : memref<40x64xi32, #tpu.memory_space<vmem>> -> memref<1x64xi32, #tpu.memory_space<vmem>>
      %dma_wait3A_255 = tpu.memref_squeeze %dma_wait3A_254 : memref<1x64xi32, #tpu.memory_space<vmem>> -> memref<64xi32, #tpu.memory_space<vmem>>
      %dma_wait3A_256 = arith.constant 0 : i32
      %dma_wait3A_257 = arith.constant 0 : i32
      %dma_wait3A_258 = tpu.memref_slice %arg4[%dma_wait3A_256, %dma_wait3A_257] : memref<10112x128xf32, #tpu.memory_space<hbm>> -> memref<10112x128xf32, #tpu.memory_space<hbm>>
      tpu.wait_indirect_dma semaphore(%arg12 : memref<!tpu.dma_semaphore, #tpu.memory_space<semaphore_mem>>) src(%dma_wait3A_258 : memref<10112x128xf32, #tpu.memory_space<hbm>>) dst(%dma_wait3A_252 : memref<64x128xf32, #tpu.memory_space<vmem>>)
      %dma_start3A_259 = arith.constant 1 : i32
      %dma_start3A_260 = arith.constant 0 : i32
      %dma_start3A_261 = arith.constant 0 : i32
      %dma_start3A_262 = tpu.memref_slice %arg9[%dma_start3A_259, %dma_start3A_260, %dma_start3A_261] : memref<4x64x128xf32, #tpu.memory_space<vmem>> -> memref<1x64x128xf32, #tpu.memory_space<vmem>>
      %dma_start3A_263 = tpu.memref_squeeze %dma_start3A_262 : memref<1x64x128xf32, #tpu.memory_space<vmem>> -> memref<64x128xf32, #tpu.memory_space<vmem>>
      %dma_start3A_264 = arith.constant 0 : i32
      %dma_start3A_265 = tpu.memref_slice %arg8[%add3A_246, %dma_start3A_264] : memref<40x64xi32, #tpu.memory_space<vmem>> -> memref<1x64xi32, #tpu.memory_space<vmem>>
      %dma_start3A_266 = tpu.memref_squeeze %dma_start3A_265 : memref<1x64xi32, #tpu.memory_space<vmem>> -> memref<64xi32, #tpu.memory_space<vmem>>
      %dma_start3A_267 = arith.constant 0 : i32
      %dma_start3A_268 = arith.constant 0 : i32
      %dma_start3A_269 = tpu.memref_slice %arg10[%dma_start3A_267, %dma_start3A_268] : memref<10112x128xf32, #tpu.memory_space<vmem_shared>> -> memref<10112x128xf32, #tpu.memory_space<vmem_shared>>
      tpu.enqueue_indirect_dma source(%dma_start3A_263 : memref<64x128xf32, #tpu.memory_space<vmem>>) target(%dma_start3A_269 : memref<10112x128xf32, #tpu.memory_space<vmem_shared>>) offsets(%dma_start3A_266 : memref<64xi32, #tpu.memory_space<vmem>>) semaphore(%arg16 : memref<!tpu.dma_semaphore, #tpu.memory_space<semaphore_mem>>) {add = true}
      %mul3A_270 = arith.constant 4 : i32
      %mul3A_271 = arith.muli %mul3A_270, %scan3A_215 : i32
      %add3A_272 = arith.constant 2 : i32
      %add3A_273 = arith.addi %mul3A_271, %add3A_272 : i32
      %dma_wait3A_274 = arith.constant 0 : i32
      %dma_wait3A_275 = arith.constant 2 : i32
      %dma_wait3A_276 = arith.constant 0 : i32
      %dma_wait3A_277 = arith.constant 0 : i32
      %dma_wait3A_278 = tpu.memref_slice %arg9[%dma_wait3A_275, %dma_wait3A_276, %dma_wait3A_277] : memref<4x64x128xf32, #tpu.memory_space<vmem>> -> memref<1x64x128xf32, #tpu.memory_space<vmem>>
      %dma_wait3A_279 = tpu.memref_squeeze %dma_wait3A_278 : memref<1x64x128xf32, #tpu.memory_space<vmem>> -> memref<64x128xf32, #tpu.memory_space<vmem>>
      %dma_wait3A_280 = arith.constant 0 : i32
      %dma_wait3A_281 = tpu.memref_slice %arg7[%dma_wait3A_274, %dma_wait3A_280] : memref<40x64xi32, #tpu.memory_space<vmem>> -> memref<1x64xi32, #tpu.memory_space<vmem>>
      %dma_wait3A_282 = tpu.memref_squeeze %dma_wait3A_281 : memref<1x64xi32, #tpu.memory_space<vmem>> -> memref<64xi32, #tpu.memory_space<vmem>>
      %dma_wait3A_283 = arith.constant 0 : i32
      %dma_wait3A_284 = arith.constant 0 : i32
      %dma_wait3A_285 = tpu.memref_slice %arg4[%dma_wait3A_283, %dma_wait3A_284] : memref<10112x128xf32, #tpu.memory_space<hbm>> -> memref<10112x128xf32, #tpu.memory_space<hbm>>
      tpu.wait_indirect_dma semaphore(%arg13 : memref<!tpu.dma_semaphore, #tpu.memory_space<semaphore_mem>>) src(%dma_wait3A_285 : memref<10112x128xf32, #tpu.memory_space<hbm>>) dst(%dma_wait3A_279 : memref<64x128xf32, #tpu.memory_space<vmem>>)
      %dma_start3A_286 = arith.constant 2 : i32
      %dma_start3A_287 = arith.constant 0 : i32
      %dma_start3A_288 = arith.constant 0 : i32
      %dma_start3A_289 = tpu.memref_slice %arg9[%dma_start3A_286, %dma_start3A_287, %dma_start3A_288] : memref<4x64x128xf32, #tpu.memory_space<vmem>> -> memref<1x64x128xf32, #tpu.memory_space<vmem>>
      %dma_start3A_290 = tpu.memref_squeeze %dma_start3A_289 : memref<1x64x128xf32, #tpu.memory_space<vmem>> -> memref<64x128xf32, #tpu.memory_space<vmem>>
      %dma_start3A_291 = arith.constant 0 : i32
      %dma_start3A_292 = tpu.memref_slice %arg8[%add3A_273, %dma_start3A_291] : memref<40x64xi32, #tpu.memory_space<vmem>> -> memref<1x64xi32, #tpu.memory_space<vmem>>
      %dma_start3A_293 = tpu.memref_squeeze %dma_start3A_292 : memref<1x64xi32, #tpu.memory_space<vmem>> -> memref<64xi32, #tpu.memory_space<vmem>>
      %dma_start3A_294 = arith.constant 0 : i32
      %dma_start3A_295 = arith.constant 0 : i32
      %dma_start3A_296 = tpu.memref_slice %arg10[%dma_start3A_294, %dma_start3A_295] : memref<10112x128xf32, #tpu.memory_space<vmem_shared>> -> memref<10112x128xf32, #tpu.memory_space<vmem_shared>>
      tpu.enqueue_indirect_dma source(%dma_start3A_290 : memref<64x128xf32, #tpu.memory_space<vmem>>) target(%dma_start3A_296 : memref<10112x128xf32, #tpu.memory_space<vmem_shared>>) offsets(%dma_start3A_293 : memref<64xi32, #tpu.memory_space<vmem>>) semaphore(%arg17 : memref<!tpu.dma_semaphore, #tpu.memory_space<semaphore_mem>>) {add = true}
      %mul3A_297 = arith.constant 4 : i32
      %mul3A_298 = arith.muli %mul3A_297, %scan3A_215 : i32
      %add3A_299 = arith.constant 3 : i32
      %add3A_300 = arith.addi %mul3A_298, %add3A_299 : i32
      %dma_wait3A_301 = arith.constant 0 : i32
      %dma_wait3A_302 = arith.constant 3 : i32
      %dma_wait3A_303 = arith.constant 0 : i32
      %dma_wait3A_304 = arith.constant 0 : i32
      %dma_wait3A_305 = tpu.memref_slice %arg9[%dma_wait3A_302, %dma_wait3A_303, %dma_wait3A_304] : memref<4x64x128xf32, #tpu.memory_space<vmem>> -> memref<1x64x128xf32, #tpu.memory_space<vmem>>
      %dma_wait3A_306 = tpu.memref_squeeze %dma_wait3A_305 : memref<1x64x128xf32, #tpu.memory_space<vmem>> -> memref<64x128xf32, #tpu.memory_space<vmem>>
      %dma_wait3A_307 = arith.constant 0 : i32
      %dma_wait3A_308 = tpu.memref_slice %arg7[%dma_wait3A_301, %dma_wait3A_307] : memref<40x64xi32, #tpu.memory_space<vmem>> -> memref<1x64xi32, #tpu.memory_space<vmem>>
      %dma_wait3A_309 = tpu.memref_squeeze %dma_wait3A_308 : memref<1x64xi32, #tpu.memory_space<vmem>> -> memref<64xi32, #tpu.memory_space<vmem>>
      %dma_wait3A_310 = arith.constant 0 : i32
      %dma_wait3A_311 = arith.constant 0 : i32
      %dma_wait3A_312 = tpu.memref_slice %arg4[%dma_wait3A_310, %dma_wait3A_311] : memref<10112x128xf32, #tpu.memory_space<hbm>> -> memref<10112x128xf32, #tpu.memory_space<hbm>>
      tpu.wait_indirect_dma semaphore(%arg14 : memref<!tpu.dma_semaphore, #tpu.memory_space<semaphore_mem>>) src(%dma_wait3A_312 : memref<10112x128xf32, #tpu.memory_space<hbm>>) dst(%dma_wait3A_306 : memref<64x128xf32, #tpu.memory_space<vmem>>)
      %dma_start3A_313 = arith.constant 3 : i32
      %dma_start3A_314 = arith.constant 0 : i32
      %dma_start3A_315 = arith.constant 0 : i32
      %dma_start3A_316 = tpu.memref_slice %arg9[%dma_start3A_313, %dma_start3A_314, %dma_start3A_315] : memref<4x64x128xf32, #tpu.memory_space<vmem>> -> memref<1x64x128xf32, #tpu.memory_space<vmem>>
      %dma_start3A_317 = tpu.memref_squeeze %dma_start3A_316 : memref<1x64x128xf32, #tpu.memory_space<vmem>> -> memref<64x128xf32, #tpu.memory_space<vmem>>
      %dma_start3A_318 = arith.constant 0 : i32
      %dma_start3A_319 = tpu.memref_slice %arg8[%add3A_300, %dma_start3A_318] : memref<40x64xi32, #tpu.memory_space<vmem>> -> memref<1x64xi32, #tpu.memory_space<vmem>>
      %dma_start3A_320 = tpu.memref_squeeze %dma_start3A_319 : memref<1x64xi32, #tpu.memory_space<vmem>> -> memref<64xi32, #tpu.memory_space<vmem>>
      %dma_start3A_321 = arith.constant 0 : i32
      %dma_start3A_322 = arith.constant 0 : i32
      %dma_start3A_323 = tpu.memref_slice %arg10[%dma_start3A_321, %dma_start3A_322] : memref<10112x128xf32, #tpu.memory_space<vmem_shared>> -> memref<10112x128xf32, #tpu.memory_space<vmem_shared>>
      tpu.enqueue_indirect_dma source(%dma_start3A_317 : memref<64x128xf32, #tpu.memory_space<vmem>>) target(%dma_start3A_323 : memref<10112x128xf32, #tpu.memory_space<vmem_shared>>) offsets(%dma_start3A_320 : memref<64xi32, #tpu.memory_space<vmem>>) semaphore(%arg18 : memref<!tpu.dma_semaphore, #tpu.memory_space<semaphore_mem>>) {add = true}
      %lt3A = arith.constant 9 : i32
      %lt3A_324 = arith.cmpi slt, %scan3A_215, %lt3A : i32
      %convert_element_type3A = arith.extui %lt3A_324 : i1 to i32
      %cond3A = arith.constant 0 : i32
      %cond3A_325 = arith.cmpi ne, %convert_element_type3A, %cond3A : i32
      scf.if %cond3A_325 {
        %dma_wait3A_341 = arith.constant 0 : i32
        %dma_wait3A_342 = arith.constant 0 : i32
        %dma_wait3A_343 = arith.constant 0 : i32
        %dma_wait3A_344 = arith.constant 0 : i32
        %dma_wait3A_345 = tpu.memref_slice %arg9[%dma_wait3A_341, %dma_wait3A_343, %dma_wait3A_344] : memref<4x64x128xf32, #tpu.memory_space<vmem>> -> memref<1x64x128xf32, #tpu.memory_space<vmem>>
        %dma_wait3A_346 = tpu.memref_squeeze %dma_wait3A_345 : memref<1x64x128xf32, #tpu.memory_space<vmem>> -> memref<64x128xf32, #tpu.memory_space<vmem>>
        %dma_wait3A_347 = arith.constant 0 : i32
        %dma_wait3A_348 = tpu.memref_slice %arg8[%dma_wait3A_342, %dma_wait3A_347] : memref<40x64xi32, #tpu.memory_space<vmem>> -> memref<1x64xi32, #tpu.memory_space<vmem>>
        %dma_wait3A_349 = tpu.memref_squeeze %dma_wait3A_348 : memref<1x64xi32, #tpu.memory_space<vmem>> -> memref<64xi32, #tpu.memory_space<vmem>>
        %dma_wait3A_350 = arith.constant 0 : i32
        %dma_wait3A_351 = arith.constant 0 : i32
        %dma_wait3A_352 = tpu.memref_slice %arg10[%dma_wait3A_350, %dma_wait3A_351] : memref<10112x128xf32, #tpu.memory_space<vmem_shared>> -> memref<10112x128xf32, #tpu.memory_space<vmem_shared>>
        tpu.wait_indirect_dma semaphore(%arg15 : memref<!tpu.dma_semaphore, #tpu.memory_space<semaphore_mem>>) src(%dma_wait3A_346 : memref<64x128xf32, #tpu.memory_space<vmem>>) dst(%dma_wait3A_352 : memref<10112x128xf32, #tpu.memory_space<vmem_shared>>)
        %add3A_353 = arith.constant 1 : i32
        %add3A_354 = arith.addi %scan3A_215, %add3A_353 : i32
        %mul3A_355 = arith.constant 4 : i32
        %mul3A_356 = arith.muli %mul3A_355, %add3A_354 : i32
        %add3A_357 = arith.constant 0 : i32
        %add3A_358 = arith.addi %mul3A_356, %add3A_357 : i32
        %dma_start3A_359 = arith.constant 0 : i32
        %dma_start3A_360 = arith.constant 0 : i32
        %dma_start3A_361 = arith.constant 0 : i32
        %dma_start3A_362 = tpu.memref_slice %arg9[%dma_start3A_359, %dma_start3A_360, %dma_start3A_361] : memref<4x64x128xf32, #tpu.memory_space<vmem>> -> memref<1x64x128xf32, #tpu.memory_space<vmem>>
        %dma_start3A_363 = tpu.memref_squeeze %dma_start3A_362 : memref<1x64x128xf32, #tpu.memory_space<vmem>> -> memref<64x128xf32, #tpu.memory_space<vmem>>
        %dma_start3A_364 = arith.constant 0 : i32
        %dma_start3A_365 = tpu.memref_slice %arg7[%add3A_358, %dma_start3A_364] : memref<40x64xi32, #tpu.memory_space<vmem>> -> memref<1x64xi32, #tpu.memory_space<vmem>>
        %dma_start3A_366 = tpu.memref_squeeze %dma_start3A_365 : memref<1x64xi32, #tpu.memory_space<vmem>> -> memref<64xi32, #tpu.memory_space<vmem>>
        %dma_start3A_367 = arith.constant 0 : i32
        %dma_start3A_368 = arith.constant 0 : i32
        %dma_start3A_369 = tpu.memref_slice %arg4[%dma_start3A_367, %dma_start3A_368] : memref<10112x128xf32, #tpu.memory_space<hbm>> -> memref<10112x128xf32, #tpu.memory_space<hbm>>
        tpu.enqueue_indirect_dma source(%dma_start3A_369 : memref<10112x128xf32, #tpu.memory_space<hbm>>) target(%dma_start3A_363 : memref<64x128xf32, #tpu.memory_space<vmem>>) offsets(%dma_start3A_366 : memref<64xi32, #tpu.memory_space<vmem>>) semaphore(%arg11 : memref<!tpu.dma_semaphore, #tpu.memory_space<semaphore_mem>>)
      } else {
      }
      %lt3A_326 = arith.constant 9 : i32
      %lt3A_327 = arith.cmpi slt, %scan3A_215, %lt3A_326 : i32
      %convert_element_type3A_328 = arith.extui %lt3A_327 : i1 to i32
      %cond3A_329 = arith.constant 0 : i32
      %cond3A_330 = arith.cmpi ne, %convert_element_type3A_328, %cond3A_329 : i32
      scf.if %cond3A_330 {
        %dma_wait3A_341 = arith.constant 1 : i32
        %dma_wait3A_342 = arith.constant 0 : i32
        %dma_wait3A_343 = arith.constant 0 : i32
        %dma_wait3A_344 = arith.constant 0 : i32
        %dma_wait3A_345 = tpu.memref_slice %arg9[%dma_wait3A_341, %dma_wait3A_343, %dma_wait3A_344] : memref<4x64x128xf32, #tpu.memory_space<vmem>> -> memref<1x64x128xf32, #tpu.memory_space<vmem>>
        %dma_wait3A_346 = tpu.memref_squeeze %dma_wait3A_345 : memref<1x64x128xf32, #tpu.memory_space<vmem>> -> memref<64x128xf32, #tpu.memory_space<vmem>>
        %dma_wait3A_347 = arith.constant 0 : i32
        %dma_wait3A_348 = tpu.memref_slice %arg8[%dma_wait3A_342, %dma_wait3A_347] : memref<40x64xi32, #tpu.memory_space<vmem>> -> memref<1x64xi32, #tpu.memory_space<vmem>>
        %dma_wait3A_349 = tpu.memref_squeeze %dma_wait3A_348 : memref<1x64xi32, #tpu.memory_space<vmem>> -> memref<64xi32, #tpu.memory_space<vmem>>
        %dma_wait3A_350 = arith.constant 0 : i32
        %dma_wait3A_351 = arith.constant 0 : i32
        %dma_wait3A_352 = tpu.memref_slice %arg10[%dma_wait3A_350, %dma_wait3A_351] : memref<10112x128xf32, #tpu.memory_space<vmem_shared>> -> memref<10112x128xf32, #tpu.memory_space<vmem_shared>>
        tpu.wait_indirect_dma semaphore(%arg16 : memref<!tpu.dma_semaphore, #tpu.memory_space<semaphore_mem>>) src(%dma_wait3A_346 : memref<64x128xf32, #tpu.memory_space<vmem>>) dst(%dma_wait3A_352 : memref<10112x128xf32, #tpu.memory_space<vmem_shared>>)
        %add3A_353 = arith.constant 1 : i32
        %add3A_354 = arith.addi %scan3A_215, %add3A_353 : i32
        %mul3A_355 = arith.constant 4 : i32
        %mul3A_356 = arith.muli %mul3A_355, %add3A_354 : i32
        %add3A_357 = arith.constant 1 : i32
        %add3A_358 = arith.addi %mul3A_356, %add3A_357 : i32
        %dma_start3A_359 = arith.constant 1 : i32
        %dma_start3A_360 = arith.constant 0 : i32
        %dma_start3A_361 = arith.constant 0 : i32
        %dma_start3A_362 = tpu.memref_slice %arg9[%dma_start3A_359, %dma_start3A_360, %dma_start3A_361] : memref<4x64x128xf32, #tpu.memory_space<vmem>> -> memref<1x64x128xf32, #tpu.memory_space<vmem>>
        %dma_start3A_363 = tpu.memref_squeeze %dma_start3A_362 : memref<1x64x128xf32, #tpu.memory_space<vmem>> -> memref<64x128xf32, #tpu.memory_space<vmem>>
        %dma_start3A_364 = arith.constant 0 : i32
        %dma_start3A_365 = tpu.memref_slice %arg7[%add3A_358, %dma_start3A_364] : memref<40x64xi32, #tpu.memory_space<vmem>> -> memref<1x64xi32, #tpu.memory_space<vmem>>
        %dma_start3A_366 = tpu.memref_squeeze %dma_start3A_365 : memref<1x64xi32, #tpu.memory_space<vmem>> -> memref<64xi32, #tpu.memory_space<vmem>>
        %dma_start3A_367 = arith.constant 0 : i32
        %dma_start3A_368 = arith.constant 0 : i32
        %dma_start3A_369 = tpu.memref_slice %arg4[%dma_start3A_367, %dma_start3A_368] : memref<10112x128xf32, #tpu.memory_space<hbm>> -> memref<10112x128xf32, #tpu.memory_space<hbm>>
        tpu.enqueue_indirect_dma source(%dma_start3A_369 : memref<10112x128xf32, #tpu.memory_space<hbm>>) target(%dma_start3A_363 : memref<64x128xf32, #tpu.memory_space<vmem>>) offsets(%dma_start3A_366 : memref<64xi32, #tpu.memory_space<vmem>>) semaphore(%arg12 : memref<!tpu.dma_semaphore, #tpu.memory_space<semaphore_mem>>)
      } else {
      }
      %lt3A_331 = arith.constant 9 : i32
      %lt3A_332 = arith.cmpi slt, %scan3A_215, %lt3A_331 : i32
      %convert_element_type3A_333 = arith.extui %lt3A_332 : i1 to i32
      %cond3A_334 = arith.constant 0 : i32
      %cond3A_335 = arith.cmpi ne, %convert_element_type3A_333, %cond3A_334 : i32
      scf.if %cond3A_335 {
        %dma_wait3A_341 = arith.constant 2 : i32
        %dma_wait3A_342 = arith.constant 0 : i32
        %dma_wait3A_343 = arith.constant 0 : i32
        %dma_wait3A_344 = arith.constant 0 : i32
        %dma_wait3A_345 = tpu.memref_slice %arg9[%dma_wait3A_341, %dma_wait3A_343, %dma_wait3A_344] : memref<4x64x128xf32, #tpu.memory_space<vmem>> -> memref<1x64x128xf32, #tpu.memory_space<vmem>>
        %dma_wait3A_346 = tpu.memref_squeeze %dma_wait3A_345 : memref<1x64x128xf32, #tpu.memory_space<vmem>> -> memref<64x128xf32, #tpu.memory_space<vmem>>
        %dma_wait3A_347 = arith.constant 0 : i32
        %dma_wait3A_348 = tpu.memref_slice %arg8[%dma_wait3A_342, %dma_wait3A_347] : memref<40x64xi32, #tpu.memory_space<vmem>> -> memref<1x64xi32, #tpu.memory_space<vmem>>
        %dma_wait3A_349 = tpu.memref_squeeze %dma_wait3A_348 : memref<1x64xi32, #tpu.memory_space<vmem>> -> memref<64xi32, #tpu.memory_space<vmem>>
        %dma_wait3A_350 = arith.constant 0 : i32
        %dma_wait3A_351 = arith.constant 0 : i32
        %dma_wait3A_352 = tpu.memref_slice %arg10[%dma_wait3A_350, %dma_wait3A_351] : memref<10112x128xf32, #tpu.memory_space<vmem_shared>> -> memref<10112x128xf32, #tpu.memory_space<vmem_shared>>
        tpu.wait_indirect_dma semaphore(%arg17 : memref<!tpu.dma_semaphore, #tpu.memory_space<semaphore_mem>>) src(%dma_wait3A_346 : memref<64x128xf32, #tpu.memory_space<vmem>>) dst(%dma_wait3A_352 : memref<10112x128xf32, #tpu.memory_space<vmem_shared>>)
        %add3A_353 = arith.constant 1 : i32
        %add3A_354 = arith.addi %scan3A_215, %add3A_353 : i32
        %mul3A_355 = arith.constant 4 : i32
        %mul3A_356 = arith.muli %mul3A_355, %add3A_354 : i32
        %add3A_357 = arith.constant 2 : i32
        %add3A_358 = arith.addi %mul3A_356, %add3A_357 : i32
        %dma_start3A_359 = arith.constant 2 : i32
        %dma_start3A_360 = arith.constant 0 : i32
        %dma_start3A_361 = arith.constant 0 : i32
        %dma_start3A_362 = tpu.memref_slice %arg9[%dma_start3A_359, %dma_start3A_360, %dma_start3A_361] : memref<4x64x128xf32, #tpu.memory_space<vmem>> -> memref<1x64x128xf32, #tpu.memory_space<vmem>>
        %dma_start3A_363 = tpu.memref_squeeze %dma_start3A_362 : memref<1x64x128xf32, #tpu.memory_space<vmem>> -> memref<64x128xf32, #tpu.memory_space<vmem>>
        %dma_start3A_364 = arith.constant 0 : i32
        %dma_start3A_365 = tpu.memref_slice %arg7[%add3A_358, %dma_start3A_364] : memref<40x64xi32, #tpu.memory_space<vmem>> -> memref<1x64xi32, #tpu.memory_space<vmem>>
        %dma_start3A_366 = tpu.memref_squeeze %dma_start3A_365 : memref<1x64xi32, #tpu.memory_space<vmem>> -> memref<64xi32, #tpu.memory_space<vmem>>
        %dma_start3A_367 = arith.constant 0 : i32
        %dma_start3A_368 = arith.constant 0 : i32
        %dma_start3A_369 = tpu.memref_slice %arg4[%dma_start3A_367, %dma_start3A_368] : memref<10112x128xf32, #tpu.memory_space<hbm>> -> memref<10112x128xf32, #tpu.memory_space<hbm>>
        tpu.enqueue_indirect_dma source(%dma_start3A_369 : memref<10112x128xf32, #tpu.memory_space<hbm>>) target(%dma_start3A_363 : memref<64x128xf32, #tpu.memory_space<vmem>>) offsets(%dma_start3A_366 : memref<64xi32, #tpu.memory_space<vmem>>) semaphore(%arg13 : memref<!tpu.dma_semaphore, #tpu.memory_space<semaphore_mem>>)
      } else {
      }
      %lt3A_336 = arith.constant 9 : i32
      %lt3A_337 = arith.cmpi slt, %scan3A_215, %lt3A_336 : i32
      %convert_element_type3A_338 = arith.extui %lt3A_337 : i1 to i32
      %cond3A_339 = arith.constant 0 : i32
      %cond3A_340 = arith.cmpi ne, %convert_element_type3A_338, %cond3A_339 : i32
      scf.if %cond3A_340 {
        %dma_wait3A_341 = arith.constant 3 : i32
        %dma_wait3A_342 = arith.constant 0 : i32
        %dma_wait3A_343 = arith.constant 0 : i32
        %dma_wait3A_344 = arith.constant 0 : i32
        %dma_wait3A_345 = tpu.memref_slice %arg9[%dma_wait3A_341, %dma_wait3A_343, %dma_wait3A_344] : memref<4x64x128xf32, #tpu.memory_space<vmem>> -> memref<1x64x128xf32, #tpu.memory_space<vmem>>
        %dma_wait3A_346 = tpu.memref_squeeze %dma_wait3A_345 : memref<1x64x128xf32, #tpu.memory_space<vmem>> -> memref<64x128xf32, #tpu.memory_space<vmem>>
        %dma_wait3A_347 = arith.constant 0 : i32
        %dma_wait3A_348 = tpu.memref_slice %arg8[%dma_wait3A_342, %dma_wait3A_347] : memref<40x64xi32, #tpu.memory_space<vmem>> -> memref<1x64xi32, #tpu.memory_space<vmem>>
        %dma_wait3A_349 = tpu.memref_squeeze %dma_wait3A_348 : memref<1x64xi32, #tpu.memory_space<vmem>> -> memref<64xi32, #tpu.memory_space<vmem>>
        %dma_wait3A_350 = arith.constant 0 : i32
        %dma_wait3A_351 = arith.constant 0 : i32
        %dma_wait3A_352 = tpu.memref_slice %arg10[%dma_wait3A_350, %dma_wait3A_351] : memref<10112x128xf32, #tpu.memory_space<vmem_shared>> -> memref<10112x128xf32, #tpu.memory_space<vmem_shared>>
        tpu.wait_indirect_dma semaphore(%arg18 : memref<!tpu.dma_semaphore, #tpu.memory_space<semaphore_mem>>) src(%dma_wait3A_346 : memref<64x128xf32, #tpu.memory_space<vmem>>) dst(%dma_wait3A_352 : memref<10112x128xf32, #tpu.memory_space<vmem_shared>>)
        %add3A_353 = arith.constant 1 : i32
        %add3A_354 = arith.addi %scan3A_215, %add3A_353 : i32
        %mul3A_355 = arith.constant 4 : i32
        %mul3A_356 = arith.muli %mul3A_355, %add3A_354 : i32
        %add3A_357 = arith.constant 3 : i32
        %add3A_358 = arith.addi %mul3A_356, %add3A_357 : i32
        %dma_start3A_359 = arith.constant 3 : i32
        %dma_start3A_360 = arith.constant 0 : i32
        %dma_start3A_361 = arith.constant 0 : i32
        %dma_start3A_362 = tpu.memref_slice %arg9[%dma_start3A_359, %dma_start3A_360, %dma_start3A_361] : memref<4x64x128xf32, #tpu.memory_space<vmem>> -> memref<1x64x128xf32, #tpu.memory_space<vmem>>
        %dma_start3A_363 = tpu.memref_squeeze %dma_start3A_362 : memref<1x64x128xf32, #tpu.memory_space<vmem>> -> memref<64x128xf32, #tpu.memory_space<vmem>>
        %dma_start3A_364 = arith.constant 0 : i32
        %dma_start3A_365 = tpu.memref_slice %arg7[%add3A_358, %dma_start3A_364] : memref<40x64xi32, #tpu.memory_space<vmem>> -> memref<1x64xi32, #tpu.memory_space<vmem>>
        %dma_start3A_366 = tpu.memref_squeeze %dma_start3A_365 : memref<1x64xi32, #tpu.memory_space<vmem>> -> memref<64xi32, #tpu.memory_space<vmem>>
        %dma_start3A_367 = arith.constant 0 : i32
        %dma_start3A_368 = arith.constant 0 : i32
        %dma_start3A_369 = tpu.memref_slice %arg4[%dma_start3A_367, %dma_start3A_368] : memref<10112x128xf32, #tpu.memory_space<hbm>> -> memref<10112x128xf32, #tpu.memory_space<hbm>>
        tpu.enqueue_indirect_dma source(%dma_start3A_369 : memref<10112x128xf32, #tpu.memory_space<hbm>>) target(%dma_start3A_363 : memref<64x128xf32, #tpu.memory_space<vmem>>) offsets(%dma_start3A_366 : memref<64xi32, #tpu.memory_space<vmem>>) semaphore(%arg14 : memref<!tpu.dma_semaphore, #tpu.memory_space<semaphore_mem>>)
      } else {
      }
    }
    %scan3A_161 = arith.constant 10 : i32
    %dma_wait3A_162 = arith.constant 0 : i32
    %dma_wait3A_163 = arith.constant 0 : i32
    %dma_wait3A_164 = arith.constant 0 : i32
    %dma_wait3A_165 = arith.constant 0 : i32
    %dma_wait3A_166 = tpu.memref_slice %arg9[%dma_wait3A_162, %dma_wait3A_164, %dma_wait3A_165] : memref<4x64x128xf32, #tpu.memory_space<vmem>> -> memref<1x64x128xf32, #tpu.memory_space<vmem>>
    %dma_wait3A_167 = tpu.memref_squeeze %dma_wait3A_166 : memref<1x64x128xf32, #tpu.memory_space<vmem>> -> memref<64x128xf32, #tpu.memory_space<vmem>>
    %dma_wait3A_168 = arith.constant 0 : i32
    %dma_wait3A_169 = tpu.memref_slice %arg8[%dma_wait3A_163, %dma_wait3A_168] : memref<40x64xi32, #tpu.memory_space<vmem>> -> memref<1x64xi32, #tpu.memory_space<vmem>>
    %dma_wait3A_170 = tpu.memref_squeeze %dma_wait3A_169 : memref<1x64xi32, #tpu.memory_space<vmem>> -> memref<64xi32, #tpu.memory_space<vmem>>
    %dma_wait3A_171 = arith.constant 0 : i32
    %dma_wait3A_172 = arith.constant 0 : i32
    %dma_wait3A_173 = tpu.memref_slice %arg10[%dma_wait3A_171, %dma_wait3A_172] : memref<10112x128xf32, #tpu.memory_space<vmem_shared>> -> memref<10112x128xf32, #tpu.memory_space<vmem_shared>>
    tpu.wait_indirect_dma semaphore(%arg15 : memref<!tpu.dma_semaphore, #tpu.memory_space<semaphore_mem>>) src(%dma_wait3A_167 : memref<64x128xf32, #tpu.memory_space<vmem>>) dst(%dma_wait3A_173 : memref<10112x128xf32, #tpu.memory_space<vmem_shared>>)
    %dma_wait3A_174 = arith.constant 1 : i32
    %dma_wait3A_175 = arith.constant 0 : i32
    %dma_wait3A_176 = arith.constant 0 : i32
    %dma_wait3A_177 = arith.constant 0 : i32
    %dma_wait3A_178 = tpu.memref_slice %arg9[%dma_wait3A_174, %dma_wait3A_176, %dma_wait3A_177] : memref<4x64x128xf32, #tpu.memory_space<vmem>> -> memref<1x64x128xf32, #tpu.memory_space<vmem>>
    %dma_wait3A_179 = tpu.memref_squeeze %dma_wait3A_178 : memref<1x64x128xf32, #tpu.memory_space<vmem>> -> memref<64x128xf32, #tpu.memory_space<vmem>>
    %dma_wait3A_180 = arith.constant 0 : i32
    %dma_wait3A_181 = tpu.memref_slice %arg8[%dma_wait3A_175, %dma_wait3A_180] : memref<40x64xi32, #tpu.memory_space<vmem>> -> memref<1x64xi32, #tpu.memory_space<vmem>>
    %dma_wait3A_182 = tpu.memref_squeeze %dma_wait3A_181 : memref<1x64xi32, #tpu.memory_space<vmem>> -> memref<64xi32, #tpu.memory_space<vmem>>
    %dma_wait3A_183 = arith.constant 0 : i32
    %dma_wait3A_184 = arith.constant 0 : i32
    %dma_wait3A_185 = tpu.memref_slice %arg10[%dma_wait3A_183, %dma_wait3A_184] : memref<10112x128xf32, #tpu.memory_space<vmem_shared>> -> memref<10112x128xf32, #tpu.memory_space<vmem_shared>>
    tpu.wait_indirect_dma semaphore(%arg16 : memref<!tpu.dma_semaphore, #tpu.memory_space<semaphore_mem>>) src(%dma_wait3A_179 : memref<64x128xf32, #tpu.memory_space<vmem>>) dst(%dma_wait3A_185 : memref<10112x128xf32, #tpu.memory_space<vmem_shared>>)
    %dma_wait3A_186 = arith.constant 2 : i32
    %dma_wait3A_187 = arith.constant 0 : i32
    %dma_wait3A_188 = arith.constant 0 : i32
    %dma_wait3A_189 = arith.constant 0 : i32
    %dma_wait3A_190 = tpu.memref_slice %arg9[%dma_wait3A_186, %dma_wait3A_188, %dma_wait3A_189] : memref<4x64x128xf32, #tpu.memory_space<vmem>> -> memref<1x64x128xf32, #tpu.memory_space<vmem>>
    %dma_wait3A_191 = tpu.memref_squeeze %dma_wait3A_190 : memref<1x64x128xf32, #tpu.memory_space<vmem>> -> memref<64x128xf32, #tpu.memory_space<vmem>>
    %dma_wait3A_192 = arith.constant 0 : i32
    %dma_wait3A_193 = tpu.memref_slice %arg8[%dma_wait3A_187, %dma_wait3A_192] : memref<40x64xi32, #tpu.memory_space<vmem>> -> memref<1x64xi32, #tpu.memory_space<vmem>>
    %dma_wait3A_194 = tpu.memref_squeeze %dma_wait3A_193 : memref<1x64xi32, #tpu.memory_space<vmem>> -> memref<64xi32, #tpu.memory_space<vmem>>
    %dma_wait3A_195 = arith.constant 0 : i32
    %dma_wait3A_196 = arith.constant 0 : i32
    %dma_wait3A_197 = tpu.memref_slice %arg10[%dma_wait3A_195, %dma_wait3A_196] : memref<10112x128xf32, #tpu.memory_space<vmem_shared>> -> memref<10112x128xf32, #tpu.memory_space<vmem_shared>>
    tpu.wait_indirect_dma semaphore(%arg17 : memref<!tpu.dma_semaphore, #tpu.memory_space<semaphore_mem>>) src(%dma_wait3A_191 : memref<64x128xf32, #tpu.memory_space<vmem>>) dst(%dma_wait3A_197 : memref<10112x128xf32, #tpu.memory_space<vmem_shared>>)
    %dma_wait3A_198 = arith.constant 3 : i32
    %dma_wait3A_199 = arith.constant 0 : i32
    %dma_wait3A_200 = arith.constant 0 : i32
    %dma_wait3A_201 = arith.constant 0 : i32
    %dma_wait3A_202 = tpu.memref_slice %arg9[%dma_wait3A_198, %dma_wait3A_200, %dma_wait3A_201] : memref<4x64x128xf32, #tpu.memory_space<vmem>> -> memref<1x64x128xf32, #tpu.memory_space<vmem>>
    %dma_wait3A_203 = tpu.memref_squeeze %dma_wait3A_202 : memref<1x64x128xf32, #tpu.memory_space<vmem>> -> memref<64x128xf32, #tpu.memory_space<vmem>>
    %dma_wait3A_204 = arith.constant 0 : i32
    %dma_wait3A_205 = tpu.memref_slice %arg8[%dma_wait3A_199, %dma_wait3A_204] : memref<40x64xi32, #tpu.memory_space<vmem>> -> memref<1x64xi32, #tpu.memory_space<vmem>>
    %dma_wait3A_206 = tpu.memref_squeeze %dma_wait3A_205 : memref<1x64xi32, #tpu.memory_space<vmem>> -> memref<64xi32, #tpu.memory_space<vmem>>
    %dma_wait3A_207 = arith.constant 0 : i32
    %dma_wait3A_208 = arith.constant 0 : i32
    %dma_wait3A_209 = tpu.memref_slice %arg10[%dma_wait3A_207, %dma_wait3A_208] : memref<10112x128xf32, #tpu.memory_space<vmem_shared>> -> memref<10112x128xf32, #tpu.memory_space<vmem_shared>>
    tpu.wait_indirect_dma semaphore(%arg18 : memref<!tpu.dma_semaphore, #tpu.memory_space<semaphore_mem>>) src(%dma_wait3A_203 : memref<64x128xf32, #tpu.memory_space<vmem>>) dst(%dma_wait3A_209 : memref<10112x128xf32, #tpu.memory_space<vmem_shared>>)
    %barrier3A_210 = arith.constant 0 : index
    tpu.barrier barrier_id(%barrier3A_210)
    %mul3A_211 = arith.constant 632 : i32
    %mul3A_212 = arith.muli %arg1, %mul3A_211 : i32
    %mul3A_213 = arith.constant 632 : i32
    %mul3A_214 = arith.muli %arg1, %mul3A_213 : i32
    "tpu.region"() ({
      %run_scoped3A = tpu.sem_alloc : memref<!tpu.dma_semaphore, #tpu.memory_space<semaphore_mem>>
      %dma_start3A_215 = arith.constant 0 : i32
      %dma_start3A_216 = arith.constant 0 : i32
      %dma_start3A_217 = tpu.memref_slice %arg6[%arg0, %dma_start3A_215, %dma_start3A_216] : memref<2x10112x128xf32, #tpu.memory_space<hbm>> -> memref<1x10112x128xf32, #tpu.memory_space<hbm>>
      %dma_start3A_218 = tpu.memref_squeeze %dma_start3A_217 : memref<1x10112x128xf32, #tpu.memory_space<hbm>> -> memref<10112x128xf32, #tpu.memory_space<hbm>>
      %dma_start3A_219 = arith.constant 0 : i32
      %dma_start3A_220 = tpu.memref_slice %dma_start3A_218[%mul3A_214, %dma_start3A_219] : memref<10112x128xf32, #tpu.memory_space<hbm>> -> memref<632x128xf32, #tpu.memory_space<hbm>>
      %dma_start3A_221 = arith.constant 0 : i32
      %dma_start3A_222 = tpu.memref_slice %arg10[%mul3A_212, %dma_start3A_221] : memref<10112x128xf32, #tpu.memory_space<vmem_shared>> -> memref<632x128xf32, #tpu.memory_space<vmem_shared>>
      tpu.enqueue_dma source(%dma_start3A_222 : memref<632x128xf32, #tpu.memory_space<vmem_shared>>) target(%dma_start3A_220 : memref<632x128xf32, #tpu.memory_space<hbm>>) target_semaphore(%run_scoped3A : memref<!tpu.dma_semaphore, #tpu.memory_space<semaphore_mem>>)
      %dma_wait3A_223 = arith.constant 0 : i32
      %dma_wait3A_224 = arith.constant 0 : i32
      %dma_wait3A_225 = tpu.memref_slice %arg6[%arg0, %dma_wait3A_223, %dma_wait3A_224] : memref<2x10112x128xf32, #tpu.memory_space<hbm>> -> memref<1x10112x128xf32, #tpu.memory_space<hbm>>
      %dma_wait3A_226 = tpu.memref_squeeze %dma_wait3A_225 : memref<1x10112x128xf32, #tpu.memory_space<hbm>> -> memref<10112x128xf32, #tpu.memory_space<hbm>>
      %dma_wait3A_227 = arith.constant 0 : i32
      %dma_wait3A_228 = tpu.memref_slice %dma_wait3A_226[%mul3A_214, %dma_wait3A_227] : memref<10112x128xf32, #tpu.memory_space<hbm>> -> memref<632x128xf32, #tpu.memory_space<hbm>>
      %dma_wait3A_229 = arith.constant 0 : i32
      %dma_wait3A_230 = tpu.memref_slice %arg10[%mul3A_212, %dma_wait3A_229] : memref<10112x128xf32, #tpu.memory_space<vmem_shared>> -> memref<632x128xf32, #tpu.memory_space<vmem_shared>>
      tpu.wait_dma2 semaphore(%run_scoped3A : memref<!tpu.dma_semaphore, #tpu.memory_space<semaphore_mem>>) src(%dma_wait3A_230 : memref<632x128xf32, #tpu.memory_space<vmem_shared>>) dst(%dma_wait3A_228 : memref<632x128xf32, #tpu.memory_space<hbm>>)
      tpu.yield
    }) : () -> ()
    return
  }
}

module attributes {stable_mosaic.version = 14 : i64} {
  func.func @_k2_body(%arg0: i32, %arg1: memref<2528x256xf32, #tpu.memory_space<vmem>>, %arg2: memref<256x256xf32, #tpu.memory_space<vmem>>, %arg3: memref<2x2528x1xf32, #tpu.memory_space<vmem>>, %arg4: memref<2x2528x128xf32, #tpu.memory_space<vmem>>, %arg5: memref<2528x1xf32, #tpu.memory_space<vmem>>) attributes {dimension_semantics = [#tpu.dimension_semantics<arbitrary>], iteration_bounds = array<i64: 4>, scalar_prefetch = 0 : i64, scratch_operands = 0 : i64, tpu.core_type = #tpu.core_type<tc>, window_params = [{transform_indices = @transform_0, window_bounds = array<i64: 2528, 256>}, {pipeline_mode = #tpu.pipeline_mode<synchronous>, transform_indices = @transform_1, window_bounds = array<i64: 256, 256>}, {transform_indices = @transform_2, window_bounds = array<i64: 2, 2528, 1>}, {transform_indices = @transform_3, window_bounds = array<i64: 2, 2528, 128>}, {transform_indices = @transform_4, window_bounds = array<i64: 2528, 1>}]} {
    %get3A = arith.constant 0 : index
    %get3A_0 = arith.constant 0 : index
    %get3A_1 = arith.constant 0 : index
    %get3A_2 = vector.load %arg3[%get3A, %get3A_0, %get3A_1] : memref<2x2528x1xf32, #tpu.memory_space<vmem>>, vector<1x2528x1xf32>
    %get3A_3 = vector.shape_cast %get3A_2 : vector<1x2528x1xf32> to vector<2528x1xf32>
    %get3A_4 = arith.constant 1 : index
    %get3A_5 = arith.constant 0 : index
    %get3A_6 = arith.constant 0 : index
    %get3A_7 = vector.load %arg3[%get3A_4, %get3A_5, %get3A_6] : memref<2x2528x1xf32, #tpu.memory_space<vmem>>, vector<1x2528x1xf32>
    %get3A_8 = vector.shape_cast %get3A_7 : vector<1x2528x1xf32> to vector<2528x1xf32>
    %add3A = arith.addf %get3A_3, %get3A_8 : vector<2528x1xf32>
    %add3A_9 = arith.constant 1.000000e+00 : f32
    %add3A_10 = vector.broadcast %add3A_9 : f32 to vector<2528x1xf32>
    %add3A_11 = arith.addf %add3A, %add3A_10 : vector<2528x1xf32>
    %rsqrt3A = math.rsqrt %add3A_11 : vector<2528x1xf32>
    %get3A_12 = arith.constant 0 : index
    %get3A_13 = arith.constant 0 : index
    %get3A_14 = vector.load %arg1[%get3A_12, %get3A_13] : memref<2528x256xf32, #tpu.memory_space<vmem>>, vector<2528x256xf32>
    %get3A_15 = arith.constant 0 : index
    %get3A_16 = arith.constant 0 : index
    %get3A_17 = vector.load %arg2[%get3A_15, %get3A_16] : memref<256x256xf32, #tpu.memory_space<vmem>>, vector<256x256xf32>
    %dot_general3A = arith.constant dense<0.000000e+00> : vector<2528x256xf32>
    %dot_general3A_18 = tpu.matmul %get3A_14, %get3A_17, %dot_general3A {dimension_numbers = #tpu.dot_dimension_numbers<[1], [0], [0], [1], [0, 0, 1, 1], [], []>, transpose_lhs_hint = false} : vector<2528x256xf32>, vector<256x256xf32>, vector<2528x256xf32> -> vector<2528x256xf32>
    %mul3A = vector.broadcast %rsqrt3A : vector<2528x1xf32> to vector<2528x256xf32>
    %mul3A_19 = arith.mulf %dot_general3A_18, %mul3A : vector<2528x256xf32>
    %slice3A = vector.extract_strided_slice %mul3A_19 {offsets = [0, 0], sizes = [2528, 128], strides = [1, 1]} : vector<2528x256xf32> to vector<2528x128xf32>
    %swap3A = arith.constant 0 : index
    %swap3A_20 = arith.constant 0 : index
    %swap3A_21 = arith.constant 0 : index
    %swap3A_22 = vector.load %arg4[%swap3A, %swap3A_20, %swap3A_21] : memref<2x2528x128xf32, #tpu.memory_space<vmem>>, vector<1x2528x128xf32>
    %swap3A_23 = vector.shape_cast %swap3A_22 : vector<1x2528x128xf32> to vector<2528x128xf32>
    %swap3A_24 = vector.shape_cast %slice3A : vector<2528x128xf32> to vector<1x2528x128xf32>
    tpu.vector_store %arg4[%swap3A, %swap3A_20, %swap3A_21], %swap3A_24 {strides = array<i32>} : memref<2x2528x128xf32, #tpu.memory_space<vmem>>, vector<1x2528x128xf32>,
    %slice3A_25 = vector.extract_strided_slice %mul3A_19 {offsets = [0, 128], sizes = [2528, 128], strides = [1, 1]} : vector<2528x256xf32> to vector<2528x128xf32>
    %swap3A_26 = arith.constant 1 : index
    %swap3A_27 = arith.constant 0 : index
    %swap3A_28 = arith.constant 0 : index
    %swap3A_29 = vector.load %arg4[%swap3A_26, %swap3A_27, %swap3A_28] : memref<2x2528x128xf32, #tpu.memory_space<vmem>>, vector<1x2528x128xf32>
    %swap3A_30 = vector.shape_cast %swap3A_29 : vector<1x2528x128xf32> to vector<2528x128xf32>
    %swap3A_31 = vector.shape_cast %slice3A_25 : vector<2528x128xf32> to vector<1x2528x128xf32>
    tpu.vector_store %arg4[%swap3A_26, %swap3A_27, %swap3A_28], %swap3A_31 {strides = array<i32>} : memref<2x2528x128xf32, #tpu.memory_space<vmem>>, vector<1x2528x128xf32>,
    %swap3A_32 = arith.constant 0 : index
    %swap3A_33 = arith.constant 0 : index
    %swap3A_34 = vector.load %arg5[%swap3A_32, %swap3A_33] : memref<2528x1xf32, #tpu.memory_space<vmem>>, vector<2528x1xf32>
    tpu.vector_store %arg5[%swap3A_32, %swap3A_33], %rsqrt3A {strides = array<i32>} : memref<2528x1xf32, #tpu.memory_space<vmem>>, vector<2528x1xf32>,
    return
  }
  func.func @transform_0(%arg0: i32) -> (i32, i32) {
    %c0_i32 = arith.constant 0 : i32
    %c0_i32_0 = arith.constant 0 : i32
    return %arg0, %c0_i32 : i32, i32
  }
  func.func @transform_1(%arg0: i32) -> (i32, i32) {
    %c0_i32 = arith.constant 0 : i32
    %c0_i32_0 = arith.constant 0 : i32
    %c0_i32_1 = arith.constant 0 : i32
    return %c0_i32, %c0_i32_0 : i32, i32
  }
  func.func @transform_2(%arg0: i32) -> (i32, i32, i32) {
    %c0_i32 = arith.constant 0 : i32
    %c0_i32_0 = arith.constant 0 : i32
    %c0_i32_1 = arith.constant 0 : i32
    return %c0_i32, %arg0, %c0_i32_0 : i32, i32, i32
  }
  func.func @transform_3(%arg0: i32) -> (i32, i32, i32) {
    %c0_i32 = arith.constant 0 : i32
    %c0_i32_0 = arith.constant 0 : i32
    %c0_i32_1 = arith.constant 0 : i32
    return %c0_i32, %arg0, %c0_i32_0 : i32, i32, i32
  }
  func.func @transform_4(%arg0: i32) -> (i32, i32) {
    %c0_i32 = arith.constant 0 : i32
    %c0_i32_0 = arith.constant 0 : i32
    return %arg0, %c0_i32 : i32, i32
  }
}

module attributes {stable_mosaic.version = 14 : i64} {
  func.func @_k4_body(%arg0: i32, %arg1: memref<2x2528x128xf32, #tpu.memory_space<vmem>>, %arg2: memref<2x2528x128xf32, #tpu.memory_space<vmem>>, %arg3: memref<2528x1xf32, #tpu.memory_space<vmem>>, %arg4: memref<1x256xf32, #tpu.memory_space<vmem>>, %arg5: memref<256x40xf32, #tpu.memory_space<vmem>>, %arg6: memref<2528x128xf32, #tpu.memory_space<vmem>>) attributes {dimension_semantics = [#tpu.dimension_semantics<arbitrary>], iteration_bounds = array<i64: 4>, scalar_prefetch = 0 : i64, scratch_operands = 0 : i64, tpu.core_type = #tpu.core_type<tc>, window_params = [{transform_indices = @transform_0, window_bounds = array<i64: 2, 2528, 128>}, {transform_indices = @transform_1, window_bounds = array<i64: 2, 2528, 128>}, {transform_indices = @transform_2, window_bounds = array<i64: 2528, 1>}, {pipeline_mode = #tpu.pipeline_mode<synchronous>, transform_indices = @transform_3, window_bounds = array<i64: 1, 256>}, {pipeline_mode = #tpu.pipeline_mode<synchronous>, transform_indices = @transform_4, window_bounds = array<i64: 256, 40>}, {transform_indices = @transform_5, window_bounds = array<i64: 2528, 128>}]} {
    %get3A = arith.constant 0 : index
    %get3A_0 = arith.constant 0 : index
    %get3A_1 = vector.load %arg3[%get3A, %get3A_0] : memref<2528x1xf32, #tpu.memory_space<vmem>>, vector<2528x1xf32>
    %get3A_2 = arith.constant 0 : index
    %get3A_3 = arith.constant 0 : index
    %get3A_4 = arith.constant 0 : index
    %get3A_5 = vector.load %arg1[%get3A_2, %get3A_3, %get3A_4] : memref<2x2528x128xf32, #tpu.memory_space<vmem>>, vector<1x2528x128xf32>
    %get3A_6 = vector.shape_cast %get3A_5 : vector<1x2528x128xf32> to vector<2528x128xf32>
    %get3A_7 = arith.constant 0 : index
    %get3A_8 = arith.constant 0 : index
    %get3A_9 = arith.constant 0 : index
    %get3A_10 = vector.load %arg2[%get3A_7, %get3A_8, %get3A_9] : memref<2x2528x128xf32, #tpu.memory_space<vmem>>, vector<1x2528x128xf32>
    %get3A_11 = vector.shape_cast %get3A_10 : vector<1x2528x128xf32> to vector<2528x128xf32>
    %add3A = arith.addf %get3A_6, %get3A_11 : vector<2528x128xf32>
    %mul3A = vector.broadcast %get3A_1 : vector<2528x1xf32> to vector<2528x128xf32>
    %mul3A_12 = arith.mulf %mul3A, %add3A : vector<2528x128xf32>
    %get3A_13 = arith.constant 1 : index
    %get3A_14 = arith.constant 0 : index
    %get3A_15 = arith.constant 0 : index
    %get3A_16 = vector.load %arg1[%get3A_13, %get3A_14, %get3A_15] : memref<2x2528x128xf32, #tpu.memory_space<vmem>>, vector<1x2528x128xf32>
    %get3A_17 = vector.shape_cast %get3A_16 : vector<1x2528x128xf32> to vector<2528x128xf32>
    %get3A_18 = arith.constant 1 : index
    %get3A_19 = arith.constant 0 : index
    %get3A_20 = arith.constant 0 : index
    %get3A_21 = vector.load %arg2[%get3A_18, %get3A_19, %get3A_20] : memref<2x2528x128xf32, #tpu.memory_space<vmem>>, vector<1x2528x128xf32>
    %get3A_22 = vector.shape_cast %get3A_21 : vector<1x2528x128xf32> to vector<2528x128xf32>
    %add3A_23 = arith.addf %get3A_17, %get3A_22 : vector<2528x128xf32>
    %mul3A_24 = vector.broadcast %get3A_1 : vector<2528x1xf32> to vector<2528x128xf32>
    %mul3A_25 = arith.mulf %mul3A_24, %add3A_23 : vector<2528x128xf32>
    %concatenate3A = tpu.concatenate %mul3A_12, %mul3A_25 in 1 : vector<2528x128xf32>, vector<2528x128xf32> -> vector<2528x256xf32>
    %get3A_26 = arith.constant 0 : index
    %get3A_27 = arith.constant 0 : index
    %get3A_28 = vector.load %arg4[%get3A_26, %get3A_27] : memref<1x256xf32, #tpu.memory_space<vmem>>, vector<1x256xf32>
    %add3A_29 = vector.broadcast %get3A_28 : vector<1x256xf32> to vector<2528x256xf32>
    %add3A_30 = arith.addf %concatenate3A, %add3A_29 : vector<2528x256xf32>
    %max3A = arith.constant 0.000000e+00 : f32
    %max3A_31 = vector.broadcast %max3A : f32 to vector<2528x256xf32>
    %max3A_32 = arith.maximumf %add3A_30, %max3A_31 : vector<2528x256xf32>
    %get3A_33 = arith.constant 0 : index
    %get3A_34 = arith.constant 0 : index
    %get3A_35 = vector.load %arg5[%get3A_33, %get3A_34] : memref<256x40xf32, #tpu.memory_space<vmem>>, vector<256x40xf32>
    %dot_general3A = arith.constant dense<0.000000e+00> : vector<2528x40xf32>
    %dot_general3A_36 = tpu.matmul %max3A_32, %get3A_35, %dot_general3A {dimension_numbers = #tpu.dot_dimension_numbers<[1], [0], [0], [1], [0, 0, 1, 1], [], []>, transpose_lhs_hint = false} : vector<2528x256xf32>, vector<256x40xf32>, vector<2528x40xf32> -> vector<2528x40xf32>
    %mul3A_37 = vector.broadcast %get3A_1 : vector<2528x1xf32> to vector<2528x40xf32>
    %mul3A_38 = arith.mulf %dot_general3A_36, %mul3A_37 : vector<2528x40xf32>
    %jit3A = arith.constant 0 : i32
    %convert_element_type3A = arith.sitofp %jit3A : i32 to f32
    %pad3A = vector.broadcast %convert_element_type3A : f32 to vector<2528x88xf32>
    %pad3A_39 = tpu.concatenate %mul3A_38, %pad3A in 1 : vector<2528x40xf32>, vector<2528x88xf32> -> vector<2528x128xf32>
    %swap3A = arith.constant 0 : index
    %swap3A_40 = arith.constant 0 : index
    %swap3A_41 = vector.load %arg6[%swap3A, %swap3A_40] : memref<2528x128xf32, #tpu.memory_space<vmem>>, vector<2528x128xf32>
    tpu.vector_store %arg6[%swap3A, %swap3A_40], %pad3A_39 {strides = array<i32>} : memref<2528x128xf32, #tpu.memory_space<vmem>>, vector<2528x128xf32>,
    return
  }
  func.func @transform_0(%arg0: i32) -> (i32, i32, i32) {
    %c0_i32 = arith.constant 0 : i32
    %c0_i32_0 = arith.constant 0 : i32
    %c0_i32_1 = arith.constant 0 : i32
    return %c0_i32, %arg0, %c0_i32_0 : i32, i32, i32
  }
  func.func @transform_1(%arg0: i32) -> (i32, i32, i32) {
    %c0_i32 = arith.constant 0 : i32
    %c0_i32_0 = arith.constant 0 : i32
    %c0_i32_1 = arith.constant 0 : i32
    return %c0_i32, %arg0, %c0_i32_0 : i32, i32, i32
  }
  func.func @transform_2(%arg0: i32) -> (i32, i32) {
    %c0_i32 = arith.constant 0 : i32
    %c0_i32_0 = arith.constant 0 : i32
    return %arg0, %c0_i32 : i32, i32
  }
  func.func @transform_3(%arg0: i32) -> (i32, i32) {
    %c0_i32 = arith.constant 0 : i32
    %c0_i32_0 = arith.constant 0 : i32
    %c0_i32_1 = arith.constant 0 : i32
    return %c0_i32, %c0_i32_0 : i32, i32
  }
  func.func @transform_4(%arg0: i32) -> (i32, i32) {
    %c0_i32 = arith.constant 0 : i32
    %c0_i32_0 = arith.constant 0 : i32
    %c0_i32_1 = arith.constant 0 : i32
    return %c0_i32, %c0_i32_0 : i32, i32
  }
  func.func @transform_5(%arg0: i32) -> (i32, i32) {
    %c0_i32 = arith.constant 0 : i32
    %c0_i32_0 = arith.constant 0 : i32
    return %arg0, %c0_i32 : i32, i32
  }
}

module attributes {stable_mosaic.version = 14 : i64} {
  func.func @_k6_body(%arg0: i32, %arg1: memref<2x2528x128xf32, #tpu.memory_space<vmem>>, %arg2: memref<2528x128xf32, #tpu.memory_space<vmem>>, %arg3: memref<2528x1xf32, #tpu.memory_space<vmem>>, %arg4: memref<1x40xf32, #tpu.memory_space<vmem>>, %arg5: memref<2528x40xf32, #tpu.memory_space<vmem>>) attributes {dimension_semantics = [#tpu.dimension_semantics<arbitrary>], iteration_bounds = array<i64: 4>, scalar_prefetch = 0 : i64, scratch_operands = 0 : i64, tpu.core_type = #tpu.core_type<tc>, window_params = [{transform_indices = @transform_0, window_bounds = array<i64: 2, 2528, 128>}, {transform_indices = @transform_1, window_bounds = array<i64: 2528, 128>}, {transform_indices = @transform_2, window_bounds = array<i64: 2528, 1>}, {pipeline_mode = #tpu.pipeline_mode<synchronous>, transform_indices = @transform_3, window_bounds = array<i64: 1, 40>}, {transform_indices = @transform_4, window_bounds = array<i64: 2528, 40>}]} {
    %get3A = arith.constant 0 : index
    %get3A_0 = arith.constant 0 : index
    %get3A_1 = arith.constant 0 : index
    %get3A_2 = vector.load %arg1[%get3A, %get3A_0, %get3A_1] : memref<2x2528x128xf32, #tpu.memory_space<vmem>>, vector<1x2528x128xf32>
    %get3A_3 = vector.shape_cast %get3A_2 : vector<1x2528x128xf32> to vector<2528x128xf32>
    %get3A_4 = arith.constant 1 : index
    %get3A_5 = arith.constant 0 : index
    %get3A_6 = arith.constant 0 : index
    %get3A_7 = vector.load %arg1[%get3A_4, %get3A_5, %get3A_6] : memref<2x2528x128xf32, #tpu.memory_space<vmem>>, vector<1x2528x128xf32>
    %get3A_8 = vector.shape_cast %get3A_7 : vector<1x2528x128xf32> to vector<2528x128xf32>
    %add3A = arith.addf %get3A_3, %get3A_8 : vector<2528x128xf32>
    %get3A_9 = arith.constant 0 : index
    %get3A_10 = arith.constant 0 : index
    %get3A_11 = vector.load %arg2[%get3A_9, %get3A_10] : memref<2528x128xf32, #tpu.memory_space<vmem>>, vector<2528x128xf32>
    %add3A_12 = arith.addf %add3A, %get3A_11 : vector<2528x128xf32>
    %get3A_13 = arith.constant 0 : index
    %get3A_14 = arith.constant 0 : index
    %get3A_15 = vector.load %arg3[%get3A_13, %get3A_14] : memref<2528x1xf32, #tpu.memory_space<vmem>>, vector<2528x1xf32>
    %slice3A = vector.extract_strided_slice %add3A_12 {offsets = [0, 0], sizes = [2528, 40], strides = [1, 1]} : vector<2528x128xf32> to vector<2528x40xf32>
    %mul3A = vector.broadcast %get3A_15 : vector<2528x1xf32> to vector<2528x40xf32>
    %mul3A_16 = arith.mulf %mul3A, %slice3A : vector<2528x40xf32>
    %get3A_17 = arith.constant 0 : index
    %get3A_18 = arith.constant 0 : index
    %get3A_19 = vector.load %arg4[%get3A_17, %get3A_18] : memref<1x40xf32, #tpu.memory_space<vmem>>, vector<1x40xf32>
    %add3A_20 = vector.broadcast %get3A_19 : vector<1x40xf32> to vector<2528x40xf32>
    %add3A_21 = arith.addf %mul3A_16, %add3A_20 : vector<2528x40xf32>
    %swap3A = arith.constant 0 : index
    %swap3A_22 = arith.constant 0 : index
    %swap3A_23 = vector.load %arg5[%swap3A, %swap3A_22] : memref<2528x40xf32, #tpu.memory_space<vmem>>, vector<2528x40xf32>
    tpu.vector_store %arg5[%swap3A, %swap3A_22], %add3A_21 {strides = array<i32>} : memref<2528x40xf32, #tpu.memory_space<vmem>>, vector<2528x40xf32>,
    return
  }
  func.func @transform_0(%arg0: i32) -> (i32, i32, i32) {
    %c0_i32 = arith.constant 0 : i32
    %c0_i32_0 = arith.constant 0 : i32
    %c0_i32_1 = arith.constant 0 : i32
    return %c0_i32, %arg0, %c0_i32_0 : i32, i32, i32
  }
  func.func @transform_1(%arg0: i32) -> (i32, i32) {
    %c0_i32 = arith.constant 0 : i32
    %c0_i32_0 = arith.constant 0 : i32
    return %arg0, %c0_i32 : i32, i32
  }
  func.func @transform_2(%arg0: i32) -> (i32, i32) {
    %c0_i32 = arith.constant 0 : i32
    %c0_i32_0 = arith.constant 0 : i32
    return %arg0, %c0_i32 : i32, i32
  }
  func.func @transform_3(%arg0: i32) -> (i32, i32) {
    %c0_i32 = arith.constant 0 : i32
    %c0_i32_0 = arith.constant 0 : i32
    %c0_i32_1 = arith.constant 0 : i32
    return %c0_i32, %c0_i32_0 : i32, i32
  }
  func.func @transform_4(%arg0: i32) -> (i32, i32) {
    %c0_i32 = arith.constant 0 : i32
    %c0_i32_0 = arith.constant 0 : i32
    return %arg0, %c0_i32 : i32, i32
  }
}

</mosaic_0001>

<sc_bundles>
// kernel: kernel.11.cloned.1.call-start
scs
__scs_entry_jumppad:
0x0: {  	(pc) =	sbr.rel $0x88, $3  }
0x1: {  	(tag) =	ssettag $0x0;
	lr =	simm.s32 $0x1  }
0x2: {  	[smem:$0x3F9B] =	sst lr;
	_ =	strace $0xD0000000  }
0x3: {  	_ = 	snop  }
0x4: {  	_ = 	snop  }
0x5: {  	_ = 	snop  }
0x6: {  	_ = 	snop  }
0x7: {  	_ = 	snop  }
__scs_overlays_trampoline_lowered:
0x8: {  	[smem:$0x3FAA] =	sst s0  }
0x9: {  	[smem:$0x3FAB] =	sst s1  }
0xa: {  	[smem:$0x3FAC] =	sst s2  }
0xb: {  	[smem:$0x3FAD] =	sst s3  }
0xc: {  	[smem:$0x3FAE] =	sst s4  }
0xd: {  	[smem:$0x3FAF] =	sst s5  }
0xe: {  	[smem:$0x3FB0] =	sst s6  }
0xf: {  	[smem:$0x3FB1] =	sst s7  }
0x10: {  	[smem:$0x3FB2] =	sst s8  }
0x11: {  	[smem:$0x3FB3] =	sst s9;
	s0 =	simm.s32 @!p0 $0x0  }
0x12: {  	s1 =	sld [smem:$0x3F99];
	s0 =	simm.s32 @p0 $0x1  }
0x13: {  	[smem:$0x3FB4] =	sst s0;
	s0 =	simm.s32 @!p1 $0x0  }
0x14: {  	s2 =	sld [smem:$0x3F98];
	s0 =	simm.s32 @p1 $0x1  }
0x15: {  	[smem:$0x3FB5] =	sst s0;
	s0 =	simm.s32 @!p2 $0x0  }
0x16: {  	s3 =	sld [smem:$0x3FDB];
	s0 =	simm.s32 @p2 $0x1  }
0x17: {  	s4 =	simm.s32 $0x1BF5;
	[smem:$0x3FB7] =	sst s0  }
0x18: {  	s0 =	sld [smem:$0x3F9A];
	_ =	swait.ge [sflag:s4], $0x0  }
0x19: {  	s7 =	sld [smem:$0x3F9B]  }
0x1a: {  	s8 =	sadd.s32 $0xFFFFE003, lr  }
0x1b: {  	s9 =	sadd.s32 $0xFFFFFEF7, lr;
	s5 =	simm.s32 $0xFFFFFFFF;
	p2 =	slt.u32 s8, $0xFFFFF086  }
0x1c: {  	p1 =	slt.u32 s9, $0xF7A;
	s5 =	simm.s32 @!p2 $0x0  }
0x1d: {  	s5 =	simm.s32 @p1 $0x1;
	p0 =	seq.s32 s7, s2  }
0x1e: {  	s7 =	smul.u32 @!p0 $0xF7A, s2;
	p2 =	seq.s32 @!p0 s5, $0x0  }
0x1f: {  	s9 =	smul.u32 $0xF7A, s1;
	s8 =	simm.s32 @!p0 $0x1BF5;
	p2 =	por !p2, p0  }
0x20: {  	[sflag:s8] =	ssyncset.s32 @!p0 $0xFFFFF086;
	s6 =	sadd.s32 @!p0 s3, s7;
	s7 =	simm.s32 @!p0 $0x108  }
0x21: {  	s3 =	sadd.s32 s3, s9;
	s6 =	sadd.s32 @!p0 $0x88, s6;
	s7 =	simm.s32 @p2 $0x1082  }
0x22: {  	[simem:s7], [sflag:s8] =	dma.local @!p0 [hbm:s6], $0xF7A  }
0x23: {  	s9 =	sor.u32 $0xD0000000, s2;
	s6 =	simm.s32 $0x108;
	_ =	swait.ge @!p0 [sflag:s8], $0x0  }
0x24: {  	s3 =	sadd.s32 $0x88, s3;
	s6 =	simm.s32 @!p1 $0x1082;
	[sflag:s4] =	ssyncset.s32 $0xFFFFF086  }
0x25: {  	[simem:s6], [sflag:s4] =	dma.local [hbm:s3], $0xF7A  }
0x26: {  	[smem:$0x3F9B] =	sst s1;
	(tag) =	ssettag s2;
	_ =	strace s9  }
0x27: {  	s1 =	sld [smem:$0x3FAB]  }
0x28: {  	s2 =	sld [smem:$0x3FAC]  }
0x29: {  	s4 =	sld [smem:$0x3FAE]  }
0x2a: {  	p0 =	seq.s32 s5, $0x0;
	s5 =	sld [smem:$0x3FAF]  }
0x2b: {  	s6 =	sld [smem:$0x3FB0]  }
0x2c: {  	s7 =	sld [smem:$0x3FB1]  }
0x2d: {  	s3 =	simm.s32 $0x108;
	s8 =	sld [smem:$0x3FB2]  }
0x2e: {  	s3 =	simm.s32 @!p0 $0x1082;
	s9 =	sld [smem:$0x3FB3]  }
0x2f: {  	lr =	sadd.s32 s0, s3;
	s0 =	sld [smem:$0x3FAA]  }
0x30: {  	s3 =	sld [smem:$0x3FAD]  }
0x31: {  	[smem:$0x3FB6] =	sst s10  }
0x32: {  	s10 =	sld [smem:$0x3FB4];
	_ =	sdelay $0x3  }
0x33: {  	p0 =	seq.s32 s10, $0x1;
	s10 =	sld [smem:$0x3FB6];
	_ =	sdelay $0x3  }
0x34: {  	[smem:$0x3FB6] =	sst s10  }
0x35: {  	s10 =	sld [smem:$0x3FB5];
	_ =	sdelay $0x3  }
0x36: {  	p1 =	seq.s32 s10, $0x1;
	s10 =	sld [smem:$0x3FB6];
	_ =	sdelay $0x3  }
0x37: {  	[smem:$0x3FB6] =	sst s10  }
0x38: {  	s10 =	sld [smem:$0x3FB7]  }
0x39: {  	_ = 	snop;
	(pc) =	sbr.ind lr, $3  }
0x3a: {  	_ = 	snop  }
0x3b: {  	_ = 	snop  }
0x3c: {  	p2 =	seq.s32 s10, $0x1;
	s10 =	sld [smem:$0x3FB6]  }
0x3d: {  	_ =	shalt  }
0x3e: {  	_ =	shalt  }
0x3f: {  	_ =	shalt  }
0x40: {  	_ =	shalt  }
0x41: {  	_ =	shalt  }
0x42: {  	_ =	shalt  }
0x43: {  	_ =	shalt  }
0x44: {  	_ =	shalt  }
0x45: {  	_ =	shalt  }
0x46: {  	_ =	shalt  }
0x47: {  	_ =	shalt  }
0x48: {  	_ =	shalt  }
0x49: {  	_ =	shalt  }
0x4a: {  	_ =	shalt  }
0x4b: {  	_ =	shalt  }
0x4c: {  	_ =	shalt  }
0x4d: {  	_ =	shalt  }
0x4e: {  	_ =	shalt  }
0x4f: {  	_ =	shalt  }
0x50: {  	_ =	shalt  }
0x51: {  	_ =	shalt  }
0x52: {  	_ =	shalt  }
0x53: {  	_ =	shalt  }
0x54: {  	_ =	shalt  }
0x55: {  	_ =	shalt  }
0x56: {  	_ =	shalt  }
0x57: {  	_ =	shalt  }
0x58: {  	_ =	shalt  }
0x59: {  	_ =	shalt  }
0x5a: {  	_ =	shalt  }
0x5b: {  	_ =	shalt  }
0x5c: {  	_ =	shalt  }
0x5d: {  	_ =	shalt  }
0x5e: {  	_ =	shalt  }
0x5f: {  	_ =	shalt  }
0x60: {  	_ =	shalt  }
0x61: {  	_ =	shalt  }
0x62: {  	_ =	shalt  }
0x63: {  	_ =	shalt  }
0x64: {  	_ =	shalt  }
0x65: {  	_ =	shalt  }
0x66: {  	_ =	shalt  }
0x67: {  	_ =	shalt  }
0x68: {  	_ =	shalt  }
0x69: {  	_ =	shalt  }
0x6a: {  	_ =	shalt  }
0x6b: {  	_ =	shalt  }
0x6c: {  	_ =	shalt  }
0x6d: {  	_ =	shalt  }
0x6e: {  	_ =	shalt  }
0x6f: {  	_ =	shalt  }
0x70: {  	_ =	shalt  }
0x71: {  	_ =	shalt  }
0x72: {  	_ =	shalt  }
0x73: {  	_ =	shalt  }
0x74: {  	_ =	shalt  }
0x75: {  	_ =	shalt  }
0x76: {  	_ =	shalt  }
0x77: {  	_ =	shalt  }
0x78: {  	_ =	shalt  }
0x79: {  	_ =	shalt  }
0x7a: {  	_ =	shalt  }
0x7b: {  	_ =	shalt  }
0x7c: {  	_ =	shalt  }
0x7d: {  	_ =	shalt  }
0x7e: {  	_ =	shalt  }
0x7f: {  	_ =	shalt  }
0x80: {  	_ =	shalt  }
0x81: {  	_ =	shalt  }
0x82: {  	_ =	shalt  }
0x83: {  	_ =	shalt  }
0x84: {  	_ =	shalt  }
0x85: {  	_ =	shalt  }
0x86: {  	_ =	shalt  }
0x87: {  	_ =	shalt  }
.Lfunc_end0:
.L_simem_size_0:
called_computation.1_lowered:
.L_overlay_start_0:
0x88: {  	s2 =	sld [smem:$0x3FD9]  }
0x89: {  	s3 =	sld [smem:$0x3FFE];
	_ =	sdelay $0x1  }
0x8a: {  	s1 =	srdreg.scid  }
0x8b: {  	s0 =	sand.u32 $0x1, s1  }
0x8c: {  	s17 =	sshll.u32 s0, $0xA;
	s2 =	sadd.s32 s3, s2  }
0x8d: {  	s2 =	sadd.s32 s2, s17  }
0x8e: {  	[smem:$0x3FC2] =	sst s2  }
0x8f: {  	_ = 	snop  }
0x90: {  	s2 =	sld [smem:$0x3FD0];
	(tm) =	ssettm $0x1  }
0x91: {  	s18 =	sld [smem:$0x3FFB];
	_ =	sdelay $0x3  }
0x92: {  	_ =	strace s18  }
0x93: {  	s3 =	sld [smem:$0x3FFC];
	_ =	sdelay $0x3  }
0x94: {  	_ =	strace s3  }
0x95: {  	s3 =	sld [smem:$0x3FFD];
	_ =	sdelay $0x3  }
0x96: {  	_ =	strace s3  }
0x97: {  	_ =	strace $0x8FFFFFFF  }
0x98: {  	s19 =	sld [smem:$0x3FDB];
	_ =	sdelay $0x1  }
0x99: {  	s4 =	simm.s32 $_scs_section_size  }
0x9a: {  	s5 =	simm.s32 $_size__tile_overlayer_lowered;
	s6 =	simm.s32 $_tile_overlayer_lowered  }
0x9b: {  	s22 =	simm.s32 $0x1BFF;
	s21 =	sshll.u32 s6, $0x1;
	s3 =	sadd.s32 s4, s19  }
0x9c: {  	s7 =	simm.s32 $0x0;
	s20 =	sshll.u32 s5, $0x1;
	s5 =	sadd.s32 s21, s3  }
0x9d: {  	[timem:s7], [sflag:s22] =	dma.local [hbm:s5], s20  }
0x9e: {  	_ =	swait.ge [sflag:s22], s20  }
0x9f: {  	s4 =	ssub.s32 $0x0, s20;
	[sflag:s22] =	ssyncset.done $0x0  }
0xa0: {  	[sflag:s22] =	ssyncadd.s32 s4;
	_ =	sdelay $0x1  }
0xa1: {  	s23 =	simm.s32 $0x1B8B  }
0xa2: {  	_ =	swait.ge [sflag:s23], $0x1  }
0xa3: {  	[sflag:s23] =	ssyncset.done $0x0  }
0xa4: {  	s25 =	simm.s32 $0x1B8E;
	s24 =	sld [smem:$0x3FFE];
	[sflag:s23] =	ssyncadd.s32 $0xFFFFFFFF  }
0xa5: {  	s26 =	simm.s32 $execute0_lowered;
	[smem:$0x3FD2] =	sst s25  }
0xa6: {  	s5 =	sshll.u32 s26, $0x1;
	_ =	strace $0x80000049;
	[dreg:$0x1] =	wrdreg $0xFFFFFFFF  }
0xa7: {  	s28 =	simm.s32 $_size_execute0_lowered;
	s3 =	sadd.s32 s3, s5;
	[dreg:$0x0] =	wrdreg $0x0  }
0xa8: {  	s5 =	sshll.u32 s28, $0x1;
	[dreg:$0x2] =	wrdreg s3  }
0xa9: {  	[dreg:$0x3] =	wrdreg s5  }
0xaa: {  	[dreg:$0x4] =	wrdreg $0xC0  }
0xab: {  	_ =	task [dreg:s7], $0x5FFFF  }
0xac: {  	[dreg:$0x1] =	wrdreg $0xFFFFFFFF  }
0xad: {  	[dreg:$0x0] =	wrdreg $0x60  }
0xae: {  	[dreg:$0x2] =	wrdreg s2  }
0xaf: {  	[dreg:$0x3] =	wrdreg s24  }
0xb0: {  	[dreg:$0x4] =	wrdreg $0xA8000  }
0xb1: {  	[dreg:$0x5] =	wrdreg $0x9  }
0xb2: {  	_ =	task.clear_ibuf [dreg:s7], $0x6FFFF;
	_ =	strace $0x90000049  }
0xb3: {  	s29 =	simm.s32 $0x9;
	_ =	strace $0x8000004B  }
0xb4: {  	_ =	swait.ge [sflag:s29], $0x1  }
0xb5: {  	[sflag:s29] =	ssyncadd.s32 $0xFFFFFFFF  }
0xb6: {  	_ =	strace $0x9000004B  }
0xb7: {  	_ =	sfence  }
0xb8: {  	s30 =	sld [smem:$0x0];
	_ =	sdelay $0x2  }
0xb9: {  	s31 =	sshll.u32 s1, $0xD;
	s1 =	sshrl.u32 s1, $0x2  }
0xba: {  	s3 =	sand.u32 $0x4000, s31;
	s1 =	sadd.s32 s1, s30  }
0xbb: {  	s0 =	sor.u32 s3, s0;
	s1 =	sshll.u32 s1, $0x11  }
0xbc: {  	s0 =	sor.u32 s1, s0  }
0xbd: {  	s0 =	sadd.s32 $0x8F2B, s0  }
0xbe: {  	[sflag:s0] =	ssyncadd.remote.s32 $0x1  }
0xbf: {  	_ =	sfence.sel $0xFFFF  }
0xc0: {  	[dreg:$0x0] =	wrdreg $0xFFFFFFFF;
	(pc) =	sbr.abs _section_cstart, $3  }
0xc1: {  	[dreg:$0x1] =	wrdreg $0xFFFFFFFF  }
0xc2: {  	_ =	task.clear_ibuf [dreg:s7], $0x2FFFF;
	_ =	strace $0x9FFFFFFF  }
0xc3: {  	(tm) =	ssettm $0x7FFFFFFF  }
tec
execute0_lowered:
.L_overlay_start_1:
0x0: {  	(tag) =	ssettag $0x1  }
0x1: {  	s0 =	rddreg [dreg:$0x0]  }
0x2: {  	s3 =	rddreg [dreg:$0x1]  }
0x3: {  	s1 =	rddreg [dreg:$0x2]  }
0x4: {  	s2 =	simm.s32 $0x0;
	s4 =	srdreg.scid;
	s11 =	stileid.u32  }
0x5: {  	s17 =	simm.s32 $0x9;
	s28 =	simm.s32 $0x8800;
	s29 =	simm.s32 $0x1  }
0x6: {  	s30 =	simm.s32 $0x2;
	s31 =	simm.s32 $0x3;
	s18 =	smul.u32 $0x4F000, s11  }
0x7: {  	s13 =	simm.s32 $0x0;
	[smem:$0x7FF] =	sst s2;
	s8 =	smul.u32 $0xA00, s11  }
0x8: {  	s4 =	sand.u32 $0x1, s4;
	s6 =	sadd.s32 $0x8400, s3;
	s9 =	smul.u32 $0x5000, s11  }
0x9: {  	s7 =	sadd.s32 $0x2200, s3;
	s20 =	sshll.u32 s11, $0x6;
	s26 =	smul.u32 $0x2780, s11  }
0xa: {  	s11 =	simm.s32 $0x2700;
	s5 =	smul.u32 $0x27800, s4;
	s4 =	ssub.s32 $0x2, s4  }
0xb: {  	_ =	strace $0x8000004A;
	[dreg:$0x4] =	wrdreg s7;
	s19 =	sshrl.u32 s4, $0x1  }
0xc: {  	s7 =	sshrl.u32 s18, $0x2;
	s10 =	sadd.s32 s0, s8;
	s9 =	sshrl.u32 s9, $0x3  }
0xd: {  	s8 =	sadd.s32 s6, s8;
	s18 =	simm.s32 $0x1400;
	s3 =	sadd.s32 s5, s3  }
0xe: {  	s4 =	ssub.s32 s4, s19;
	s7 =	sadd.s32 s7, s1;
	[dreg:$0x5] =	wrdreg s10  }
0xf: {  	s5 =	sor.u32 $0x1C09, s20;
	[dreg:$0x6] =	wrdreg s8;
	s21 =	sadd.s32 $0x280, s9  }
0x10: {  	s22 =	sadd.s32 $0x500, s9;
	s9 =	sadd.s32 $0x780, s9;
	s19 =	simm.s32 $0x40  }
0x11: {  	s20 =	simm.s32 $0x2800;
	s8 =	sadd.s32 $0x61400, s3;
	s12 =	sadd.s32 s0, s21  }
0x12: {  	s10 =	sadd.s32 s6, s21;
	s23 =	sadd.s32 s0, s22;
	[dreg:$0x7] =	wrdreg s12  }
0x13: {  	s0 =	sadd.s32 s0, s9;
	s24 =	sadd.s32 s6, s9;
	[dreg:$0x8] =	wrdreg s10  }
0x14: {  	s25 =	sadd.s32 $0x12400, s3;
	s4 =	smax.u32 s4, $0x1;
	[dreg:$0x9] =	wrdreg s23  }
0x15: {  	s16 =	sshrl.u32 s7, $0x3;
	s21 =	simm.s32 $0x80;
	[dreg:$0xb] =	wrdreg s0  }
0x16: {  	s3 =	simm.s32 $0x5;
	s7 =	simm.s32 $0x8;
	[dreg:$0xc] =	wrdreg s24  }
0x17: {  	s9 =	simm.s32 $0x2600;
	s10 =	sadd.s32 s6, s22;
	[dreg:$0xd] =	wrdreg s4  }
0x18: {  	s22 =	simm.s32 $0x4800;
	s23 =	simm.s32 $0x100;
	s0 =	sadd.s32 s26, s25  }
0x19: {  	s25 =	simm.s32 $0x6800;
	s26 =	simm.s32 $0x180;
	s4 =	simm.s32 $0x6  }
0x1a: {  	s6 =	simm.s32 $0x7;
	s12 =	simm.s32 $0x2780;
	[dreg:$0xa] =	wrdreg s10  }
0x1b: {  	[dreg:$0xe] =	wrdreg s0;
	s0 =	simm.s32 $0x4;
	s10 =	simm.s32 $0x2680  }
.LBB2_1:
0x1c: {  	s14 =	rddreg [dreg:$0x4]  }
0x1d: {  	[spmem:s16], [sflag:s5] =	dma.local [hbm:s14], $0x2780  }
0x1e: {  	_ =	swait.ge [sflag:s17], $0x2780  }
0x1f: {  	[sflag:s17] =	ssyncset.done $0x0  }
0x20: {  	[sflag:s17] =	ssyncadd.s32 $0xFFFFD880  }
0x21: {  	[bflag:$0x0] =	sbarrier.arrive $0xFFFF  }
0x22: {  	s24 =	rddreg [dreg:$0x5]  }
0x23: {  	[tilespmem:s2], [sflag:$0x9] =	stream.linear.gather [hbm4b:s24+s2], $0x1400, $0x38;
	[tilespmem:$0x1E400] =	vst v63  }
0x24: {  	_ =	swait.ge [sflag:s17], $0x1400  }
0x25: {  	[sflag:s17] =	ssyncset.done $0x0  }
0x26: {  	s15 =	rddreg [dreg:$0x6];
	[sflag:s17] =	ssyncadd.s32 $0xFFFFEC00  }
0x27: {  	[tilespmem:s18], [sflag:$0x9] =	stream.linear.gather [hbm4b:s15+s2], $0x1400, $0x38;
	[tilespmem:$0x1E400] =	vst v63  }
0x28: {  	_ =	swait.ge [sflag:s17], $0x1400  }
0x29: {  	[sflag:s17] =	ssyncset.done $0x0  }
0x2a: {  	[sflag:s17] =	ssyncadd.s32 $0xFFFFEC00  }
0x2b: {  	[tilespmem:s20], [sflag:$0x1] =	stream.indirect.gather [hbm4b:s8+s19], $0x80, s2, s19, $0xb8;
	[tilespmem:$0x1E400] =	vst v63  }
0x2c: {  	_ = 	snop  }
0x2d: {  	[tilespmem:s22], [sflag:$0x2] =	stream.indirect.gather [hbm4b:s8+s19], $0x80, s21, s19, $0xb8;
	[tilespmem:$0x1E400] =	vst v63  }
0x2e: {  	_ = 	snop  }
0x2f: {  	[tilespmem:s25], [sflag:$0x3] =	stream.indirect.gather [hbm4b:s8+s19], $0x80, s23, s19, $0xb8;
	[tilespmem:$0x1E400] =	vst v63  }
0x30: {  	_ = 	snop  }
0x31: {  	[tilespmem:s28], [sflag:$0x4] =	stream.indirect.gather [hbm4b:s8+s19], $0x80, s26, s19, $0xb8;
	[tilespmem:$0x1E400] =	vst v63  }
0x32: {  	_ =	swait.ge [sflag:s29], $0x2000  }
0x33: {  	[sflag:s29] =	ssyncset.done $0x0  }
0x34: {  	s24 =	simm.s32 $0x1400;
	[sflag:s29] =	ssyncadd.s32 $0xFFFFE000  }
0x35: {  	[spmem:s1] =	stream.indirect.scatter.add.f32 [tilespmem:s20], [sflag:$0x5], $0x80, s24, s19, $0xb8;
	[tilespmem:$0x1E400] =	vst v63  }
0x36: {  	_ =	swait.ge [sflag:s30], $0x2000  }
0x37: {  	[sflag:s30] =	ssyncset.done $0x0  }
0x38: {  	s15 =	simm.s32 $0x1480;
	[sflag:s30] =	ssyncadd.s32 $0xFFFFE000  }
0x39: {  	[spmem:s1] =	stream.indirect.scatter.add.f32 [tilespmem:s22], [sflag:$0x6], $0x80, s15, s19, $0xb8;
	[tilespmem:$0x1E400] =	vst v63  }
0x3a: {  	_ =	swait.ge [sflag:s31], $0x2000  }
0x3b: {  	[sflag:s31] =	ssyncset.done $0x0  }
0x3c: {  	s24 =	simm.s32 $0x1500;
	[sflag:s31] =	ssyncadd.s32 $0xFFFFE000  }
0x3d: {  	[spmem:s1] =	stream.indirect.scatter.add.f32 [tilespmem:s25], [sflag:$0x7], $0x80, s24, s19, $0xb8;
	[tilespmem:$0x1E400] =	vst v63  }
0x3e: {  	_ =	swait.ge [sflag:s0], $0x2000  }
0x3f: {  	[sflag:s0] =	ssyncset.done $0x0  }
0x40: {  	s15 =	simm.s32 $0x1580;
	[sflag:s0] =	ssyncadd.s32 $0xFFFFE000  }
0x41: {  	[spmem:s1] =	stream.indirect.scatter.add.f32 [tilespmem:s28], [sflag:$0x8], $0x80, s15, s19, $0xb8;
	[tilespmem:$0x1E400] =	vst v63  }
0x42: {  	_ =	swait.ge [sflag:s3], $0x2000  }
0x43: {  	[sflag:s3] =	ssyncset.done $0x0  }
0x44: {  	s24 =	simm.s32 $0x200;
	[sflag:s3] =	ssyncadd.s32 $0xFFFFE000  }
0x45: {  	[tilespmem:s20], [sflag:$0x1] =	stream.indirect.gather [hbm4b:s8+s19], $0x80, s24, s19, $0xb8;
	[tilespmem:$0x1E400] =	vst v63  }
0x46: {  	_ =	swait.ge [sflag:s4], $0x2000  }
0x47: {  	[sflag:s4] =	ssyncset.done $0x0  }
0x48: {  	s15 =	simm.s32 $0x280;
	[sflag:s4] =	ssyncadd.s32 $0xFFFFE000  }
0x49: {  	[tilespmem:s22], [sflag:$0x2] =	stream.indirect.gather [hbm4b:s8+s19], $0x80, s15, s19, $0xb8;
	[tilespmem:$0x1E400] =	vst v63  }
0x4a: {  	_ =	swait.ge [sflag:s6], $0x2000  }
0x4b: {  	[sflag:s6] =	ssyncset.done $0x0  }
0x4c: {  	s24 =	simm.s32 $0x300;
	[sflag:s6] =	ssyncadd.s32 $0xFFFFE000  }
0x4d: {  	[tilespmem:s25], [sflag:$0x3] =	stream.indirect.gather [hbm4b:s8+s19], $0x80, s24, s19, $0xb8;
	[tilespmem:$0x1E400] =	vst v63  }
0x4e: {  	_ =	swait.ge [sflag:s7], $0x2000  }
0x4f: {  	[sflag:s7] =	ssyncset.done $0x0  }
0x50: {  	s14 =	simm.s32 $0x800;
	s15 =	simm.s32 $0x380;
	[sflag:s7] =	ssyncadd.s32 $0xFFFFE000  }
.LBB2_2:
0x51: {  	[tilespmem:s28], [sflag:$0x4] =	stream.indirect.gather [hbm4b:s8+s19], $0x80, s15, s19, $0xb8;
	[tilespmem:$0x1E400] =	vst v63  }
0x52: {  	s15 =	smov.u32 s14  }
0x53: {  	p0 =	sne.s32 s14, $0x4000;
	s14 =	sadd.s32 $0x800, s14;
	_ =	swait.ge [sflag:s29], $0x2000  }
0x54: {  	s15 =	sshra.s32 s15, $0x2;
	[sflag:s29] =	ssyncset.done $0x0  }
0x55: {  	s24 =	sadd.s32 $0x1400, s15;
	[sflag:s29] =	ssyncadd.s32 $0xFFFFE000  }
0x56: {  	[spmem:s1] =	stream.indirect.scatter.add.f32 [tilespmem:s20], [sflag:$0x5], $0x80, s24, s19, $0xb8;
	[tilespmem:$0x1E400] =	vst v63  }
0x57: {  	_ =	swait.ge [sflag:s30], $0x2000  }
0x58: {  	[sflag:s30] =	ssyncset.done $0x0  }
0x59: {  	s24 =	sadd.s32 $0x1480, s15;
	[sflag:s30] =	ssyncadd.s32 $0xFFFFE000  }
0x5a: {  	[spmem:s1] =	stream.indirect.scatter.add.f32 [tilespmem:s22], [sflag:$0x6], $0x80, s24, s19, $0xb8;
	[tilespmem:$0x1E400] =	vst v63  }
0x5b: {  	_ =	swait.ge [sflag:s31], $0x2000  }
0x5c: {  	[sflag:s31] =	ssyncset.done $0x0  }
0x5d: {  	s24 =	sadd.s32 $0x1500, s15;
	[sflag:s31] =	ssyncadd.s32 $0xFFFFE000  }
0x5e: {  	[spmem:s1] =	stream.indirect.scatter.add.f32 [tilespmem:s25], [sflag:$0x7], $0x80, s24, s19, $0xb8;
	[tilespmem:$0x1E400] =	vst v63  }
0x5f: {  	_ =	swait.ge [sflag:s0], $0x2000  }
0x60: {  	[sflag:s0] =	ssyncset.done $0x0  }
0x61: {  	s24 =	sadd.s32 $0x1580, s15;
	[sflag:s0] =	ssyncadd.s32 $0xFFFFE000  }
0x62: {  	[spmem:s1] =	stream.indirect.scatter.add.f32 [tilespmem:s28], [sflag:$0x8], $0x80, s24, s19, $0xb8;
	[tilespmem:$0x1E400] =	vst v63  }
0x63: {  	_ =	swait.ge [sflag:s3], $0x2000  }
0x64: {  	[sflag:s3] =	ssyncset.done $0x0  }
0x65: {  	s24 =	sadd.s32 $0x200, s15;
	[sflag:s3] =	ssyncadd.s32 $0xFFFFE000  }
0x66: {  	[tilespmem:s20], [sflag:$0x1] =	stream.indirect.gather [hbm4b:s8+s19], $0x80, s24, s19, $0xb8;
	[tilespmem:$0x1E400] =	vst v63  }
0x67: {  	_ =	swait.ge [sflag:s4], $0x2000  }
0x68: {  	[sflag:s4] =	ssyncset.done $0x0  }
0x69: {  	s24 =	sadd.s32 $0x280, s15;
	[sflag:s4] =	ssyncadd.s32 $0xFFFFE000  }
0x6a: {  	[tilespmem:s22], [sflag:$0x2] =	stream.indirect.gather [hbm4b:s8+s19], $0x80, s24, s19, $0xb8;
	[tilespmem:$0x1E400] =	vst v63  }
0x6b: {  	_ =	swait.ge [sflag:s6], $0x2000  }
0x6c: {  	[sflag:s6] =	ssyncset.done $0x0  }
.Ltmp0:
0x6d: {  	s24 =	sadd.s32 $0x300, s15;
	[sflag:s6] =	ssyncadd.s32 $0xFFFFE000;
	(pc) =	sbr.rel @p0 .LBB2_2-.Ltmp0, $4  }
0x6e: {  	[tilespmem:s25], [sflag:$0x3] =	stream.indirect.gather [hbm4b:s8+s19], $0x80, s24, s19, $0xb8;
	[tilespmem:$0x1E400] =	vst v63  }
0x6f: {  	_ =	swait.ge [sflag:s7], $0x2000  }
0x70: {  	[sflag:s7] =	ssyncset.done $0x0  }
0x71: {  	s15 =	sadd.s32 $0x380, s15;
	[sflag:s7] =	ssyncadd.s32 $0xFFFFE000  }
0x72: {  	[tilespmem:s28], [sflag:$0x4] =	stream.indirect.gather [hbm4b:s8+s19], $0x80, s15, s19, $0xb8;
	[tilespmem:$0x1E400] =	vst v63  }
0x73: {  	_ =	swait.ge [sflag:s29], $0x2000  }
0x74: {  	[sflag:s29] =	ssyncset.done $0x0  }
0x75: {  	[sflag:s29] =	ssyncadd.s32 $0xFFFFE000  }
0x76: {  	[spmem:s1] =	stream.indirect.scatter.add.f32 [tilespmem:s20], [sflag:$0x5], $0x80, s9, s19, $0xb8;
	[tilespmem:$0x1E400] =	vst v63  }
0x77: {  	_ =	swait.ge [sflag:s30], $0x2000  }
0x78: {  	[sflag:s30] =	ssyncset.done $0x0  }
0x79: {  	[sflag:s30] =	ssyncadd.s32 $0xFFFFE000  }
0x7a: {  	[spmem:s1] =	stream.indirect.scatter.add.f32 [tilespmem:s22], [sflag:$0x6], $0x80, s10, s19, $0xb8;
	[tilespmem:$0x1E400] =	vst v63  }
0x7b: {  	_ =	swait.ge [sflag:s31], $0x2000  }
0x7c: {  	[sflag:s31] =	ssyncset.done $0x0  }
0x7d: {  	[sflag:s31] =	ssyncadd.s32 $0xFFFFE000  }
0x7e: {  	[spmem:s1] =	stream.indirect.scatter.add.f32 [tilespmem:s25], [sflag:$0x7], $0x80, s11, s19, $0xb8;
	[tilespmem:$0x1E400] =	vst v63  }
0x7f: {  	_ =	swait.ge [sflag:s0], $0x2000  }
0x80: {  	[sflag:s0] =	ssyncset.done $0x0  }
0x81: {  	[sflag:s0] =	ssyncadd.s32 $0xFFFFE000  }
0x82: {  	[spmem:s1] =	stream.indirect.scatter.add.f32 [tilespmem:s28], [sflag:$0x8], $0x80, s12, s19, $0xb8;
	[tilespmem:$0x1E400] =	vst v63  }
0x83: {  	_ =	swait.ge [sflag:s3], $0x2000  }
0x84: {  	[sflag:s3] =	ssyncset.done $0x0  }
0x85: {  	[sflag:s3] =	ssyncadd.s32 $0xFFFFE000  }
0x86: {  	_ =	swait.ge [sflag:s4], $0x2000  }
0x87: {  	[sflag:s4] =	ssyncset.done $0x0  }
0x88: {  	[sflag:s4] =	ssyncadd.s32 $0xFFFFE000  }
0x89: {  	_ =	swait.ge [sflag:s6], $0x2000  }
0x8a: {  	[sflag:s6] =	ssyncset.done $0x0  }
0x8b: {  	[sflag:s6] =	ssyncadd.s32 $0xFFFFE000  }
0x8c: {  	_ =	swait.ge [sflag:s7], $0x2000  }
0x8d: {  	[sflag:s7] =	ssyncset.done $0x0  }
0x8e: {  	s14 =	simm.s32 $0x0;
	s24 =	rddreg [dreg:$0x7];
	[sflag:s7] =	ssyncadd.s32 $0xFFFFE000  }
0x8f: {  	[tilespmem:s14], [sflag:$0x9] =	stream.linear.gather [hbm4b:s24+s14], $0x1400, $0x38;
	[tilespmem:$0x1E400] =	vst v63  }
0x90: {  	_ =	swait.ge [sflag:s17], $0x1400  }
0x91: {  	[sflag:s17] =	ssyncset.done $0x0  }
0x92: {  	s24 =	rddreg [dreg:$0x8];
	[sflag:s17] =	ssyncadd.s32 $0xFFFFEC00  }
0x93: {  	[tilespmem:s18], [sflag:$0x9] =	stream.linear.gather [hbm4b:s24+s14], $0x1400, $0x38;
	[tilespmem:$0x1E400] =	vst v63  }
0x94: {  	_ =	swait.ge [sflag:s17], $0x1400  }
0x95: {  	[sflag:s17] =	ssyncset.done $0x0  }
0x96: {  	[sflag:s17] =	ssyncadd.s32 $0xFFFFEC00  }
0x97: {  	[tilespmem:s20], [sflag:$0x1] =	stream.indirect.gather [hbm4b:s8+s19], $0x80, s14, s19, $0xb8;
	[tilespmem:$0x1E400] =	vst v63  }
0x98: {  	_ = 	snop  }
0x99: {  	[tilespmem:s22], [sflag:$0x2] =	stream.indirect.gather [hbm4b:s8+s19], $0x80, s21, s19, $0xb8;
	[tilespmem:$0x1E400] =	vst v63  }
0x9a: {  	_ = 	snop  }
0x9b: {  	[tilespmem:s25], [sflag:$0x3] =	stream.indirect.gather [hbm4b:s8+s19], $0x80, s23, s19, $0xb8;
	[tilespmem:$0x1E400] =	vst v63  }
0x9c: {  	_ = 	snop  }
0x9d: {  	[tilespmem:s28], [sflag:$0x4] =	stream.indirect.gather [hbm4b:s8+s19], $0x80, s26, s19, $0xb8;
	[tilespmem:$0x1E400] =	vst v63  }
0x9e: {  	_ =	swait.ge [sflag:s29], $0x2000  }
0x9f: {  	[sflag:s29] =	ssyncset.done $0x0  }
0xa0: {  	s24 =	simm.s32 $0x1400;
	[sflag:s29] =	ssyncadd.s32 $0xFFFFE000  }
0xa1: {  	[spmem:s1] =	stream.indirect.scatter.add.f32 [tilespmem:s20], [sflag:$0x5], $0x80, s24, s19, $0xb8;
	[tilespmem:$0x1E400] =	vst v63  }
0xa2: {  	_ =	swait.ge [sflag:s30], $0x2000  }
0xa3: {  	[sflag:s30] =	ssyncset.done $0x0  }
0xa4: {  	s15 =	simm.s32 $0x1480;
	[sflag:s30] =	ssyncadd.s32 $0xFFFFE000  }
0xa5: {  	[spmem:s1] =	stream.indirect.scatter.add.f32 [tilespmem:s22], [sflag:$0x6], $0x80, s15, s19, $0xb8;
	[tilespmem:$0x1E400] =	vst v63  }
0xa6: {  	_ =	swait.ge [sflag:s31], $0x2000  }
0xa7: {  	[sflag:s31] =	ssyncset.done $0x0  }
0xa8: {  	s24 =	simm.s32 $0x1500;
	[sflag:s31] =	ssyncadd.s32 $0xFFFFE000  }
0xa9: {  	[spmem:s1] =	stream.indirect.scatter.add.f32 [tilespmem:s25], [sflag:$0x7], $0x80, s24, s19, $0xb8;
	[tilespmem:$0x1E400] =	vst v63  }
0xaa: {  	_ =	swait.ge [sflag:s0], $0x2000  }
0xab: {  	[sflag:s0] =	ssyncset.done $0x0  }
0xac: {  	s15 =	simm.s32 $0x1580;
	[sflag:s0] =	ssyncadd.s32 $0xFFFFE000  }
0xad: {  	[spmem:s1] =	stream.indirect.scatter.add.f32 [tilespmem:s28], [sflag:$0x8], $0x80, s15, s19, $0xb8;
	[tilespmem:$0x1E400] =	vst v63  }
0xae: {  	_ =	swait.ge [sflag:s3], $0x2000  }
0xaf: {  	[sflag:s3] =	ssyncset.done $0x0  }
0xb0: {  	s24 =	simm.s32 $0x200;
	[sflag:s3] =	ssyncadd.s32 $0xFFFFE000  }
0xb1: {  	[tilespmem:s20], [sflag:$0x1] =	stream.indirect.gather [hbm4b:s8+s19], $0x80, s24, s19, $0xb8;
	[tilespmem:$0x1E400] =	vst v63  }
0xb2: {  	_ =	swait.ge [sflag:s4], $0x2000  }
0xb3: {  	[sflag:s4] =	ssyncset.done $0x0  }
0xb4: {  	s15 =	simm.s32 $0x280;
	[sflag:s4] =	ssyncadd.s32 $0xFFFFE000  }
0xb5: {  	[tilespmem:s22], [sflag:$0x2] =	stream.indirect.gather [hbm4b:s8+s19], $0x80, s15, s19, $0xb8;
	[tilespmem:$0x1E400] =	vst v63  }
0xb6: {  	_ =	swait.ge [sflag:s6], $0x2000  }
0xb7: {  	[sflag:s6] =	ssyncset.done $0x0  }
0xb8: {  	s24 =	simm.s32 $0x300;
	[sflag:s6] =	ssyncadd.s32 $0xFFFFE000  }
0xb9: {  	[tilespmem:s25], [sflag:$0x3] =	stream.indirect.gather [hbm4b:s8+s19], $0x80, s24, s19, $0xb8;
	[tilespmem:$0x1E400] =	vst v63  }
0xba: {  	_ =	swait.ge [sflag:s7], $0x2000  }
0xbb: {  	[sflag:s7] =	ssyncset.done $0x0  }
0xbc: {  	s14 =	simm.s32 $0x800;
	s15 =	simm.s32 $0x380;
	[sflag:s7] =	ssyncadd.s32 $0xFFFFE000  }
.LBB2_4:
0xbd: {  	[tilespmem:s28], [sflag:$0x4] =	stream.indirect.gather [hbm4b:s8+s19], $0x80, s15, s19, $0xb8;
	[tilespmem:$0x1E400] =	vst v63  }
0xbe: {  	s15 =	smov.u32 s14  }
0xbf: {  	p0 =	sne.s32 s14, $0x4000;
	s14 =	sadd.s32 $0x800, s14;
	_ =	swait.ge [sflag:s29], $0x2000  }
0xc0: {  	s15 =	sshra.s32 s15, $0x2;
	[sflag:s29] =	ssyncset.done $0x0  }
0xc1: {  	s24 =	sadd.s32 $0x1400, s15;
	[sflag:s29] =	ssyncadd.s32 $0xFFFFE000  }
0xc2: {  	[spmem:s1] =	stream.indirect.scatter.add.f32 [tilespmem:s20], [sflag:$0x5], $0x80, s24, s19, $0xb8;
	[tilespmem:$0x1E400] =	vst v63  }
0xc3: {  	_ =	swait.ge [sflag:s30], $0x2000  }
0xc4: {  	[sflag:s30] =	ssyncset.done $0x0  }
0xc5: {  	s24 =	sadd.s32 $0x1480, s15;
	[sflag:s30] =	ssyncadd.s32 $0xFFFFE000  }
0xc6: {  	[spmem:s1] =	stream.indirect.scatter.add.f32 [tilespmem:s22], [sflag:$0x6], $0x80, s24, s19, $0xb8;
	[tilespmem:$0x1E400] =	vst v63  }
0xc7: {  	_ =	swait.ge [sflag:s31], $0x2000  }
0xc8: {  	[sflag:s31] =	ssyncset.done $0x0  }
0xc9: {  	s24 =	sadd.s32 $0x1500, s15;
	[sflag:s31] =	ssyncadd.s32 $0xFFFFE000  }
0xca: {  	[spmem:s1] =	stream.indirect.scatter.add.f32 [tilespmem:s25], [sflag:$0x7], $0x80, s24, s19, $0xb8;
	[tilespmem:$0x1E400] =	vst v63  }
0xcb: {  	_ =	swait.ge [sflag:s0], $0x2000  }
0xcc: {  	[sflag:s0] =	ssyncset.done $0x0  }
0xcd: {  	s24 =	sadd.s32 $0x1580, s15;
	[sflag:s0] =	ssyncadd.s32 $0xFFFFE000  }
0xce: {  	[spmem:s1] =	stream.indirect.scatter.add.f32 [tilespmem:s28], [sflag:$0x8], $0x80, s24, s19, $0xb8;
	[tilespmem:$0x1E400] =	vst v63  }
0xcf: {  	_ =	swait.ge [sflag:s3], $0x2000  }
0xd0: {  	[sflag:s3] =	ssyncset.done $0x0  }
0xd1: {  	s24 =	sadd.s32 $0x200, s15;
	[sflag:s3] =	ssyncadd.s32 $0xFFFFE000  }
0xd2: {  	[tilespmem:s20], [sflag:$0x1] =	stream.indirect.gather [hbm4b:s8+s19], $0x80, s24, s19, $0xb8;
	[tilespmem:$0x1E400] =	vst v63  }
0xd3: {  	_ =	swait.ge [sflag:s4], $0x2000  }
0xd4: {  	[sflag:s4] =	ssyncset.done $0x0  }
0xd5: {  	s24 =	sadd.s32 $0x280, s15;
	[sflag:s4] =	ssyncadd.s32 $0xFFFFE000  }
0xd6: {  	[tilespmem:s22], [sflag:$0x2] =	stream.indirect.gather [hbm4b:s8+s19], $0x80, s24, s19, $0xb8;
	[tilespmem:$0x1E400] =	vst v63  }
0xd7: {  	_ =	swait.ge [sflag:s6], $0x2000  }
0xd8: {  	[sflag:s6] =	ssyncset.done $0x0  }
.Ltmp1:
0xd9: {  	s24 =	sadd.s32 $0x300, s15;
	[sflag:s6] =	ssyncadd.s32 $0xFFFFE000;
	(pc) =	sbr.rel @p0 .LBB2_4-.Ltmp1, $4  }
0xda: {  	[tilespmem:s25], [sflag:$0x3] =	stream.indirect.gather [hbm4b:s8+s19], $0x80, s24, s19, $0xb8;
	[tilespmem:$0x1E400] =	vst v63  }
0xdb: {  	_ =	swait.ge [sflag:s7], $0x2000  }
0xdc: {  	[sflag:s7] =	ssyncset.done $0x0  }
0xdd: {  	s15 =	sadd.s32 $0x380, s15;
	[sflag:s7] =	ssyncadd.s32 $0xFFFFE000  }
0xde: {  	[tilespmem:s28], [sflag:$0x4] =	stream.indirect.gather [hbm4b:s8+s19], $0x80, s15, s19, $0xb8;
	[tilespmem:$0x1E400] =	vst v63  }
0xdf: {  	_ =	swait.ge [sflag:s29], $0x2000  }
0xe0: {  	[sflag:s29] =	ssyncset.done $0x0  }
0xe1: {  	[sflag:s29] =	ssyncadd.s32 $0xFFFFE000  }
0xe2: {  	[spmem:s1] =	stream.indirect.scatter.add.f32 [tilespmem:s20], [sflag:$0x5], $0x80, s9, s19, $0xb8;
	[tilespmem:$0x1E400] =	vst v63  }
0xe3: {  	_ =	swait.ge [sflag:s30], $0x2000  }
0xe4: {  	[sflag:s30] =	ssyncset.done $0x0  }
0xe5: {  	[sflag:s30] =	ssyncadd.s32 $0xFFFFE000  }
0xe6: {  	[spmem:s1] =	stream.indirect.scatter.add.f32 [tilespmem:s22], [sflag:$0x6], $0x80, s10, s19, $0xb8;
	[tilespmem:$0x1E400] =	vst v63  }
0xe7: {  	_ =	swait.ge [sflag:s31], $0x2000  }
0xe8: {  	[sflag:s31] =	ssyncset.done $0x0  }
0xe9: {  	[sflag:s31] =	ssyncadd.s32 $0xFFFFE000  }
0xea: {  	[spmem:s1] =	stream.indirect.scatter.add.f32 [tilespmem:s25], [sflag:$0x7], $0x80, s11, s19, $0xb8;
	[tilespmem:$0x1E400] =	vst v63  }
0xeb: {  	_ =	swait.ge [sflag:s0], $0x2000  }
0xec: {  	[sflag:s0] =	ssyncset.done $0x0  }
0xed: {  	[sflag:s0] =	ssyncadd.s32 $0xFFFFE000  }
0xee: {  	[spmem:s1] =	stream.indirect.scatter.add.f32 [tilespmem:s28], [sflag:$0x8], $0x80, s12, s19, $0xb8;
	[tilespmem:$0x1E400] =	vst v63  }
0xef: {  	_ =	swait.ge [sflag:s3], $0x2000  }
0xf0: {  	[sflag:s3] =	ssyncset.done $0x0  }
0xf1: {  	[sflag:s3] =	ssyncadd.s32 $0xFFFFE000  }
0xf2: {  	_ =	swait.ge [sflag:s4], $0x2000  }
0xf3: {  	[sflag:s4] =	ssyncset.done $0x0  }
0xf4: {  	[sflag:s4] =	ssyncadd.s32 $0xFFFFE000  }
0xf5: {  	_ =	swait.ge [sflag:s6], $0x2000  }
0xf6: {  	[sflag:s6] =	ssyncset.done $0x0  }
0xf7: {  	[sflag:s6] =	ssyncadd.s32 $0xFFFFE000  }
0xf8: {  	_ =	swait.ge [sflag:s7], $0x2000  }
0xf9: {  	[sflag:s7] =	ssyncset.done $0x0  }
0xfa: {  	s14 =	simm.s32 $0x0;
	s24 =	rddreg [dreg:$0x9];
	[sflag:s7] =	ssyncadd.s32 $0xFFFFE000  }
0xfb: {  	[tilespmem:s14], [sflag:$0x9] =	stream.linear.gather [hbm4b:s24+s14], $0x1400, $0x38;
	[tilespmem:$0x1E400] =	vst v63  }
0xfc: {  	_ =	swait.ge [sflag:s17], $0x1400  }
0xfd: {  	[sflag:s17] =	ssyncset.done $0x0  }
0xfe: {  	s24 =	rddreg [dreg:$0xa];
	[sflag:s17] =	ssyncadd.s32 $0xFFFFEC00  }
0xff: {  	[tilespmem:s18], [sflag:$0x9] =	stream.linear.gather [hbm4b:s24+s14], $0x1400, $0x38;
	[tilespmem:$0x1E400] =	vst v63  }
0x100: {  	_ =	swait.ge [sflag:s17], $0x1400  }
0x101: {  	[sflag:s17] =	ssyncset.done $0x0  }
0x102: {  	[sflag:s17] =	ssyncadd.s32 $0xFFFFEC00  }
0x103: {  	[tilespmem:s20], [sflag:$0x1] =	stream.indirect.gather [hbm4b:s8+s19], $0x80, s14, s19, $0xb8;
	[tilespmem:$0x1E400] =	vst v63  }
0x104: {  	_ = 	snop  }
0x105: {  	[tilespmem:s22], [sflag:$0x2] =	stream.indirect.gather [hbm4b:s8+s19], $0x80, s21, s19, $0xb8;
	[tilespmem:$0x1E400] =	vst v63  }
0x106: {  	_ = 	snop  }
0x107: {  	[tilespmem:s25], [sflag:$0x3] =	stream.indirect.gather [hbm4b:s8+s19], $0x80, s23, s19, $0xb8;
	[tilespmem:$0x1E400] =	vst v63  }
0x108: {  	_ = 	snop  }
0x109: {  	[tilespmem:s28], [sflag:$0x4] =	stream.indirect.gather [hbm4b:s8+s19], $0x80, s26, s19, $0xb8;
	[tilespmem:$0x1E400] =	vst v63  }
0x10a: {  	_ =	swait.ge [sflag:s29], $0x2000  }
0x10b: {  	[sflag:s29] =	ssyncset.done $0x0  }
0x10c: {  	s24 =	simm.s32 $0x1400;
	[sflag:s29] =	ssyncadd.s32 $0xFFFFE000  }
0x10d: {  	[spmem:s1] =	stream.indirect.scatter.add.f32 [tilespmem:s20], [sflag:$0x5], $0x80, s24, s19, $0xb8;
	[tilespmem:$0x1E400] =	vst v63  }
0x10e: {  	_ =	swait.ge [sflag:s30], $0x2000  }
0x10f: {  	[sflag:s30] =	ssyncset.done $0x0  }
0x110: {  	s15 =	simm.s32 $0x1480;
	[sflag:s30] =	ssyncadd.s32 $0xFFFFE000  }
0x111: {  	[spmem:s1] =	stream.indirect.scatter.add.f32 [tilespmem:s22], [sflag:$0x6], $0x80, s15, s19, $0xb8;
	[tilespmem:$0x1E400] =	vst v63  }
0x112: {  	_ =	swait.ge [sflag:s31], $0x2000  }
0x113: {  	[sflag:s31] =	ssyncset.done $0x0  }
0x114: {  	s24 =	simm.s32 $0x1500;
	[sflag:s31] =	ssyncadd.s32 $0xFFFFE000  }
0x115: {  	[spmem:s1] =	stream.indirect.scatter.add.f32 [tilespmem:s25], [sflag:$0x7], $0x80, s24, s19, $0xb8;
	[tilespmem:$0x1E400] =	vst v63  }
0x116: {  	_ =	swait.ge [sflag:s0], $0x2000  }
0x117: {  	[sflag:s0] =	ssyncset.done $0x0  }
0x118: {  	s15 =	simm.s32 $0x1580;
	[sflag:s0] =	ssyncadd.s32 $0xFFFFE000  }
0x119: {  	[spmem:s1] =	stream.indirect.scatter.add.f32 [tilespmem:s28], [sflag:$0x8], $0x80, s15, s19, $0xb8;
	[tilespmem:$0x1E400] =	vst v63  }
0x11a: {  	_ =	swait.ge [sflag:s3], $0x2000  }
0x11b: {  	[sflag:s3] =	ssyncset.done $0x0  }
0x11c: {  	s24 =	simm.s32 $0x200;
	[sflag:s3] =	ssyncadd.s32 $0xFFFFE000  }
0x11d: {  	[tilespmem:s20], [sflag:$0x1] =	stream.indirect.gather [hbm4b:s8+s19], $0x80, s24, s19, $0xb8;
	[tilespmem:$0x1E400] =	vst v63  }
0x11e: {  	_ =	swait.ge [sflag:s4], $0x2000  }
0x11f: {  	[sflag:s4] =	ssyncset.done $0x0  }
0x120: {  	s15 =	simm.s32 $0x280;
	[sflag:s4] =	ssyncadd.s32 $0xFFFFE000  }
0x121: {  	[tilespmem:s22], [sflag:$0x2] =	stream.indirect.gather [hbm4b:s8+s19], $0x80, s15, s19, $0xb8;
	[tilespmem:$0x1E400] =	vst v63  }
0x122: {  	_ =	swait.ge [sflag:s6], $0x2000  }
0x123: {  	[sflag:s6] =	ssyncset.done $0x0  }
0x124: {  	s24 =	simm.s32 $0x300;
	[sflag:s6] =	ssyncadd.s32 $0xFFFFE000  }
0x125: {  	[tilespmem:s25], [sflag:$0x3] =	stream.indirect.gather [hbm4b:s8+s19], $0x80, s24, s19, $0xb8;
	[tilespmem:$0x1E400] =	vst v63  }
0x126: {  	_ =	swait.ge [sflag:s7], $0x2000  }
0x127: {  	[sflag:s7] =	ssyncset.done $0x0  }
0x128: {  	s14 =	simm.s32 $0x800;
	s15 =	simm.s32 $0x380;
	[sflag:s7] =	ssyncadd.s32 $0xFFFFE000  }
.LBB2_6:
0x129: {  	[tilespmem:s28], [sflag:$0x4] =	stream.indirect.gather [hbm4b:s8+s19], $0x80, s15, s19, $0xb8;
	[tilespmem:$0x1E400] =	vst v63  }
0x12a: {  	s15 =	smov.u32 s14  }
0x12b: {  	p0 =	sne.s32 s14, $0x4000;
	s14 =	sadd.s32 $0x800, s14;
	_ =	swait.ge [sflag:s29], $0x2000  }
0x12c: {  	s15 =	sshra.s32 s15, $0x2;
	[sflag:s29] =	ssyncset.done $0x0  }
0x12d: {  	s24 =	sadd.s32 $0x1400, s15;
	[sflag:s29] =	ssyncadd.s32 $0xFFFFE000  }
0x12e: {  	[spmem:s1] =	stream.indirect.scatter.add.f32 [tilespmem:s20], [sflag:$0x5], $0x80, s24, s19, $0xb8;
	[tilespmem:$0x1E400] =	vst v63  }
0x12f: {  	_ =	swait.ge [sflag:s30], $0x2000  }
0x130: {  	[sflag:s30] =	ssyncset.done $0x0  }
0x131: {  	s24 =	sadd.s32 $0x1480, s15;
	[sflag:s30] =	ssyncadd.s32 $0xFFFFE000  }
0x132: {  	[spmem:s1] =	stream.indirect.scatter.add.f32 [tilespmem:s22], [sflag:$0x6], $0x80, s24, s19, $0xb8;
	[tilespmem:$0x1E400] =	vst v63  }
0x133: {  	_ =	swait.ge [sflag:s31], $0x2000  }
0x134: {  	[sflag:s31] =	ssyncset.done $0x0  }
0x135: {  	s24 =	sadd.s32 $0x1500, s15;
	[sflag:s31] =	ssyncadd.s32 $0xFFFFE000  }
0x136: {  	[spmem:s1] =	stream.indirect.scatter.add.f32 [tilespmem:s25], [sflag:$0x7], $0x80, s24, s19, $0xb8;
	[tilespmem:$0x1E400] =	vst v63  }
0x137: {  	_ =	swait.ge [sflag:s0], $0x2000  }
0x138: {  	[sflag:s0] =	ssyncset.done $0x0  }
0x139: {  	s24 =	sadd.s32 $0x1580, s15;
	[sflag:s0] =	ssyncadd.s32 $0xFFFFE000  }
0x13a: {  	[spmem:s1] =	stream.indirect.scatter.add.f32 [tilespmem:s28], [sflag:$0x8], $0x80, s24, s19, $0xb8;
	[tilespmem:$0x1E400] =	vst v63  }
0x13b: {  	_ =	swait.ge [sflag:s3], $0x2000  }
0x13c: {  	[sflag:s3] =	ssyncset.done $0x0  }
0x13d: {  	s24 =	sadd.s32 $0x200, s15;
	[sflag:s3] =	ssyncadd.s32 $0xFFFFE000  }
0x13e: {  	[tilespmem:s20], [sflag:$0x1] =	stream.indirect.gather [hbm4b:s8+s19], $0x80, s24, s19, $0xb8;
	[tilespmem:$0x1E400] =	vst v63  }
0x13f: {  	_ =	swait.ge [sflag:s4], $0x2000  }
0x140: {  	[sflag:s4] =	ssyncset.done $0x0  }
0x141: {  	s24 =	sadd.s32 $0x280, s15;
	[sflag:s4] =	ssyncadd.s32 $0xFFFFE000  }
0x142: {  	[tilespmem:s22], [sflag:$0x2] =	stream.indirect.gather [hbm4b:s8+s19], $0x80, s24, s19, $0xb8;
	[tilespmem:$0x1E400] =	vst v63  }
0x143: {  	_ =	swait.ge [sflag:s6], $0x2000  }
0x144: {  	[sflag:s6] =	ssyncset.done $0x0  }
.Ltmp2:
0x145: {  	s24 =	sadd.s32 $0x300, s15;
	[sflag:s6] =	ssyncadd.s32 $0xFFFFE000;
	(pc) =	sbr.rel @p0 .LBB2_6-.Ltmp2, $4  }
0x146: {  	[tilespmem:s25], [sflag:$0x3] =	stream.indirect.gather [hbm4b:s8+s19], $0x80, s24, s19, $0xb8;
	[tilespmem:$0x1E400] =	vst v63  }
0x147: {  	_ =	swait.ge [sflag:s7], $0x2000  }
0x148: {  	[sflag:s7] =	ssyncset.done $0x0  }
0x149: {  	s15 =	sadd.s32 $0x380, s15;
	[sflag:s7] =	ssyncadd.s32 $0xFFFFE000  }
0x14a: {  	[tilespmem:s28], [sflag:$0x4] =	stream.indirect.gather [hbm4b:s8+s19], $0x80, s15, s19, $0xb8;
	[tilespmem:$0x1E400] =	vst v63  }
0x14b: {  	_ =	swait.ge [sflag:s29], $0x2000  }
0x14c: {  	[sflag:s29] =	ssyncset.done $0x0  }
0x14d: {  	[sflag:s29] =	ssyncadd.s32 $0xFFFFE000  }
0x14e: {  	[spmem:s1] =	stream.indirect.scatter.add.f32 [tilespmem:s20], [sflag:$0x5], $0x80, s9, s19, $0xb8;
	[tilespmem:$0x1E400] =	vst v63  }
0x14f: {  	_ =	swait.ge [sflag:s30], $0x2000  }
0x150: {  	[sflag:s30] =	ssyncset.done $0x0  }
0x151: {  	[sflag:s30] =	ssyncadd.s32 $0xFFFFE000  }
0x152: {  	[spmem:s1] =	stream.indirect.scatter.add.f32 [tilespmem:s22], [sflag:$0x6], $0x80, s10, s19, $0xb8;
	[tilespmem:$0x1E400] =	vst v63  }
0x153: {  	_ =	swait.ge [sflag:s31], $0x2000  }
0x154: {  	[sflag:s31] =	ssyncset.done $0x0  }
0x155: {  	[sflag:s31] =	ssyncadd.s32 $0xFFFFE000  }
0x156: {  	[spmem:s1] =	stream.indirect.scatter.add.f32 [tilespmem:s25], [sflag:$0x7], $0x80, s11, s19, $0xb8;
	[tilespmem:$0x1E400] =	vst v63  }
0x157: {  	_ =	swait.ge [sflag:s0], $0x2000  }
0x158: {  	[sflag:s0] =	ssyncset.done $0x0  }
0x159: {  	[sflag:s0] =	ssyncadd.s32 $0xFFFFE000  }
0x15a: {  	[spmem:s1] =	stream.indirect.scatter.add.f32 [tilespmem:s28], [sflag:$0x8], $0x80, s12, s19, $0xb8;
	[tilespmem:$0x1E400] =	vst v63  }
0x15b: {  	_ =	swait.ge [sflag:s3], $0x2000  }
0x15c: {  	[sflag:s3] =	ssyncset.done $0x0  }
0x15d: {  	[sflag:s3] =	ssyncadd.s32 $0xFFFFE000  }
0x15e: {  	_ =	swait.ge [sflag:s4], $0x2000  }
0x15f: {  	[sflag:s4] =	ssyncset.done $0x0  }
0x160: {  	[sflag:s4] =	ssyncadd.s32 $0xFFFFE000  }
0x161: {  	_ =	swait.ge [sflag:s6], $0x2000  }
0x162: {  	[sflag:s6] =	ssyncset.done $0x0  }
0x163: {  	[sflag:s6] =	ssyncadd.s32 $0xFFFFE000  }
0x164: {  	_ =	swait.ge [sflag:s7], $0x2000  }
0x165: {  	[sflag:s7] =	ssyncset.done $0x0  }
0x166: {  	s14 =	simm.s32 $0x0;
	s24 =	rddreg [dreg:$0xb];
	[sflag:s7] =	ssyncadd.s32 $0xFFFFE000  }
0x167: {  	[tilespmem:s14], [sflag:$0x9] =	stream.linear.gather [hbm4b:s24+s14], $0x1400, $0x38;
	[tilespmem:$0x1E400] =	vst v63  }
0x168: {  	_ =	swait.ge [sflag:s17], $0x1400  }
0x169: {  	[sflag:s17] =	ssyncset.done $0x0  }
0x16a: {  	s24 =	rddreg [dreg:$0xc];
	[sflag:s17] =	ssyncadd.s32 $0xFFFFEC00  }
0x16b: {  	[tilespmem:s18], [sflag:$0x9] =	stream.linear.gather [hbm4b:s24+s14], $0x1400, $0x38;
	[tilespmem:$0x1E400] =	vst v63  }
0x16c: {  	_ =	swait.ge [sflag:s17], $0x1400  }
0x16d: {  	[sflag:s17] =	ssyncset.done $0x0  }
0x16e: {  	[sflag:s17] =	ssyncadd.s32 $0xFFFFEC00  }
0x16f: {  	[tilespmem:s20], [sflag:$0x1] =	stream.indirect.gather [hbm4b:s8+s19], $0x80, s14, s19, $0xb8;
	[tilespmem:$0x1E400] =	vst v63  }
0x170: {  	_ = 	snop  }
0x171: {  	[tilespmem:s22], [sflag:$0x2] =	stream.indirect.gather [hbm4b:s8+s19], $0x80, s21, s19, $0xb8;
	[tilespmem:$0x1E400] =	vst v63  }
0x172: {  	_ = 	snop  }
0x173: {  	[tilespmem:s25], [sflag:$0x3] =	stream.indirect.gather [hbm4b:s8+s19], $0x80, s23, s19, $0xb8;
	[tilespmem:$0x1E400] =	vst v63  }
0x174: {  	_ = 	snop  }
0x175: {  	[tilespmem:s28], [sflag:$0x4] =	stream.indirect.gather [hbm4b:s8+s19], $0x80, s26, s19, $0xb8;
	[tilespmem:$0x1E400] =	vst v63  }
0x176: {  	_ =	swait.ge [sflag:s29], $0x2000  }
0x177: {  	[sflag:s29] =	ssyncset.done $0x0  }
0x178: {  	s24 =	simm.s32 $0x1400;
	[sflag:s29] =	ssyncadd.s32 $0xFFFFE000  }
0x179: {  	[spmem:s1] =	stream.indirect.scatter.add.f32 [tilespmem:s20], [sflag:$0x5], $0x80, s24, s19, $0xb8;
	[tilespmem:$0x1E400] =	vst v63  }
0x17a: {  	_ =	swait.ge [sflag:s30], $0x2000  }
0x17b: {  	[sflag:s30] =	ssyncset.done $0x0  }
0x17c: {  	s15 =	simm.s32 $0x1480;
	[sflag:s30] =	ssyncadd.s32 $0xFFFFE000  }
0x17d: {  	[spmem:s1] =	stream.indirect.scatter.add.f32 [tilespmem:s22], [sflag:$0x6], $0x80, s15, s19, $0xb8;
	[tilespmem:$0x1E400] =	vst v63  }
0x17e: {  	_ =	swait.ge [sflag:s31], $0x2000  }
0x17f: {  	[sflag:s31] =	ssyncset.done $0x0  }
0x180: {  	s24 =	simm.s32 $0x1500;
	[sflag:s31] =	ssyncadd.s32 $0xFFFFE000  }
0x181: {  	[spmem:s1] =	stream.indirect.scatter.add.f32 [tilespmem:s25], [sflag:$0x7], $0x80, s24, s19, $0xb8;
	[tilespmem:$0x1E400] =	vst v63  }
0x182: {  	_ =	swait.ge [sflag:s0], $0x2000  }
0x183: {  	[sflag:s0] =	ssyncset.done $0x0  }
0x184: {  	s15 =	simm.s32 $0x1580;
	[sflag:s0] =	ssyncadd.s32 $0xFFFFE000  }
0x185: {  	[spmem:s1] =	stream.indirect.scatter.add.f32 [tilespmem:s28], [sflag:$0x8], $0x80, s15, s19, $0xb8;
	[tilespmem:$0x1E400] =	vst v63  }
0x186: {  	_ =	swait.ge [sflag:s3], $0x2000  }
0x187: {  	[sflag:s3] =	ssyncset.done $0x0  }
0x188: {  	s24 =	simm.s32 $0x200;
	[sflag:s3] =	ssyncadd.s32 $0xFFFFE000  }
0x189: {  	[tilespmem:s20], [sflag:$0x1] =	stream.indirect.gather [hbm4b:s8+s19], $0x80, s24, s19, $0xb8;
	[tilespmem:$0x1E400] =	vst v63  }
0x18a: {  	_ =	swait.ge [sflag:s4], $0x2000  }
0x18b: {  	[sflag:s4] =	ssyncset.done $0x0  }
0x18c: {  	s15 =	simm.s32 $0x280;
	[sflag:s4] =	ssyncadd.s32 $0xFFFFE000  }
0x18d: {  	[tilespmem:s22], [sflag:$0x2] =	stream.indirect.gather [hbm4b:s8+s19], $0x80, s15, s19, $0xb8;
	[tilespmem:$0x1E400] =	vst v63  }
0x18e: {  	_ =	swait.ge [sflag:s6], $0x2000  }
0x18f: {  	[sflag:s6] =	ssyncset.done $0x0  }
0x190: {  	s24 =	simm.s32 $0x300;
	[sflag:s6] =	ssyncadd.s32 $0xFFFFE000  }
0x191: {  	[tilespmem:s25], [sflag:$0x3] =	stream.indirect.gather [hbm4b:s8+s19], $0x80, s24, s19, $0xb8;
	[tilespmem:$0x1E400] =	vst v63  }
0x192: {  	_ =	swait.ge [sflag:s7], $0x2000  }
0x193: {  	[sflag:s7] =	ssyncset.done $0x0  }
0x194: {  	s14 =	simm.s32 $0x800;
	s15 =	simm.s32 $0x380;
	[sflag:s7] =	ssyncadd.s32 $0xFFFFE000  }
.LBB2_8:
0x195: {  	[tilespmem:s28], [sflag:$0x4] =	stream.indirect.gather [hbm4b:s8+s19], $0x80, s15, s19, $0xb8;
	[tilespmem:$0x1E400] =	vst v63  }
0x196: {  	s15 =	smov.u32 s14  }
0x197: {  	p0 =	sne.s32 s14, $0x4000;
	s14 =	sadd.s32 $0x800, s14;
	_ =	swait.ge [sflag:s29], $0x2000  }
0x198: {  	s15 =	sshra.s32 s15, $0x2;
	[sflag:s29] =	ssyncset.done $0x0  }
0x199: {  	s24 =	sadd.s32 $0x1400, s15;
	[sflag:s29] =	ssyncadd.s32 $0xFFFFE000  }
0x19a: {  	[spmem:s1] =	stream.indirect.scatter.add.f32 [tilespmem:s20], [sflag:$0x5], $0x80, s24, s19, $0xb8;
	[tilespmem:$0x1E400] =	vst v63  }
0x19b: {  	_ =	swait.ge [sflag:s30], $0x2000  }
0x19c: {  	[sflag:s30] =	ssyncset.done $0x0  }
0x19d: {  	s24 =	sadd.s32 $0x1480, s15;
	[sflag:s30] =	ssyncadd.s32 $0xFFFFE000  }
0x19e: {  	[spmem:s1] =	stream.indirect.scatter.add.f32 [tilespmem:s22], [sflag:$0x6], $0x80, s24, s19, $0xb8;
	[tilespmem:$0x1E400] =	vst v63  }
0x19f: {  	_ =	swait.ge [sflag:s31], $0x2000  }
0x1a0: {  	[sflag:s31] =	ssyncset.done $0x0  }
0x1a1: {  	s24 =	sadd.s32 $0x1500, s15;
	[sflag:s31] =	ssyncadd.s32 $0xFFFFE000  }
0x1a2: {  	[spmem:s1] =	stream.indirect.scatter.add.f32 [tilespmem:s25], [sflag:$0x7], $0x80, s24, s19, $0xb8;
	[tilespmem:$0x1E400] =	vst v63  }
0x1a3: {  	_ =	swait.ge [sflag:s0], $0x2000  }
0x1a4: {  	[sflag:s0] =	ssyncset.done $0x0  }
0x1a5: {  	s24 =	sadd.s32 $0x1580, s15;
	[sflag:s0] =	ssyncadd.s32 $0xFFFFE000  }
0x1a6: {  	[spmem:s1] =	stream.indirect.scatter.add.f32 [tilespmem:s28], [sflag:$0x8], $0x80, s24, s19, $0xb8;
	[tilespmem:$0x1E400] =	vst v63  }
0x1a7: {  	_ =	swait.ge [sflag:s3], $0x2000  }
0x1a8: {  	[sflag:s3] =	ssyncset.done $0x0  }
0x1a9: {  	s24 =	sadd.s32 $0x200, s15;
	[sflag:s3] =	ssyncadd.s32 $0xFFFFE000  }
0x1aa: {  	[tilespmem:s20], [sflag:$0x1] =	stream.indirect.gather [hbm4b:s8+s19], $0x80, s24, s19, $0xb8;
	[tilespmem:$0x1E400] =	vst v63  }
0x1ab: {  	_ =	swait.ge [sflag:s4], $0x2000  }
0x1ac: {  	[sflag:s4] =	ssyncset.done $0x0  }
0x1ad: {  	s24 =	sadd.s32 $0x280, s15;
	[sflag:s4] =	ssyncadd.s32 $0xFFFFE000  }
0x1ae: {  	[tilespmem:s22], [sflag:$0x2] =	stream.indirect.gather [hbm4b:s8+s19], $0x80, s24, s19, $0xb8;
	[tilespmem:$0x1E400] =	vst v63  }
0x1af: {  	_ =	swait.ge [sflag:s6], $0x2000  }
0x1b0: {  	[sflag:s6] =	ssyncset.done $0x0  }
.Ltmp3:
0x1b1: {  	s24 =	sadd.s32 $0x300, s15;
	[sflag:s6] =	ssyncadd.s32 $0xFFFFE000;
	(pc) =	sbr.rel @p0 .LBB2_8-.Ltmp3, $4  }
0x1b2: {  	[tilespmem:s25], [sflag:$0x3] =	stream.indirect.gather [hbm4b:s8+s19], $0x80, s24, s19, $0xb8;
	[tilespmem:$0x1E400] =	vst v63  }
0x1b3: {  	_ =	swait.ge [sflag:s7], $0x2000  }
0x1b4: {  	[sflag:s7] =	ssyncset.done $0x0  }
0x1b5: {  	s15 =	sadd.s32 $0x380, s15;
	[sflag:s7] =	ssyncadd.s32 $0xFFFFE000  }
0x1b6: {  	[tilespmem:s28], [sflag:$0x4] =	stream.indirect.gather [hbm4b:s8+s19], $0x80, s15, s19, $0xb8;
	[tilespmem:$0x1E400] =	vst v63  }
0x1b7: {  	_ =	swait.ge [sflag:s29], $0x2000  }
0x1b8: {  	[sflag:s29] =	ssyncset.done $0x0  }
0x1b9: {  	[sflag:s29] =	ssyncadd.s32 $0xFFFFE000  }
0x1ba: {  	[spmem:s1] =	stream.indirect.scatter.add.f32 [tilespmem:s20], [sflag:$0x5], $0x80, s9, s19, $0xb8;
	[tilespmem:$0x1E400] =	vst v63  }
0x1bb: {  	_ =	swait.ge [sflag:s30], $0x2000  }
0x1bc: {  	[sflag:s30] =	ssyncset.done $0x0  }
0x1bd: {  	[sflag:s30] =	ssyncadd.s32 $0xFFFFE000  }
0x1be: {  	[spmem:s1] =	stream.indirect.scatter.add.f32 [tilespmem:s22], [sflag:$0x6], $0x80, s10, s19, $0xb8;
	[tilespmem:$0x1E400] =	vst v63  }
0x1bf: {  	_ =	swait.ge [sflag:s31], $0x2000  }
0x1c0: {  	[sflag:s31] =	ssyncset.done $0x0  }
0x1c1: {  	[sflag:s31] =	ssyncadd.s32 $0xFFFFE000  }
0x1c2: {  	[spmem:s1] =	stream.indirect.scatter.add.f32 [tilespmem:s25], [sflag:$0x7], $0x80, s11, s19, $0xb8;
	[tilespmem:$0x1E400] =	vst v63  }
0x1c3: {  	_ =	swait.ge [sflag:s0], $0x2000  }
0x1c4: {  	[sflag:s0] =	ssyncset.done $0x0  }
0x1c5: {  	[sflag:s0] =	ssyncadd.s32 $0xFFFFE000  }
0x1c6: {  	[spmem:s1] =	stream.indirect.scatter.add.f32 [tilespmem:s28], [sflag:$0x8], $0x80, s12, s19, $0xb8;
	[tilespmem:$0x1E400] =	vst v63  }
0x1c7: {  	_ =	swait.ge [sflag:s3], $0x2000  }
0x1c8: {  	[sflag:s3] =	ssyncset.done $0x0  }
0x1c9: {  	[sflag:s3] =	ssyncadd.s32 $0xFFFFE000  }
0x1ca: {  	_ =	swait.ge [sflag:s4], $0x2000  }
0x1cb: {  	[sflag:s4] =	ssyncset.done $0x0  }
0x1cc: {  	[sflag:s4] =	ssyncadd.s32 $0xFFFFE000  }
0x1cd: {  	_ =	swait.ge [sflag:s6], $0x2000  }
0x1ce: {  	[sflag:s6] =	ssyncset.done $0x0  }
0x1cf: {  	[sflag:s6] =	ssyncadd.s32 $0xFFFFE000  }
0x1d0: {  	_ =	swait.ge [sflag:s7], $0x2000  }
0x1d1: {  	[sflag:s7] =	ssyncset.done $0x0  }
0x1d2: {  	[sflag:s7] =	ssyncadd.s32 $0xFFFFE000  }
0x1d3: {  	[bflag:$0x0] =	sbarrier.arrive $0xFFFF  }
0x1d4: {  	s14 =	rddreg [dreg:$0xe]  }
0x1d5: {  	[hbm:s14], [sflag:s5] =	dma.local [spmem:s16], $0x2780  }
0x1d6: {  	_ =	swait.ge [sflag:s17], $0x2780  }
0x1d7: {  	s13 =	sadd.s32 $0x1, s13;
	s24 =	rddreg [dreg:$0xd]  }
0x1d8: {  	p0 =	sne.s32 s13, s24  }
.Ltmp4:
0x1d9: {  	_ = 	snop;
	(pc) =	sbr.rel @p0 .LBB2_1-.Ltmp4, $3  }
0x1da: {  	_ =	sdelay $0x1  }
0x1db: {  	[sflag:s17] =	ssyncset.done $0x0  }
0x1dc: {  	[sflag:s17] =	ssyncadd.s32 $0xFFFFD880  }
0x1dd: {  	_ =	sfence.sel $0x180000  }
0x1de: {  	[bflag:$0x0] =	sbarrier.arrive $0xFFFF  }
0x1df: {  	_ =	strace $0x9000004A  }
0x1e0: {  	s0 =	stileid.u32;
	[bflag:$0x2] =	sbarrier.arrive $0xFFFF  }
0x1e1: {  	p0 =	sne.s32 s0, $0x0;
	s0 =	rddreg [dreg:$0x3]  }
0x1e2: {  	s0 =	sadd.s32 @!p0 $0x100000, s0  }
0x1e3: {  	[sflag:s0] =	ssyncadd.tile.s32 @!p0 $0x1;
	_ =	shalt  }
.Lfunc_end2:
_tile_overlayer_lowered:
.L_overlay_start_2:
0x1e4: {  	(tag) =	ssettag $0x2  }
0x1e5: {  	s0 =	rddreg [dreg:$0x0];
	s2 =	stileid.u32  }
0x1e6: {  	s1 =	rddreg [dreg:$0x1];
	p0 =	sne.s32 s2, $0x0  }
0x1e7: {  	s3 =	rddreg [dreg:$0x2];
	[bflag:$0x3] =	sbarrier.arrive $0xFFFF;
	s2 =	simm.s32 @!p0 $0x1C09  }
0x1e8: {  	[timem:s3], [sflag:s2] =	dma.local @!p0 [hbm:s0], s1  }
0x1e9: {  	s0 =	simm.s32 @!p0 $0x9  }
0x1ea: {  	_ =	swait.ge @!p0 [sflag:s0], s1  }
0x1eb: {  	s1 =	ssub.s32 @!p0 $0x0, s1;
	[sflag:s0] =	ssyncset.done @!p0 $0x0  }
0x1ec: {  	[sflag:s0] =	ssyncadd.s32 @!p0 s1  }
0x1ed: {  	[bflag:$0x3] =	sbarrier.arrive $0xFFFF  }
0x1ee: {  	_ =	shalt  }

// kernel: kernel.14.cloned.1.call-start
scs
__scs_entry_jumppad:
0x0: {  	(pc) =	sbr.rel $0x88, $3  }
0x1: {  	(tag) =	ssettag $0x0;
	lr =	simm.s32 $0x1  }
0x2: {  	[smem:$0x3F9B] =	sst lr;
	_ =	strace $0xD0000000  }
0x3: {  	_ = 	snop  }
0x4: {  	_ = 	snop  }
0x5: {  	_ = 	snop  }
0x6: {  	_ = 	snop  }
0x7: {  	_ = 	snop  }
__scs_overlays_trampoline_lowered:
0x8: {  	[smem:$0x3FAA] =	sst s0  }
0x9: {  	[smem:$0x3FAB] =	sst s1  }
0xa: {  	[smem:$0x3FAC] =	sst s2  }
0xb: {  	[smem:$0x3FAD] =	sst s3  }
0xc: {  	[smem:$0x3FAE] =	sst s4  }
0xd: {  	[smem:$0x3FAF] =	sst s5  }
0xe: {  	[smem:$0x3FB0] =	sst s6  }
0xf: {  	[smem:$0x3FB1] =	sst s7  }
0x10: {  	[smem:$0x3FB2] =	sst s8  }
0x11: {  	[smem:$0x3FB3] =	sst s9;
	s0 =	simm.s32 @!p0 $0x0  }
0x12: {  	s1 =	sld [smem:$0x3F99];
	s0 =	simm.s32 @p0 $0x1  }
0x13: {  	[smem:$0x3FB4] =	sst s0;
	s0 =	simm.s32 @!p1 $0x0  }
0x14: {  	s2 =	sld [smem:$0x3F98];
	s0 =	simm.s32 @p1 $0x1  }
0x15: {  	[smem:$0x3FB5] =	sst s0;
	s0 =	simm.s32 @!p2 $0x0  }
0x16: {  	s3 =	sld [smem:$0x3FDB];
	s0 =	simm.s32 @p2 $0x1  }
0x17: {  	s4 =	simm.s32 $0x1BF5;
	[smem:$0x3FB7] =	sst s0  }
0x18: {  	s0 =	sld [smem:$0x3F9A];
	_ =	swait.ge [sflag:s4], $0x0  }
0x19: {  	s7 =	sld [smem:$0x3F9B]  }
0x1a: {  	s8 =	sadd.s32 $0xFFFFE003, lr  }
0x1b: {  	s9 =	sadd.s32 $0xFFFFFEF7, lr;
	s5 =	simm.s32 $0xFFFFFFFF;
	p2 =	slt.u32 s8, $0xFFFFF086  }
0x1c: {  	p1 =	slt.u32 s9, $0xF7A;
	s5 =	simm.s32 @!p2 $0x0  }
0x1d: {  	s5 =	simm.s32 @p1 $0x1;
	p0 =	seq.s32 s7, s2  }
0x1e: {  	s7 =	smul.u32 @!p0 $0xF7A, s2;
	p2 =	seq.s32 @!p0 s5, $0x0  }
0x1f: {  	s9 =	smul.u32 $0xF7A, s1;
	s8 =	simm.s32 @!p0 $0x1BF5;
	p2 =	por !p2, p0  }
0x20: {  	[sflag:s8] =	ssyncset.s32 @!p0 $0xFFFFF086;
	s6 =	sadd.s32 @!p0 s3, s7;
	s7 =	simm.s32 @!p0 $0x108  }
0x21: {  	s3 =	sadd.s32 s3, s9;
	s6 =	sadd.s32 @!p0 $0x88, s6;
	s7 =	simm.s32 @p2 $0x1082  }
0x22: {  	[simem:s7], [sflag:s8] =	dma.local @!p0 [hbm:s6], $0xF7A  }
0x23: {  	s9 =	sor.u32 $0xD0000000, s2;
	s6 =	simm.s32 $0x108;
	_ =	swait.ge @!p0 [sflag:s8], $0x0  }
0x24: {  	s3 =	sadd.s32 $0x88, s3;
	s6 =	simm.s32 @!p1 $0x1082;
	[sflag:s4] =	ssyncset.s32 $0xFFFFF086  }
0x25: {  	[simem:s6], [sflag:s4] =	dma.local [hbm:s3], $0xF7A  }
0x26: {  	[smem:$0x3F9B] =	sst s1;
	(tag) =	ssettag s2;
	_ =	strace s9  }
0x27: {  	s1 =	sld [smem:$0x3FAB]  }
0x28: {  	s2 =	sld [smem:$0x3FAC]  }
0x29: {  	s4 =	sld [smem:$0x3FAE]  }
0x2a: {  	p0 =	seq.s32 s5, $0x0;
	s5 =	sld [smem:$0x3FAF]  }
0x2b: {  	s6 =	sld [smem:$0x3FB0]  }
0x2c: {  	s7 =	sld [smem:$0x3FB1]  }
0x2d: {  	s3 =	simm.s32 $0x108;
	s8 =	sld [smem:$0x3FB2]  }
0x2e: {  	s3 =	simm.s32 @!p0 $0x1082;
	s9 =	sld [smem:$0x3FB3]  }
0x2f: {  	lr =	sadd.s32 s0, s3;
	s0 =	sld [smem:$0x3FAA]  }
0x30: {  	s3 =	sld [smem:$0x3FAD]  }
0x31: {  	[smem:$0x3FB6] =	sst s10  }
0x32: {  	s10 =	sld [smem:$0x3FB4];
	_ =	sdelay $0x3  }
0x33: {  	p0 =	seq.s32 s10, $0x1;
	s10 =	sld [smem:$0x3FB6];
	_ =	sdelay $0x3  }
0x34: {  	[smem:$0x3FB6] =	sst s10  }
0x35: {  	s10 =	sld [smem:$0x3FB5];
	_ =	sdelay $0x3  }
0x36: {  	p1 =	seq.s32 s10, $0x1;
	s10 =	sld [smem:$0x3FB6];
	_ =	sdelay $0x3  }
0x37: {  	[smem:$0x3FB6] =	sst s10  }
0x38: {  	s10 =	sld [smem:$0x3FB7]  }
0x39: {  	_ = 	snop;
	(pc) =	sbr.ind lr, $3  }
0x3a: {  	_ = 	snop  }
0x3b: {  	_ = 	snop  }
0x3c: {  	p2 =	seq.s32 s10, $0x1;
	s10 =	sld [smem:$0x3FB6]  }
0x3d: {  	_ =	shalt  }
0x3e: {  	_ =	shalt  }
0x3f: {  	_ =	shalt  }
0x40: {  	_ =	shalt  }
0x41: {  	_ =	shalt  }
0x42: {  	_ =	shalt  }
0x43: {  	_ =	shalt  }
0x44: {  	_ =	shalt  }
0x45: {  	_ =	shalt  }
0x46: {  	_ =	shalt  }
0x47: {  	_ =	shalt  }
0x48: {  	_ =	shalt  }
0x49: {  	_ =	shalt  }
0x4a: {  	_ =	shalt  }
0x4b: {  	_ =	shalt  }
0x4c: {  	_ =	shalt  }
0x4d: {  	_ =	shalt  }
0x4e: {  	_ =	shalt  }
0x4f: {  	_ =	shalt  }
0x50: {  	_ =	shalt  }
0x51: {  	_ =	shalt  }
0x52: {  	_ =	shalt  }
0x53: {  	_ =	shalt  }
0x54: {  	_ =	shalt  }
0x55: {  	_ =	shalt  }
0x56: {  	_ =	shalt  }
0x57: {  	_ =	shalt  }
0x58: {  	_ =	shalt  }
0x59: {  	_ =	shalt  }
0x5a: {  	_ =	shalt  }
0x5b: {  	_ =	shalt  }
0x5c: {  	_ =	shalt  }
0x5d: {  	_ =	shalt  }
0x5e: {  	_ =	shalt  }
0x5f: {  	_ =	shalt  }
0x60: {  	_ =	shalt  }
0x61: {  	_ =	shalt  }
0x62: {  	_ =	shalt  }
0x63: {  	_ =	shalt  }
0x64: {  	_ =	shalt  }
0x65: {  	_ =	shalt  }
0x66: {  	_ =	shalt  }
0x67: {  	_ =	shalt  }
0x68: {  	_ =	shalt  }
0x69: {  	_ =	shalt  }
0x6a: {  	_ =	shalt  }
0x6b: {  	_ =	shalt  }
0x6c: {  	_ =	shalt  }
0x6d: {  	_ =	shalt  }
0x6e: {  	_ =	shalt  }
0x6f: {  	_ =	shalt  }
0x70: {  	_ =	shalt  }
0x71: {  	_ =	shalt  }
0x72: {  	_ =	shalt  }
0x73: {  	_ =	shalt  }
0x74: {  	_ =	shalt  }
0x75: {  	_ =	shalt  }
0x76: {  	_ =	shalt  }
0x77: {  	_ =	shalt  }
0x78: {  	_ =	shalt  }
0x79: {  	_ =	shalt  }
0x7a: {  	_ =	shalt  }
0x7b: {  	_ =	shalt  }
0x7c: {  	_ =	shalt  }
0x7d: {  	_ =	shalt  }
0x7e: {  	_ =	shalt  }
0x7f: {  	_ =	shalt  }
0x80: {  	_ =	shalt  }
0x81: {  	_ =	shalt  }
0x82: {  	_ =	shalt  }
0x83: {  	_ =	shalt  }
0x84: {  	_ =	shalt  }
0x85: {  	_ =	shalt  }
0x86: {  	_ =	shalt  }
0x87: {  	_ =	shalt  }
.Lfunc_end0:
.L_simem_size_0:
called_computation.2_lowered:
.L_overlay_start_0:
0x88: {  	s2 =	sld [smem:$0x3FD9]  }
0x89: {  	s3 =	sld [smem:$0x3FFE];
	_ =	sdelay $0x1  }
0x8a: {  	s1 =	srdreg.scid  }
0x8b: {  	s0 =	sand.u32 $0x1, s1  }
0x8c: {  	s17 =	sshll.u32 s0, $0xA;
	s2 =	sadd.s32 s3, s2  }
0x8d: {  	s2 =	sadd.s32 s2, s17  }
0x8e: {  	[smem:$0x3FC2] =	sst s2  }
0x8f: {  	_ = 	snop  }
0x90: {  	s2 =	sld [smem:$0x3FD0];
	(tm) =	ssettm $0x1  }
0x91: {  	s18 =	sld [smem:$0x3FFB];
	_ =	sdelay $0x3  }
0x92: {  	_ =	strace s18  }
0x93: {  	s3 =	sld [smem:$0x3FFC];
	_ =	sdelay $0x3  }
0x94: {  	_ =	strace s3  }
0x95: {  	s3 =	sld [smem:$0x3FFD];
	_ =	sdelay $0x3  }
0x96: {  	_ =	strace s3  }
0x97: {  	_ =	strace $0x8FFFFFFF  }
0x98: {  	s19 =	sld [smem:$0x3FDB];
	_ =	sdelay $0x1  }
0x99: {  	s4 =	simm.s32 $_scs_section_size  }
0x9a: {  	s5 =	simm.s32 $_size__tile_overlayer_lowered;
	s6 =	simm.s32 $_tile_overlayer_lowered  }
0x9b: {  	s22 =	simm.s32 $0x1BFF;
	s21 =	sshll.u32 s6, $0x1;
	s3 =	sadd.s32 s4, s19  }
0x9c: {  	s7 =	simm.s32 $0x0;
	s20 =	sshll.u32 s5, $0x1;
	s5 =	sadd.s32 s21, s3  }
0x9d: {  	[timem:s7], [sflag:s22] =	dma.local [hbm:s5], s20  }
0x9e: {  	_ =	swait.ge [sflag:s22], s20  }
0x9f: {  	s4 =	ssub.s32 $0x0, s20;
	[sflag:s22] =	ssyncset.done $0x0  }
0xa0: {  	[sflag:s22] =	ssyncadd.s32 s4;
	_ =	sdelay $0x1  }
0xa1: {  	s23 =	simm.s32 $0x1B8B  }
0xa2: {  	_ =	swait.ge [sflag:s23], $0x1  }
0xa3: {  	[sflag:s23] =	ssyncset.done $0x0  }
0xa4: {  	s25 =	simm.s32 $0x1B8E;
	s24 =	sld [smem:$0x3FFE];
	[sflag:s23] =	ssyncadd.s32 $0xFFFFFFFF  }
0xa5: {  	s26 =	simm.s32 $execute0_lowered;
	[smem:$0x3FD2] =	sst s25  }
0xa6: {  	s5 =	sshll.u32 s26, $0x1;
	_ =	strace $0x8000004C;
	[dreg:$0x1] =	wrdreg $0xFFFFFFFF  }
0xa7: {  	s28 =	simm.s32 $_size_execute0_lowered;
	s3 =	sadd.s32 s3, s5;
	[dreg:$0x0] =	wrdreg $0x0  }
0xa8: {  	s5 =	sshll.u32 s28, $0x1;
	[dreg:$0x2] =	wrdreg s3  }
0xa9: {  	[dreg:$0x3] =	wrdreg s5  }
0xaa: {  	[dreg:$0x4] =	wrdreg $0xC0  }
0xab: {  	_ =	task [dreg:s7], $0x5FFFF  }
0xac: {  	[dreg:$0x1] =	wrdreg $0xFFFFFFFF  }
0xad: {  	[dreg:$0x0] =	wrdreg $0x60  }
0xae: {  	[dreg:$0x2] =	wrdreg s2  }
0xaf: {  	[dreg:$0x3] =	wrdreg s24  }
0xb0: {  	[dreg:$0x4] =	wrdreg $0xA8000  }
0xb1: {  	[dreg:$0x5] =	wrdreg $0x9  }
0xb2: {  	_ =	task.clear_ibuf [dreg:s7], $0x6FFFF;
	_ =	strace $0x9000004C  }
0xb3: {  	s29 =	simm.s32 $0x9;
	_ =	strace $0x8000004E  }
0xb4: {  	_ =	swait.ge [sflag:s29], $0x1  }
0xb5: {  	[sflag:s29] =	ssyncadd.s32 $0xFFFFFFFF  }
0xb6: {  	_ =	strace $0x9000004E  }
0xb7: {  	_ =	sfence  }
0xb8: {  	s30 =	sld [smem:$0x0];
	_ =	sdelay $0x2  }
0xb9: {  	s31 =	sshll.u32 s1, $0xD;
	s1 =	sshrl.u32 s1, $0x2  }
0xba: {  	s3 =	sand.u32 $0x4000, s31;
	s1 =	sadd.s32 s1, s30  }
0xbb: {  	s0 =	sor.u32 s3, s0;
	s1 =	sshll.u32 s1, $0x11  }
0xbc: {  	s0 =	sor.u32 s1, s0  }
0xbd: {  	s0 =	sadd.s32 $0x8F2B, s0  }
0xbe: {  	[sflag:s0] =	ssyncadd.remote.s32 $0x1  }
0xbf: {  	_ =	sfence.sel $0xFFFF  }
0xc0: {  	[dreg:$0x0] =	wrdreg $0xFFFFFFFF;
	(pc) =	sbr.abs _section_cstart, $3  }
0xc1: {  	[dreg:$0x1] =	wrdreg $0xFFFFFFFF  }
0xc2: {  	_ =	task.clear_ibuf [dreg:s7], $0x2FFFF;
	_ =	strace $0x9FFFFFFF  }
0xc3: {  	(tm) =	ssettm $0x7FFFFFFF  }
tec
execute0_lowered:
.L_overlay_start_1:
0x0: {  	(tag) =	ssettag $0x1  }
0x1: {  	s0 =	rddreg [dreg:$0x0]  }
0x2: {  	s3 =	rddreg [dreg:$0x1]  }
0x3: {  	s1 =	rddreg [dreg:$0x2];
	s2 =	simm.s32 $0x0;
	s4 =	srdreg.scid  }
0x4: {  	s12 =	stileid.u32;
	s13 =	simm.s32 $0x9;
	s15 =	simm.s32 $0x40  }
0x5: {  	s28 =	simm.s32 $0x4;
	s29 =	simm.s32 $0x5;
	s30 =	simm.s32 $0x6  }
0x6: {  	s31 =	simm.s32 $0x7;
	[smem:$0x7FF] =	sst s2;
	s5 =	sadd.s32 $0x8400, s3  }
0x7: {  	s6 =	sand.u32 $0x1, s4;
	s4 =	sadd.s32 $0x12400, s3;
	s10 =	smul.u32 $0x4F000, s12  }
0x8: {  	s7 =	sadd.s32 $0x2200, s3;
	s20 =	sshll.u32 s12, $0x6;
	s25 =	smul.u32 $0x2780, s12  }
0x9: {  	_ =	strace $0x8000004D;
	[dreg:$0x4] =	wrdreg s7;
	s16 =	smul.u32 $0x27800, s6  }
0xa: {  	s8 =	ssub.s32 $0x2, s6;
	s6 =	sshll.u32 s6, $0x4;
	s7 =	simm.s32 $0x2700  }
0xb: {  	s9 =	sshrl.u32 s8, $0x1;
	s6 =	sor.u32 s12, s6;
	s19 =	sshrl.u32 s10, $0x2  }
0xc: {  	s3 =	sadd.s32 s16, s3;
	s17 =	ssub.s32 s8, s9;
	s18 =	smul.u32 $0x2800, s6  }
0xd: {  	s11 =	smul.u32 $0x500, s6;
	s9 =	sadd.s32 s19, s1;
	s6 =	sor.u32 $0x1C09, s20  }
0xe: {  	s16 =	simm.s32 $0x2800;
	s19 =	simm.s32 $0x100;
	s20 =	simm.s32 $0x6800  }
0xf: {  	s24 =	sadd.s32 $0x39C00, s3;
	s26 =	smax.u32 s17, $0x1;
	s12 =	sshrl.u32 s9, $0x3  }
0x10: {  	s17 =	simm.s32 $0x80;
	s3 =	simm.s32 $0x2600;
	s9 =	simm.s32 $0x0  }
0x11: {  	s8 =	sshrl.u32 s18, $0x3;
	s21 =	sadd.s32 s0, s11;
	s22 =	sadd.s32 s5, s11  }
0x12: {  	[dreg:$0x9] =	wrdreg s26;
	s18 =	simm.s32 $0x4800;
	s24 =	sadd.s32 s25, s24  }
0x13: {  	s25 =	simm.s32 $0x2;
	s26 =	simm.s32 $0x3;
	[dreg:$0x5] =	wrdreg s21  }
0x14: {  	[dreg:$0x6] =	wrdreg s22;
	s8 =	sadd.s32 $0x280, s8;
	s21 =	simm.s32 $0x180  }
0x15: {  	s22 =	simm.s32 $0x8800;
	s0 =	sadd.s32 s0, s8;
	s23 =	sadd.s32 s5, s8  }
0x16: {  	s5 =	simm.s32 $0x2680;
	s8 =	simm.s32 $0x2780;
	[dreg:$0x7] =	wrdreg s0  }
0x17: {  	[dreg:$0x8] =	wrdreg s23;
	s23 =	simm.s32 $0x1;
	s0 =	simm.s32 $0x8  }
.LBB2_1:
0x18: {  	s10 =	rddreg [dreg:$0x4]  }
0x19: {  	[spmem:s12], [sflag:s6] =	dma.local [hbm:s10], $0x2780  }
0x1a: {  	_ =	swait.ge [sflag:s13], $0x2780  }
0x1b: {  	[sflag:s13] =	ssyncset.done $0x0  }
0x1c: {  	[sflag:s13] =	ssyncadd.s32 $0xFFFFD880  }
0x1d: {  	[bflag:$0x0] =	sbarrier.arrive $0xFFFF  }
0x1e: {  	s11 =	rddreg [dreg:$0x5]  }
0x1f: {  	[tilespmem:s2], [sflag:$0x9] =	stream.linear.gather [hbm4b:s11+s2], $0x1400, $0x38;
	[tilespmem:$0x1E400] =	vst v63  }
0x20: {  	_ =	swait.ge [sflag:s13], $0x1400  }
0x21: {  	[sflag:s13] =	ssyncset.done $0x0  }
0x22: {  	s11 =	simm.s32 $0x1400;
	s14 =	rddreg [dreg:$0x6];
	[sflag:s13] =	ssyncadd.s32 $0xFFFFEC00  }
0x23: {  	[tilespmem:s11], [sflag:$0x9] =	stream.linear.gather [hbm4b:s14+s2], $0x1400, $0x38;
	[tilespmem:$0x1E400] =	vst v63  }
0x24: {  	_ =	swait.ge [sflag:s13], $0x1400  }
0x25: {  	[sflag:s13] =	ssyncset.done $0x0  }
0x26: {  	[sflag:s13] =	ssyncadd.s32 $0xFFFFEC00  }
0x27: {  	[tilespmem:s16], [sflag:$0x1] =	stream.indirect.gather [hbm4b:s4+s15], $0x80, s2, s15, $0xb8;
	[tilespmem:$0x1E400] =	vst v63  }
0x28: {  	_ = 	snop  }
0x29: {  	[tilespmem:s18], [sflag:$0x2] =	stream.indirect.gather [hbm4b:s4+s15], $0x80, s17, s15, $0xb8;
	[tilespmem:$0x1E400] =	vst v63  }
0x2a: {  	_ = 	snop  }
0x2b: {  	[tilespmem:s20], [sflag:$0x3] =	stream.indirect.gather [hbm4b:s4+s15], $0x80, s19, s15, $0xb8;
	[tilespmem:$0x1E400] =	vst v63  }
0x2c: {  	_ = 	snop  }
0x2d: {  	[tilespmem:s22], [sflag:$0x4] =	stream.indirect.gather [hbm4b:s4+s15], $0x80, s21, s15, $0xb8;
	[tilespmem:$0x1E400] =	vst v63  }
0x2e: {  	_ =	swait.ge [sflag:s23], $0x2000  }
0x2f: {  	[sflag:s23] =	ssyncset.done $0x0  }
0x30: {  	s14 =	simm.s32 $0x1400;
	[sflag:s23] =	ssyncadd.s32 $0xFFFFE000  }
0x31: {  	[spmem:s1] =	stream.indirect.scatter.add.f32 [tilespmem:s16], [sflag:$0x5], $0x80, s14, s15, $0xb8;
	[tilespmem:$0x1E400] =	vst v63  }
0x32: {  	_ =	swait.ge [sflag:s25], $0x2000  }
0x33: {  	[sflag:s25] =	ssyncset.done $0x0  }
0x34: {  	s11 =	simm.s32 $0x1480;
	[sflag:s25] =	ssyncadd.s32 $0xFFFFE000  }
0x35: {  	[spmem:s1] =	stream.indirect.scatter.add.f32 [tilespmem:s18], [sflag:$0x6], $0x80, s11, s15, $0xb8;
	[tilespmem:$0x1E400] =	vst v63  }
0x36: {  	_ =	swait.ge [sflag:s26], $0x2000  }
0x37: {  	[sflag:s26] =	ssyncset.done $0x0  }
0x38: {  	s14 =	simm.s32 $0x1500;
	[sflag:s26] =	ssyncadd.s32 $0xFFFFE000  }
0x39: {  	[spmem:s1] =	stream.indirect.scatter.add.f32 [tilespmem:s20], [sflag:$0x7], $0x80, s14, s15, $0xb8;
	[tilespmem:$0x1E400] =	vst v63  }
0x3a: {  	_ =	swait.ge [sflag:s28], $0x2000  }
0x3b: {  	[sflag:s28] =	ssyncset.done $0x0  }
0x3c: {  	s11 =	simm.s32 $0x1580;
	[sflag:s28] =	ssyncadd.s32 $0xFFFFE000  }
0x3d: {  	[spmem:s1] =	stream.indirect.scatter.add.f32 [tilespmem:s22], [sflag:$0x8], $0x80, s11, s15, $0xb8;
	[tilespmem:$0x1E400] =	vst v63  }
0x3e: {  	_ =	swait.ge [sflag:s29], $0x2000  }
0x3f: {  	[sflag:s29] =	ssyncset.done $0x0  }
0x40: {  	s14 =	simm.s32 $0x200;
	[sflag:s29] =	ssyncadd.s32 $0xFFFFE000  }
0x41: {  	[tilespmem:s16], [sflag:$0x1] =	stream.indirect.gather [hbm4b:s4+s15], $0x80, s14, s15, $0xb8;
	[tilespmem:$0x1E400] =	vst v63  }
0x42: {  	_ =	swait.ge [sflag:s30], $0x2000  }
0x43: {  	[sflag:s30] =	ssyncset.done $0x0  }
0x44: {  	s11 =	simm.s32 $0x280;
	[sflag:s30] =	ssyncadd.s32 $0xFFFFE000  }
0x45: {  	[tilespmem:s18], [sflag:$0x2] =	stream.indirect.gather [hbm4b:s4+s15], $0x80, s11, s15, $0xb8;
	[tilespmem:$0x1E400] =	vst v63  }
0x46: {  	_ =	swait.ge [sflag:s31], $0x2000  }
0x47: {  	[sflag:s31] =	ssyncset.done $0x0  }
0x48: {  	s14 =	simm.s32 $0x300;
	[sflag:s31] =	ssyncadd.s32 $0xFFFFE000  }
0x49: {  	[tilespmem:s20], [sflag:$0x3] =	stream.indirect.gather [hbm4b:s4+s15], $0x80, s14, s15, $0xb8;
	[tilespmem:$0x1E400] =	vst v63  }
0x4a: {  	_ =	swait.ge [sflag:s0], $0x2000  }
0x4b: {  	[sflag:s0] =	ssyncset.done $0x0  }
0x4c: {  	s10 =	simm.s32 $0x800;
	s14 =	simm.s32 $0x380;
	[sflag:s0] =	ssyncadd.s32 $0xFFFFE000  }
.LBB2_2:
0x4d: {  	[tilespmem:s22], [sflag:$0x4] =	stream.indirect.gather [hbm4b:s4+s15], $0x80, s14, s15, $0xb8;
	[tilespmem:$0x1E400] =	vst v63  }
0x4e: {  	s14 =	smov.u32 s10  }
0x4f: {  	p0 =	sne.s32 s10, $0x4000;
	s10 =	sadd.s32 $0x800, s10;
	_ =	swait.ge [sflag:s23], $0x2000  }
0x50: {  	s14 =	sshra.s32 s14, $0x2;
	[sflag:s23] =	ssyncset.done $0x0  }
0x51: {  	s11 =	sadd.s32 $0x1400, s14;
	[sflag:s23] =	ssyncadd.s32 $0xFFFFE000  }
0x52: {  	[spmem:s1] =	stream.indirect.scatter.add.f32 [tilespmem:s16], [sflag:$0x5], $0x80, s11, s15, $0xb8;
	[tilespmem:$0x1E400] =	vst v63  }
0x53: {  	_ =	swait.ge [sflag:s25], $0x2000  }
0x54: {  	[sflag:s25] =	ssyncset.done $0x0  }
0x55: {  	s11 =	sadd.s32 $0x1480, s14;
	[sflag:s25] =	ssyncadd.s32 $0xFFFFE000  }
0x56: {  	[spmem:s1] =	stream.indirect.scatter.add.f32 [tilespmem:s18], [sflag:$0x6], $0x80, s11, s15, $0xb8;
	[tilespmem:$0x1E400] =	vst v63  }
0x57: {  	_ =	swait.ge [sflag:s26], $0x2000  }
0x58: {  	[sflag:s26] =	ssyncset.done $0x0  }
0x59: {  	s11 =	sadd.s32 $0x1500, s14;
	[sflag:s26] =	ssyncadd.s32 $0xFFFFE000  }
0x5a: {  	[spmem:s1] =	stream.indirect.scatter.add.f32 [tilespmem:s20], [sflag:$0x7], $0x80, s11, s15, $0xb8;
	[tilespmem:$0x1E400] =	vst v63  }
0x5b: {  	_ =	swait.ge [sflag:s28], $0x2000  }
0x5c: {  	[sflag:s28] =	ssyncset.done $0x0  }
0x5d: {  	s11 =	sadd.s32 $0x1580, s14;
	[sflag:s28] =	ssyncadd.s32 $0xFFFFE000  }
0x5e: {  	[spmem:s1] =	stream.indirect.scatter.add.f32 [tilespmem:s22], [sflag:$0x8], $0x80, s11, s15, $0xb8;
	[tilespmem:$0x1E400] =	vst v63  }
0x5f: {  	_ =	swait.ge [sflag:s29], $0x2000  }
0x60: {  	[sflag:s29] =	ssyncset.done $0x0  }
0x61: {  	s11 =	sadd.s32 $0x200, s14;
	[sflag:s29] =	ssyncadd.s32 $0xFFFFE000  }
0x62: {  	[tilespmem:s16], [sflag:$0x1] =	stream.indirect.gather [hbm4b:s4+s15], $0x80, s11, s15, $0xb8;
	[tilespmem:$0x1E400] =	vst v63  }
0x63: {  	_ =	swait.ge [sflag:s30], $0x2000  }
0x64: {  	[sflag:s30] =	ssyncset.done $0x0  }
0x65: {  	s11 =	sadd.s32 $0x280, s14;
	[sflag:s30] =	ssyncadd.s32 $0xFFFFE000  }
0x66: {  	[tilespmem:s18], [sflag:$0x2] =	stream.indirect.gather [hbm4b:s4+s15], $0x80, s11, s15, $0xb8;
	[tilespmem:$0x1E400] =	vst v63  }
0x67: {  	_ =	swait.ge [sflag:s31], $0x2000  }
0x68: {  	[sflag:s31] =	ssyncset.done $0x0  }
.Ltmp0:
0x69: {  	s11 =	sadd.s32 $0x300, s14;
	[sflag:s31] =	ssyncadd.s32 $0xFFFFE000;
	(pc) =	sbr.rel @p0 .LBB2_2-.Ltmp0, $4  }
0x6a: {  	[tilespmem:s20], [sflag:$0x3] =	stream.indirect.gather [hbm4b:s4+s15], $0x80, s11, s15, $0xb8;
	[tilespmem:$0x1E400] =	vst v63  }
0x6b: {  	_ =	swait.ge [sflag:s0], $0x2000  }
0x6c: {  	[sflag:s0] =	ssyncset.done $0x0  }
0x6d: {  	s14 =	sadd.s32 $0x380, s14;
	[sflag:s0] =	ssyncadd.s32 $0xFFFFE000  }
0x6e: {  	[tilespmem:s22], [sflag:$0x4] =	stream.indirect.gather [hbm4b:s4+s15], $0x80, s14, s15, $0xb8;
	[tilespmem:$0x1E400] =	vst v63  }
0x6f: {  	_ =	swait.ge [sflag:s23], $0x2000  }
0x70: {  	[sflag:s23] =	ssyncset.done $0x0  }
0x71: {  	[sflag:s23] =	ssyncadd.s32 $0xFFFFE000  }
0x72: {  	[spmem:s1] =	stream.indirect.scatter.add.f32 [tilespmem:s16], [sflag:$0x5], $0x80, s3, s15, $0xb8;
	[tilespmem:$0x1E400] =	vst v63  }
0x73: {  	_ =	swait.ge [sflag:s25], $0x2000  }
0x74: {  	[sflag:s25] =	ssyncset.done $0x0  }
0x75: {  	[sflag:s25] =	ssyncadd.s32 $0xFFFFE000  }
0x76: {  	[spmem:s1] =	stream.indirect.scatter.add.f32 [tilespmem:s18], [sflag:$0x6], $0x80, s5, s15, $0xb8;
	[tilespmem:$0x1E400] =	vst v63  }
0x77: {  	_ =	swait.ge [sflag:s26], $0x2000  }
0x78: {  	[sflag:s26] =	ssyncset.done $0x0  }
0x79: {  	[sflag:s26] =	ssyncadd.s32 $0xFFFFE000  }
0x7a: {  	[spmem:s1] =	stream.indirect.scatter.add.f32 [tilespmem:s20], [sflag:$0x7], $0x80, s7, s15, $0xb8;
	[tilespmem:$0x1E400] =	vst v63  }
0x7b: {  	_ =	swait.ge [sflag:s28], $0x2000  }
0x7c: {  	[sflag:s28] =	ssyncset.done $0x0  }
0x7d: {  	[sflag:s28] =	ssyncadd.s32 $0xFFFFE000  }
0x7e: {  	[spmem:s1] =	stream.indirect.scatter.add.f32 [tilespmem:s22], [sflag:$0x8], $0x80, s8, s15, $0xb8;
	[tilespmem:$0x1E400] =	vst v63  }
0x7f: {  	_ =	swait.ge [sflag:s29], $0x2000  }
0x80: {  	[sflag:s29] =	ssyncset.done $0x0  }
0x81: {  	[sflag:s29] =	ssyncadd.s32 $0xFFFFE000  }
0x82: {  	_ =	swait.ge [sflag:s30], $0x2000  }
0x83: {  	[sflag:s30] =	ssyncset.done $0x0  }
0x84: {  	[sflag:s30] =	ssyncadd.s32 $0xFFFFE000  }
0x85: {  	_ =	swait.ge [sflag:s31], $0x2000  }
0x86: {  	[sflag:s31] =	ssyncset.done $0x0  }
0x87: {  	[sflag:s31] =	ssyncadd.s32 $0xFFFFE000  }
0x88: {  	_ =	swait.ge [sflag:s0], $0x2000  }
0x89: {  	[sflag:s0] =	ssyncset.done $0x0  }
0x8a: {  	s10 =	simm.s32 $0x0;
	s11 =	rddreg [dreg:$0x7];
	[sflag:s0] =	ssyncadd.s32 $0xFFFFE000  }
0x8b: {  	[tilespmem:s10], [sflag:$0x9] =	stream.linear.gather [hbm4b:s11+s10], $0x1400, $0x38;
	[tilespmem:$0x1E400] =	vst v63  }
0x8c: {  	_ =	swait.ge [sflag:s13], $0x1400  }
0x8d: {  	[sflag:s13] =	ssyncset.done $0x0  }
0x8e: {  	s14 =	simm.s32 $0x1400;
	s11 =	rddreg [dreg:$0x8];
	[sflag:s13] =	ssyncadd.s32 $0xFFFFEC00  }
0x8f: {  	[tilespmem:s14], [sflag:$0x9] =	stream.linear.gather [hbm4b:s11+s10], $0x1400, $0x38;
	[tilespmem:$0x1E400] =	vst v63  }
0x90: {  	_ =	swait.ge [sflag:s13], $0x1400  }
0x91: {  	[sflag:s13] =	ssyncset.done $0x0  }
0x92: {  	[sflag:s13] =	ssyncadd.s32 $0xFFFFEC00  }
0x93: {  	[tilespmem:s16], [sflag:$0x1] =	stream.indirect.gather [hbm4b:s4+s15], $0x80, s10, s15, $0xb8;
	[tilespmem:$0x1E400] =	vst v63  }
0x94: {  	_ = 	snop  }
0x95: {  	[tilespmem:s18], [sflag:$0x2] =	stream.indirect.gather [hbm4b:s4+s15], $0x80, s17, s15, $0xb8;
	[tilespmem:$0x1E400] =	vst v63  }
0x96: {  	_ = 	snop  }
0x97: {  	[tilespmem:s20], [sflag:$0x3] =	stream.indirect.gather [hbm4b:s4+s15], $0x80, s19, s15, $0xb8;
	[tilespmem:$0x1E400] =	vst v63  }
0x98: {  	_ = 	snop  }
0x99: {  	[tilespmem:s22], [sflag:$0x4] =	stream.indirect.gather [hbm4b:s4+s15], $0x80, s21, s15, $0xb8;
	[tilespmem:$0x1E400] =	vst v63  }
0x9a: {  	_ =	swait.ge [sflag:s23], $0x2000  }
0x9b: {  	[sflag:s23] =	ssyncset.done $0x0  }
0x9c: {  	s14 =	simm.s32 $0x1400;
	[sflag:s23] =	ssyncadd.s32 $0xFFFFE000  }
0x9d: {  	[spmem:s1] =	stream.indirect.scatter.add.f32 [tilespmem:s16], [sflag:$0x5], $0x80, s14, s15, $0xb8;
	[tilespmem:$0x1E400] =	vst v63  }
0x9e: {  	_ =	swait.ge [sflag:s25], $0x2000  }
0x9f: {  	[sflag:s25] =	ssyncset.done $0x0  }
0xa0: {  	s11 =	simm.s32 $0x1480;
	[sflag:s25] =	ssyncadd.s32 $0xFFFFE000  }
0xa1: {  	[spmem:s1] =	stream.indirect.scatter.add.f32 [tilespmem:s18], [sflag:$0x6], $0x80, s11, s15, $0xb8;
	[tilespmem:$0x1E400] =	vst v63  }
0xa2: {  	_ =	swait.ge [sflag:s26], $0x2000  }
0xa3: {  	[sflag:s26] =	ssyncset.done $0x0  }
0xa4: {  	s14 =	simm.s32 $0x1500;
	[sflag:s26] =	ssyncadd.s32 $0xFFFFE000  }
0xa5: {  	[spmem:s1] =	stream.indirect.scatter.add.f32 [tilespmem:s20], [sflag:$0x7], $0x80, s14, s15, $0xb8;
	[tilespmem:$0x1E400] =	vst v63  }
0xa6: {  	_ =	swait.ge [sflag:s28], $0x2000  }
0xa7: {  	[sflag:s28] =	ssyncset.done $0x0  }
0xa8: {  	s11 =	simm.s32 $0x1580;
	[sflag:s28] =	ssyncadd.s32 $0xFFFFE000  }
0xa9: {  	[spmem:s1] =	stream.indirect.scatter.add.f32 [tilespmem:s22], [sflag:$0x8], $0x80, s11, s15, $0xb8;
	[tilespmem:$0x1E400] =	vst v63  }
0xaa: {  	_ =	swait.ge [sflag:s29], $0x2000  }
0xab: {  	[sflag:s29] =	ssyncset.done $0x0  }
0xac: {  	s14 =	simm.s32 $0x200;
	[sflag:s29] =	ssyncadd.s32 $0xFFFFE000  }
0xad: {  	[tilespmem:s16], [sflag:$0x1] =	stream.indirect.gather [hbm4b:s4+s15], $0x80, s14, s15, $0xb8;
	[tilespmem:$0x1E400] =	vst v63  }
0xae: {  	_ =	swait.ge [sflag:s30], $0x2000  }
0xaf: {  	[sflag:s30] =	ssyncset.done $0x0  }
0xb0: {  	s11 =	simm.s32 $0x280;
	[sflag:s30] =	ssyncadd.s32 $0xFFFFE000  }
0xb1: {  	[tilespmem:s18], [sflag:$0x2] =	stream.indirect.gather [hbm4b:s4+s15], $0x80, s11, s15, $0xb8;
	[tilespmem:$0x1E400] =	vst v63  }
0xb2: {  	_ =	swait.ge [sflag:s31], $0x2000  }
0xb3: {  	[sflag:s31] =	ssyncset.done $0x0  }
0xb4: {  	s14 =	simm.s32 $0x300;
	[sflag:s31] =	ssyncadd.s32 $0xFFFFE000  }
0xb5: {  	[tilespmem:s20], [sflag:$0x3] =	stream.indirect.gather [hbm4b:s4+s15], $0x80, s14, s15, $0xb8;
	[tilespmem:$0x1E400] =	vst v63  }
0xb6: {  	_ =	swait.ge [sflag:s0], $0x2000  }
0xb7: {  	[sflag:s0] =	ssyncset.done $0x0  }
0xb8: {  	s10 =	simm.s32 $0x800;
	s14 =	simm.s32 $0x380;
	[sflag:s0] =	ssyncadd.s32 $0xFFFFE000  }
.LBB2_4:
0xb9: {  	[tilespmem:s22], [sflag:$0x4] =	stream.indirect.gather [hbm4b:s4+s15], $0x80, s14, s15, $0xb8;
	[tilespmem:$0x1E400] =	vst v63  }
0xba: {  	s11 =	smov.u32 s10  }
0xbb: {  	p0 =	sne.s32 s10, $0x4000;
	s10 =	sadd.s32 $0x800, s10;
	_ =	swait.ge [sflag:s23], $0x2000  }
0xbc: {  	s14 =	sshra.s32 s11, $0x2;
	[sflag:s23] =	ssyncset.done $0x0  }
0xbd: {  	s11 =	sadd.s32 $0x1400, s14;
	[sflag:s23] =	ssyncadd.s32 $0xFFFFE000  }
0xbe: {  	[spmem:s1] =	stream.indirect.scatter.add.f32 [tilespmem:s16], [sflag:$0x5], $0x80, s11, s15, $0xb8;
	[tilespmem:$0x1E400] =	vst v63  }
0xbf: {  	_ =	swait.ge [sflag:s25], $0x2000  }
0xc0: {  	[sflag:s25] =	ssyncset.done $0x0  }
0xc1: {  	s11 =	sadd.s32 $0x1480, s14;
	[sflag:s25] =	ssyncadd.s32 $0xFFFFE000  }
0xc2: {  	[spmem:s1] =	stream.indirect.scatter.add.f32 [tilespmem:s18], [sflag:$0x6], $0x80, s11, s15, $0xb8;
	[tilespmem:$0x1E400] =	vst v63  }
0xc3: {  	_ =	swait.ge [sflag:s26], $0x2000  }
0xc4: {  	[sflag:s26] =	ssyncset.done $0x0  }
0xc5: {  	s11 =	sadd.s32 $0x1500, s14;
	[sflag:s26] =	ssyncadd.s32 $0xFFFFE000  }
0xc6: {  	[spmem:s1] =	stream.indirect.scatter.add.f32 [tilespmem:s20], [sflag:$0x7], $0x80, s11, s15, $0xb8;
	[tilespmem:$0x1E400] =	vst v63  }
0xc7: {  	_ =	swait.ge [sflag:s28], $0x2000  }
0xc8: {  	[sflag:s28] =	ssyncset.done $0x0  }
0xc9: {  	s11 =	sadd.s32 $0x1580, s14;
	[sflag:s28] =	ssyncadd.s32 $0xFFFFE000  }
0xca: {  	[spmem:s1] =	stream.indirect.scatter.add.f32 [tilespmem:s22], [sflag:$0x8], $0x80, s11, s15, $0xb8;
	[tilespmem:$0x1E400] =	vst v63  }
0xcb: {  	_ =	swait.ge [sflag:s29], $0x2000  }
0xcc: {  	[sflag:s29] =	ssyncset.done $0x0  }
0xcd: {  	s11 =	sadd.s32 $0x200, s14;
	[sflag:s29] =	ssyncadd.s32 $0xFFFFE000  }
0xce: {  	[tilespmem:s16], [sflag:$0x1] =	stream.indirect.gather [hbm4b:s4+s15], $0x80, s11, s15, $0xb8;
	[tilespmem:$0x1E400] =	vst v63  }
0xcf: {  	_ =	swait.ge [sflag:s30], $0x2000  }
0xd0: {  	[sflag:s30] =	ssyncset.done $0x0  }
0xd1: {  	s11 =	sadd.s32 $0x280, s14;
	[sflag:s30] =	ssyncadd.s32 $0xFFFFE000  }
0xd2: {  	[tilespmem:s18], [sflag:$0x2] =	stream.indirect.gather [hbm4b:s4+s15], $0x80, s11, s15, $0xb8;
	[tilespmem:$0x1E400] =	vst v63  }
0xd3: {  	_ =	swait.ge [sflag:s31], $0x2000  }
0xd4: {  	[sflag:s31] =	ssyncset.done $0x0  }
.Ltmp1:
0xd5: {  	s11 =	sadd.s32 $0x300, s14;
	[sflag:s31] =	ssyncadd.s32 $0xFFFFE000;
	(pc) =	sbr.rel @p0 .LBB2_4-.Ltmp1, $4  }
0xd6: {  	[tilespmem:s20], [sflag:$0x3] =	stream.indirect.gather [hbm4b:s4+s15], $0x80, s11, s15, $0xb8;
	[tilespmem:$0x1E400] =	vst v63  }
0xd7: {  	_ =	swait.ge [sflag:s0], $0x2000  }
0xd8: {  	[sflag:s0] =	ssyncset.done $0x0  }
0xd9: {  	s14 =	sadd.s32 $0x380, s14;
	[sflag:s0] =	ssyncadd.s32 $0xFFFFE000  }
0xda: {  	[tilespmem:s22], [sflag:$0x4] =	stream.indirect.gather [hbm4b:s4+s15], $0x80, s14, s15, $0xb8;
	[tilespmem:$0x1E400] =	vst v63  }
0xdb: {  	_ =	swait.ge [sflag:s23], $0x2000  }
0xdc: {  	[sflag:s23] =	ssyncset.done $0x0  }
0xdd: {  	[sflag:s23] =	ssyncadd.s32 $0xFFFFE000  }
0xde: {  	[spmem:s1] =	stream.indirect.scatter.add.f32 [tilespmem:s16], [sflag:$0x5], $0x80, s3, s15, $0xb8;
	[tilespmem:$0x1E400] =	vst v63  }
0xdf: {  	_ =	swait.ge [sflag:s25], $0x2000  }
0xe0: {  	[sflag:s25] =	ssyncset.done $0x0  }
0xe1: {  	[sflag:s25] =	ssyncadd.s32 $0xFFFFE000  }
0xe2: {  	[spmem:s1] =	stream.indirect.scatter.add.f32 [tilespmem:s18], [sflag:$0x6], $0x80, s5, s15, $0xb8;
	[tilespmem:$0x1E400] =	vst v63  }
0xe3: {  	_ =	swait.ge [sflag:s26], $0x2000  }
0xe4: {  	[sflag:s26] =	ssyncset.done $0x0  }
0xe5: {  	[sflag:s26] =	ssyncadd.s32 $0xFFFFE000  }
0xe6: {  	[spmem:s1] =	stream.indirect.scatter.add.f32 [tilespmem:s20], [sflag:$0x7], $0x80, s7, s15, $0xb8;
	[tilespmem:$0x1E400] =	vst v63  }
0xe7: {  	_ =	swait.ge [sflag:s28], $0x2000  }
0xe8: {  	[sflag:s28] =	ssyncset.done $0x0  }
0xe9: {  	[sflag:s28] =	ssyncadd.s32 $0xFFFFE000  }
0xea: {  	[spmem:s1] =	stream.indirect.scatter.add.f32 [tilespmem:s22], [sflag:$0x8], $0x80, s8, s15, $0xb8;
	[tilespmem:$0x1E400] =	vst v63  }
0xeb: {  	_ =	swait.ge [sflag:s29], $0x2000  }
0xec: {  	[sflag:s29] =	ssyncset.done $0x0  }
0xed: {  	[sflag:s29] =	ssyncadd.s32 $0xFFFFE000  }
0xee: {  	_ =	swait.ge [sflag:s30], $0x2000  }
0xef: {  	[sflag:s30] =	ssyncset.done $0x0  }
0xf0: {  	[sflag:s30] =	ssyncadd.s32 $0xFFFFE000  }
0xf1: {  	_ =	swait.ge [sflag:s31], $0x2000  }
0xf2: {  	[sflag:s31] =	ssyncset.done $0x0  }
0xf3: {  	[sflag:s31] =	ssyncadd.s32 $0xFFFFE000  }
0xf4: {  	_ =	swait.ge [sflag:s0], $0x2000  }
0xf5: {  	[sflag:s0] =	ssyncset.done $0x0  }
0xf6: {  	[sflag:s0] =	ssyncadd.s32 $0xFFFFE000  }
0xf7: {  	[bflag:$0x0] =	sbarrier.arrive $0xFFFF  }
0xf8: {  	[hbm:s24], [sflag:s6] =	dma.local [spmem:s12], $0x2780  }
0xf9: {  	_ =	swait.ge [sflag:s13], $0x2780  }
0xfa: {  	s9 =	sadd.s32 $0x1, s9;
	s10 =	rddreg [dreg:$0x9]  }
0xfb: {  	p0 =	sne.s32 s9, s10  }
.Ltmp2:
0xfc: {  	_ = 	snop;
	(pc) =	sbr.rel @p0 .LBB2_1-.Ltmp2, $3  }
0xfd: {  	_ =	sdelay $0x1  }
0xfe: {  	[sflag:s13] =	ssyncset.done $0x0  }
0xff: {  	[sflag:s13] =	ssyncadd.s32 $0xFFFFD880  }
0x100: {  	_ =	sfence.sel $0x180000  }
0x101: {  	[bflag:$0x0] =	sbarrier.arrive $0xFFFF  }
0x102: {  	_ =	strace $0x9000004D  }
0x103: {  	s0 =	stileid.u32;
	[bflag:$0x2] =	sbarrier.arrive $0xFFFF  }
0x104: {  	p0 =	sne.s32 s0, $0x0;
	s0 =	rddreg [dreg:$0x3]  }
0x105: {  	s0 =	sadd.s32 @!p0 $0x100000, s0  }
0x106: {  	[sflag:s0] =	ssyncadd.tile.s32 @!p0 $0x1;
	_ =	shalt  }
.Lfunc_end2:
_tile_overlayer_lowered:
.L_overlay_start_2:
0x107: {  	(tag) =	ssettag $0x2  }
0x108: {  	s0 =	rddreg [dreg:$0x0];
	s2 =	stileid.u32  }
0x109: {  	s1 =	rddreg [dreg:$0x1];
	p0 =	sne.s32 s2, $0x0  }
0x10a: {  	s3 =	rddreg [dreg:$0x2];
	[bflag:$0x3] =	sbarrier.arrive $0xFFFF;
	s2 =	simm.s32 @!p0 $0x1C09  }
0x10b: {  	[timem:s3], [sflag:s2] =	dma.local @!p0 [hbm:s0], s1  }
0x10c: {  	s0 =	simm.s32 @!p0 $0x9  }
0x10d: {  	_ =	swait.ge @!p0 [sflag:s0], s1  }
0x10e: {  	s1 =	ssub.s32 @!p0 $0x0, s1;
	[sflag:s0] =	ssyncset.done @!p0 $0x0  }
0x10f: {  	[sflag:s0] =	ssyncadd.s32 @!p0 s1  }
0x110: {  	[bflag:$0x3] =	sbarrier.arrive $0xFFFF  }
0x111: {  	_ =	shalt  }

// kernel: kernel.8.cloned.1.call-start
scs
__scs_entry_jumppad:
0x0: {  	(pc) =	sbr.rel $0x88, $3  }
0x1: {  	(tag) =	ssettag $0x0;
	lr =	simm.s32 $0x1  }
0x2: {  	[smem:$0x3F9B] =	sst lr;
	_ =	strace $0xD0000000  }
0x3: {  	_ = 	snop  }
0x4: {  	_ = 	snop  }
0x5: {  	_ = 	snop  }
0x6: {  	_ = 	snop  }
0x7: {  	_ = 	snop  }
__scs_overlays_trampoline_lowered:
0x8: {  	[smem:$0x3FAA] =	sst s0  }
0x9: {  	[smem:$0x3FAB] =	sst s1  }
0xa: {  	[smem:$0x3FAC] =	sst s2  }
0xb: {  	[smem:$0x3FAD] =	sst s3  }
0xc: {  	[smem:$0x3FAE] =	sst s4  }
0xd: {  	[smem:$0x3FAF] =	sst s5  }
0xe: {  	[smem:$0x3FB0] =	sst s6  }
0xf: {  	[smem:$0x3FB1] =	sst s7  }
0x10: {  	[smem:$0x3FB2] =	sst s8  }
0x11: {  	[smem:$0x3FB3] =	sst s9;
	s0 =	simm.s32 @!p0 $0x0  }
0x12: {  	s1 =	sld [smem:$0x3F99];
	s0 =	simm.s32 @p0 $0x1  }
0x13: {  	[smem:$0x3FB4] =	sst s0;
	s0 =	simm.s32 @!p1 $0x0  }
0x14: {  	s2 =	sld [smem:$0x3F98];
	s0 =	simm.s32 @p1 $0x1  }
0x15: {  	[smem:$0x3FB5] =	sst s0;
	s0 =	simm.s32 @!p2 $0x0  }
0x16: {  	s3 =	sld [smem:$0x3FDB];
	s0 =	simm.s32 @p2 $0x1  }
0x17: {  	s4 =	simm.s32 $0x1BF5;
	[smem:$0x3FB7] =	sst s0  }
0x18: {  	s0 =	sld [smem:$0x3F9A];
	_ =	swait.ge [sflag:s4], $0x0  }
0x19: {  	s7 =	sld [smem:$0x3F9B]  }
0x1a: {  	s8 =	sadd.s32 $0xFFFFE003, lr  }
0x1b: {  	s9 =	sadd.s32 $0xFFFFFEF7, lr;
	s5 =	simm.s32 $0xFFFFFFFF;
	p2 =	slt.u32 s8, $0xFFFFF086  }
0x1c: {  	p1 =	slt.u32 s9, $0xF7A;
	s5 =	simm.s32 @!p2 $0x0  }
0x1d: {  	s5 =	simm.s32 @p1 $0x1;
	p0 =	seq.s32 s7, s2  }
0x1e: {  	s7 =	smul.u32 @!p0 $0xF7A, s2;
	p2 =	seq.s32 @!p0 s5, $0x0  }
0x1f: {  	s9 =	smul.u32 $0xF7A, s1;
	s8 =	simm.s32 @!p0 $0x1BF5;
	p2 =	por !p2, p0  }
0x20: {  	[sflag:s8] =	ssyncset.s32 @!p0 $0xFFFFF086;
	s6 =	sadd.s32 @!p0 s3, s7;
	s7 =	simm.s32 @!p0 $0x108  }
0x21: {  	s3 =	sadd.s32 s3, s9;
	s6 =	sadd.s32 @!p0 $0x88, s6;
	s7 =	simm.s32 @p2 $0x1082  }
0x22: {  	[simem:s7], [sflag:s8] =	dma.local @!p0 [hbm:s6], $0xF7A  }
0x23: {  	s9 =	sor.u32 $0xD0000000, s2;
	s6 =	simm.s32 $0x108;
	_ =	swait.ge @!p0 [sflag:s8], $0x0  }
0x24: {  	s3 =	sadd.s32 $0x88, s3;
	s6 =	simm.s32 @!p1 $0x1082;
	[sflag:s4] =	ssyncset.s32 $0xFFFFF086  }
0x25: {  	[simem:s6], [sflag:s4] =	dma.local [hbm:s3], $0xF7A  }
0x26: {  	[smem:$0x3F9B] =	sst s1;
	(tag) =	ssettag s2;
	_ =	strace s9  }
0x27: {  	s1 =	sld [smem:$0x3FAB]  }
0x28: {  	s2 =	sld [smem:$0x3FAC]  }
0x29: {  	s4 =	sld [smem:$0x3FAE]  }
0x2a: {  	p0 =	seq.s32 s5, $0x0;
	s5 =	sld [smem:$0x3FAF]  }
0x2b: {  	s6 =	sld [smem:$0x3FB0]  }
0x2c: {  	s7 =	sld [smem:$0x3FB1]  }
0x2d: {  	s3 =	simm.s32 $0x108;
	s8 =	sld [smem:$0x3FB2]  }
0x2e: {  	s3 =	simm.s32 @!p0 $0x1082;
	s9 =	sld [smem:$0x3FB3]  }
0x2f: {  	lr =	sadd.s32 s0, s3;
	s0 =	sld [smem:$0x3FAA]  }
0x30: {  	s3 =	sld [smem:$0x3FAD]  }
0x31: {  	[smem:$0x3FB6] =	sst s10  }
0x32: {  	s10 =	sld [smem:$0x3FB4];
	_ =	sdelay $0x3  }
0x33: {  	p0 =	seq.s32 s10, $0x1;
	s10 =	sld [smem:$0x3FB6];
	_ =	sdelay $0x3  }
0x34: {  	[smem:$0x3FB6] =	sst s10  }
0x35: {  	s10 =	sld [smem:$0x3FB5];
	_ =	sdelay $0x3  }
0x36: {  	p1 =	seq.s32 s10, $0x1;
	s10 =	sld [smem:$0x3FB6];
	_ =	sdelay $0x3  }
0x37: {  	[smem:$0x3FB6] =	sst s10  }
0x38: {  	s10 =	sld [smem:$0x3FB7]  }
0x39: {  	_ = 	snop;
	(pc) =	sbr.ind lr, $3  }
0x3a: {  	_ = 	snop  }
0x3b: {  	_ = 	snop  }
0x3c: {  	p2 =	seq.s32 s10, $0x1;
	s10 =	sld [smem:$0x3FB6]  }
0x3d: {  	_ =	shalt  }
0x3e: {  	_ =	shalt  }
0x3f: {  	_ =	shalt  }
0x40: {  	_ =	shalt  }
0x41: {  	_ =	shalt  }
0x42: {  	_ =	shalt  }
0x43: {  	_ =	shalt  }
0x44: {  	_ =	shalt  }
0x45: {  	_ =	shalt  }
0x46: {  	_ =	shalt  }
0x47: {  	_ =	shalt  }
0x48: {  	_ =	shalt  }
0x49: {  	_ =	shalt  }
0x4a: {  	_ =	shalt  }
0x4b: {  	_ =	shalt  }
0x4c: {  	_ =	shalt  }
0x4d: {  	_ =	shalt  }
0x4e: {  	_ =	shalt  }
0x4f: {  	_ =	shalt  }
0x50: {  	_ =	shalt  }
0x51: {  	_ =	shalt  }
0x52: {  	_ =	shalt  }
0x53: {  	_ =	shalt  }
0x54: {  	_ =	shalt  }
0x55: {  	_ =	shalt  }
0x56: {  	_ =	shalt  }
0x57: {  	_ =	shalt  }
0x58: {  	_ =	shalt  }
0x59: {  	_ =	shalt  }
0x5a: {  	_ =	shalt  }
0x5b: {  	_ =	shalt  }
0x5c: {  	_ =	shalt  }
0x5d: {  	_ =	shalt  }
0x5e: {  	_ =	shalt  }
0x5f: {  	_ =	shalt  }
0x60: {  	_ =	shalt  }
0x61: {  	_ =	shalt  }
0x62: {  	_ =	shalt  }
0x63: {  	_ =	shalt  }
0x64: {  	_ =	shalt  }
0x65: {  	_ =	shalt  }
0x66: {  	_ =	shalt  }
0x67: {  	_ =	shalt  }
0x68: {  	_ =	shalt  }
0x69: {  	_ =	shalt  }
0x6a: {  	_ =	shalt  }
0x6b: {  	_ =	shalt  }
0x6c: {  	_ =	shalt  }
0x6d: {  	_ =	shalt  }
0x6e: {  	_ =	shalt  }
0x6f: {  	_ =	shalt  }
0x70: {  	_ =	shalt  }
0x71: {  	_ =	shalt  }
0x72: {  	_ =	shalt  }
0x73: {  	_ =	shalt  }
0x74: {  	_ =	shalt  }
0x75: {  	_ =	shalt  }
0x76: {  	_ =	shalt  }
0x77: {  	_ =	shalt  }
0x78: {  	_ =	shalt  }
0x79: {  	_ =	shalt  }
0x7a: {  	_ =	shalt  }
0x7b: {  	_ =	shalt  }
0x7c: {  	_ =	shalt  }
0x7d: {  	_ =	shalt  }
0x7e: {  	_ =	shalt  }
0x7f: {  	_ =	shalt  }
0x80: {  	_ =	shalt  }
0x81: {  	_ =	shalt  }
0x82: {  	_ =	shalt  }
0x83: {  	_ =	shalt  }
0x84: {  	_ =	shalt  }
0x85: {  	_ =	shalt  }
0x86: {  	_ =	shalt  }
0x87: {  	_ =	shalt  }
.Lfunc_end0:
.L_simem_size_0:
called_computation_lowered:
.L_overlay_start_0:
0x88: {  	s2 =	sld [smem:$0x3FD9]  }
0x89: {  	s3 =	sld [smem:$0x3FFE];
	_ =	sdelay $0x1  }
0x8a: {  	s1 =	srdreg.scid  }
0x8b: {  	s0 =	sand.u32 $0x1, s1  }
0x8c: {  	s16 =	sshll.u32 s0, $0xA;
	s2 =	sadd.s32 s3, s2  }
0x8d: {  	s2 =	sadd.s32 s2, s16  }
0x8e: {  	[smem:$0x3FC2] =	sst s2  }
0x8f: {  	_ = 	snop  }
0x90: {  	(tm) =	ssettm $0x1  }
0x91: {  	s17 =	sld [smem:$0x3FFB];
	_ =	sdelay $0x3  }
0x92: {  	_ =	strace s17  }
0x93: {  	s2 =	sld [smem:$0x3FFC];
	_ =	sdelay $0x3  }
0x94: {  	_ =	strace s2  }
0x95: {  	s2 =	sld [smem:$0x3FFD];
	_ =	sdelay $0x3  }
0x96: {  	_ =	strace s2  }
0x97: {  	_ =	strace $0x8FFFFFFF  }
0x98: {  	s18 =	sld [smem:$0x3FDB];
	_ =	sdelay $0x1  }
0x99: {  	s19 =	simm.s32 $_scs_section_size  }
0x9a: {  	s4 =	simm.s32 $_size__tile_overlayer_lowered;
	s5 =	simm.s32 $_tile_overlayer_lowered  }
0x9b: {  	s22 =	simm.s32 $0x1BFF;
	s21 =	sshll.u32 s5, $0x1;
	s2 =	sadd.s32 s19, s18  }
0x9c: {  	s6 =	simm.s32 $0x0;
	s20 =	sshll.u32 s4, $0x1;
	s4 =	sadd.s32 s21, s2  }
0x9d: {  	[timem:s6], [sflag:s22] =	dma.local [hbm:s4], s20  }
0x9e: {  	_ =	swait.ge [sflag:s22], s20  }
0x9f: {  	s3 =	ssub.s32 $0x0, s20;
	[sflag:s22] =	ssyncset.done $0x0  }
0xa0: {  	[sflag:s22] =	ssyncadd.s32 s3;
	_ =	sdelay $0x1  }
0xa1: {  	s23 =	simm.s32 $0x1B8B  }
0xa2: {  	_ =	swait.ge [sflag:s23], $0x1  }
0xa3: {  	[sflag:s23] =	ssyncset.done $0x0  }
0xa4: {  	s25 =	simm.s32 $0x1B8E;
	s24 =	sld [smem:$0x3FFE];
	[sflag:s23] =	ssyncadd.s32 $0xFFFFFFFF  }
0xa5: {  	s26 =	simm.s32 $execute0_lowered;
	[smem:$0x3FD2] =	sst s25  }
0xa6: {  	s4 =	sshll.u32 s26, $0x1;
	_ =	strace $0x80000046;
	[dreg:$0x1] =	wrdreg $0xFFFFFFFF  }
0xa7: {  	s28 =	simm.s32 $_size_execute0_lowered;
	s2 =	sadd.s32 s2, s4;
	[dreg:$0x0] =	wrdreg $0x0  }
0xa8: {  	s4 =	sshll.u32 s28, $0x1;
	[dreg:$0x2] =	wrdreg s2  }
0xa9: {  	[dreg:$0x3] =	wrdreg s4  }
0xaa: {  	[dreg:$0x4] =	wrdreg $0xC0  }
0xab: {  	_ =	task [dreg:s6], $0x5FFFF  }
0xac: {  	[dreg:$0x1] =	wrdreg $0xFFFFFFFF  }
0xad: {  	[dreg:$0x0] =	wrdreg $0x60  }
0xae: {  	[dreg:$0x2] =	wrdreg s24  }
0xaf: {  	[dreg:$0x3] =	wrdreg $0x14800  }
0xb0: {  	[dreg:$0x4] =	wrdreg $0x9  }
0xb1: {  	_ =	task.clear_ibuf [dreg:s6], $0x5FFFF;
	_ =	strace $0x90000046  }
0xb2: {  	s29 =	simm.s32 $0x9;
	_ =	strace $0x80000048  }
0xb3: {  	_ =	swait.ge [sflag:s29], $0x1  }
0xb4: {  	[sflag:s29] =	ssyncadd.s32 $0xFFFFFFFF  }
0xb5: {  	_ =	strace $0x90000048  }
0xb6: {  	_ =	sfence  }
0xb7: {  	s30 =	sld [smem:$0x0];
	_ =	sdelay $0x2  }
0xb8: {  	s31 =	sshll.u32 s1, $0xD;
	s1 =	sshrl.u32 s1, $0x2  }
0xb9: {  	s3 =	sand.u32 $0x4000, s31;
	s1 =	sadd.s32 s1, s30  }
0xba: {  	s0 =	sor.u32 s3, s0;
	s1 =	sshll.u32 s1, $0x11  }
0xbb: {  	s0 =	sor.u32 s1, s0  }
0xbc: {  	s0 =	sadd.s32 $0x8F2B, s0  }
0xbd: {  	[sflag:s0] =	ssyncadd.remote.s32 $0x1  }
0xbe: {  	_ =	sfence.sel $0xFFFF  }
0xbf: {  	[dreg:$0x0] =	wrdreg $0xFFFFFFFF;
	(pc) =	sbr.abs _section_cstart, $3  }
0xc0: {  	[dreg:$0x1] =	wrdreg $0xFFFFFFFF  }
0xc1: {  	_ =	task.clear_ibuf [dreg:s6], $0x2FFFF;
	_ =	strace $0x9FFFFFFF  }
0xc2: {  	(tm) =	ssettm $0x7FFFFFFF  }
0xc3: {  	_ =	shalt  }
tec
execute0_lowered:
.L_overlay_start_1:
0x0: {  	(tag) =	ssettag $0x1  }
0x1: {  	s0 =	srdreg.scid;
	s5 =	rddreg [dreg:$0x0]  }
0x2: {  	s1 =	rddreg [dreg:$0x1];
	s8 =	stileid.u32  }
0x3: {  	s2 =	simm.s32 $0x0;
	s3 =	sand.u32 $0x1, s0;
	s0 =	rddreg [dreg:$0x2]  }
0x4: {  	s11 =	simm.s32 $0x80;
	s12 =	simm.s32 $0x0;
	[smem:$0x7FF] =	sst s2  }
0x5: {  	p0 =	sne.s32 s8, $0x0;
	s6 =	sshll.u32 s3, $0x4;
	_ =	strace $0x80000047  }
0x6: {  	s7 =	ssub.s32 $0x2, s3;
	s3 =	sadd.s32 $0x7400, s5;
	s4 =	sor.u32 s8, s6  }
0x7: {  	s10 =	sshrl.u32 s7, $0x1;
	s6 =	sadd.s32 s6, s5;
	s4 =	smul.u32 $0x280, s4  }
0x8: {  	s8 =	simm.s32 $0x1;
	s7 =	ssub.s32 s7, s10;
	s6 =	sadd.s32 $0x7A00, s6  }
0x9: {  	s10 =	sshrl.u32 @!p0 s1, $0x3;
	s7 =	smax.u32 s7, $0x1;
	s9 =	sadd.s32 s4, s5  }
0xa: {  	s4 =	sadd.s32 $0x7200, s5;
	s5 =	sadd.s32 $0x2200, s9;
	s9 =	simm.s32 $0x1400  }
.LBB2_1:
0xb: {  	[tilespmem:s2], [sflag:$0x1] =	stream.linear.gather [hbm4b:s5+s2], $0x1400, $0x38;
	[tilespmem:$0x16F8] =	vst v63  }
0xc: {  	_ =	swait.ge [sflag:s8], $0x1400  }
0xd: {  	[sflag:s8] =	ssyncset.done $0x0  }
0xe: {  	[sflag:s8] =	ssyncadd.s32 $0xFFFFEC00  }
0xf: {  	[tilespmem:s9], [sflag:$0x1] =	stream.linear.gather [hbm4b:s4+s2], $0x80, $0x38;
	[tilespmem:$0x16F8] =	vst v63  }
0x10: {  	_ =	swait.ge [sflag:s8], $0x80  }
0x11: {  	[sflag:s8] =	ssyncset.done $0x0  }
0x12: {  	s13 =	simm.s32 @!p0 $0x1C01;
	[sflag:s8] =	ssyncadd.s32 $0xFFFFFF80  }
0x13: {  	[spmem:s10], [sflag:s13] =	dma.local @!p0 [hbm:s3], $0x4F0  }
0x14: {  	s13 =	simm.s32 @!p0 $0x1  }
0x15: {  	_ =	swait.ge @!p0 [sflag:s13], $0x4F0  }
0x16: {  	[sflag:s13] =	ssyncset.done @!p0 $0x0  }
0x17: {  	[sflag:s13] =	ssyncadd.s32 @!p0 $0xFFFFFB10  }
0x18: {  	s31 =	simm.s32 $0x0;
	[bflag:$0x0] =	sbarrier.arrive $0xFFFF  }
0x19: {  	[spmem:s1] =	stream.indirect.scatter.add.f32 [tilespmem:s9], [sflag:$0x1], $0x1, s31, s11, $0xb8;
	[tilespmem:$0x16F8] =	vst v63  }
0x1a: {  	_ =	swait.ge [sflag:s8], $0x80  }
0x1b: {  	s13 =	simm.s32 $0x200;
	[sflag:s8] =	ssyncset.done $0x0  }
.LBB2_2:
0x1c: {  	s14 =	sshra.s32 s13, $0x2;
	[sflag:s8] =	ssyncadd.s32 $0xFFFFFF80;
	p1 =	sne.s32 s13, $0x4E00  }
0x1d: {  	[spmem:s1] =	stream.indirect.scatter.add.f32 [tilespmem:s9], [sflag:$0x1], $0x1, s14, s11, $0xb8;
	[tilespmem:$0x16F8] =	vst v63  }
.Ltmp0:
0x1e: {  	_ = 	snop;
	(pc) =	sbr.rel @p1 .LBB2_2-.Ltmp0, $4  }
0x1f: {  	_ = 	snop  }
0x20: {  	s13 =	sadd.s32 $0x200, s13  }
0x21: {  	_ =	swait.ge [sflag:s8], $0x80  }
0x22: {  	[sflag:s8] =	ssyncset.done $0x0  }
0x23: {  	[sflag:s8] =	ssyncadd.s32 $0xFFFFFF80;
	s13 =	simm.s32 @!p0 $0x1;
	s12 =	sadd.s32 $0x1, s12  }
0x24: {  	s14 =	simm.s32 @!p0 $0x20;
	s15 =	simm.s32 @!p0 $0x10;
	p1 =	sne.s32 s12, s7  }
.Ltmp1:
0x25: {  	s16 =	simm.s32 @!p0 $0x1C01;
	[bflag:$0x0] =	sbarrier.arrive $0xFFFF;
	(pc) =	sbr.rel @p1 .LBB2_1-.Ltmp1, $4  }
0x26: {  	[hbm:s6@s14], [sflag:s16] =	dma.strided @!p0 [spmem:s10@s15], $0x4F0, s13, $0x10   }
0x27: {  	_ =	swait.ge @!p0 [sflag:s13], $0x4F0  }
0x28: {  	[sflag:s13] =	ssyncset.done @!p0 $0x0  }
0x29: {  	[sflag:s13] =	ssyncadd.s32 @!p0 $0xFFFFFB10  }
0x2a: {  	_ =	sfence.sel $0x180000  }
0x2b: {  	[bflag:$0x0] =	sbarrier.arrive $0xFFFF  }
0x2c: {  	_ =	strace $0x90000047  }
0x2d: {  	s0 =	sadd.s32 @!p0 $0x100000, s0;
	[bflag:$0x2] =	sbarrier.arrive $0xFFFF  }
0x2e: {  	[sflag:s0] =	ssyncadd.tile.s32 @!p0 $0x1;
	_ =	shalt  }
.Lfunc_end2:
_tile_overlayer_lowered:
.L_overlay_start_2:
0x2f: {  	(tag) =	ssettag $0x2  }
0x30: {  	s0 =	rddreg [dreg:$0x0];
	s2 =	stileid.u32  }
0x31: {  	s1 =	rddreg [dreg:$0x1];
	p0 =	sne.s32 s2, $0x0  }
0x32: {  	s3 =	rddreg [dreg:$0x2];
	[bflag:$0x3] =	sbarrier.arrive $0xFFFF;
	s2 =	simm.s32 @!p0 $0x1C01  }
0x33: {  	[timem:s3], [sflag:s2] =	dma.local @!p0 [hbm:s0], s1  }
0x34: {  	s0 =	simm.s32 @!p0 $0x1  }
0x35: {  	_ =	swait.ge @!p0 [sflag:s0], s1  }
0x36: {  	s1 =	ssub.s32 @!p0 $0x0, s1;
	[sflag:s0] =	ssyncset.done @!p0 $0x0  }
0x37: {  	[sflag:s0] =	ssyncadd.s32 @!p0 s1  }
0x38: {  	[bflag:$0x3] =	sbarrier.arrive $0xFFFF  }
0x39: {  	_ =	shalt  }

</sc_bundles>
